<compile_context>
chip_gen: v7x
topology: tpu7x:2x2x1
jax: 0.10.2.dev20260603
libtpu: 0.0.44.dev20260713+nightly
codegen_flags: <defaults>
</compile_context>

<pallas_src>
import dataclasses
import functools

import numpy as np
import jax
import jax.numpy as jnp
from jax import lax
from jax.experimental import pallas as pl
from jax.experimental.pallas import tpu as pltpu
from jax.experimental.pallas import tpu_sc as plsc

N = 16384
B = 4
P = 1024
NQ = B * P
S = 32
CF = 64
CO = 3 + CF
CP = 128
CO2 = 72
R2 = 0.2 * 0.2

NWORDS = N // 32


QB = 512
PCM = 4096
WPC = PCM // 32


def _pack_weights():
    w = np.zeros((PCM, 2 * WPC), np.float32)
    p = np.arange(PCM)
    g = p // 32
    k = p % 32
    lo = k < 16
    w[p[lo], g[lo]] = 2.0 ** k[lo]
    w[p[~lo], WPC + g[~lo]] = 2.0 ** (k[~lo] - 16)
    return jnp.asarray(w, jnp.bfloat16)


def _sum_weights():
    w = np.zeros((2 * WPC, 128), np.float32)
    j = np.arange(2 * WPC)
    w[j, (j % WPC) // 16] = 1.0
    return jnp.asarray(w, jnp.bfloat16)


def _mask_body(nx_ref, xyzt_ref, w_ref, ws_ref, out_ref, sum_ref):
    qx = nx_ref[:, 0:1]
    qy = nx_ref[:, 1:2]
    qz = nx_ref[:, 2:3]
    px = xyzt_ref[0:1, :]
    py = xyzt_ref[1:2, :]
    pz = xyzt_ref[2:3, :]
    dx = qx - px
    dy = qy - py
    dz = qz - pz
    d2 = dx * dx + dy * dy + dz * dz
    m = (d2 < R2).astype(jnp.bfloat16)
    pk = lax.dot_general(m, w_ref[...], (((1,), (0,)), ((), ())),
                         preferred_element_type=jnp.float32)
    lo = pk[:, :WPC].astype(jnp.int32)
    hi = pk[:, WPC:].astype(jnp.int32)
    out_ref[...] = lo | (hi << 16)

    pc = pl.program_id(1)
    gs = lax.dot_general(pk.astype(jnp.bfloat16), ws_ref[...],
                         (((1,), (0,)), ((), ())),
                         preferred_element_type=jnp.float32)
    g8 = lax.broadcasted_iota(jnp.int32, (QB, 8), 1) + 8 * pc
    bits = (gs[:, :8] > 0.0).astype(jnp.int32) << g8
    part = jnp.sum(bits, axis=1, keepdims=True)
    prev = jnp.where(pc == 0, 0, sum_ref[...])
    sum_ref[...] = prev + part


def _mask_bits(nxq, xyzt, w, ws):
    nq = nxq.shape[0]
    return pl.pallas_call(
        _mask_body,
        grid=(nq // QB, N // PCM),
        in_specs=[
            pl.BlockSpec((QB, 3), lambda qb, pc: (qb, 0)),
            pl.BlockSpec((3, PCM), lambda qb, pc: (0, pc)),
            pl.BlockSpec((PCM, 2 * WPC), lambda qb, pc: (0, 0)),
            pl.BlockSpec((2 * WPC, 128), lambda qb, pc: (0, 0)),
        ],
        out_specs=[
            pl.BlockSpec((QB, WPC), lambda qb, pc: (qb, pc)),
            pl.BlockSpec((QB, 1), lambda qb, pc: (qb, 0)),
        ],
        out_shape=[
            jax.ShapeDtypeStruct((nq, NWORDS), jnp.int32),
            jax.ShapeDtypeStruct((nq, 1), jnp.int32),
        ],
    )(nxq, xyzt, w, ws)



PC = 2048


def _table_body(f_ref, out_ref):
    out_ref[...] = f_ref[...].T


def _build_table(features):
    return pl.pallas_call(
        _table_body,
        grid=(N // PC,),
        in_specs=[
            pl.BlockSpec((CF, PC), lambda pc: (0, pc)),
        ],
        out_specs=pl.BlockSpec((PC, CF), lambda pc: (pc, 0)),
        out_shape=jax.ShapeDtypeStruct((N, CF), jnp.float32),
    )(features)



SC_NC = 2
SC_NS = 16
L = 16
NW = SC_NC * SC_NS
QPW = NQ // NW
QCH = 32
GQ = 4
NGRP = NWORDS // L


def _make_sc_body(nq):
    qpw = nq // NW

    def _sc_body(mask_hbm, summ_hbm, table_hbm, xyzf_hbm,
                 gath_hbm, idn_hbm, xyzg_hbm,
                 mask_v, sum_v, idx_v, idn_v, rows_v, xyz_v, xyzg_v, gsem0):
        wid = lax.axis_index("s") * SC_NC + lax.axis_index("c")
        q0 = wid * qpw
        iota = lax.broadcasted_iota(jnp.int32, (L,), 0)

        pltpu.sync_copy(xyzf_hbm, xyz_v)

        @pl.loop(0, qpw // QCH)
        def _chunk(qc):
            pltpu.sync_copy(mask_hbm.at[pl.ds((q0 + qc * QCH) * NWORDS,
                                              QCH * NWORDS)], mask_v)
            pltpu.sync_copy(summ_hbm.at[pl.ds(q0 + qc * QCH, QCH)], sum_v)

            @pl.loop(0, QCH)
            def _query(ql):
                q = qc * QCH + ql
                sv = sum_v[pl.ds((ql // L) * L, L)]
                sq = jnp.sum(jnp.where(iota == ql % L, sv, 0))

                def extract_word(wv, base, cnt):
                    wb = jnp.broadcast_to(wv, (L,))

                    def half(h, cnt):
                        bits = lax.shift_right_logical(wb, iota + 16 * h) & 1
                        cs = jnp.cumsum(bits)
                        pos = cnt + cs - 1
                        sm = (bits > 0) & (pos < S)
                        posc = jnp.clip(pos, 0, S - 1)
                        vals = base + 16 * h + iota
                        plsc.store_scatter(idx_v, [q * S + posc], vals,
                                           mask=sm)
                        return cnt + jnp.sum(bits)

                    cnt = half(0, cnt)
                    cnt = half(1, cnt)
                    return cnt

                def group(g, cnt):
                    gbit = lax.shift_right_logical(sq, g) & 1

                    def extract(cnt):
                        words = mask_v[pl.ds(ql * NWORDS + g * L, L)]

                        def word(i, cnt):
                            wv = jnp.sum(jnp.where(iota == i, words, 0))
                            return lax.cond(
                                wv != 0,
                                lambda c: extract_word(
                                    wv, (g * L + i) * 32, c),
                                lambda c: c, cnt)
                        return lax.fori_loop(0, L, word, cnt)

                    return lax.cond((gbit > 0) & (cnt < S), extract,
                                    lambda c: c, cnt)

                cnt = lax.fori_loop(0, NGRP, group, jnp.int32(0))

                cntc = jnp.minimum(cnt, S)
                f16 = idx_v[pl.ds(q * S, L)]
                first = jnp.sum(jnp.where(iota == 0, f16, 0))
                first = jnp.where(cnt > 0, first, 0)

                @pl.loop(0, 2)
                def _fill(h):
                    sl = iota + 16 * h
                    cur = idx_v[pl.ds(q * S + 16 * h, L)]
                    idx_v[pl.ds(q * S + 16 * h, L)] = jnp.where(
                        sl < cntc, cur, first)
                    idn_v[pl.ds(q * S + 16 * h, L)] = (sl < cntc).astype(
                        jnp.int32)

        pltpu.sync_copy(idn_v, idn_hbm.at[pl.ds(q0 * S, qpw * S)])

        @pl.loop(0, (qpw * S) // L)
        def _xg(v):
            idxv = idx_v[pl.ds(v * L, L)]
            for c in range(3):
                g = plsc.load_gather(xyz_v, [idxv + c * N])
                xyzg_v[pl.ds(c * qpw * S + v * L, L)] = g

        @pl.loop(0, 3)
        def _xout(c):
            pltpu.sync_copy(
                xyzg_v.at[pl.ds(c * qpw * S, qpw * S)],
                xyzg_hbm.at[pl.ds(c * nq * S + q0 * S, qpw * S)])

        @pl.loop(0, qpw // GQ)
        def _gather(gc):
            idxs = idx_v.at[pl.ds(gc * GQ * S, GQ * S)]
            pltpu.async_copy(table_hbm.at[idxs], rows_v, gsem0).wait()
            pltpu.sync_copy(rows_v,
                            gath_hbm.at[pl.ds((q0 + gc * GQ) * S, GQ * S)])

    return _sc_body


def _sc_select_gather(maskbits, summ, table, xyzf):
    nq = maskbits.shape[0]
    qpw = nq // NW
    mesh = plsc.VectorSubcoreMesh(core_axis_name="c", subcore_axis_name="s")
    cp = pltpu.CompilerParams()
    fields = pltpu.CompilerParams.__dataclass_fields__
    if "needs_layout_passes" in fields:
        cp = dataclasses.replace(cp, needs_layout_passes=False)
    if "use_tc_tiling_on_sc" in fields:
        cp = dataclasses.replace(cp, use_tc_tiling_on_sc=False)
    kern = pl.kernel(
        _make_sc_body(nq),
        mesh=mesh,
        compiler_params=cp,
        out_type=[
            jax.ShapeDtypeStruct((nq * S, CF), jnp.float32),
            jax.ShapeDtypeStruct((nq * S,), jnp.int32),
            jax.ShapeDtypeStruct((3 * nq * S,), jnp.float32),
        ],
        scratch_types=[
            pltpu.VMEM((QCH * NWORDS,), jnp.int32),
            pltpu.VMEM((QCH,), jnp.int32),
            pltpu.VMEM((qpw * S,), jnp.int32),
            pltpu.VMEM((qpw * S,), jnp.int32),
            pltpu.VMEM((GQ * S, CF), jnp.float32),
            pltpu.VMEM((3 * N,), jnp.float32),
            pltpu.VMEM((3 * qpw * S,), jnp.float32),
            pltpu.SemaphoreType.DMA,
        ],
    )
    return kern(maskbits.reshape(nq * NWORDS), summ.reshape(nq),
                table, xyzf)



RB = 4096


def _final_body(rows_ref, xyzg_ref, ctr_ref, out_ref):
    t = rows_ref[...].T
    out_ref[0, :CF, :] = t
    xyzp = xyzg_ref[...] - ctr_ref[0]
    pad = jnp.zeros((CO2 - CO, RB), jnp.float32)
    out_ref[0, CF:, :] = jnp.concatenate([xyzp, pad], axis=0)


def _finalize(gath, xyzg, ctr):
    bh = ctr.shape[0]
    nb = (P * S) // RB
    return pl.pallas_call(
        _final_body,
        grid=(bh, nb),
        in_specs=[
            pl.BlockSpec((RB, CF), lambda b, pb: (b * nb + pb, 0)),
            pl.BlockSpec((3, RB), lambda b, pb: (0, b * nb + pb)),
            pl.BlockSpec((1, 3, RB), lambda b, pb: (b, 0, pb)),
        ],
        out_specs=pl.BlockSpec((1, CO2, RB), lambda b, pb: (b, 0, pb)),
        out_shape=jax.ShapeDtypeStruct((bh, CO2, P * S), jnp.float32),
    )(gath, xyzg, ctr)


def kernel(xyz, new_xyz, features):
    nxq = new_xyz.reshape(NQ, 3)
    xyzt = xyz.T
    w = _pack_weights()
    ws = _sum_weights()
    table = _build_table(features)
    xyzf = xyzt.reshape(3 * N)
    ctr = jnp.repeat(new_xyz.transpose(0, 2, 1), S, axis=2)

    nsl = 4
    nh = NQ // nsl
    bh = B // nsl
    os_, idns = [], []
    for h in range(nsl):
        mb, summ = _mask_bits(nxq[h * nh:(h + 1) * nh], xyzt, w, ws)
        gath, idn, xyzg = _sc_select_gather(mb, summ, table, xyzf)
        o = _finalize(gath, xyzg.reshape(3, nh * S),
                      ctr[h * bh:(h + 1) * bh])
        os_.append(o)
        idns.append(idn)

    o = jnp.concatenate(os_, axis=0)
    idn = jnp.concatenate(idns, axis=0).reshape(B, P, S)
    nf = jnp.concatenate([o[:, CF:CO], o[:, :CF]], axis=1)
    return nf.reshape(B, CO, P, S), idn

# --- scband reference (transcript-rebuilt; emitter-appended) ---
"""Pipeline reference for scband-grid-query-and-group-63625645523258 (READ-ONLY COPY).

The authoritative reference and input builder live on the scoring server;
editing this copy changes nothing except your own understanding.
"""

import jax, jax.numpy as jnp
import numpy as np

RADIUS = 0.2
NSAMPLE = 32


def _ball_query(xyz, new_xyz, radius, nsample, chunk=256):
    # xyz: (N, 3), new_xyz: (B, P, 3)
    N = xyz.shape[0]
    B, P, _ = new_xyz.shape
    ar = jnp.arange(N, dtype=jnp.int32)
    idx_chunks = []
    val_chunks = []
    for s in range(0, P, chunk):
        nx = new_xyz[:, s:s + chunk]
        d2 = jnp.sum((nx[:, :, None, :] - xyz[None, None, :, :]) ** 2, axis=-1)
        mask = d2 < radius * radius
        scores = jnp.where(mask, ar[None, None, :], jnp.int32(N))
        # smallest valid indices first (matches CUDA kernel scanning points in order)
        vals = jax.lax.top_k(-scores, nsample)[0]
        idx = -vals  # (B, chunk, nsample); invalid slots == N
        valid = idx < N
        first = idx[..., :1]
        first = jnp.where(first < N, first, 0)
        idx = jnp.where(valid, idx, first)
        idx_chunks.append(idx)
        val_chunks.append(valid.astype(jnp.int32))
    return jnp.concatenate(idx_chunks, axis=1), jnp.concatenate(val_chunks, axis=1)


def setup_inputs(seed: int = 0):
    key = jax.random.key(seed)
    k1, k2, k3 = jax.random.split(key, 3)
    xyz = jax.random.normal(k1, (16384, 3), dtype=jnp.float32)
    new_xyz = jax.random.normal(k2, (4, 1024, 3), dtype=jnp.float32)
    features = jax.random.normal(k3, (64, 16384), dtype=jnp.float32)
    return {"xyz": xyz, "new_xyz": new_xyz, "features": features}


def reference(xyz, new_xyz, features):
    idx, idn = _ball_query(xyz, new_xyz, RADIUS, NSAMPLE)
    # group xyz: (B, P, S, 3) -> (B, 3, P, S), then recentre on ball centers
    grouped_xyz = jnp.transpose(jnp.take(xyz, idx, axis=0), (0, 3, 1, 2))
    grouped_xyz = grouped_xyz - jnp.transpose(new_xyz, (0, 2, 1))[..., None]
    # group features: (C, B, P, S) -> (B, C, P, S)
    grouped_features = jnp.transpose(jnp.take(features, idx, axis=1), (1, 0, 2, 3))
    new_features = jnp.concatenate([grouped_xyz, grouped_features], axis=1)
    return new_features, idn

if __name__ == "__main__":
    import jax
    _d = setup_inputs()
    print(jax.jit(kernel)(*tuple(_d.values())))

</pallas_src>

<mosaic_0001>
#map = affine_map<(d0, d1) -> (0)>
#map1 = affine_map<(d0, d1) -> (0, 0)>
module attributes {stable_mosaic.version = 14 : i64} {
  func.func @_sc_body(%arg0: i32, %arg1: i32, %arg2: memref<524288xi32, #tpu.memory_space<hbm>>, %arg3: memref<1024xi32, #tpu.memory_space<hbm>>, %arg4: memref<16384x64xf32, #tpu.memory_space<hbm>>, %arg5: memref<49152xf32, #tpu.memory_space<hbm>>, %arg6: memref<32768x64xf32, #tpu.memory_space<hbm>>, %arg7: memref<32768xi32, #tpu.memory_space<hbm>>, %arg8: memref<98304xf32, #tpu.memory_space<hbm>>, %arg9: memref<16384xi32, #tpu.memory_space<vmem>>, %arg10: memref<32xi32, #tpu.memory_space<vmem>>, %arg11: memref<1024xi32, #tpu.memory_space<vmem>>, %arg12: memref<1024xi32, #tpu.memory_space<vmem>>, %arg13: memref<128x64xf32, #tpu.memory_space<vmem>>, %arg14: memref<49152xf32, #tpu.memory_space<vmem>>, %arg15: memref<3072xf32, #tpu.memory_space<vmem>>, %arg16: memref<!tpu.dma_semaphore, #tpu.memory_space<semaphore_mem>>) attributes {dimension_semantics = [#tpu.dimension_semantics<core_parallel>, #tpu.dimension_semantics<subcore_parallel>], iteration_bounds = array<i64: 2, 16>, scalar_prefetch = 0 : i64, scratch_operands = 8 : i64, tpu.core_type = #tpu.core_type<sc_vector_subcore>, window_params = [{transform_indices = #map}, {transform_indices = #map}, {transform_indices = #map1}, {transform_indices = #map}, {transform_indices = #map1}, {transform_indices = #map}, {transform_indices = #map}]} {
    %mul3A = arith.constant 2 : i32
    %mul3A_0 = arith.muli %arg1, %mul3A : i32
    %add3A = arith.addi %mul3A_0, %arg0 : i32
    %mul3A_1 = arith.constant 32 : i32
    %mul3A_2 = arith.muli %add3A, %mul3A_1 : i32
    %iota3A = tpu.iota {dimensions = array<i32: 0>} : vector<16xi32>
    "tpu.region"() ({
      %run_scoped3A = tpu.sem_alloc : memref<!tpu.dma_semaphore, #tpu.memory_space<semaphore_mem>>
      tpu.enqueue_dma source(%arg5 : memref<49152xf32, #tpu.memory_space<hbm>>) target(%arg14 : memref<49152xf32, #tpu.memory_space<vmem>>) target_semaphore(%run_scoped3A : memref<!tpu.dma_semaphore, #tpu.memory_space<semaphore_mem>>)
      tpu.wait_dma2 semaphore(%run_scoped3A : memref<!tpu.dma_semaphore, #tpu.memory_space<semaphore_mem>>) src(%arg5 : memref<49152xf32, #tpu.memory_space<hbm>>) dst(%arg14 : memref<49152xf32, #tpu.memory_space<vmem>>)
      tpu.yield
    }) : () -> ()
    %scan3A = arith.constant 0 : i32
    %mul3A_3 = arith.constant 1 : i32
    %mul3A_4 = arith.muli %scan3A, %mul3A_3 : i32
    %add3A_5 = arith.constant 0 : i32
    %add3A_6 = arith.addi %add3A_5, %mul3A_4 : i32
    %mul3A_7 = arith.constant 32 : i32
    %mul3A_8 = arith.muli %add3A_6, %mul3A_7 : i32
    %add3A_9 = arith.addi %mul3A_2, %mul3A_8 : i32
    %mul3A_10 = arith.constant 512 : i32
    %mul3A_11 = arith.muli %add3A_9, %mul3A_10 : i32
    "tpu.region"() ({
      %run_scoped3A = tpu.sem_alloc : memref<!tpu.dma_semaphore, #tpu.memory_space<semaphore_mem>>
      %dma_start3A = tpu.memref_slice %arg2[%mul3A_11] : memref<524288xi32, #tpu.memory_space<hbm>> -> memref<16384xi32, #tpu.memory_space<hbm>>
      %dma_start3A_38 = tpu.memref_slice %arg2[%mul3A_11] : memref<524288xi32, #tpu.memory_space<hbm>> -> memref<16384xi32, #tpu.memory_space<hbm>>
      tpu.enqueue_dma source(%dma_start3A_38 : memref<16384xi32, #tpu.memory_space<hbm>>) target(%arg9 : memref<16384xi32, #tpu.memory_space<vmem>>) target_semaphore(%run_scoped3A : memref<!tpu.dma_semaphore, #tpu.memory_space<semaphore_mem>>)
      %dma_wait3A = tpu.memref_slice %arg2[%mul3A_11] : memref<524288xi32, #tpu.memory_space<hbm>> -> memref<16384xi32, #tpu.memory_space<hbm>>
      %dma_wait3A_39 = tpu.memref_slice %arg2[%mul3A_11] : memref<524288xi32, #tpu.memory_space<hbm>> -> memref<16384xi32, #tpu.memory_space<hbm>>
      tpu.wait_dma2 semaphore(%run_scoped3A : memref<!tpu.dma_semaphore, #tpu.memory_space<semaphore_mem>>) src(%dma_wait3A_39 : memref<16384xi32, #tpu.memory_space<hbm>>) dst(%arg9 : memref<16384xi32, #tpu.memory_space<vmem>>)
      tpu.yield
    }) : () -> ()
    %mul3A_12 = arith.constant 32 : i32
    %mul3A_13 = arith.muli %add3A_6, %mul3A_12 : i32
    %add3A_14 = arith.addi %mul3A_2, %mul3A_13 : i32
    "tpu.region"() ({
      %run_scoped3A = tpu.sem_alloc : memref<!tpu.dma_semaphore, #tpu.memory_space<semaphore_mem>>
      %dma_start3A = tpu.memref_slice %arg3[%add3A_14] : memref<1024xi32, #tpu.memory_space<hbm>> -> memref<32xi32, #tpu.memory_space<hbm>>
      %dma_start3A_38 = tpu.memref_slice %arg3[%add3A_14] : memref<1024xi32, #tpu.memory_space<hbm>> -> memref<32xi32, #tpu.memory_space<hbm>>
      tpu.enqueue_dma source(%dma_start3A_38 : memref<32xi32, #tpu.memory_space<hbm>>) target(%arg10 : memref<32xi32, #tpu.memory_space<vmem>>) target_semaphore(%run_scoped3A : memref<!tpu.dma_semaphore, #tpu.memory_space<semaphore_mem>>)
      %dma_wait3A = tpu.memref_slice %arg3[%add3A_14] : memref<1024xi32, #tpu.memory_space<hbm>> -> memref<32xi32, #tpu.memory_space<hbm>>
      %dma_wait3A_39 = tpu.memref_slice %arg3[%add3A_14] : memref<1024xi32, #tpu.memory_space<hbm>> -> memref<32xi32, #tpu.memory_space<hbm>>
      tpu.wait_dma2 semaphore(%run_scoped3A : memref<!tpu.dma_semaphore, #tpu.memory_space<semaphore_mem>>) src(%dma_wait3A_39 : memref<32xi32, #tpu.memory_space<hbm>>) dst(%arg10 : memref<32xi32, #tpu.memory_space<vmem>>)
      tpu.yield
    }) : () -> ()
    %scan3A_15 = arith.constant 0 : i32
    %scan3A_16 = arith.constant 32 : i32
    %scan3A_17 = arith.addi %scan3A_15, %scan3A_16 : i32
    %scan3A_18 = arith.constant 1 : i32
    scf.for %scan3A_38 = %scan3A_15 to %scan3A_17 step %scan3A_18  : i32 {
      %mul3A_39 = arith.constant 1 : i32
      %mul3A_40 = arith.muli %scan3A_38, %mul3A_39 : i32
      %add3A_41 = arith.constant 0 : i32
      %add3A_42 = arith.addi %add3A_41, %mul3A_40 : i32
      %mul3A_43 = arith.constant 32 : i32
      %mul3A_44 = arith.muli %add3A_6, %mul3A_43 : i32
      %add3A_45 = arith.addi %mul3A_44, %add3A_42 : i32
      %jit3A = arith.constant 16 : i32
      %div3A = arith.divsi %add3A_42, %jit3A : i32
      %sign3A = arith.constant 0 : i32
      %sign3A_46 = arith.cmpi sgt, %add3A_42, %sign3A : i32
      %sign3A_47 = arith.extui %sign3A_46 : i1 to i32
      %sign3A_48 = arith.constant 0 : i32
      %sign3A_49 = arith.cmpi slt, %add3A_42, %sign3A_48 : i32
      %sign3A_50 = arith.extui %sign3A_49 : i1 to i32
      %sign3A_51 = arith.subi %sign3A_47, %sign3A_50 : i32
      %sign3A_52 = arith.constant 0 : i32
      %sign3A_53 = arith.cmpi sgt, %jit3A, %sign3A_52 : i32
      %sign3A_54 = arith.extui %sign3A_53 : i1 to i32
      %sign3A_55 = arith.constant 0 : i32
      %sign3A_56 = arith.cmpi slt, %jit3A, %sign3A_55 : i32
      %sign3A_57 = arith.extui %sign3A_56 : i1 to i32
      %sign3A_58 = arith.subi %sign3A_54, %sign3A_57 : i32
      %ne3A = arith.cmpi ne, %sign3A_51, %sign3A_58 : i32
      %rem3A = arith.remsi %add3A_42, %jit3A : i32
      %ne3A_59 = arith.constant 0 : i32
      %ne3A_60 = arith.cmpi ne, %rem3A, %ne3A_59 : i32
      %and3A = arith.andi %ne3A, %ne3A_60 : i1
      %sub3A = arith.constant 1 : i32
      %sub3A_61 = arith.subi %div3A, %sub3A : i32
      %select_n3A = arith.select %and3A, %sub3A_61, %div3A : i32
      %mul3A_62 = arith.constant 16 : i32
      %mul3A_63 = arith.muli %select_n3A, %mul3A_62 : i32
      %get3A = arith.index_cast %mul3A_63 : i32 to index
      %get3A_64 = tpu.vector_load %arg10[%get3A] {strides = array<i32>} : memref<32xi32, #tpu.memory_space<vmem>>, vector<16xi32>,
      %jit3A_65 = arith.constant 16 : i32
      %eq3A = arith.constant 0 : i32
      %eq3A_66 = arith.cmpi eq, %jit3A_65, %eq3A : i32
      %jit3A_67 = arith.constant 1 : i32
      %select_n3A_68 = arith.select %eq3A_66, %jit3A_67, %jit3A_65 : i32
      %rem3A_69 = arith.remsi %add3A_42, %select_n3A_68 : i32
      %ne3A_70 = arith.constant 0 : i32
      %ne3A_71 = arith.cmpi ne, %rem3A_69, %ne3A_70 : i32
      %lt3A = arith.constant 0 : i32
      %lt3A_72 = arith.cmpi slt, %rem3A_69, %lt3A : i32
      %lt3A_73 = arith.constant 0 : i32
      %lt3A_74 = arith.cmpi slt, %select_n3A_68, %lt3A_73 : i32
      %ne3A_75 = arith.xori %lt3A_72, %lt3A_74 : i1
      %and3A_76 = arith.andi %ne3A_75, %ne3A_71 : i1
      %add3A_77 = arith.addi %rem3A_69, %select_n3A_68 : i32
      %select_n3A_78 = arith.select %and3A_76, %add3A_77, %rem3A_69 : i32
      %eq3A_79 = vector.broadcast %select_n3A_78 : i32 to vector<16xi32>
      %eq3A_80 = arith.cmpi eq, %iota3A, %eq3A_79 : vector<16xi32>
      %jit3A_81 = arith.constant 0 : i32
      %broadcast_in_dim3A = vector.broadcast %jit3A_81 : i32 to vector<16xi32>
      %select_n3A_82 = arith.select %eq3A_80, %get3A_64, %broadcast_in_dim3A : vector<16xi1>, vector<16xi32>
      %reduce_sum3A = arith.constant true
      %reduce_sum3A_83 = vector.broadcast %reduce_sum3A : i1 to vector<16xi1>
      %reduce_sum3A_84 = tpu.scan <sum>, %select_n3A_82 masked %reduce_sum3A_83 : vector<16xi32>, vector<16xi1> -> vector<16xi32>
      %reduce_sum3A_85 = vector.extract %reduce_sum3A_84[15] : i32 from vector<16xi32>
      %scan3A_86 = arith.constant 0 : i32
      %scan3A_87 = arith.constant 0 : i32
      %scan3A_88 = arith.constant 32 : i32
      %scan3A_89 = arith.addi %scan3A_87, %scan3A_88 : i32
      %scan3A_90 = arith.constant 1 : i32
      %scan3A_91 = scf.for %scan3A_116 = %scan3A_87 to %scan3A_89 step %scan3A_90 iter_args(%scan3A_117 = %scan3A_86) -> (i32)  : i32 {
        %shift_right_logical3A = arith.shrui %reduce_sum3A_85, %scan3A_116 : i32
        %and3A_118 = arith.constant 1 : i32
        %and3A_119 = arith.andi %shift_right_logical3A, %and3A_118 : i32
        %gt3A_120 = arith.constant 0 : i32
        %gt3A_121 = arith.cmpi sgt, %and3A_119, %gt3A_120 : i32
        %lt3A_122 = arith.constant 32 : i32
        %lt3A_123 = arith.cmpi slt, %scan3A_117, %lt3A_122 : i32
        %and3A_124 = arith.andi %gt3A_121, %lt3A_123 : i1
        %convert_element_type3A = arith.extui %and3A_124 : i1 to i32
        %cond3A = arith.constant 0 : i32
        %cond3A_125 = arith.cmpi ne, %convert_element_type3A, %cond3A : i32
        %cond3A_126 = scf.if %cond3A_125 -> (i32) {
          %mul3A_127 = arith.constant 512 : i32
          %mul3A_128 = arith.muli %add3A_42, %mul3A_127 : i32
          %mul3A_129 = arith.constant 16 : i32
          %mul3A_130 = arith.muli %scan3A_116, %mul3A_129 : i32
          %add3A_131 = arith.addi %mul3A_128, %mul3A_130 : i32
          %get3A_132 = arith.index_cast %add3A_131 : i32 to index
          %get3A_133 = tpu.vector_load %arg9[%get3A_132] {strides = array<i32>} : memref<16384xi32, #tpu.memory_space<vmem>>, vector<16xi32>,
          %scan3A_134 = arith.constant 0 : i32
          %scan3A_135 = arith.constant 16 : i32
          %scan3A_136 = arith.addi %scan3A_134, %scan3A_135 : i32
          %scan3A_137 = arith.constant 1 : i32
          %scan3A_138 = scf.for %scan3A_140 = %scan3A_134 to %scan3A_136 step %scan3A_137 iter_args(%scan3A_141 = %scan3A_117) -> (i32)  : i32 {
            %eq3A_142 = vector.broadcast %scan3A_140 : i32 to vector<16xi32>
            %eq3A_143 = arith.cmpi eq, %iota3A, %eq3A_142 : vector<16xi32>
            %jit3A_144 = arith.constant 0 : i32
            %broadcast_in_dim3A_145 = vector.broadcast %jit3A_144 : i32 to vector<16xi32>
            %select_n3A_146 = arith.select %eq3A_143, %get3A_133, %broadcast_in_dim3A_145 : vector<16xi1>, vector<16xi32>
            %reduce_sum3A_147 = arith.constant true
            %reduce_sum3A_148 = vector.broadcast %reduce_sum3A_147 : i1 to vector<16xi1>
            %reduce_sum3A_149 = tpu.scan <sum>, %select_n3A_146 masked %reduce_sum3A_148 : vector<16xi32>, vector<16xi1> -> vector<16xi32>
            %reduce_sum3A_150 = vector.extract %reduce_sum3A_149[15] : i32 from vector<16xi32>
            %ne3A_151 = arith.constant 0 : i32
            %ne3A_152 = arith.cmpi ne, %reduce_sum3A_150, %ne3A_151 : i32
            %convert_element_type3A_153 = arith.extui %ne3A_152 : i1 to i32
            %cond3A_154 = arith.constant 0 : i32
            %cond3A_155 = arith.cmpi ne, %convert_element_type3A_153, %cond3A_154 : i32
            %cond3A_156 = scf.if %cond3A_155 -> (i32) {
              %mul3A_157 = arith.constant 16 : i32
              %mul3A_158 = arith.muli %scan3A_116, %mul3A_157 : i32
              %add3A_159 = arith.addi %mul3A_158, %scan3A_140 : i32
              %mul3A_160 = arith.constant 32 : i32
              %mul3A_161 = arith.muli %add3A_159, %mul3A_160 : i32
              %broadcast_in_dim3A_162 = vector.broadcast %reduce_sum3A_150 : i32 to vector<16xi32>
              %add3A_163 = arith.constant 0 : i32
              %add3A_164 = vector.broadcast %add3A_163 : i32 to vector<16xi32>
              %add3A_165 = arith.addi %iota3A, %add3A_164 : vector<16xi32>
              %shift_right_logical3A_166 = arith.shrui %broadcast_in_dim3A_162, %add3A_165 : vector<16xi32>
              %and3A_167 = arith.constant 1 : i32
              %and3A_168 = vector.broadcast %and3A_167 : i32 to vector<16xi32>
              %and3A_169 = arith.andi %shift_right_logical3A_166, %and3A_168 : vector<16xi32>
              %cumsum3A = arith.constant true
              %cumsum3A_170 = vector.broadcast %cumsum3A : i1 to vector<16xi1>
              %cumsum3A_171 = tpu.scan <sum>, %and3A_169 masked %cumsum3A_170 : vector<16xi32>, vector<16xi1> -> vector<16xi32>
              %add3A_172 = vector.broadcast %scan3A_141 : i32 to vector<16xi32>
              %add3A_173 = arith.addi %add3A_172, %cumsum3A_171 : vector<16xi32>
              %sub3A_174 = arith.constant 1 : i32
              %sub3A_175 = vector.broadcast %sub3A_174 : i32 to vector<16xi32>
              %sub3A_176 = arith.subi %add3A_173, %sub3A_175 : vector<16xi32>
              %gt3A_177 = arith.constant 0 : i32
              %gt3A_178 = vector.broadcast %gt3A_177 : i32 to vector<16xi32>
              %gt3A_179 = arith.cmpi sgt, %and3A_169, %gt3A_178 : vector<16xi32>
              %lt3A_180 = arith.constant 32 : i32
              %lt3A_181 = vector.broadcast %lt3A_180 : i32 to vector<16xi32>
              %lt3A_182 = arith.cmpi slt, %sub3A_176, %lt3A_181 : vector<16xi32>
              %and3A_183 = arith.andi %gt3A_179, %lt3A_182 : vector<16xi1>
              %jit3A_184 = arith.constant 0 : i32
              %jit3A_185 = arith.constant 31 : i32
              %max3A = vector.broadcast %jit3A_184 : i32 to vector<16xi32>
              %max3A_186 = arith.maxsi %max3A, %sub3A_176 : vector<16xi32>
              %min3A_187 = vector.broadcast %jit3A_185 : i32 to vector<16xi32>
              %min3A_188 = arith.minsi %min3A_187, %max3A_186 : vector<16xi32>
              %add3A_189 = arith.constant 0 : i32
              %add3A_190 = arith.addi %mul3A_161, %add3A_189 : i32
              %add3A_191 = vector.broadcast %add3A_190 : i32 to vector<16xi32>
              %add3A_192 = arith.addi %add3A_191, %iota3A : vector<16xi32>
              %mul3A_193 = arith.constant 32 : i32
              %mul3A_194 = arith.muli %add3A_45, %mul3A_193 : i32
              %add3A_195 = vector.broadcast %mul3A_194 : i32 to vector<16xi32>
              %add3A_196 = arith.addi %add3A_195, %min3A_188 : vector<16xi32>
              tpu.vector_store_idx %arg11[%add3A_196], %add3A_192 masked %and3A_183 : memref<1024xi32, #tpu.memory_space<vmem>>[vector<16xi32>], vector<16xi32>, vector<16xi1>
              %reduce_sum3A_197 = arith.constant true
              %reduce_sum3A_198 = vector.broadcast %reduce_sum3A_197 : i1 to vector<16xi1>
              %reduce_sum3A_199 = tpu.scan <sum>, %and3A_169 masked %reduce_sum3A_198 : vector<16xi32>, vector<16xi1> -> vector<16xi32>
              %reduce_sum3A_200 = vector.extract %reduce_sum3A_199[15] : i32 from vector<16xi32>
              %add3A_201 = arith.addi %scan3A_141, %reduce_sum3A_200 : i32
              %add3A_202 = arith.constant 16 : i32
              %add3A_203 = vector.broadcast %add3A_202 : i32 to vector<16xi32>
              %add3A_204 = arith.addi %iota3A, %add3A_203 : vector<16xi32>
              %shift_right_logical3A_205 = arith.shrui %broadcast_in_dim3A_162, %add3A_204 : vector<16xi32>
              %and3A_206 = arith.constant 1 : i32
              %and3A_207 = vector.broadcast %and3A_206 : i32 to vector<16xi32>
              %and3A_208 = arith.andi %shift_right_logical3A_205, %and3A_207 : vector<16xi32>
              %cumsum3A_209 = arith.constant true
              %cumsum3A_210 = vector.broadcast %cumsum3A_209 : i1 to vector<16xi1>
              %cumsum3A_211 = tpu.scan <sum>, %and3A_208 masked %cumsum3A_210 : vector<16xi32>, vector<16xi1> -> vector<16xi32>
              %add3A_212 = vector.broadcast %add3A_201 : i32 to vector<16xi32>
              %add3A_213 = arith.addi %add3A_212, %cumsum3A_211 : vector<16xi32>
              %sub3A_214 = arith.constant 1 : i32
              %sub3A_215 = vector.broadcast %sub3A_214 : i32 to vector<16xi32>
              %sub3A_216 = arith.subi %add3A_213, %sub3A_215 : vector<16xi32>
              %gt3A_217 = arith.constant 0 : i32
              %gt3A_218 = vector.broadcast %gt3A_217 : i32 to vector<16xi32>
              %gt3A_219 = arith.cmpi sgt, %and3A_208, %gt3A_218 : vector<16xi32>
              %lt3A_220 = arith.constant 32 : i32
              %lt3A_221 = vector.broadcast %lt3A_220 : i32 to vector<16xi32>
              %lt3A_222 = arith.cmpi slt, %sub3A_216, %lt3A_221 : vector<16xi32>
              %and3A_223 = arith.andi %gt3A_219, %lt3A_222 : vector<16xi1>
              %jit3A_224 = arith.constant 0 : i32
              %jit3A_225 = arith.constant 31 : i32
              %max3A_226 = vector.broadcast %jit3A_224 : i32 to vector<16xi32>
              %max3A_227 = arith.maxsi %max3A_226, %sub3A_216 : vector<16xi32>
              %min3A_228 = vector.broadcast %jit3A_225 : i32 to vector<16xi32>
              %min3A_229 = arith.minsi %min3A_228, %max3A_227 : vector<16xi32>
              %add3A_230 = arith.constant 16 : i32
              %add3A_231 = arith.addi %mul3A_161, %add3A_230 : i32
              %add3A_232 = vector.broadcast %add3A_231 : i32 to vector<16xi32>
              %add3A_233 = arith.addi %add3A_232, %iota3A : vector<16xi32>
              %mul3A_234 = arith.constant 32 : i32
              %mul3A_235 = arith.muli %add3A_45, %mul3A_234 : i32
              %add3A_236 = vector.broadcast %mul3A_235 : i32 to vector<16xi32>
              %add3A_237 = arith.addi %add3A_236, %min3A_229 : vector<16xi32>
              tpu.vector_store_idx %arg11[%add3A_237], %add3A_233 masked %and3A_223 : memref<1024xi32, #tpu.memory_space<vmem>>[vector<16xi32>], vector<16xi32>, vector<16xi1>
              %reduce_sum3A_238 = arith.constant true
              %reduce_sum3A_239 = vector.broadcast %reduce_sum3A_238 : i1 to vector<16xi1>
              %reduce_sum3A_240 = tpu.scan <sum>, %and3A_208 masked %reduce_sum3A_239 : vector<16xi32>, vector<16xi1> -> vector<16xi32>
              %reduce_sum3A_241 = vector.extract %reduce_sum3A_240[15] : i32 from vector<16xi32>
              %add3A_242 = arith.addi %add3A_201, %reduce_sum3A_241 : i32
              scf.yield %add3A_242 : i32
            } else {
              scf.yield %scan3A_141 : i32
            }
            scf.yield %cond3A_156 : i32
          }
          %scan3A_139 = arith.constant 16 : i32
          scf.yield %scan3A_138 : i32
        } else {
          scf.yield %scan3A_117 : i32
        }
        scf.yield %cond3A_126 : i32
      }
      %scan3A_92 = arith.constant 32 : i32
      %min3A = arith.constant 32 : i32
      %min3A_93 = arith.minsi %scan3A_91, %min3A : i32
      %mul3A_94 = arith.constant 32 : i32
      %mul3A_95 = arith.muli %add3A_45, %mul3A_94 : i32
      %get3A_96 = arith.index_cast %mul3A_95 : i32 to index
      %get3A_97 = tpu.vector_load %arg11[%get3A_96] {strides = array<i32>} : memref<1024xi32, #tpu.memory_space<vmem>>, vector<16xi32>,
      %eq3A_98 = arith.constant 0 : i32
      %eq3A_99 = vector.broadcast %eq3A_98 : i32 to vector<16xi32>
      %eq3A_100 = arith.cmpi eq, %iota3A, %eq3A_99 : vector<16xi32>
      %jit3A_101 = arith.constant 0 : i32
      %broadcast_in_dim3A_102 = vector.broadcast %jit3A_101 : i32 to vector<16xi32>
      %select_n3A_103 = arith.select %eq3A_100, %get3A_97, %broadcast_in_dim3A_102 : vector<16xi1>, vector<16xi32>
      %reduce_sum3A_104 = arith.constant true
      %reduce_sum3A_105 = vector.broadcast %reduce_sum3A_104 : i1 to vector<16xi1>
      %reduce_sum3A_106 = tpu.scan <sum>, %select_n3A_103 masked %reduce_sum3A_105 : vector<16xi32>, vector<16xi1> -> vector<16xi32>
      %reduce_sum3A_107 = vector.extract %reduce_sum3A_106[15] : i32 from vector<16xi32>
      %gt3A = arith.constant 0 : i32
      %gt3A_108 = arith.cmpi sgt, %scan3A_91, %gt3A : i32
      %jit3A_109 = arith.constant 0 : i32
      %select_n3A_110 = arith.select %gt3A_108, %reduce_sum3A_107, %jit3A_109 : i32
      %scan3A_111 = arith.constant 0 : i32
      %scan3A_112 = arith.constant 2 : i32
      %scan3A_113 = arith.addi %scan3A_111, %scan3A_112 : i32
      %scan3A_114 = arith.constant 1 : i32
      scf.for %scan3A_116 = %scan3A_111 to %scan3A_113 step %scan3A_114  : i32 {
        %mul3A_117 = arith.constant 1 : i32
        %mul3A_118 = arith.muli %scan3A_116, %mul3A_117 : i32
        %add3A_119 = arith.constant 0 : i32
        %add3A_120 = arith.addi %add3A_119, %mul3A_118 : i32
        %mul3A_121 = arith.constant 16 : i32
        %mul3A_122 = arith.muli %mul3A_121, %add3A_120 : i32
        %add3A_123 = vector.broadcast %mul3A_122 : i32 to vector<16xi32>
        %add3A_124 = arith.addi %iota3A, %add3A_123 : vector<16xi32>
        %mul3A_125 = arith.constant 32 : i32
        %mul3A_126 = arith.muli %add3A_45, %mul3A_125 : i32
        %mul3A_127 = arith.constant 16 : i32
        %mul3A_128 = arith.muli %mul3A_127, %add3A_120 : i32
        %add3A_129 = arith.addi %mul3A_126, %mul3A_128 : i32
        %get3A_130 = arith.index_cast %add3A_129 : i32 to index
        %get3A_131 = tpu.vector_load %arg11[%get3A_130] {strides = array<i32>} : memref<1024xi32, #tpu.memory_space<vmem>>, vector<16xi32>,
        %lt3A_132 = vector.broadcast %min3A_93 : i32 to vector<16xi32>
        %lt3A_133 = arith.cmpi slt, %add3A_124, %lt3A_132 : vector<16xi32>
        %broadcast_in_dim3A_134 = vector.broadcast %select_n3A_110 : i32 to vector<16xi32>
        %select_n3A_135 = arith.select %lt3A_133, %get3A_131, %broadcast_in_dim3A_134 : vector<16xi1>, vector<16xi32>
        %mul3A_136 = arith.constant 32 : i32
        %mul3A_137 = arith.muli %add3A_45, %mul3A_136 : i32
        %mul3A_138 = arith.constant 16 : i32
        %mul3A_139 = arith.muli %mul3A_138, %add3A_120 : i32
        %add3A_140 = arith.addi %mul3A_137, %mul3A_139 : i32
        %swap3A = arith.index_cast %add3A_140 : i32 to index
        %swap3A_141 = tpu.vector_load %arg11[%swap3A] {strides = array<i32>} : memref<1024xi32, #tpu.memory_space<vmem>>, vector<16xi32>,
        tpu.vector_store %arg11[%swap3A], %select_n3A_135 {strides = array<i32>} : memref<1024xi32, #tpu.memory_space<vmem>>, vector<16xi32>,
        %lt3A_142 = vector.broadcast %min3A_93 : i32 to vector<16xi32>
        %lt3A_143 = arith.cmpi slt, %add3A_124, %lt3A_142 : vector<16xi32>
        %convert_element_type3A = arith.extui %lt3A_143 : vector<16xi1> to vector<16xi32>
        %mul3A_144 = arith.constant 32 : i32
        %mul3A_145 = arith.muli %add3A_45, %mul3A_144 : i32
        %mul3A_146 = arith.constant 16 : i32
        %mul3A_147 = arith.muli %mul3A_146, %add3A_120 : i32
        %add3A_148 = arith.addi %mul3A_145, %mul3A_147 : i32
        %swap3A_149 = arith.index_cast %add3A_148 : i32 to index
        %swap3A_150 = tpu.vector_load %arg12[%swap3A_149] {strides = array<i32>} : memref<1024xi32, #tpu.memory_space<vmem>>, vector<16xi32>,
        tpu.vector_store %arg12[%swap3A_149], %convert_element_type3A {strides = array<i32>} : memref<1024xi32, #tpu.memory_space<vmem>>, vector<16xi32>,
      }
      %scan3A_115 = arith.constant 2 : i32
    }
    %scan3A_19 = arith.constant 32 : i32
    %scan3A_20 = arith.constant 1 : i32
    %mul3A_21 = arith.constant 32 : i32
    %mul3A_22 = arith.muli %mul3A_2, %mul3A_21 : i32
    "tpu.region"() ({
      %run_scoped3A = tpu.sem_alloc : memref<!tpu.dma_semaphore, #tpu.memory_space<semaphore_mem>>
      %dma_start3A = tpu.memref_slice %arg7[%mul3A_22] : memref<32768xi32, #tpu.memory_space<hbm>> -> memref<1024xi32, #tpu.memory_space<hbm>>
      %dma_start3A_38 = tpu.memref_slice %arg7[%mul3A_22] : memref<32768xi32, #tpu.memory_space<hbm>> -> memref<1024xi32, #tpu.memory_space<hbm>>
      tpu.enqueue_dma source(%arg12 : memref<1024xi32, #tpu.memory_space<vmem>>) target(%dma_start3A_38 : memref<1024xi32, #tpu.memory_space<hbm>>) target_semaphore(%run_scoped3A : memref<!tpu.dma_semaphore, #tpu.memory_space<semaphore_mem>>)
      %dma_wait3A = tpu.memref_slice %arg7[%mul3A_22] : memref<32768xi32, #tpu.memory_space<hbm>> -> memref<1024xi32, #tpu.memory_space<hbm>>
      %dma_wait3A_39 = tpu.memref_slice %arg7[%mul3A_22] : memref<32768xi32, #tpu.memory_space<hbm>> -> memref<1024xi32, #tpu.memory_space<hbm>>
      tpu.wait_dma2 semaphore(%run_scoped3A : memref<!tpu.dma_semaphore, #tpu.memory_space<semaphore_mem>>) src(%arg12 : memref<1024xi32, #tpu.memory_space<vmem>>) dst(%dma_wait3A_39 : memref<1024xi32, #tpu.memory_space<hbm>>)
      tpu.yield
    }) : () -> ()
    %scan3A_23 = arith.constant 0 : i32
    %scan3A_24 = arith.constant 64 : i32
    %scan3A_25 = arith.addi %scan3A_23, %scan3A_24 : i32
    %scan3A_26 = arith.constant 1 : i32
    scf.for %scan3A_38 = %scan3A_23 to %scan3A_25 step %scan3A_26  : i32 {
      %mul3A_39 = arith.constant 1 : i32
      %mul3A_40 = arith.muli %scan3A_38, %mul3A_39 : i32
      %add3A_41 = arith.constant 0 : i32
      %add3A_42 = arith.addi %add3A_41, %mul3A_40 : i32
      %mul3A_43 = arith.constant 16 : i32
      %mul3A_44 = arith.muli %add3A_42, %mul3A_43 : i32
      %get3A = arith.index_cast %mul3A_44 : i32 to index
      %get3A_45 = tpu.vector_load %arg11[%get3A] {strides = array<i32>} : memref<1024xi32, #tpu.memory_space<vmem>>, vector<16xi32>,
      %add3A_46 = arith.constant 0 : i32
      %add3A_47 = vector.broadcast %add3A_46 : i32 to vector<16xi32>
      %add3A_48 = arith.addi %get3A_45, %add3A_47 : vector<16xi32>
      %gather3A = tpu.vector_load_idx %arg14[%add3A_48] : memref<49152xf32, #tpu.memory_space<vmem>>[vector<16xi32>], vector<16xf32>,
      %mul3A_49 = arith.constant 16 : i32
      %mul3A_50 = arith.muli %add3A_42, %mul3A_49 : i32
      %add3A_51 = arith.constant 0 : i32
      %add3A_52 = arith.addi %add3A_51, %mul3A_50 : i32
      %swap3A = arith.index_cast %add3A_52 : i32 to index
      %swap3A_53 = tpu.vector_load %arg15[%swap3A] {strides = array<i32>} : memref<3072xf32, #tpu.memory_space<vmem>>, vector<16xf32>,
      tpu.vector_store %arg15[%swap3A], %gather3A {strides = array<i32>} : memref<3072xf32, #tpu.memory_space<vmem>>, vector<16xf32>,
      %add3A_54 = arith.constant 16384 : i32
      %add3A_55 = vector.broadcast %add3A_54 : i32 to vector<16xi32>
      %add3A_56 = arith.addi %get3A_45, %add3A_55 : vector<16xi32>
      %gather3A_57 = tpu.vector_load_idx %arg14[%add3A_56] : memref<49152xf32, #tpu.memory_space<vmem>>[vector<16xi32>], vector<16xf32>,
      %mul3A_58 = arith.constant 16 : i32
      %mul3A_59 = arith.muli %add3A_42, %mul3A_58 : i32
      %add3A_60 = arith.constant 1024 : i32
      %add3A_61 = arith.addi %add3A_60, %mul3A_59 : i32
      %swap3A_62 = arith.index_cast %add3A_61 : i32 to index
      %swap3A_63 = tpu.vector_load %arg15[%swap3A_62] {strides = array<i32>} : memref<3072xf32, #tpu.memory_space<vmem>>, vector<16xf32>,
      tpu.vector_store %arg15[%swap3A_62], %gather3A_57 {strides = array<i32>} : memref<3072xf32, #tpu.memory_space<vmem>>, vector<16xf32>,
      %add3A_64 = arith.constant 32768 : i32
      %add3A_65 = vector.broadcast %add3A_64 : i32 to vector<16xi32>
      %add3A_66 = arith.addi %get3A_45, %add3A_65 : vector<16xi32>
      %gather3A_67 = tpu.vector_load_idx %arg14[%add3A_66] : memref<49152xf32, #tpu.memory_space<vmem>>[vector<16xi32>], vector<16xf32>,
      %mul3A_68 = arith.constant 16 : i32
      %mul3A_69 = arith.muli %add3A_42, %mul3A_68 : i32
      %add3A_70 = arith.constant 2048 : i32
      %add3A_71 = arith.addi %add3A_70, %mul3A_69 : i32
      %swap3A_72 = arith.index_cast %add3A_71 : i32 to index
      %swap3A_73 = tpu.vector_load %arg15[%swap3A_72] {strides = array<i32>} : memref<3072xf32, #tpu.memory_space<vmem>>, vector<16xf32>,
      tpu.vector_store %arg15[%swap3A_72], %gather3A_67 {strides = array<i32>} : memref<3072xf32, #tpu.memory_space<vmem>>, vector<16xf32>,
    }
    %scan3A_27 = arith.constant 64 : i32
    %scan3A_28 = arith.constant 0 : i32
    %scan3A_29 = arith.constant 3 : i32
    %scan3A_30 = arith.addi %scan3A_28, %scan3A_29 : i32
    %scan3A_31 = arith.constant 1 : i32
    scf.for %scan3A_38 = %scan3A_28 to %scan3A_30 step %scan3A_31  : i32 {
      %mul3A_39 = arith.constant 1 : i32
      %mul3A_40 = arith.muli %scan3A_38, %mul3A_39 : i32
      %add3A_41 = arith.constant 0 : i32
      %add3A_42 = arith.addi %add3A_41, %mul3A_40 : i32
      %mul3A_43 = arith.constant 32 : i32
      %mul3A_44 = arith.muli %add3A_42, %mul3A_43 : i32
      %mul3A_45 = arith.constant 32 : i32
      %mul3A_46 = arith.muli %mul3A_44, %mul3A_45 : i32
      %mul3A_47 = arith.constant 1024 : i32
      %mul3A_48 = arith.muli %add3A_42, %mul3A_47 : i32
      %mul3A_49 = arith.constant 32 : i32
      %mul3A_50 = arith.muli %mul3A_48, %mul3A_49 : i32
      %mul3A_51 = arith.constant 32 : i32
      %mul3A_52 = arith.muli %mul3A_2, %mul3A_51 : i32
      %add3A_53 = arith.addi %mul3A_50, %mul3A_52 : i32
      "tpu.region"() ({
        %run_scoped3A = tpu.sem_alloc : memref<!tpu.dma_semaphore, #tpu.memory_space<semaphore_mem>>
        %dma_start3A = tpu.memref_slice %arg15[%mul3A_46] : memref<3072xf32, #tpu.memory_space<vmem>> -> memref<1024xf32, #tpu.memory_space<vmem>>
        %dma_start3A_54 = tpu.memref_slice %arg8[%add3A_53] : memref<98304xf32, #tpu.memory_space<hbm>> -> memref<1024xf32, #tpu.memory_space<hbm>>
        %dma_start3A_55 = tpu.memref_slice %arg8[%add3A_53] : memref<98304xf32, #tpu.memory_space<hbm>> -> memref<1024xf32, #tpu.memory_space<hbm>>
        %dma_start3A_56 = tpu.memref_slice %arg15[%mul3A_46] : memref<3072xf32, #tpu.memory_space<vmem>> -> memref<1024xf32, #tpu.memory_space<vmem>>
        tpu.enqueue_dma source(%dma_start3A_56 : memref<1024xf32, #tpu.memory_space<vmem>>) target(%dma_start3A_55 : memref<1024xf32, #tpu.memory_space<hbm>>) target_semaphore(%run_scoped3A : memref<!tpu.dma_semaphore, #tpu.memory_space<semaphore_mem>>)
        %dma_wait3A = tpu.memref_slice %arg15[%mul3A_46] : memref<3072xf32, #tpu.memory_space<vmem>> -> memref<1024xf32, #tpu.memory_space<vmem>>
        %dma_wait3A_57 = tpu.memref_slice %arg8[%add3A_53] : memref<98304xf32, #tpu.memory_space<hbm>> -> memref<1024xf32, #tpu.memory_space<hbm>>
        %dma_wait3A_58 = tpu.memref_slice %arg8[%add3A_53] : memref<98304xf32, #tpu.memory_space<hbm>> -> memref<1024xf32, #tpu.memory_space<hbm>>
        %dma_wait3A_59 = tpu.memref_slice %arg15[%mul3A_46] : memref<3072xf32, #tpu.memory_space<vmem>> -> memref<1024xf32, #tpu.memory_space<vmem>>
        tpu.wait_dma2 semaphore(%run_scoped3A : memref<!tpu.dma_semaphore, #tpu.memory_space<semaphore_mem>>) src(%dma_wait3A_59 : memref<1024xf32, #tpu.memory_space<vmem>>) dst(%dma_wait3A_58 : memref<1024xf32, #tpu.memory_space<hbm>>)
        tpu.yield
      }) : () -> ()
    }
    %scan3A_32 = arith.constant 3 : i32
    %scan3A_33 = arith.constant 0 : i32
    %scan3A_34 = arith.constant 8 : i32
    %scan3A_35 = arith.addi %scan3A_33, %scan3A_34 : i32
    %scan3A_36 = arith.constant 1 : i32
    scf.for %scan3A_38 = %scan3A_33 to %scan3A_35 step %scan3A_36  : i32 {
      %mul3A_39 = arith.constant 1 : i32
      %mul3A_40 = arith.muli %scan3A_38, %mul3A_39 : i32
      %add3A_41 = arith.constant 0 : i32
      %add3A_42 = arith.addi %add3A_41, %mul3A_40 : i32
      %mul3A_43 = arith.constant 4 : i32
      %mul3A_44 = arith.muli %add3A_42, %mul3A_43 : i32
      %mul3A_45 = arith.constant 32 : i32
      %mul3A_46 = arith.muli %mul3A_44, %mul3A_45 : i32
      %dma_start3A = tpu.memref_slice %arg11[%mul3A_46] : memref<1024xi32, #tpu.memory_space<vmem>> -> memref<128xi32, #tpu.memory_space<vmem>>
      %dma_start3A_47 = arith.constant 0 : i32
      %dma_start3A_48 = arith.constant 0 : i32
      %dma_start3A_49 = tpu.memref_slice %arg4[%dma_start3A_47, %dma_start3A_48] : memref<16384x64xf32, #tpu.memory_space<hbm>> -> memref<16384x64xf32, #tpu.memory_space<hbm>>
      tpu.enqueue_indirect_dma source(%dma_start3A_49 : memref<16384x64xf32, #tpu.memory_space<hbm>>) target(%arg13 : memref<128x64xf32, #tpu.memory_space<vmem>>) offsets(%dma_start3A : memref<128xi32, #tpu.memory_space<vmem>>) semaphore(%arg16 : memref<!tpu.dma_semaphore, #tpu.memory_space<semaphore_mem>>)
      %dma_wait3A = tpu.memref_slice %arg11[%mul3A_46] : memref<1024xi32, #tpu.memory_space<vmem>> -> memref<128xi32, #tpu.memory_space<vmem>>
      %dma_wait3A_50 = arith.constant 0 : i32
      %dma_wait3A_51 = arith.constant 0 : i32
      %dma_wait3A_52 = tpu.memref_slice %arg4[%dma_wait3A_50, %dma_wait3A_51] : memref<16384x64xf32, #tpu.memory_space<hbm>> -> memref<16384x64xf32, #tpu.memory_space<hbm>>
      tpu.wait_indirect_dma semaphore(%arg16 : memref<!tpu.dma_semaphore, #tpu.memory_space<semaphore_mem>>) src(%dma_wait3A_52 : memref<16384x64xf32, #tpu.memory_space<hbm>>) dst(%arg13 : memref<128x64xf32, #tpu.memory_space<vmem>>)
      %mul3A_53 = arith.constant 4 : i32
      %mul3A_54 = arith.muli %add3A_42, %mul3A_53 : i32
      %add3A_55 = arith.addi %mul3A_2, %mul3A_54 : i32
      %mul3A_56 = arith.constant 32 : i32
      %mul3A_57 = arith.muli %add3A_55, %mul3A_56 : i32
      "tpu.region"() ({
        %run_scoped3A = tpu.sem_alloc : memref<!tpu.dma_semaphore, #tpu.memory_space<semaphore_mem>>
        %dma_start3A_58 = arith.constant 0 : i32
        %dma_start3A_59 = tpu.memref_slice %arg6[%mul3A_57, %dma_start3A_58] : memref<32768x64xf32, #tpu.memory_space<hbm>> -> memref<128x64xf32, #tpu.memory_space<hbm>>
        %dma_start3A_60 = arith.constant 0 : i32
        %dma_start3A_61 = tpu.memref_slice %arg6[%mul3A_57, %dma_start3A_60] : memref<32768x64xf32, #tpu.memory_space<hbm>> -> memref<128x64xf32, #tpu.memory_space<hbm>>
        tpu.enqueue_dma source(%arg13 : memref<128x64xf32, #tpu.memory_space<vmem>>) target(%dma_start3A_61 : memref<128x64xf32, #tpu.memory_space<hbm>>) target_semaphore(%run_scoped3A : memref<!tpu.dma_semaphore, #tpu.memory_space<semaphore_mem>>)
        %dma_wait3A_62 = arith.constant 0 : i32
        %dma_wait3A_63 = tpu.memref_slice %arg6[%mul3A_57, %dma_wait3A_62] : memref<32768x64xf32, #tpu.memory_space<hbm>> -> memref<128x64xf32, #tpu.memory_space<hbm>>
        %dma_wait3A_64 = arith.constant 0 : i32
        %dma_wait3A_65 = tpu.memref_slice %arg6[%mul3A_57, %dma_wait3A_64] : memref<32768x64xf32, #tpu.memory_space<hbm>> -> memref<128x64xf32, #tpu.memory_space<hbm>>
        tpu.wait_dma2 semaphore(%run_scoped3A : memref<!tpu.dma_semaphore, #tpu.memory_space<semaphore_mem>>) src(%arg13 : memref<128x64xf32, #tpu.memory_space<vmem>>) dst(%dma_wait3A_65 : memref<128x64xf32, #tpu.memory_space<hbm>>)
        tpu.yield
      }) : () -> ()
    }
    %scan3A_37 = arith.constant 8 : i32
    return
  }
}

#map = affine_map<(d0, d1) -> (0)>
#map1 = affine_map<(d0, d1) -> (0, 0)>
module attributes {stable_mosaic.version = 14 : i64} {
  func.func @_sc_body(%arg0: i32, %arg1: i32, %arg2: memref<524288xi32, #tpu.memory_space<hbm>>, %arg3: memref<1024xi32, #tpu.memory_space<hbm>>, %arg4: memref<16384x64xf32, #tpu.memory_space<hbm>>, %arg5: memref<49152xf32, #tpu.memory_space<hbm>>, %arg6: memref<32768x64xf32, #tpu.memory_space<hbm>>, %arg7: memref<32768xi32, #tpu.memory_space<hbm>>, %arg8: memref<98304xf32, #tpu.memory_space<hbm>>, %arg9: memref<16384xi32, #tpu.memory_space<vmem>>, %arg10: memref<32xi32, #tpu.memory_space<vmem>>, %arg11: memref<1024xi32, #tpu.memory_space<vmem>>, %arg12: memref<1024xi32, #tpu.memory_space<vmem>>, %arg13: memref<128x64xf32, #tpu.memory_space<vmem>>, %arg14: memref<49152xf32, #tpu.memory_space<vmem>>, %arg15: memref<3072xf32, #tpu.memory_space<vmem>>, %arg16: memref<!tpu.dma_semaphore, #tpu.memory_space<semaphore_mem>>) attributes {dimension_semantics = [#tpu.dimension_semantics<core_parallel>, #tpu.dimension_semantics<subcore_parallel>], iteration_bounds = array<i64: 2, 16>, scalar_prefetch = 0 : i64, scratch_operands = 8 : i64, tpu.core_type = #tpu.core_type<sc_vector_subcore>, window_params = [{transform_indices = #map}, {transform_indices = #map}, {transform_indices = #map1}, {transform_indices = #map}, {transform_indices = #map1}, {transform_indices = #map}, {transform_indices = #map}]} {
    %mul3A = arith.constant 2 : i32
    %mul3A_0 = arith.muli %arg1, %mul3A : i32
    %add3A = arith.addi %mul3A_0, %arg0 : i32
    %mul3A_1 = arith.constant 32 : i32
    %mul3A_2 = arith.muli %add3A, %mul3A_1 : i32
    %iota3A = tpu.iota {dimensions = array<i32: 0>} : vector<16xi32>
    "tpu.region"() ({
      %run_scoped3A = tpu.sem_alloc : memref<!tpu.dma_semaphore, #tpu.memory_space<semaphore_mem>>
      tpu.enqueue_dma source(%arg5 : memref<49152xf32, #tpu.memory_space<hbm>>) target(%arg14 : memref<49152xf32, #tpu.memory_space<vmem>>) target_semaphore(%run_scoped3A : memref<!tpu.dma_semaphore, #tpu.memory_space<semaphore_mem>>)
      tpu.wait_dma2 semaphore(%run_scoped3A : memref<!tpu.dma_semaphore, #tpu.memory_space<semaphore_mem>>) src(%arg5 : memref<49152xf32, #tpu.memory_space<hbm>>) dst(%arg14 : memref<49152xf32, #tpu.memory_space<vmem>>)
      tpu.yield
    }) : () -> ()
    %scan3A = arith.constant 0 : i32
    %mul3A_3 = arith.constant 1 : i32
    %mul3A_4 = arith.muli %scan3A, %mul3A_3 : i32
    %add3A_5 = arith.constant 0 : i32
    %add3A_6 = arith.addi %add3A_5, %mul3A_4 : i32
    %mul3A_7 = arith.constant 32 : i32
    %mul3A_8 = arith.muli %add3A_6, %mul3A_7 : i32
    %add3A_9 = arith.addi %mul3A_2, %mul3A_8 : i32
    %mul3A_10 = arith.constant 512 : i32
    %mul3A_11 = arith.muli %add3A_9, %mul3A_10 : i32
    "tpu.region"() ({
      %run_scoped3A = tpu.sem_alloc : memref<!tpu.dma_semaphore, #tpu.memory_space<semaphore_mem>>
      %dma_start3A = tpu.memref_slice %arg2[%mul3A_11] : memref<524288xi32, #tpu.memory_space<hbm>> -> memref<16384xi32, #tpu.memory_space<hbm>>
      %dma_start3A_38 = tpu.memref_slice %arg2[%mul3A_11] : memref<524288xi32, #tpu.memory_space<hbm>> -> memref<16384xi32, #tpu.memory_space<hbm>>
      tpu.enqueue_dma source(%dma_start3A_38 : memref<16384xi32, #tpu.memory_space<hbm>>) target(%arg9 : memref<16384xi32, #tpu.memory_space<vmem>>) target_semaphore(%run_scoped3A : memref<!tpu.dma_semaphore, #tpu.memory_space<semaphore_mem>>)
      %dma_wait3A = tpu.memref_slice %arg2[%mul3A_11] : memref<524288xi32, #tpu.memory_space<hbm>> -> memref<16384xi32, #tpu.memory_space<hbm>>
      %dma_wait3A_39 = tpu.memref_slice %arg2[%mul3A_11] : memref<524288xi32, #tpu.memory_space<hbm>> -> memref<16384xi32, #tpu.memory_space<hbm>>
      tpu.wait_dma2 semaphore(%run_scoped3A : memref<!tpu.dma_semaphore, #tpu.memory_space<semaphore_mem>>) src(%dma_wait3A_39 : memref<16384xi32, #tpu.memory_space<hbm>>) dst(%arg9 : memref<16384xi32, #tpu.memory_space<vmem>>)
      tpu.yield
    }) : () -> ()
    %mul3A_12 = arith.constant 32 : i32
    %mul3A_13 = arith.muli %add3A_6, %mul3A_12 : i32
    %add3A_14 = arith.addi %mul3A_2, %mul3A_13 : i32
    "tpu.region"() ({
      %run_scoped3A = tpu.sem_alloc : memref<!tpu.dma_semaphore, #tpu.memory_space<semaphore_mem>>
      %dma_start3A = tpu.memref_slice %arg3[%add3A_14] : memref<1024xi32, #tpu.memory_space<hbm>> -> memref<32xi32, #tpu.memory_space<hbm>>
      %dma_start3A_38 = tpu.memref_slice %arg3[%add3A_14] : memref<1024xi32, #tpu.memory_space<hbm>> -> memref<32xi32, #tpu.memory_space<hbm>>
      tpu.enqueue_dma source(%dma_start3A_38 : memref<32xi32, #tpu.memory_space<hbm>>) target(%arg10 : memref<32xi32, #tpu.memory_space<vmem>>) target_semaphore(%run_scoped3A : memref<!tpu.dma_semaphore, #tpu.memory_space<semaphore_mem>>)
      %dma_wait3A = tpu.memref_slice %arg3[%add3A_14] : memref<1024xi32, #tpu.memory_space<hbm>> -> memref<32xi32, #tpu.memory_space<hbm>>
      %dma_wait3A_39 = tpu.memref_slice %arg3[%add3A_14] : memref<1024xi32, #tpu.memory_space<hbm>> -> memref<32xi32, #tpu.memory_space<hbm>>
      tpu.wait_dma2 semaphore(%run_scoped3A : memref<!tpu.dma_semaphore, #tpu.memory_space<semaphore_mem>>) src(%dma_wait3A_39 : memref<32xi32, #tpu.memory_space<hbm>>) dst(%arg10 : memref<32xi32, #tpu.memory_space<vmem>>)
      tpu.yield
    }) : () -> ()
    %scan3A_15 = arith.constant 0 : i32
    %scan3A_16 = arith.constant 32 : i32
    %scan3A_17 = arith.addi %scan3A_15, %scan3A_16 : i32
    %scan3A_18 = arith.constant 1 : i32
    scf.for %scan3A_38 = %scan3A_15 to %scan3A_17 step %scan3A_18  : i32 {
      %mul3A_39 = arith.constant 1 : i32
      %mul3A_40 = arith.muli %scan3A_38, %mul3A_39 : i32
      %add3A_41 = arith.constant 0 : i32
      %add3A_42 = arith.addi %add3A_41, %mul3A_40 : i32
      %mul3A_43 = arith.constant 32 : i32
      %mul3A_44 = arith.muli %add3A_6, %mul3A_43 : i32
      %add3A_45 = arith.addi %mul3A_44, %add3A_42 : i32
      %jit3A = arith.constant 16 : i32
      %div3A = arith.divsi %add3A_42, %jit3A : i32
      %sign3A = arith.constant 0 : i32
      %sign3A_46 = arith.cmpi sgt, %add3A_42, %sign3A : i32
      %sign3A_47 = arith.extui %sign3A_46 : i1 to i32
      %sign3A_48 = arith.constant 0 : i32
      %sign3A_49 = arith.cmpi slt, %add3A_42, %sign3A_48 : i32
      %sign3A_50 = arith.extui %sign3A_49 : i1 to i32
      %sign3A_51 = arith.subi %sign3A_47, %sign3A_50 : i32
      %sign3A_52 = arith.constant 0 : i32
      %sign3A_53 = arith.cmpi sgt, %jit3A, %sign3A_52 : i32
      %sign3A_54 = arith.extui %sign3A_53 : i1 to i32
      %sign3A_55 = arith.constant 0 : i32
      %sign3A_56 = arith.cmpi slt, %jit3A, %sign3A_55 : i32
      %sign3A_57 = arith.extui %sign3A_56 : i1 to i32
      %sign3A_58 = arith.subi %sign3A_54, %sign3A_57 : i32
      %ne3A = arith.cmpi ne, %sign3A_51, %sign3A_58 : i32
      %rem3A = arith.remsi %add3A_42, %jit3A : i32
      %ne3A_59 = arith.constant 0 : i32
      %ne3A_60 = arith.cmpi ne, %rem3A, %ne3A_59 : i32
      %and3A = arith.andi %ne3A, %ne3A_60 : i1
      %sub3A = arith.constant 1 : i32
      %sub3A_61 = arith.subi %div3A, %sub3A : i32
      %select_n3A = arith.select %and3A, %sub3A_61, %div3A : i32
      %mul3A_62 = arith.constant 16 : i32
      %mul3A_63 = arith.muli %select_n3A, %mul3A_62 : i32
      %get3A = arith.index_cast %mul3A_63 : i32 to index
      %get3A_64 = tpu.vector_load %arg10[%get3A] {strides = array<i32>} : memref<32xi32, #tpu.memory_space<vmem>>, vector<16xi32>,
      %jit3A_65 = arith.constant 16 : i32
      %eq3A = arith.constant 0 : i32
      %eq3A_66 = arith.cmpi eq, %jit3A_65, %eq3A : i32
      %jit3A_67 = arith.constant 1 : i32
      %select_n3A_68 = arith.select %eq3A_66, %jit3A_67, %jit3A_65 : i32
      %rem3A_69 = arith.remsi %add3A_42, %select_n3A_68 : i32
      %ne3A_70 = arith.constant 0 : i32
      %ne3A_71 = arith.cmpi ne, %rem3A_69, %ne3A_70 : i32
      %lt3A = arith.constant 0 : i32
      %lt3A_72 = arith.cmpi slt, %rem3A_69, %lt3A : i32
      %lt3A_73 = arith.constant 0 : i32
      %lt3A_74 = arith.cmpi slt, %select_n3A_68, %lt3A_73 : i32
      %ne3A_75 = arith.xori %lt3A_72, %lt3A_74 : i1
      %and3A_76 = arith.andi %ne3A_75, %ne3A_71 : i1
      %add3A_77 = arith.addi %rem3A_69, %select_n3A_68 : i32
      %select_n3A_78 = arith.select %and3A_76, %add3A_77, %rem3A_69 : i32
      %eq3A_79 = vector.broadcast %select_n3A_78 : i32 to vector<16xi32>
      %eq3A_80 = arith.cmpi eq, %iota3A, %eq3A_79 : vector<16xi32>
      %jit3A_81 = arith.constant 0 : i32
      %broadcast_in_dim3A = vector.broadcast %jit3A_81 : i32 to vector<16xi32>
      %select_n3A_82 = arith.select %eq3A_80, %get3A_64, %broadcast_in_dim3A : vector<16xi1>, vector<16xi32>
      %reduce_sum3A = arith.constant true
      %reduce_sum3A_83 = vector.broadcast %reduce_sum3A : i1 to vector<16xi1>
      %reduce_sum3A_84 = tpu.scan <sum>, %select_n3A_82 masked %reduce_sum3A_83 : vector<16xi32>, vector<16xi1> -> vector<16xi32>
      %reduce_sum3A_85 = vector.extract %reduce_sum3A_84[15] : i32 from vector<16xi32>
      %scan3A_86 = arith.constant 0 : i32
      %scan3A_87 = arith.constant 0 : i32
      %scan3A_88 = arith.constant 32 : i32
      %scan3A_89 = arith.addi %scan3A_87, %scan3A_88 : i32
      %scan3A_90 = arith.constant 1 : i32
      %scan3A_91 = scf.for %scan3A_116 = %scan3A_87 to %scan3A_89 step %scan3A_90 iter_args(%scan3A_117 = %scan3A_86) -> (i32)  : i32 {
        %shift_right_logical3A = arith.shrui %reduce_sum3A_85, %scan3A_116 : i32
        %and3A_118 = arith.constant 1 : i32
        %and3A_119 = arith.andi %shift_right_logical3A, %and3A_118 : i32
        %gt3A_120 = arith.constant 0 : i32
        %gt3A_121 = arith.cmpi sgt, %and3A_119, %gt3A_120 : i32
        %lt3A_122 = arith.constant 32 : i32
        %lt3A_123 = arith.cmpi slt, %scan3A_117, %lt3A_122 : i32
        %and3A_124 = arith.andi %gt3A_121, %lt3A_123 : i1
        %convert_element_type3A = arith.extui %and3A_124 : i1 to i32
        %cond3A = arith.constant 0 : i32
        %cond3A_125 = arith.cmpi ne, %convert_element_type3A, %cond3A : i32
        %cond3A_126 = scf.if %cond3A_125 -> (i32) {
          %mul3A_127 = arith.constant 512 : i32
          %mul3A_128 = arith.muli %add3A_42, %mul3A_127 : i32
          %mul3A_129 = arith.constant 16 : i32
          %mul3A_130 = arith.muli %scan3A_116, %mul3A_129 : i32
          %add3A_131 = arith.addi %mul3A_128, %mul3A_130 : i32
          %get3A_132 = arith.index_cast %add3A_131 : i32 to index
          %get3A_133 = tpu.vector_load %arg9[%get3A_132] {strides = array<i32>} : memref<16384xi32, #tpu.memory_space<vmem>>, vector<16xi32>,
          %scan3A_134 = arith.constant 0 : i32
          %scan3A_135 = arith.constant 16 : i32
          %scan3A_136 = arith.addi %scan3A_134, %scan3A_135 : i32
          %scan3A_137 = arith.constant 1 : i32
          %scan3A_138 = scf.for %scan3A_140 = %scan3A_134 to %scan3A_136 step %scan3A_137 iter_args(%scan3A_141 = %scan3A_117) -> (i32)  : i32 {
            %eq3A_142 = vector.broadcast %scan3A_140 : i32 to vector<16xi32>
            %eq3A_143 = arith.cmpi eq, %iota3A, %eq3A_142 : vector<16xi32>
            %jit3A_144 = arith.constant 0 : i32
            %broadcast_in_dim3A_145 = vector.broadcast %jit3A_144 : i32 to vector<16xi32>
            %select_n3A_146 = arith.select %eq3A_143, %get3A_133, %broadcast_in_dim3A_145 : vector<16xi1>, vector<16xi32>
            %reduce_sum3A_147 = arith.constant true
            %reduce_sum3A_148 = vector.broadcast %reduce_sum3A_147 : i1 to vector<16xi1>
            %reduce_sum3A_149 = tpu.scan <sum>, %select_n3A_146 masked %reduce_sum3A_148 : vector<16xi32>, vector<16xi1> -> vector<16xi32>
            %reduce_sum3A_150 = vector.extract %reduce_sum3A_149[15] : i32 from vector<16xi32>
            %ne3A_151 = arith.constant 0 : i32
            %ne3A_152 = arith.cmpi ne, %reduce_sum3A_150, %ne3A_151 : i32
            %convert_element_type3A_153 = arith.extui %ne3A_152 : i1 to i32
            %cond3A_154 = arith.constant 0 : i32
            %cond3A_155 = arith.cmpi ne, %convert_element_type3A_153, %cond3A_154 : i32
            %cond3A_156 = scf.if %cond3A_155 -> (i32) {
              %mul3A_157 = arith.constant 16 : i32
              %mul3A_158 = arith.muli %scan3A_116, %mul3A_157 : i32
              %add3A_159 = arith.addi %mul3A_158, %scan3A_140 : i32
              %mul3A_160 = arith.constant 32 : i32
              %mul3A_161 = arith.muli %add3A_159, %mul3A_160 : i32
              %broadcast_in_dim3A_162 = vector.broadcast %reduce_sum3A_150 : i32 to vector<16xi32>
              %add3A_163 = arith.constant 0 : i32
              %add3A_164 = vector.broadcast %add3A_163 : i32 to vector<16xi32>
              %add3A_165 = arith.addi %iota3A, %add3A_164 : vector<16xi32>
              %shift_right_logical3A_166 = arith.shrui %broadcast_in_dim3A_162, %add3A_165 : vector<16xi32>
              %and3A_167 = arith.constant 1 : i32
              %and3A_168 = vector.broadcast %and3A_167 : i32 to vector<16xi32>
              %and3A_169 = arith.andi %shift_right_logical3A_166, %and3A_168 : vector<16xi32>
              %cumsum3A = arith.constant true
              %cumsum3A_170 = vector.broadcast %cumsum3A : i1 to vector<16xi1>
              %cumsum3A_171 = tpu.scan <sum>, %and3A_169 masked %cumsum3A_170 : vector<16xi32>, vector<16xi1> -> vector<16xi32>
              %add3A_172 = vector.broadcast %scan3A_141 : i32 to vector<16xi32>
              %add3A_173 = arith.addi %add3A_172, %cumsum3A_171 : vector<16xi32>
              %sub3A_174 = arith.constant 1 : i32
              %sub3A_175 = vector.broadcast %sub3A_174 : i32 to vector<16xi32>
              %sub3A_176 = arith.subi %add3A_173, %sub3A_175 : vector<16xi32>
              %gt3A_177 = arith.constant 0 : i32
              %gt3A_178 = vector.broadcast %gt3A_177 : i32 to vector<16xi32>
              %gt3A_179 = arith.cmpi sgt, %and3A_169, %gt3A_178 : vector<16xi32>
              %lt3A_180 = arith.constant 32 : i32
              %lt3A_181 = vector.broadcast %lt3A_180 : i32 to vector<16xi32>
              %lt3A_182 = arith.cmpi slt, %sub3A_176, %lt3A_181 : vector<16xi32>
              %and3A_183 = arith.andi %gt3A_179, %lt3A_182 : vector<16xi1>
              %jit3A_184 = arith.constant 0 : i32
              %jit3A_185 = arith.constant 31 : i32
              %max3A = vector.broadcast %jit3A_184 : i32 to vector<16xi32>
              %max3A_186 = arith.maxsi %max3A, %sub3A_176 : vector<16xi32>
              %min3A_187 = vector.broadcast %jit3A_185 : i32 to vector<16xi32>
              %min3A_188 = arith.minsi %min3A_187, %max3A_186 : vector<16xi32>
              %add3A_189 = arith.constant 0 : i32
              %add3A_190 = arith.addi %mul3A_161, %add3A_189 : i32
              %add3A_191 = vector.broadcast %add3A_190 : i32 to vector<16xi32>
              %add3A_192 = arith.addi %add3A_191, %iota3A : vector<16xi32>
              %mul3A_193 = arith.constant 32 : i32
              %mul3A_194 = arith.muli %add3A_45, %mul3A_193 : i32
              %add3A_195 = vector.broadcast %mul3A_194 : i32 to vector<16xi32>
              %add3A_196 = arith.addi %add3A_195, %min3A_188 : vector<16xi32>
              tpu.vector_store_idx %arg11[%add3A_196], %add3A_192 masked %and3A_183 : memref<1024xi32, #tpu.memory_space<vmem>>[vector<16xi32>], vector<16xi32>, vector<16xi1>
              %reduce_sum3A_197 = arith.constant true
              %reduce_sum3A_198 = vector.broadcast %reduce_sum3A_197 : i1 to vector<16xi1>
              %reduce_sum3A_199 = tpu.scan <sum>, %and3A_169 masked %reduce_sum3A_198 : vector<16xi32>, vector<16xi1> -> vector<16xi32>
              %reduce_sum3A_200 = vector.extract %reduce_sum3A_199[15] : i32 from vector<16xi32>
              %add3A_201 = arith.addi %scan3A_141, %reduce_sum3A_200 : i32
              %add3A_202 = arith.constant 16 : i32
              %add3A_203 = vector.broadcast %add3A_202 : i32 to vector<16xi32>
              %add3A_204 = arith.addi %iota3A, %add3A_203 : vector<16xi32>
              %shift_right_logical3A_205 = arith.shrui %broadcast_in_dim3A_162, %add3A_204 : vector<16xi32>
              %and3A_206 = arith.constant 1 : i32
              %and3A_207 = vector.broadcast %and3A_206 : i32 to vector<16xi32>
              %and3A_208 = arith.andi %shift_right_logical3A_205, %and3A_207 : vector<16xi32>
              %cumsum3A_209 = arith.constant true
              %cumsum3A_210 = vector.broadcast %cumsum3A_209 : i1 to vector<16xi1>
              %cumsum3A_211 = tpu.scan <sum>, %and3A_208 masked %cumsum3A_210 : vector<16xi32>, vector<16xi1> -> vector<16xi32>
              %add3A_212 = vector.broadcast %add3A_201 : i32 to vector<16xi32>
              %add3A_213 = arith.addi %add3A_212, %cumsum3A_211 : vector<16xi32>
              %sub3A_214 = arith.constant 1 : i32
              %sub3A_215 = vector.broadcast %sub3A_214 : i32 to vector<16xi32>
              %sub3A_216 = arith.subi %add3A_213, %sub3A_215 : vector<16xi32>
              %gt3A_217 = arith.constant 0 : i32
              %gt3A_218 = vector.broadcast %gt3A_217 : i32 to vector<16xi32>
              %gt3A_219 = arith.cmpi sgt, %and3A_208, %gt3A_218 : vector<16xi32>
              %lt3A_220 = arith.constant 32 : i32
              %lt3A_221 = vector.broadcast %lt3A_220 : i32 to vector<16xi32>
              %lt3A_222 = arith.cmpi slt, %sub3A_216, %lt3A_221 : vector<16xi32>
              %and3A_223 = arith.andi %gt3A_219, %lt3A_222 : vector<16xi1>
              %jit3A_224 = arith.constant 0 : i32
              %jit3A_225 = arith.constant 31 : i32
              %max3A_226 = vector.broadcast %jit3A_224 : i32 to vector<16xi32>
              %max3A_227 = arith.maxsi %max3A_226, %sub3A_216 : vector<16xi32>
              %min3A_228 = vector.broadcast %jit3A_225 : i32 to vector<16xi32>
              %min3A_229 = arith.minsi %min3A_228, %max3A_227 : vector<16xi32>
              %add3A_230 = arith.constant 16 : i32
              %add3A_231 = arith.addi %mul3A_161, %add3A_230 : i32
              %add3A_232 = vector.broadcast %add3A_231 : i32 to vector<16xi32>
              %add3A_233 = arith.addi %add3A_232, %iota3A : vector<16xi32>
              %mul3A_234 = arith.constant 32 : i32
              %mul3A_235 = arith.muli %add3A_45, %mul3A_234 : i32
              %add3A_236 = vector.broadcast %mul3A_235 : i32 to vector<16xi32>
              %add3A_237 = arith.addi %add3A_236, %min3A_229 : vector<16xi32>
              tpu.vector_store_idx %arg11[%add3A_237], %add3A_233 masked %and3A_223 : memref<1024xi32, #tpu.memory_space<vmem>>[vector<16xi32>], vector<16xi32>, vector<16xi1>
              %reduce_sum3A_238 = arith.constant true
              %reduce_sum3A_239 = vector.broadcast %reduce_sum3A_238 : i1 to vector<16xi1>
              %reduce_sum3A_240 = tpu.scan <sum>, %and3A_208 masked %reduce_sum3A_239 : vector<16xi32>, vector<16xi1> -> vector<16xi32>
              %reduce_sum3A_241 = vector.extract %reduce_sum3A_240[15] : i32 from vector<16xi32>
              %add3A_242 = arith.addi %add3A_201, %reduce_sum3A_241 : i32
              scf.yield %add3A_242 : i32
            } else {
              scf.yield %scan3A_141 : i32
            }
            scf.yield %cond3A_156 : i32
          }
          %scan3A_139 = arith.constant 16 : i32
          scf.yield %scan3A_138 : i32
        } else {
          scf.yield %scan3A_117 : i32
        }
        scf.yield %cond3A_126 : i32
      }
      %scan3A_92 = arith.constant 32 : i32
      %min3A = arith.constant 32 : i32
      %min3A_93 = arith.minsi %scan3A_91, %min3A : i32
      %mul3A_94 = arith.constant 32 : i32
      %mul3A_95 = arith.muli %add3A_45, %mul3A_94 : i32
      %get3A_96 = arith.index_cast %mul3A_95 : i32 to index
      %get3A_97 = tpu.vector_load %arg11[%get3A_96] {strides = array<i32>} : memref<1024xi32, #tpu.memory_space<vmem>>, vector<16xi32>,
      %eq3A_98 = arith.constant 0 : i32
      %eq3A_99 = vector.broadcast %eq3A_98 : i32 to vector<16xi32>
      %eq3A_100 = arith.cmpi eq, %iota3A, %eq3A_99 : vector<16xi32>
      %jit3A_101 = arith.constant 0 : i32
      %broadcast_in_dim3A_102 = vector.broadcast %jit3A_101 : i32 to vector<16xi32>
      %select_n3A_103 = arith.select %eq3A_100, %get3A_97, %broadcast_in_dim3A_102 : vector<16xi1>, vector<16xi32>
      %reduce_sum3A_104 = arith.constant true
      %reduce_sum3A_105 = vector.broadcast %reduce_sum3A_104 : i1 to vector<16xi1>
      %reduce_sum3A_106 = tpu.scan <sum>, %select_n3A_103 masked %reduce_sum3A_105 : vector<16xi32>, vector<16xi1> -> vector<16xi32>
      %reduce_sum3A_107 = vector.extract %reduce_sum3A_106[15] : i32 from vector<16xi32>
      %gt3A = arith.constant 0 : i32
      %gt3A_108 = arith.cmpi sgt, %scan3A_91, %gt3A : i32
      %jit3A_109 = arith.constant 0 : i32
      %select_n3A_110 = arith.select %gt3A_108, %reduce_sum3A_107, %jit3A_109 : i32
      %scan3A_111 = arith.constant 0 : i32
      %scan3A_112 = arith.constant 2 : i32
      %scan3A_113 = arith.addi %scan3A_111, %scan3A_112 : i32
      %scan3A_114 = arith.constant 1 : i32
      scf.for %scan3A_116 = %scan3A_111 to %scan3A_113 step %scan3A_114  : i32 {
        %mul3A_117 = arith.constant 1 : i32
        %mul3A_118 = arith.muli %scan3A_116, %mul3A_117 : i32
        %add3A_119 = arith.constant 0 : i32
        %add3A_120 = arith.addi %add3A_119, %mul3A_118 : i32
        %mul3A_121 = arith.constant 16 : i32
        %mul3A_122 = arith.muli %mul3A_121, %add3A_120 : i32
        %add3A_123 = vector.broadcast %mul3A_122 : i32 to vector<16xi32>
        %add3A_124 = arith.addi %iota3A, %add3A_123 : vector<16xi32>
        %mul3A_125 = arith.constant 32 : i32
        %mul3A_126 = arith.muli %add3A_45, %mul3A_125 : i32
        %mul3A_127 = arith.constant 16 : i32
        %mul3A_128 = arith.muli %mul3A_127, %add3A_120 : i32
        %add3A_129 = arith.addi %mul3A_126, %mul3A_128 : i32
        %get3A_130 = arith.index_cast %add3A_129 : i32 to index
        %get3A_131 = tpu.vector_load %arg11[%get3A_130] {strides = array<i32>} : memref<1024xi32, #tpu.memory_space<vmem>>, vector<16xi32>,
        %lt3A_132 = vector.broadcast %min3A_93 : i32 to vector<16xi32>
        %lt3A_133 = arith.cmpi slt, %add3A_124, %lt3A_132 : vector<16xi32>
        %broadcast_in_dim3A_134 = vector.broadcast %select_n3A_110 : i32 to vector<16xi32>
        %select_n3A_135 = arith.select %lt3A_133, %get3A_131, %broadcast_in_dim3A_134 : vector<16xi1>, vector<16xi32>
        %mul3A_136 = arith.constant 32 : i32
        %mul3A_137 = arith.muli %add3A_45, %mul3A_136 : i32
        %mul3A_138 = arith.constant 16 : i32
        %mul3A_139 = arith.muli %mul3A_138, %add3A_120 : i32
        %add3A_140 = arith.addi %mul3A_137, %mul3A_139 : i32
        %swap3A = arith.index_cast %add3A_140 : i32 to index
        %swap3A_141 = tpu.vector_load %arg11[%swap3A] {strides = array<i32>} : memref<1024xi32, #tpu.memory_space<vmem>>, vector<16xi32>,
        tpu.vector_store %arg11[%swap3A], %select_n3A_135 {strides = array<i32>} : memref<1024xi32, #tpu.memory_space<vmem>>, vector<16xi32>,
        %lt3A_142 = vector.broadcast %min3A_93 : i32 to vector<16xi32>
        %lt3A_143 = arith.cmpi slt, %add3A_124, %lt3A_142 : vector<16xi32>
        %convert_element_type3A = arith.extui %lt3A_143 : vector<16xi1> to vector<16xi32>
        %mul3A_144 = arith.constant 32 : i32
        %mul3A_145 = arith.muli %add3A_45, %mul3A_144 : i32
        %mul3A_146 = arith.constant 16 : i32
        %mul3A_147 = arith.muli %mul3A_146, %add3A_120 : i32
        %add3A_148 = arith.addi %mul3A_145, %mul3A_147 : i32
        %swap3A_149 = arith.index_cast %add3A_148 : i32 to index
        %swap3A_150 = tpu.vector_load %arg12[%swap3A_149] {strides = array<i32>} : memref<1024xi32, #tpu.memory_space<vmem>>, vector<16xi32>,
        tpu.vector_store %arg12[%swap3A_149], %convert_element_type3A {strides = array<i32>} : memref<1024xi32, #tpu.memory_space<vmem>>, vector<16xi32>,
      }
      %scan3A_115 = arith.constant 2 : i32
    }
    %scan3A_19 = arith.constant 32 : i32
    %scan3A_20 = arith.constant 1 : i32
    %mul3A_21 = arith.constant 32 : i32
    %mul3A_22 = arith.muli %mul3A_2, %mul3A_21 : i32
    "tpu.region"() ({
      %run_scoped3A = tpu.sem_alloc : memref<!tpu.dma_semaphore, #tpu.memory_space<semaphore_mem>>
      %dma_start3A = tpu.memref_slice %arg7[%mul3A_22] : memref<32768xi32, #tpu.memory_space<hbm>> -> memref<1024xi32, #tpu.memory_space<hbm>>
      %dma_start3A_38 = tpu.memref_slice %arg7[%mul3A_22] : memref<32768xi32, #tpu.memory_space<hbm>> -> memref<1024xi32, #tpu.memory_space<hbm>>
      tpu.enqueue_dma source(%arg12 : memref<1024xi32, #tpu.memory_space<vmem>>) target(%dma_start3A_38 : memref<1024xi32, #tpu.memory_space<hbm>>) target_semaphore(%run_scoped3A : memref<!tpu.dma_semaphore, #tpu.memory_space<semaphore_mem>>)
      %dma_wait3A = tpu.memref_slice %arg7[%mul3A_22] : memref<32768xi32, #tpu.memory_space<hbm>> -> memref<1024xi32, #tpu.memory_space<hbm>>
      %dma_wait3A_39 = tpu.memref_slice %arg7[%mul3A_22] : memref<32768xi32, #tpu.memory_space<hbm>> -> memref<1024xi32, #tpu.memory_space<hbm>>
      tpu.wait_dma2 semaphore(%run_scoped3A : memref<!tpu.dma_semaphore, #tpu.memory_space<semaphore_mem>>) src(%arg12 : memref<1024xi32, #tpu.memory_space<vmem>>) dst(%dma_wait3A_39 : memref<1024xi32, #tpu.memory_space<hbm>>)
      tpu.yield
    }) : () -> ()
    %scan3A_23 = arith.constant 0 : i32
    %scan3A_24 = arith.constant 64 : i32
    %scan3A_25 = arith.addi %scan3A_23, %scan3A_24 : i32
    %scan3A_26 = arith.constant 1 : i32
    scf.for %scan3A_38 = %scan3A_23 to %scan3A_25 step %scan3A_26  : i32 {
      %mul3A_39 = arith.constant 1 : i32
      %mul3A_40 = arith.muli %scan3A_38, %mul3A_39 : i32
      %add3A_41 = arith.constant 0 : i32
      %add3A_42 = arith.addi %add3A_41, %mul3A_40 : i32
      %mul3A_43 = arith.constant 16 : i32
      %mul3A_44 = arith.muli %add3A_42, %mul3A_43 : i32
      %get3A = arith.index_cast %mul3A_44 : i32 to index
      %get3A_45 = tpu.vector_load %arg11[%get3A] {strides = array<i32>} : memref<1024xi32, #tpu.memory_space<vmem>>, vector<16xi32>,
      %add3A_46 = arith.constant 0 : i32
      %add3A_47 = vector.broadcast %add3A_46 : i32 to vector<16xi32>
      %add3A_48 = arith.addi %get3A_45, %add3A_47 : vector<16xi32>
      %gather3A = tpu.vector_load_idx %arg14[%add3A_48] : memref<49152xf32, #tpu.memory_space<vmem>>[vector<16xi32>], vector<16xf32>,
      %mul3A_49 = arith.constant 16 : i32
      %mul3A_50 = arith.muli %add3A_42, %mul3A_49 : i32
      %add3A_51 = arith.constant 0 : i32
      %add3A_52 = arith.addi %add3A_51, %mul3A_50 : i32
      %swap3A = arith.index_cast %add3A_52 : i32 to index
      %swap3A_53 = tpu.vector_load %arg15[%swap3A] {strides = array<i32>} : memref<3072xf32, #tpu.memory_space<vmem>>, vector<16xf32>,
      tpu.vector_store %arg15[%swap3A], %gather3A {strides = array<i32>} : memref<3072xf32, #tpu.memory_space<vmem>>, vector<16xf32>,
      %add3A_54 = arith.constant 16384 : i32
      %add3A_55 = vector.broadcast %add3A_54 : i32 to vector<16xi32>
      %add3A_56 = arith.addi %get3A_45, %add3A_55 : vector<16xi32>
      %gather3A_57 = tpu.vector_load_idx %arg14[%add3A_56] : memref<49152xf32, #tpu.memory_space<vmem>>[vector<16xi32>], vector<16xf32>,
      %mul3A_58 = arith.constant 16 : i32
      %mul3A_59 = arith.muli %add3A_42, %mul3A_58 : i32
      %add3A_60 = arith.constant 1024 : i32
      %add3A_61 = arith.addi %add3A_60, %mul3A_59 : i32
      %swap3A_62 = arith.index_cast %add3A_61 : i32 to index
      %swap3A_63 = tpu.vector_load %arg15[%swap3A_62] {strides = array<i32>} : memref<3072xf32, #tpu.memory_space<vmem>>, vector<16xf32>,
      tpu.vector_store %arg15[%swap3A_62], %gather3A_57 {strides = array<i32>} : memref<3072xf32, #tpu.memory_space<vmem>>, vector<16xf32>,
      %add3A_64 = arith.constant 32768 : i32
      %add3A_65 = vector.broadcast %add3A_64 : i32 to vector<16xi32>
      %add3A_66 = arith.addi %get3A_45, %add3A_65 : vector<16xi32>
      %gather3A_67 = tpu.vector_load_idx %arg14[%add3A_66] : memref<49152xf32, #tpu.memory_space<vmem>>[vector<16xi32>], vector<16xf32>,
      %mul3A_68 = arith.constant 16 : i32
      %mul3A_69 = arith.muli %add3A_42, %mul3A_68 : i32
      %add3A_70 = arith.constant 2048 : i32
      %add3A_71 = arith.addi %add3A_70, %mul3A_69 : i32
      %swap3A_72 = arith.index_cast %add3A_71 : i32 to index
      %swap3A_73 = tpu.vector_load %arg15[%swap3A_72] {strides = array<i32>} : memref<3072xf32, #tpu.memory_space<vmem>>, vector<16xf32>,
      tpu.vector_store %arg15[%swap3A_72], %gather3A_67 {strides = array<i32>} : memref<3072xf32, #tpu.memory_space<vmem>>, vector<16xf32>,
    }
    %scan3A_27 = arith.constant 64 : i32
    %scan3A_28 = arith.constant 0 : i32
    %scan3A_29 = arith.constant 3 : i32
    %scan3A_30 = arith.addi %scan3A_28, %scan3A_29 : i32
    %scan3A_31 = arith.constant 1 : i32
    scf.for %scan3A_38 = %scan3A_28 to %scan3A_30 step %scan3A_31  : i32 {
      %mul3A_39 = arith.constant 1 : i32
      %mul3A_40 = arith.muli %scan3A_38, %mul3A_39 : i32
      %add3A_41 = arith.constant 0 : i32
      %add3A_42 = arith.addi %add3A_41, %mul3A_40 : i32
      %mul3A_43 = arith.constant 32 : i32
      %mul3A_44 = arith.muli %add3A_42, %mul3A_43 : i32
      %mul3A_45 = arith.constant 32 : i32
      %mul3A_46 = arith.muli %mul3A_44, %mul3A_45 : i32
      %mul3A_47 = arith.constant 1024 : i32
      %mul3A_48 = arith.muli %add3A_42, %mul3A_47 : i32
      %mul3A_49 = arith.constant 32 : i32
      %mul3A_50 = arith.muli %mul3A_48, %mul3A_49 : i32
      %mul3A_51 = arith.constant 32 : i32
      %mul3A_52 = arith.muli %mul3A_2, %mul3A_51 : i32
      %add3A_53 = arith.addi %mul3A_50, %mul3A_52 : i32
      "tpu.region"() ({
        %run_scoped3A = tpu.sem_alloc : memref<!tpu.dma_semaphore, #tpu.memory_space<semaphore_mem>>
        %dma_start3A = tpu.memref_slice %arg15[%mul3A_46] : memref<3072xf32, #tpu.memory_space<vmem>> -> memref<1024xf32, #tpu.memory_space<vmem>>
        %dma_start3A_54 = tpu.memref_slice %arg8[%add3A_53] : memref<98304xf32, #tpu.memory_space<hbm>> -> memref<1024xf32, #tpu.memory_space<hbm>>
        %dma_start3A_55 = tpu.memref_slice %arg8[%add3A_53] : memref<98304xf32, #tpu.memory_space<hbm>> -> memref<1024xf32, #tpu.memory_space<hbm>>
        %dma_start3A_56 = tpu.memref_slice %arg15[%mul3A_46] : memref<3072xf32, #tpu.memory_space<vmem>> -> memref<1024xf32, #tpu.memory_space<vmem>>
        tpu.enqueue_dma source(%dma_start3A_56 : memref<1024xf32, #tpu.memory_space<vmem>>) target(%dma_start3A_55 : memref<1024xf32, #tpu.memory_space<hbm>>) target_semaphore(%run_scoped3A : memref<!tpu.dma_semaphore, #tpu.memory_space<semaphore_mem>>)
        %dma_wait3A = tpu.memref_slice %arg15[%mul3A_46] : memref<3072xf32, #tpu.memory_space<vmem>> -> memref<1024xf32, #tpu.memory_space<vmem>>
        %dma_wait3A_57 = tpu.memref_slice %arg8[%add3A_53] : memref<98304xf32, #tpu.memory_space<hbm>> -> memref<1024xf32, #tpu.memory_space<hbm>>
        %dma_wait3A_58 = tpu.memref_slice %arg8[%add3A_53] : memref<98304xf32, #tpu.memory_space<hbm>> -> memref<1024xf32, #tpu.memory_space<hbm>>
        %dma_wait3A_59 = tpu.memref_slice %arg15[%mul3A_46] : memref<3072xf32, #tpu.memory_space<vmem>> -> memref<1024xf32, #tpu.memory_space<vmem>>
        tpu.wait_dma2 semaphore(%run_scoped3A : memref<!tpu.dma_semaphore, #tpu.memory_space<semaphore_mem>>) src(%dma_wait3A_59 : memref<1024xf32, #tpu.memory_space<vmem>>) dst(%dma_wait3A_58 : memref<1024xf32, #tpu.memory_space<hbm>>)
        tpu.yield
      }) : () -> ()
    }
    %scan3A_32 = arith.constant 3 : i32
    %scan3A_33 = arith.constant 0 : i32
    %scan3A_34 = arith.constant 8 : i32
    %scan3A_35 = arith.addi %scan3A_33, %scan3A_34 : i32
    %scan3A_36 = arith.constant 1 : i32
    scf.for %scan3A_38 = %scan3A_33 to %scan3A_35 step %scan3A_36  : i32 {
      %mul3A_39 = arith.constant 1 : i32
      %mul3A_40 = arith.muli %scan3A_38, %mul3A_39 : i32
      %add3A_41 = arith.constant 0 : i32
      %add3A_42 = arith.addi %add3A_41, %mul3A_40 : i32
      %mul3A_43 = arith.constant 4 : i32
      %mul3A_44 = arith.muli %add3A_42, %mul3A_43 : i32
      %mul3A_45 = arith.constant 32 : i32
      %mul3A_46 = arith.muli %mul3A_44, %mul3A_45 : i32
      %dma_start3A = tpu.memref_slice %arg11[%mul3A_46] : memref<1024xi32, #tpu.memory_space<vmem>> -> memref<128xi32, #tpu.memory_space<vmem>>
      %dma_start3A_47 = arith.constant 0 : i32
      %dma_start3A_48 = arith.constant 0 : i32
      %dma_start3A_49 = tpu.memref_slice %arg4[%dma_start3A_47, %dma_start3A_48] : memref<16384x64xf32, #tpu.memory_space<hbm>> -> memref<16384x64xf32, #tpu.memory_space<hbm>>
      tpu.enqueue_indirect_dma source(%dma_start3A_49 : memref<16384x64xf32, #tpu.memory_space<hbm>>) target(%arg13 : memref<128x64xf32, #tpu.memory_space<vmem>>) offsets(%dma_start3A : memref<128xi32, #tpu.memory_space<vmem>>) semaphore(%arg16 : memref<!tpu.dma_semaphore, #tpu.memory_space<semaphore_mem>>)
      %dma_wait3A = tpu.memref_slice %arg11[%mul3A_46] : memref<1024xi32, #tpu.memory_space<vmem>> -> memref<128xi32, #tpu.memory_space<vmem>>
      %dma_wait3A_50 = arith.constant 0 : i32
      %dma_wait3A_51 = arith.constant 0 : i32
      %dma_wait3A_52 = tpu.memref_slice %arg4[%dma_wait3A_50, %dma_wait3A_51] : memref<16384x64xf32, #tpu.memory_space<hbm>> -> memref<16384x64xf32, #tpu.memory_space<hbm>>
      tpu.wait_indirect_dma semaphore(%arg16 : memref<!tpu.dma_semaphore, #tpu.memory_space<semaphore_mem>>) src(%dma_wait3A_52 : memref<16384x64xf32, #tpu.memory_space<hbm>>) dst(%arg13 : memref<128x64xf32, #tpu.memory_space<vmem>>)
      %mul3A_53 = arith.constant 4 : i32
      %mul3A_54 = arith.muli %add3A_42, %mul3A_53 : i32
      %add3A_55 = arith.addi %mul3A_2, %mul3A_54 : i32
      %mul3A_56 = arith.constant 32 : i32
      %mul3A_57 = arith.muli %add3A_55, %mul3A_56 : i32
      "tpu.region"() ({
        %run_scoped3A = tpu.sem_alloc : memref<!tpu.dma_semaphore, #tpu.memory_space<semaphore_mem>>
        %dma_start3A_58 = arith.constant 0 : i32
        %dma_start3A_59 = tpu.memref_slice %arg6[%mul3A_57, %dma_start3A_58] : memref<32768x64xf32, #tpu.memory_space<hbm>> -> memref<128x64xf32, #tpu.memory_space<hbm>>
        %dma_start3A_60 = arith.constant 0 : i32
        %dma_start3A_61 = tpu.memref_slice %arg6[%mul3A_57, %dma_start3A_60] : memref<32768x64xf32, #tpu.memory_space<hbm>> -> memref<128x64xf32, #tpu.memory_space<hbm>>
        tpu.enqueue_dma source(%arg13 : memref<128x64xf32, #tpu.memory_space<vmem>>) target(%dma_start3A_61 : memref<128x64xf32, #tpu.memory_space<hbm>>) target_semaphore(%run_scoped3A : memref<!tpu.dma_semaphore, #tpu.memory_space<semaphore_mem>>)
        %dma_wait3A_62 = arith.constant 0 : i32
        %dma_wait3A_63 = tpu.memref_slice %arg6[%mul3A_57, %dma_wait3A_62] : memref<32768x64xf32, #tpu.memory_space<hbm>> -> memref<128x64xf32, #tpu.memory_space<hbm>>
        %dma_wait3A_64 = arith.constant 0 : i32
        %dma_wait3A_65 = tpu.memref_slice %arg6[%mul3A_57, %dma_wait3A_64] : memref<32768x64xf32, #tpu.memory_space<hbm>> -> memref<128x64xf32, #tpu.memory_space<hbm>>
        tpu.wait_dma2 semaphore(%run_scoped3A : memref<!tpu.dma_semaphore, #tpu.memory_space<semaphore_mem>>) src(%arg13 : memref<128x64xf32, #tpu.memory_space<vmem>>) dst(%dma_wait3A_65 : memref<128x64xf32, #tpu.memory_space<hbm>>)
        tpu.yield
      }) : () -> ()
    }
    %scan3A_37 = arith.constant 8 : i32
    return
  }
}

#map = affine_map<(d0, d1) -> (0)>
#map1 = affine_map<(d0, d1) -> (0, 0)>
module attributes {stable_mosaic.version = 14 : i64} {
  func.func @_sc_body(%arg0: i32, %arg1: i32, %arg2: memref<524288xi32, #tpu.memory_space<hbm>>, %arg3: memref<1024xi32, #tpu.memory_space<hbm>>, %arg4: memref<16384x64xf32, #tpu.memory_space<hbm>>, %arg5: memref<49152xf32, #tpu.memory_space<hbm>>, %arg6: memref<32768x64xf32, #tpu.memory_space<hbm>>, %arg7: memref<32768xi32, #tpu.memory_space<hbm>>, %arg8: memref<98304xf32, #tpu.memory_space<hbm>>, %arg9: memref<16384xi32, #tpu.memory_space<vmem>>, %arg10: memref<32xi32, #tpu.memory_space<vmem>>, %arg11: memref<1024xi32, #tpu.memory_space<vmem>>, %arg12: memref<1024xi32, #tpu.memory_space<vmem>>, %arg13: memref<128x64xf32, #tpu.memory_space<vmem>>, %arg14: memref<49152xf32, #tpu.memory_space<vmem>>, %arg15: memref<3072xf32, #tpu.memory_space<vmem>>, %arg16: memref<!tpu.dma_semaphore, #tpu.memory_space<semaphore_mem>>) attributes {dimension_semantics = [#tpu.dimension_semantics<core_parallel>, #tpu.dimension_semantics<subcore_parallel>], iteration_bounds = array<i64: 2, 16>, scalar_prefetch = 0 : i64, scratch_operands = 8 : i64, tpu.core_type = #tpu.core_type<sc_vector_subcore>, window_params = [{transform_indices = #map}, {transform_indices = #map}, {transform_indices = #map1}, {transform_indices = #map}, {transform_indices = #map1}, {transform_indices = #map}, {transform_indices = #map}]} {
    %mul3A = arith.constant 2 : i32
    %mul3A_0 = arith.muli %arg1, %mul3A : i32
    %add3A = arith.addi %mul3A_0, %arg0 : i32
    %mul3A_1 = arith.constant 32 : i32
    %mul3A_2 = arith.muli %add3A, %mul3A_1 : i32
    %iota3A = tpu.iota {dimensions = array<i32: 0>} : vector<16xi32>
    "tpu.region"() ({
      %run_scoped3A = tpu.sem_alloc : memref<!tpu.dma_semaphore, #tpu.memory_space<semaphore_mem>>
      tpu.enqueue_dma source(%arg5 : memref<49152xf32, #tpu.memory_space<hbm>>) target(%arg14 : memref<49152xf32, #tpu.memory_space<vmem>>) target_semaphore(%run_scoped3A : memref<!tpu.dma_semaphore, #tpu.memory_space<semaphore_mem>>)
      tpu.wait_dma2 semaphore(%run_scoped3A : memref<!tpu.dma_semaphore, #tpu.memory_space<semaphore_mem>>) src(%arg5 : memref<49152xf32, #tpu.memory_space<hbm>>) dst(%arg14 : memref<49152xf32, #tpu.memory_space<vmem>>)
      tpu.yield
    }) : () -> ()
    %scan3A = arith.constant 0 : i32
    %mul3A_3 = arith.constant 1 : i32
    %mul3A_4 = arith.muli %scan3A, %mul3A_3 : i32
    %add3A_5 = arith.constant 0 : i32
    %add3A_6 = arith.addi %add3A_5, %mul3A_4 : i32
    %mul3A_7 = arith.constant 32 : i32
    %mul3A_8 = arith.muli %add3A_6, %mul3A_7 : i32
    %add3A_9 = arith.addi %mul3A_2, %mul3A_8 : i32
    %mul3A_10 = arith.constant 512 : i32
    %mul3A_11 = arith.muli %add3A_9, %mul3A_10 : i32
    "tpu.region"() ({
      %run_scoped3A = tpu.sem_alloc : memref<!tpu.dma_semaphore, #tpu.memory_space<semaphore_mem>>
      %dma_start3A = tpu.memref_slice %arg2[%mul3A_11] : memref<524288xi32, #tpu.memory_space<hbm>> -> memref<16384xi32, #tpu.memory_space<hbm>>
      %dma_start3A_38 = tpu.memref_slice %arg2[%mul3A_11] : memref<524288xi32, #tpu.memory_space<hbm>> -> memref<16384xi32, #tpu.memory_space<hbm>>
      tpu.enqueue_dma source(%dma_start3A_38 : memref<16384xi32, #tpu.memory_space<hbm>>) target(%arg9 : memref<16384xi32, #tpu.memory_space<vmem>>) target_semaphore(%run_scoped3A : memref<!tpu.dma_semaphore, #tpu.memory_space<semaphore_mem>>)
      %dma_wait3A = tpu.memref_slice %arg2[%mul3A_11] : memref<524288xi32, #tpu.memory_space<hbm>> -> memref<16384xi32, #tpu.memory_space<hbm>>
      %dma_wait3A_39 = tpu.memref_slice %arg2[%mul3A_11] : memref<524288xi32, #tpu.memory_space<hbm>> -> memref<16384xi32, #tpu.memory_space<hbm>>
      tpu.wait_dma2 semaphore(%run_scoped3A : memref<!tpu.dma_semaphore, #tpu.memory_space<semaphore_mem>>) src(%dma_wait3A_39 : memref<16384xi32, #tpu.memory_space<hbm>>) dst(%arg9 : memref<16384xi32, #tpu.memory_space<vmem>>)
      tpu.yield
    }) : () -> ()
    %mul3A_12 = arith.constant 32 : i32
    %mul3A_13 = arith.muli %add3A_6, %mul3A_12 : i32
    %add3A_14 = arith.addi %mul3A_2, %mul3A_13 : i32
    "tpu.region"() ({
      %run_scoped3A = tpu.sem_alloc : memref<!tpu.dma_semaphore, #tpu.memory_space<semaphore_mem>>
      %dma_start3A = tpu.memref_slice %arg3[%add3A_14] : memref<1024xi32, #tpu.memory_space<hbm>> -> memref<32xi32, #tpu.memory_space<hbm>>
      %dma_start3A_38 = tpu.memref_slice %arg3[%add3A_14] : memref<1024xi32, #tpu.memory_space<hbm>> -> memref<32xi32, #tpu.memory_space<hbm>>
      tpu.enqueue_dma source(%dma_start3A_38 : memref<32xi32, #tpu.memory_space<hbm>>) target(%arg10 : memref<32xi32, #tpu.memory_space<vmem>>) target_semaphore(%run_scoped3A : memref<!tpu.dma_semaphore, #tpu.memory_space<semaphore_mem>>)
      %dma_wait3A = tpu.memref_slice %arg3[%add3A_14] : memref<1024xi32, #tpu.memory_space<hbm>> -> memref<32xi32, #tpu.memory_space<hbm>>
      %dma_wait3A_39 = tpu.memref_slice %arg3[%add3A_14] : memref<1024xi32, #tpu.memory_space<hbm>> -> memref<32xi32, #tpu.memory_space<hbm>>
      tpu.wait_dma2 semaphore(%run_scoped3A : memref<!tpu.dma_semaphore, #tpu.memory_space<semaphore_mem>>) src(%dma_wait3A_39 : memref<32xi32, #tpu.memory_space<hbm>>) dst(%arg10 : memref<32xi32, #tpu.memory_space<vmem>>)
      tpu.yield
    }) : () -> ()
    %scan3A_15 = arith.constant 0 : i32
    %scan3A_16 = arith.constant 32 : i32
    %scan3A_17 = arith.addi %scan3A_15, %scan3A_16 : i32
    %scan3A_18 = arith.constant 1 : i32
    scf.for %scan3A_38 = %scan3A_15 to %scan3A_17 step %scan3A_18  : i32 {
      %mul3A_39 = arith.constant 1 : i32
      %mul3A_40 = arith.muli %scan3A_38, %mul3A_39 : i32
      %add3A_41 = arith.constant 0 : i32
      %add3A_42 = arith.addi %add3A_41, %mul3A_40 : i32
      %mul3A_43 = arith.constant 32 : i32
      %mul3A_44 = arith.muli %add3A_6, %mul3A_43 : i32
      %add3A_45 = arith.addi %mul3A_44, %add3A_42 : i32
      %jit3A = arith.constant 16 : i32
      %div3A = arith.divsi %add3A_42, %jit3A : i32
      %sign3A = arith.constant 0 : i32
      %sign3A_46 = arith.cmpi sgt, %add3A_42, %sign3A : i32
      %sign3A_47 = arith.extui %sign3A_46 : i1 to i32
      %sign3A_48 = arith.constant 0 : i32
      %sign3A_49 = arith.cmpi slt, %add3A_42, %sign3A_48 : i32
      %sign3A_50 = arith.extui %sign3A_49 : i1 to i32
      %sign3A_51 = arith.subi %sign3A_47, %sign3A_50 : i32
      %sign3A_52 = arith.constant 0 : i32
      %sign3A_53 = arith.cmpi sgt, %jit3A, %sign3A_52 : i32
      %sign3A_54 = arith.extui %sign3A_53 : i1 to i32
      %sign3A_55 = arith.constant 0 : i32
      %sign3A_56 = arith.cmpi slt, %jit3A, %sign3A_55 : i32
      %sign3A_57 = arith.extui %sign3A_56 : i1 to i32
      %sign3A_58 = arith.subi %sign3A_54, %sign3A_57 : i32
      %ne3A = arith.cmpi ne, %sign3A_51, %sign3A_58 : i32
      %rem3A = arith.remsi %add3A_42, %jit3A : i32
      %ne3A_59 = arith.constant 0 : i32
      %ne3A_60 = arith.cmpi ne, %rem3A, %ne3A_59 : i32
      %and3A = arith.andi %ne3A, %ne3A_60 : i1
      %sub3A = arith.constant 1 : i32
      %sub3A_61 = arith.subi %div3A, %sub3A : i32
      %select_n3A = arith.select %and3A, %sub3A_61, %div3A : i32
      %mul3A_62 = arith.constant 16 : i32
      %mul3A_63 = arith.muli %select_n3A, %mul3A_62 : i32
      %get3A = arith.index_cast %mul3A_63 : i32 to index
      %get3A_64 = tpu.vector_load %arg10[%get3A] {strides = array<i32>} : memref<32xi32, #tpu.memory_space<vmem>>, vector<16xi32>,
      %jit3A_65 = arith.constant 16 : i32
      %eq3A = arith.constant 0 : i32
      %eq3A_66 = arith.cmpi eq, %jit3A_65, %eq3A : i32
      %jit3A_67 = arith.constant 1 : i32
      %select_n3A_68 = arith.select %eq3A_66, %jit3A_67, %jit3A_65 : i32
      %rem3A_69 = arith.remsi %add3A_42, %select_n3A_68 : i32
      %ne3A_70 = arith.constant 0 : i32
      %ne3A_71 = arith.cmpi ne, %rem3A_69, %ne3A_70 : i32
      %lt3A = arith.constant 0 : i32
      %lt3A_72 = arith.cmpi slt, %rem3A_69, %lt3A : i32
      %lt3A_73 = arith.constant 0 : i32
      %lt3A_74 = arith.cmpi slt, %select_n3A_68, %lt3A_73 : i32
      %ne3A_75 = arith.xori %lt3A_72, %lt3A_74 : i1
      %and3A_76 = arith.andi %ne3A_75, %ne3A_71 : i1
      %add3A_77 = arith.addi %rem3A_69, %select_n3A_68 : i32
      %select_n3A_78 = arith.select %and3A_76, %add3A_77, %rem3A_69 : i32
      %eq3A_79 = vector.broadcast %select_n3A_78 : i32 to vector<16xi32>
      %eq3A_80 = arith.cmpi eq, %iota3A, %eq3A_79 : vector<16xi32>
      %jit3A_81 = arith.constant 0 : i32
      %broadcast_in_dim3A = vector.broadcast %jit3A_81 : i32 to vector<16xi32>
      %select_n3A_82 = arith.select %eq3A_80, %get3A_64, %broadcast_in_dim3A : vector<16xi1>, vector<16xi32>
      %reduce_sum3A = arith.constant true
      %reduce_sum3A_83 = vector.broadcast %reduce_sum3A : i1 to vector<16xi1>
      %reduce_sum3A_84 = tpu.scan <sum>, %select_n3A_82 masked %reduce_sum3A_83 : vector<16xi32>, vector<16xi1> -> vector<16xi32>
      %reduce_sum3A_85 = vector.extract %reduce_sum3A_84[15] : i32 from vector<16xi32>
      %scan3A_86 = arith.constant 0 : i32
      %scan3A_87 = arith.constant 0 : i32
      %scan3A_88 = arith.constant 32 : i32
      %scan3A_89 = arith.addi %scan3A_87, %scan3A_88 : i32
      %scan3A_90 = arith.constant 1 : i32
      %scan3A_91 = scf.for %scan3A_116 = %scan3A_87 to %scan3A_89 step %scan3A_90 iter_args(%scan3A_117 = %scan3A_86) -> (i32)  : i32 {
        %shift_right_logical3A = arith.shrui %reduce_sum3A_85, %scan3A_116 : i32
        %and3A_118 = arith.constant 1 : i32
        %and3A_119 = arith.andi %shift_right_logical3A, %and3A_118 : i32
        %gt3A_120 = arith.constant 0 : i32
        %gt3A_121 = arith.cmpi sgt, %and3A_119, %gt3A_120 : i32
        %lt3A_122 = arith.constant 32 : i32
        %lt3A_123 = arith.cmpi slt, %scan3A_117, %lt3A_122 : i32
        %and3A_124 = arith.andi %gt3A_121, %lt3A_123 : i1
        %convert_element_type3A = arith.extui %and3A_124 : i1 to i32
        %cond3A = arith.constant 0 : i32
        %cond3A_125 = arith.cmpi ne, %convert_element_type3A, %cond3A : i32
        %cond3A_126 = scf.if %cond3A_125 -> (i32) {
          %mul3A_127 = arith.constant 512 : i32
          %mul3A_128 = arith.muli %add3A_42, %mul3A_127 : i32
          %mul3A_129 = arith.constant 16 : i32
          %mul3A_130 = arith.muli %scan3A_116, %mul3A_129 : i32
          %add3A_131 = arith.addi %mul3A_128, %mul3A_130 : i32
          %get3A_132 = arith.index_cast %add3A_131 : i32 to index
          %get3A_133 = tpu.vector_load %arg9[%get3A_132] {strides = array<i32>} : memref<16384xi32, #tpu.memory_space<vmem>>, vector<16xi32>,
          %scan3A_134 = arith.constant 0 : i32
          %scan3A_135 = arith.constant 16 : i32
          %scan3A_136 = arith.addi %scan3A_134, %scan3A_135 : i32
          %scan3A_137 = arith.constant 1 : i32
          %scan3A_138 = scf.for %scan3A_140 = %scan3A_134 to %scan3A_136 step %scan3A_137 iter_args(%scan3A_141 = %scan3A_117) -> (i32)  : i32 {
            %eq3A_142 = vector.broadcast %scan3A_140 : i32 to vector<16xi32>
            %eq3A_143 = arith.cmpi eq, %iota3A, %eq3A_142 : vector<16xi32>
            %jit3A_144 = arith.constant 0 : i32
            %broadcast_in_dim3A_145 = vector.broadcast %jit3A_144 : i32 to vector<16xi32>
            %select_n3A_146 = arith.select %eq3A_143, %get3A_133, %broadcast_in_dim3A_145 : vector<16xi1>, vector<16xi32>
            %reduce_sum3A_147 = arith.constant true
            %reduce_sum3A_148 = vector.broadcast %reduce_sum3A_147 : i1 to vector<16xi1>
            %reduce_sum3A_149 = tpu.scan <sum>, %select_n3A_146 masked %reduce_sum3A_148 : vector<16xi32>, vector<16xi1> -> vector<16xi32>
            %reduce_sum3A_150 = vector.extract %reduce_sum3A_149[15] : i32 from vector<16xi32>
            %ne3A_151 = arith.constant 0 : i32
            %ne3A_152 = arith.cmpi ne, %reduce_sum3A_150, %ne3A_151 : i32
            %convert_element_type3A_153 = arith.extui %ne3A_152 : i1 to i32
            %cond3A_154 = arith.constant 0 : i32
            %cond3A_155 = arith.cmpi ne, %convert_element_type3A_153, %cond3A_154 : i32
            %cond3A_156 = scf.if %cond3A_155 -> (i32) {
              %mul3A_157 = arith.constant 16 : i32
              %mul3A_158 = arith.muli %scan3A_116, %mul3A_157 : i32
              %add3A_159 = arith.addi %mul3A_158, %scan3A_140 : i32
              %mul3A_160 = arith.constant 32 : i32
              %mul3A_161 = arith.muli %add3A_159, %mul3A_160 : i32
              %broadcast_in_dim3A_162 = vector.broadcast %reduce_sum3A_150 : i32 to vector<16xi32>
              %add3A_163 = arith.constant 0 : i32
              %add3A_164 = vector.broadcast %add3A_163 : i32 to vector<16xi32>
              %add3A_165 = arith.addi %iota3A, %add3A_164 : vector<16xi32>
              %shift_right_logical3A_166 = arith.shrui %broadcast_in_dim3A_162, %add3A_165 : vector<16xi32>
              %and3A_167 = arith.constant 1 : i32
              %and3A_168 = vector.broadcast %and3A_167 : i32 to vector<16xi32>
              %and3A_169 = arith.andi %shift_right_logical3A_166, %and3A_168 : vector<16xi32>
              %cumsum3A = arith.constant true
              %cumsum3A_170 = vector.broadcast %cumsum3A : i1 to vector<16xi1>
              %cumsum3A_171 = tpu.scan <sum>, %and3A_169 masked %cumsum3A_170 : vector<16xi32>, vector<16xi1> -> vector<16xi32>
              %add3A_172 = vector.broadcast %scan3A_141 : i32 to vector<16xi32>
              %add3A_173 = arith.addi %add3A_172, %cumsum3A_171 : vector<16xi32>
              %sub3A_174 = arith.constant 1 : i32
              %sub3A_175 = vector.broadcast %sub3A_174 : i32 to vector<16xi32>
              %sub3A_176 = arith.subi %add3A_173, %sub3A_175 : vector<16xi32>
              %gt3A_177 = arith.constant 0 : i32
              %gt3A_178 = vector.broadcast %gt3A_177 : i32 to vector<16xi32>
              %gt3A_179 = arith.cmpi sgt, %and3A_169, %gt3A_178 : vector<16xi32>
              %lt3A_180 = arith.constant 32 : i32
              %lt3A_181 = vector.broadcast %lt3A_180 : i32 to vector<16xi32>
              %lt3A_182 = arith.cmpi slt, %sub3A_176, %lt3A_181 : vector<16xi32>
              %and3A_183 = arith.andi %gt3A_179, %lt3A_182 : vector<16xi1>
              %jit3A_184 = arith.constant 0 : i32
              %jit3A_185 = arith.constant 31 : i32
              %max3A = vector.broadcast %jit3A_184 : i32 to vector<16xi32>
              %max3A_186 = arith.maxsi %max3A, %sub3A_176 : vector<16xi32>
              %min3A_187 = vector.broadcast %jit3A_185 : i32 to vector<16xi32>
              %min3A_188 = arith.minsi %min3A_187, %max3A_186 : vector<16xi32>
              %add3A_189 = arith.constant 0 : i32
              %add3A_190 = arith.addi %mul3A_161, %add3A_189 : i32
              %add3A_191 = vector.broadcast %add3A_190 : i32 to vector<16xi32>
              %add3A_192 = arith.addi %add3A_191, %iota3A : vector<16xi32>
              %mul3A_193 = arith.constant 32 : i32
              %mul3A_194 = arith.muli %add3A_45, %mul3A_193 : i32
              %add3A_195 = vector.broadcast %mul3A_194 : i32 to vector<16xi32>
              %add3A_196 = arith.addi %add3A_195, %min3A_188 : vector<16xi32>
              tpu.vector_store_idx %arg11[%add3A_196], %add3A_192 masked %and3A_183 : memref<1024xi32, #tpu.memory_space<vmem>>[vector<16xi32>], vector<16xi32>, vector<16xi1>
              %reduce_sum3A_197 = arith.constant true
              %reduce_sum3A_198 = vector.broadcast %reduce_sum3A_197 : i1 to vector<16xi1>
              %reduce_sum3A_199 = tpu.scan <sum>, %and3A_169 masked %reduce_sum3A_198 : vector<16xi32>, vector<16xi1> -> vector<16xi32>
              %reduce_sum3A_200 = vector.extract %reduce_sum3A_199[15] : i32 from vector<16xi32>
              %add3A_201 = arith.addi %scan3A_141, %reduce_sum3A_200 : i32
              %add3A_202 = arith.constant 16 : i32
              %add3A_203 = vector.broadcast %add3A_202 : i32 to vector<16xi32>
              %add3A_204 = arith.addi %iota3A, %add3A_203 : vector<16xi32>
              %shift_right_logical3A_205 = arith.shrui %broadcast_in_dim3A_162, %add3A_204 : vector<16xi32>
              %and3A_206 = arith.constant 1 : i32
              %and3A_207 = vector.broadcast %and3A_206 : i32 to vector<16xi32>
              %and3A_208 = arith.andi %shift_right_logical3A_205, %and3A_207 : vector<16xi32>
              %cumsum3A_209 = arith.constant true
              %cumsum3A_210 = vector.broadcast %cumsum3A_209 : i1 to vector<16xi1>
              %cumsum3A_211 = tpu.scan <sum>, %and3A_208 masked %cumsum3A_210 : vector<16xi32>, vector<16xi1> -> vector<16xi32>
              %add3A_212 = vector.broadcast %add3A_201 : i32 to vector<16xi32>
              %add3A_213 = arith.addi %add3A_212, %cumsum3A_211 : vector<16xi32>
              %sub3A_214 = arith.constant 1 : i32
              %sub3A_215 = vector.broadcast %sub3A_214 : i32 to vector<16xi32>
              %sub3A_216 = arith.subi %add3A_213, %sub3A_215 : vector<16xi32>
              %gt3A_217 = arith.constant 0 : i32
              %gt3A_218 = vector.broadcast %gt3A_217 : i32 to vector<16xi32>
              %gt3A_219 = arith.cmpi sgt, %and3A_208, %gt3A_218 : vector<16xi32>
              %lt3A_220 = arith.constant 32 : i32
              %lt3A_221 = vector.broadcast %lt3A_220 : i32 to vector<16xi32>
              %lt3A_222 = arith.cmpi slt, %sub3A_216, %lt3A_221 : vector<16xi32>
              %and3A_223 = arith.andi %gt3A_219, %lt3A_222 : vector<16xi1>
              %jit3A_224 = arith.constant 0 : i32
              %jit3A_225 = arith.constant 31 : i32
              %max3A_226 = vector.broadcast %jit3A_224 : i32 to vector<16xi32>
              %max3A_227 = arith.maxsi %max3A_226, %sub3A_216 : vector<16xi32>
              %min3A_228 = vector.broadcast %jit3A_225 : i32 to vector<16xi32>
              %min3A_229 = arith.minsi %min3A_228, %max3A_227 : vector<16xi32>
              %add3A_230 = arith.constant 16 : i32
              %add3A_231 = arith.addi %mul3A_161, %add3A_230 : i32
              %add3A_232 = vector.broadcast %add3A_231 : i32 to vector<16xi32>
              %add3A_233 = arith.addi %add3A_232, %iota3A : vector<16xi32>
              %mul3A_234 = arith.constant 32 : i32
              %mul3A_235 = arith.muli %add3A_45, %mul3A_234 : i32
              %add3A_236 = vector.broadcast %mul3A_235 : i32 to vector<16xi32>
              %add3A_237 = arith.addi %add3A_236, %min3A_229 : vector<16xi32>
              tpu.vector_store_idx %arg11[%add3A_237], %add3A_233 masked %and3A_223 : memref<1024xi32, #tpu.memory_space<vmem>>[vector<16xi32>], vector<16xi32>, vector<16xi1>
              %reduce_sum3A_238 = arith.constant true
              %reduce_sum3A_239 = vector.broadcast %reduce_sum3A_238 : i1 to vector<16xi1>
              %reduce_sum3A_240 = tpu.scan <sum>, %and3A_208 masked %reduce_sum3A_239 : vector<16xi32>, vector<16xi1> -> vector<16xi32>
              %reduce_sum3A_241 = vector.extract %reduce_sum3A_240[15] : i32 from vector<16xi32>
              %add3A_242 = arith.addi %add3A_201, %reduce_sum3A_241 : i32
              scf.yield %add3A_242 : i32
            } else {
              scf.yield %scan3A_141 : i32
            }
            scf.yield %cond3A_156 : i32
          }
          %scan3A_139 = arith.constant 16 : i32
          scf.yield %scan3A_138 : i32
        } else {
          scf.yield %scan3A_117 : i32
        }
        scf.yield %cond3A_126 : i32
      }
      %scan3A_92 = arith.constant 32 : i32
      %min3A = arith.constant 32 : i32
      %min3A_93 = arith.minsi %scan3A_91, %min3A : i32
      %mul3A_94 = arith.constant 32 : i32
      %mul3A_95 = arith.muli %add3A_45, %mul3A_94 : i32
      %get3A_96 = arith.index_cast %mul3A_95 : i32 to index
      %get3A_97 = tpu.vector_load %arg11[%get3A_96] {strides = array<i32>} : memref<1024xi32, #tpu.memory_space<vmem>>, vector<16xi32>,
      %eq3A_98 = arith.constant 0 : i32
      %eq3A_99 = vector.broadcast %eq3A_98 : i32 to vector<16xi32>
      %eq3A_100 = arith.cmpi eq, %iota3A, %eq3A_99 : vector<16xi32>
      %jit3A_101 = arith.constant 0 : i32
      %broadcast_in_dim3A_102 = vector.broadcast %jit3A_101 : i32 to vector<16xi32>
      %select_n3A_103 = arith.select %eq3A_100, %get3A_97, %broadcast_in_dim3A_102 : vector<16xi1>, vector<16xi32>
      %reduce_sum3A_104 = arith.constant true
      %reduce_sum3A_105 = vector.broadcast %reduce_sum3A_104 : i1 to vector<16xi1>
      %reduce_sum3A_106 = tpu.scan <sum>, %select_n3A_103 masked %reduce_sum3A_105 : vector<16xi32>, vector<16xi1> -> vector<16xi32>
      %reduce_sum3A_107 = vector.extract %reduce_sum3A_106[15] : i32 from vector<16xi32>
      %gt3A = arith.constant 0 : i32
      %gt3A_108 = arith.cmpi sgt, %scan3A_91, %gt3A : i32
      %jit3A_109 = arith.constant 0 : i32
      %select_n3A_110 = arith.select %gt3A_108, %reduce_sum3A_107, %jit3A_109 : i32
      %scan3A_111 = arith.constant 0 : i32
      %scan3A_112 = arith.constant 2 : i32
      %scan3A_113 = arith.addi %scan3A_111, %scan3A_112 : i32
      %scan3A_114 = arith.constant 1 : i32
      scf.for %scan3A_116 = %scan3A_111 to %scan3A_113 step %scan3A_114  : i32 {
        %mul3A_117 = arith.constant 1 : i32
        %mul3A_118 = arith.muli %scan3A_116, %mul3A_117 : i32
        %add3A_119 = arith.constant 0 : i32
        %add3A_120 = arith.addi %add3A_119, %mul3A_118 : i32
        %mul3A_121 = arith.constant 16 : i32
        %mul3A_122 = arith.muli %mul3A_121, %add3A_120 : i32
        %add3A_123 = vector.broadcast %mul3A_122 : i32 to vector<16xi32>
        %add3A_124 = arith.addi %iota3A, %add3A_123 : vector<16xi32>
        %mul3A_125 = arith.constant 32 : i32
        %mul3A_126 = arith.muli %add3A_45, %mul3A_125 : i32
        %mul3A_127 = arith.constant 16 : i32
        %mul3A_128 = arith.muli %mul3A_127, %add3A_120 : i32
        %add3A_129 = arith.addi %mul3A_126, %mul3A_128 : i32
        %get3A_130 = arith.index_cast %add3A_129 : i32 to index
        %get3A_131 = tpu.vector_load %arg11[%get3A_130] {strides = array<i32>} : memref<1024xi32, #tpu.memory_space<vmem>>, vector<16xi32>,
        %lt3A_132 = vector.broadcast %min3A_93 : i32 to vector<16xi32>
        %lt3A_133 = arith.cmpi slt, %add3A_124, %lt3A_132 : vector<16xi32>
        %broadcast_in_dim3A_134 = vector.broadcast %select_n3A_110 : i32 to vector<16xi32>
        %select_n3A_135 = arith.select %lt3A_133, %get3A_131, %broadcast_in_dim3A_134 : vector<16xi1>, vector<16xi32>
        %mul3A_136 = arith.constant 32 : i32
        %mul3A_137 = arith.muli %add3A_45, %mul3A_136 : i32
        %mul3A_138 = arith.constant 16 : i32
        %mul3A_139 = arith.muli %mul3A_138, %add3A_120 : i32
        %add3A_140 = arith.addi %mul3A_137, %mul3A_139 : i32
        %swap3A = arith.index_cast %add3A_140 : i32 to index
        %swap3A_141 = tpu.vector_load %arg11[%swap3A] {strides = array<i32>} : memref<1024xi32, #tpu.memory_space<vmem>>, vector<16xi32>,
        tpu.vector_store %arg11[%swap3A], %select_n3A_135 {strides = array<i32>} : memref<1024xi32, #tpu.memory_space<vmem>>, vector<16xi32>,
        %lt3A_142 = vector.broadcast %min3A_93 : i32 to vector<16xi32>
        %lt3A_143 = arith.cmpi slt, %add3A_124, %lt3A_142 : vector<16xi32>
        %convert_element_type3A = arith.extui %lt3A_143 : vector<16xi1> to vector<16xi32>
        %mul3A_144 = arith.constant 32 : i32
        %mul3A_145 = arith.muli %add3A_45, %mul3A_144 : i32
        %mul3A_146 = arith.constant 16 : i32
        %mul3A_147 = arith.muli %mul3A_146, %add3A_120 : i32
        %add3A_148 = arith.addi %mul3A_145, %mul3A_147 : i32
        %swap3A_149 = arith.index_cast %add3A_148 : i32 to index
        %swap3A_150 = tpu.vector_load %arg12[%swap3A_149] {strides = array<i32>} : memref<1024xi32, #tpu.memory_space<vmem>>, vector<16xi32>,
        tpu.vector_store %arg12[%swap3A_149], %convert_element_type3A {strides = array<i32>} : memref<1024xi32, #tpu.memory_space<vmem>>, vector<16xi32>,
      }
      %scan3A_115 = arith.constant 2 : i32
    }
    %scan3A_19 = arith.constant 32 : i32
    %scan3A_20 = arith.constant 1 : i32
    %mul3A_21 = arith.constant 32 : i32
    %mul3A_22 = arith.muli %mul3A_2, %mul3A_21 : i32
    "tpu.region"() ({
      %run_scoped3A = tpu.sem_alloc : memref<!tpu.dma_semaphore, #tpu.memory_space<semaphore_mem>>
      %dma_start3A = tpu.memref_slice %arg7[%mul3A_22] : memref<32768xi32, #tpu.memory_space<hbm>> -> memref<1024xi32, #tpu.memory_space<hbm>>
      %dma_start3A_38 = tpu.memref_slice %arg7[%mul3A_22] : memref<32768xi32, #tpu.memory_space<hbm>> -> memref<1024xi32, #tpu.memory_space<hbm>>
      tpu.enqueue_dma source(%arg12 : memref<1024xi32, #tpu.memory_space<vmem>>) target(%dma_start3A_38 : memref<1024xi32, #tpu.memory_space<hbm>>) target_semaphore(%run_scoped3A : memref<!tpu.dma_semaphore, #tpu.memory_space<semaphore_mem>>)
      %dma_wait3A = tpu.memref_slice %arg7[%mul3A_22] : memref<32768xi32, #tpu.memory_space<hbm>> -> memref<1024xi32, #tpu.memory_space<hbm>>
      %dma_wait3A_39 = tpu.memref_slice %arg7[%mul3A_22] : memref<32768xi32, #tpu.memory_space<hbm>> -> memref<1024xi32, #tpu.memory_space<hbm>>
      tpu.wait_dma2 semaphore(%run_scoped3A : memref<!tpu.dma_semaphore, #tpu.memory_space<semaphore_mem>>) src(%arg12 : memref<1024xi32, #tpu.memory_space<vmem>>) dst(%dma_wait3A_39 : memref<1024xi32, #tpu.memory_space<hbm>>)
      tpu.yield
    }) : () -> ()
    %scan3A_23 = arith.constant 0 : i32
    %scan3A_24 = arith.constant 64 : i32
    %scan3A_25 = arith.addi %scan3A_23, %scan3A_24 : i32
    %scan3A_26 = arith.constant 1 : i32
    scf.for %scan3A_38 = %scan3A_23 to %scan3A_25 step %scan3A_26  : i32 {
      %mul3A_39 = arith.constant 1 : i32
      %mul3A_40 = arith.muli %scan3A_38, %mul3A_39 : i32
      %add3A_41 = arith.constant 0 : i32
      %add3A_42 = arith.addi %add3A_41, %mul3A_40 : i32
      %mul3A_43 = arith.constant 16 : i32
      %mul3A_44 = arith.muli %add3A_42, %mul3A_43 : i32
      %get3A = arith.index_cast %mul3A_44 : i32 to index
      %get3A_45 = tpu.vector_load %arg11[%get3A] {strides = array<i32>} : memref<1024xi32, #tpu.memory_space<vmem>>, vector<16xi32>,
      %add3A_46 = arith.constant 0 : i32
      %add3A_47 = vector.broadcast %add3A_46 : i32 to vector<16xi32>
      %add3A_48 = arith.addi %get3A_45, %add3A_47 : vector<16xi32>
      %gather3A = tpu.vector_load_idx %arg14[%add3A_48] : memref<49152xf32, #tpu.memory_space<vmem>>[vector<16xi32>], vector<16xf32>,
      %mul3A_49 = arith.constant 16 : i32
      %mul3A_50 = arith.muli %add3A_42, %mul3A_49 : i32
      %add3A_51 = arith.constant 0 : i32
      %add3A_52 = arith.addi %add3A_51, %mul3A_50 : i32
      %swap3A = arith.index_cast %add3A_52 : i32 to index
      %swap3A_53 = tpu.vector_load %arg15[%swap3A] {strides = array<i32>} : memref<3072xf32, #tpu.memory_space<vmem>>, vector<16xf32>,
      tpu.vector_store %arg15[%swap3A], %gather3A {strides = array<i32>} : memref<3072xf32, #tpu.memory_space<vmem>>, vector<16xf32>,
      %add3A_54 = arith.constant 16384 : i32
      %add3A_55 = vector.broadcast %add3A_54 : i32 to vector<16xi32>
      %add3A_56 = arith.addi %get3A_45, %add3A_55 : vector<16xi32>
      %gather3A_57 = tpu.vector_load_idx %arg14[%add3A_56] : memref<49152xf32, #tpu.memory_space<vmem>>[vector<16xi32>], vector<16xf32>,
      %mul3A_58 = arith.constant 16 : i32
      %mul3A_59 = arith.muli %add3A_42, %mul3A_58 : i32
      %add3A_60 = arith.constant 1024 : i32
      %add3A_61 = arith.addi %add3A_60, %mul3A_59 : i32
      %swap3A_62 = arith.index_cast %add3A_61 : i32 to index
      %swap3A_63 = tpu.vector_load %arg15[%swap3A_62] {strides = array<i32>} : memref<3072xf32, #tpu.memory_space<vmem>>, vector<16xf32>,
      tpu.vector_store %arg15[%swap3A_62], %gather3A_57 {strides = array<i32>} : memref<3072xf32, #tpu.memory_space<vmem>>, vector<16xf32>,
      %add3A_64 = arith.constant 32768 : i32
      %add3A_65 = vector.broadcast %add3A_64 : i32 to vector<16xi32>
      %add3A_66 = arith.addi %get3A_45, %add3A_65 : vector<16xi32>
      %gather3A_67 = tpu.vector_load_idx %arg14[%add3A_66] : memref<49152xf32, #tpu.memory_space<vmem>>[vector<16xi32>], vector<16xf32>,
      %mul3A_68 = arith.constant 16 : i32
      %mul3A_69 = arith.muli %add3A_42, %mul3A_68 : i32
      %add3A_70 = arith.constant 2048 : i32
      %add3A_71 = arith.addi %add3A_70, %mul3A_69 : i32
      %swap3A_72 = arith.index_cast %add3A_71 : i32 to index
      %swap3A_73 = tpu.vector_load %arg15[%swap3A_72] {strides = array<i32>} : memref<3072xf32, #tpu.memory_space<vmem>>, vector<16xf32>,
      tpu.vector_store %arg15[%swap3A_72], %gather3A_67 {strides = array<i32>} : memref<3072xf32, #tpu.memory_space<vmem>>, vector<16xf32>,
    }
    %scan3A_27 = arith.constant 64 : i32
    %scan3A_28 = arith.constant 0 : i32
    %scan3A_29 = arith.constant 3 : i32
    %scan3A_30 = arith.addi %scan3A_28, %scan3A_29 : i32
    %scan3A_31 = arith.constant 1 : i32
    scf.for %scan3A_38 = %scan3A_28 to %scan3A_30 step %scan3A_31  : i32 {
      %mul3A_39 = arith.constant 1 : i32
      %mul3A_40 = arith.muli %scan3A_38, %mul3A_39 : i32
      %add3A_41 = arith.constant 0 : i32
      %add3A_42 = arith.addi %add3A_41, %mul3A_40 : i32
      %mul3A_43 = arith.constant 32 : i32
      %mul3A_44 = arith.muli %add3A_42, %mul3A_43 : i32
      %mul3A_45 = arith.constant 32 : i32
      %mul3A_46 = arith.muli %mul3A_44, %mul3A_45 : i32
      %mul3A_47 = arith.constant 1024 : i32
      %mul3A_48 = arith.muli %add3A_42, %mul3A_47 : i32
      %mul3A_49 = arith.constant 32 : i32
      %mul3A_50 = arith.muli %mul3A_48, %mul3A_49 : i32
      %mul3A_51 = arith.constant 32 : i32
      %mul3A_52 = arith.muli %mul3A_2, %mul3A_51 : i32
      %add3A_53 = arith.addi %mul3A_50, %mul3A_52 : i32
      "tpu.region"() ({
        %run_scoped3A = tpu.sem_alloc : memref<!tpu.dma_semaphore, #tpu.memory_space<semaphore_mem>>
        %dma_start3A = tpu.memref_slice %arg15[%mul3A_46] : memref<3072xf32, #tpu.memory_space<vmem>> -> memref<1024xf32, #tpu.memory_space<vmem>>
        %dma_start3A_54 = tpu.memref_slice %arg8[%add3A_53] : memref<98304xf32, #tpu.memory_space<hbm>> -> memref<1024xf32, #tpu.memory_space<hbm>>
        %dma_start3A_55 = tpu.memref_slice %arg8[%add3A_53] : memref<98304xf32, #tpu.memory_space<hbm>> -> memref<1024xf32, #tpu.memory_space<hbm>>
        %dma_start3A_56 = tpu.memref_slice %arg15[%mul3A_46] : memref<3072xf32, #tpu.memory_space<vmem>> -> memref<1024xf32, #tpu.memory_space<vmem>>
        tpu.enqueue_dma source(%dma_start3A_56 : memref<1024xf32, #tpu.memory_space<vmem>>) target(%dma_start3A_55 : memref<1024xf32, #tpu.memory_space<hbm>>) target_semaphore(%run_scoped3A : memref<!tpu.dma_semaphore, #tpu.memory_space<semaphore_mem>>)
        %dma_wait3A = tpu.memref_slice %arg15[%mul3A_46] : memref<3072xf32, #tpu.memory_space<vmem>> -> memref<1024xf32, #tpu.memory_space<vmem>>
        %dma_wait3A_57 = tpu.memref_slice %arg8[%add3A_53] : memref<98304xf32, #tpu.memory_space<hbm>> -> memref<1024xf32, #tpu.memory_space<hbm>>
        %dma_wait3A_58 = tpu.memref_slice %arg8[%add3A_53] : memref<98304xf32, #tpu.memory_space<hbm>> -> memref<1024xf32, #tpu.memory_space<hbm>>
        %dma_wait3A_59 = tpu.memref_slice %arg15[%mul3A_46] : memref<3072xf32, #tpu.memory_space<vmem>> -> memref<1024xf32, #tpu.memory_space<vmem>>
        tpu.wait_dma2 semaphore(%run_scoped3A : memref<!tpu.dma_semaphore, #tpu.memory_space<semaphore_mem>>) src(%dma_wait3A_59 : memref<1024xf32, #tpu.memory_space<vmem>>) dst(%dma_wait3A_58 : memref<1024xf32, #tpu.memory_space<hbm>>)
        tpu.yield
      }) : () -> ()
    }
    %scan3A_32 = arith.constant 3 : i32
    %scan3A_33 = arith.constant 0 : i32
    %scan3A_34 = arith.constant 8 : i32
    %scan3A_35 = arith.addi %scan3A_33, %scan3A_34 : i32
    %scan3A_36 = arith.constant 1 : i32
    scf.for %scan3A_38 = %scan3A_33 to %scan3A_35 step %scan3A_36  : i32 {
      %mul3A_39 = arith.constant 1 : i32
      %mul3A_40 = arith.muli %scan3A_38, %mul3A_39 : i32
      %add3A_41 = arith.constant 0 : i32
      %add3A_42 = arith.addi %add3A_41, %mul3A_40 : i32
      %mul3A_43 = arith.constant 4 : i32
      %mul3A_44 = arith.muli %add3A_42, %mul3A_43 : i32
      %mul3A_45 = arith.constant 32 : i32
      %mul3A_46 = arith.muli %mul3A_44, %mul3A_45 : i32
      %dma_start3A = tpu.memref_slice %arg11[%mul3A_46] : memref<1024xi32, #tpu.memory_space<vmem>> -> memref<128xi32, #tpu.memory_space<vmem>>
      %dma_start3A_47 = arith.constant 0 : i32
      %dma_start3A_48 = arith.constant 0 : i32
      %dma_start3A_49 = tpu.memref_slice %arg4[%dma_start3A_47, %dma_start3A_48] : memref<16384x64xf32, #tpu.memory_space<hbm>> -> memref<16384x64xf32, #tpu.memory_space<hbm>>
      tpu.enqueue_indirect_dma source(%dma_start3A_49 : memref<16384x64xf32, #tpu.memory_space<hbm>>) target(%arg13 : memref<128x64xf32, #tpu.memory_space<vmem>>) offsets(%dma_start3A : memref<128xi32, #tpu.memory_space<vmem>>) semaphore(%arg16 : memref<!tpu.dma_semaphore, #tpu.memory_space<semaphore_mem>>)
      %dma_wait3A = tpu.memref_slice %arg11[%mul3A_46] : memref<1024xi32, #tpu.memory_space<vmem>> -> memref<128xi32, #tpu.memory_space<vmem>>
      %dma_wait3A_50 = arith.constant 0 : i32
      %dma_wait3A_51 = arith.constant 0 : i32
      %dma_wait3A_52 = tpu.memref_slice %arg4[%dma_wait3A_50, %dma_wait3A_51] : memref<16384x64xf32, #tpu.memory_space<hbm>> -> memref<16384x64xf32, #tpu.memory_space<hbm>>
      tpu.wait_indirect_dma semaphore(%arg16 : memref<!tpu.dma_semaphore, #tpu.memory_space<semaphore_mem>>) src(%dma_wait3A_52 : memref<16384x64xf32, #tpu.memory_space<hbm>>) dst(%arg13 : memref<128x64xf32, #tpu.memory_space<vmem>>)
      %mul3A_53 = arith.constant 4 : i32
      %mul3A_54 = arith.muli %add3A_42, %mul3A_53 : i32
      %add3A_55 = arith.addi %mul3A_2, %mul3A_54 : i32
      %mul3A_56 = arith.constant 32 : i32
      %mul3A_57 = arith.muli %add3A_55, %mul3A_56 : i32
      "tpu.region"() ({
        %run_scoped3A = tpu.sem_alloc : memref<!tpu.dma_semaphore, #tpu.memory_space<semaphore_mem>>
        %dma_start3A_58 = arith.constant 0 : i32
        %dma_start3A_59 = tpu.memref_slice %arg6[%mul3A_57, %dma_start3A_58] : memref<32768x64xf32, #tpu.memory_space<hbm>> -> memref<128x64xf32, #tpu.memory_space<hbm>>
        %dma_start3A_60 = arith.constant 0 : i32
        %dma_start3A_61 = tpu.memref_slice %arg6[%mul3A_57, %dma_start3A_60] : memref<32768x64xf32, #tpu.memory_space<hbm>> -> memref<128x64xf32, #tpu.memory_space<hbm>>
        tpu.enqueue_dma source(%arg13 : memref<128x64xf32, #tpu.memory_space<vmem>>) target(%dma_start3A_61 : memref<128x64xf32, #tpu.memory_space<hbm>>) target_semaphore(%run_scoped3A : memref<!tpu.dma_semaphore, #tpu.memory_space<semaphore_mem>>)
        %dma_wait3A_62 = arith.constant 0 : i32
        %dma_wait3A_63 = tpu.memref_slice %arg6[%mul3A_57, %dma_wait3A_62] : memref<32768x64xf32, #tpu.memory_space<hbm>> -> memref<128x64xf32, #tpu.memory_space<hbm>>
        %dma_wait3A_64 = arith.constant 0 : i32
        %dma_wait3A_65 = tpu.memref_slice %arg6[%mul3A_57, %dma_wait3A_64] : memref<32768x64xf32, #tpu.memory_space<hbm>> -> memref<128x64xf32, #tpu.memory_space<hbm>>
        tpu.wait_dma2 semaphore(%run_scoped3A : memref<!tpu.dma_semaphore, #tpu.memory_space<semaphore_mem>>) src(%arg13 : memref<128x64xf32, #tpu.memory_space<vmem>>) dst(%dma_wait3A_65 : memref<128x64xf32, #tpu.memory_space<hbm>>)
        tpu.yield
      }) : () -> ()
    }
    %scan3A_37 = arith.constant 8 : i32
    return
  }
}

#map = affine_map<(d0, d1) -> (0)>
#map1 = affine_map<(d0, d1) -> (0, 0)>
module attributes {stable_mosaic.version = 14 : i64} {
  func.func @_sc_body(%arg0: i32, %arg1: i32, %arg2: memref<524288xi32, #tpu.memory_space<hbm>>, %arg3: memref<1024xi32, #tpu.memory_space<hbm>>, %arg4: memref<16384x64xf32, #tpu.memory_space<hbm>>, %arg5: memref<49152xf32, #tpu.memory_space<hbm>>, %arg6: memref<32768x64xf32, #tpu.memory_space<hbm>>, %arg7: memref<32768xi32, #tpu.memory_space<hbm>>, %arg8: memref<98304xf32, #tpu.memory_space<hbm>>, %arg9: memref<16384xi32, #tpu.memory_space<vmem>>, %arg10: memref<32xi32, #tpu.memory_space<vmem>>, %arg11: memref<1024xi32, #tpu.memory_space<vmem>>, %arg12: memref<1024xi32, #tpu.memory_space<vmem>>, %arg13: memref<128x64xf32, #tpu.memory_space<vmem>>, %arg14: memref<49152xf32, #tpu.memory_space<vmem>>, %arg15: memref<3072xf32, #tpu.memory_space<vmem>>, %arg16: memref<!tpu.dma_semaphore, #tpu.memory_space<semaphore_mem>>) attributes {dimension_semantics = [#tpu.dimension_semantics<core_parallel>, #tpu.dimension_semantics<subcore_parallel>], iteration_bounds = array<i64: 2, 16>, scalar_prefetch = 0 : i64, scratch_operands = 8 : i64, tpu.core_type = #tpu.core_type<sc_vector_subcore>, window_params = [{transform_indices = #map}, {transform_indices = #map}, {transform_indices = #map1}, {transform_indices = #map}, {transform_indices = #map1}, {transform_indices = #map}, {transform_indices = #map}]} {
    %mul3A = arith.constant 2 : i32
    %mul3A_0 = arith.muli %arg1, %mul3A : i32
    %add3A = arith.addi %mul3A_0, %arg0 : i32
    %mul3A_1 = arith.constant 32 : i32
    %mul3A_2 = arith.muli %add3A, %mul3A_1 : i32
    %iota3A = tpu.iota {dimensions = array<i32: 0>} : vector<16xi32>
    "tpu.region"() ({
      %run_scoped3A = tpu.sem_alloc : memref<!tpu.dma_semaphore, #tpu.memory_space<semaphore_mem>>
      tpu.enqueue_dma source(%arg5 : memref<49152xf32, #tpu.memory_space<hbm>>) target(%arg14 : memref<49152xf32, #tpu.memory_space<vmem>>) target_semaphore(%run_scoped3A : memref<!tpu.dma_semaphore, #tpu.memory_space<semaphore_mem>>)
      tpu.wait_dma2 semaphore(%run_scoped3A : memref<!tpu.dma_semaphore, #tpu.memory_space<semaphore_mem>>) src(%arg5 : memref<49152xf32, #tpu.memory_space<hbm>>) dst(%arg14 : memref<49152xf32, #tpu.memory_space<vmem>>)
      tpu.yield
    }) : () -> ()
    %scan3A = arith.constant 0 : i32
    %mul3A_3 = arith.constant 1 : i32
    %mul3A_4 = arith.muli %scan3A, %mul3A_3 : i32
    %add3A_5 = arith.constant 0 : i32
    %add3A_6 = arith.addi %add3A_5, %mul3A_4 : i32
    %mul3A_7 = arith.constant 32 : i32
    %mul3A_8 = arith.muli %add3A_6, %mul3A_7 : i32
    %add3A_9 = arith.addi %mul3A_2, %mul3A_8 : i32
    %mul3A_10 = arith.constant 512 : i32
    %mul3A_11 = arith.muli %add3A_9, %mul3A_10 : i32
    "tpu.region"() ({
      %run_scoped3A = tpu.sem_alloc : memref<!tpu.dma_semaphore, #tpu.memory_space<semaphore_mem>>
      %dma_start3A = tpu.memref_slice %arg2[%mul3A_11] : memref<524288xi32, #tpu.memory_space<hbm>> -> memref<16384xi32, #tpu.memory_space<hbm>>
      %dma_start3A_38 = tpu.memref_slice %arg2[%mul3A_11] : memref<524288xi32, #tpu.memory_space<hbm>> -> memref<16384xi32, #tpu.memory_space<hbm>>
      tpu.enqueue_dma source(%dma_start3A_38 : memref<16384xi32, #tpu.memory_space<hbm>>) target(%arg9 : memref<16384xi32, #tpu.memory_space<vmem>>) target_semaphore(%run_scoped3A : memref<!tpu.dma_semaphore, #tpu.memory_space<semaphore_mem>>)
      %dma_wait3A = tpu.memref_slice %arg2[%mul3A_11] : memref<524288xi32, #tpu.memory_space<hbm>> -> memref<16384xi32, #tpu.memory_space<hbm>>
      %dma_wait3A_39 = tpu.memref_slice %arg2[%mul3A_11] : memref<524288xi32, #tpu.memory_space<hbm>> -> memref<16384xi32, #tpu.memory_space<hbm>>
      tpu.wait_dma2 semaphore(%run_scoped3A : memref<!tpu.dma_semaphore, #tpu.memory_space<semaphore_mem>>) src(%dma_wait3A_39 : memref<16384xi32, #tpu.memory_space<hbm>>) dst(%arg9 : memref<16384xi32, #tpu.memory_space<vmem>>)
      tpu.yield
    }) : () -> ()
    %mul3A_12 = arith.constant 32 : i32
    %mul3A_13 = arith.muli %add3A_6, %mul3A_12 : i32
    %add3A_14 = arith.addi %mul3A_2, %mul3A_13 : i32
    "tpu.region"() ({
      %run_scoped3A = tpu.sem_alloc : memref<!tpu.dma_semaphore, #tpu.memory_space<semaphore_mem>>
      %dma_start3A = tpu.memref_slice %arg3[%add3A_14] : memref<1024xi32, #tpu.memory_space<hbm>> -> memref<32xi32, #tpu.memory_space<hbm>>
      %dma_start3A_38 = tpu.memref_slice %arg3[%add3A_14] : memref<1024xi32, #tpu.memory_space<hbm>> -> memref<32xi32, #tpu.memory_space<hbm>>
      tpu.enqueue_dma source(%dma_start3A_38 : memref<32xi32, #tpu.memory_space<hbm>>) target(%arg10 : memref<32xi32, #tpu.memory_space<vmem>>) target_semaphore(%run_scoped3A : memref<!tpu.dma_semaphore, #tpu.memory_space<semaphore_mem>>)
      %dma_wait3A = tpu.memref_slice %arg3[%add3A_14] : memref<1024xi32, #tpu.memory_space<hbm>> -> memref<32xi32, #tpu.memory_space<hbm>>
      %dma_wait3A_39 = tpu.memref_slice %arg3[%add3A_14] : memref<1024xi32, #tpu.memory_space<hbm>> -> memref<32xi32, #tpu.memory_space<hbm>>
      tpu.wait_dma2 semaphore(%run_scoped3A : memref<!tpu.dma_semaphore, #tpu.memory_space<semaphore_mem>>) src(%dma_wait3A_39 : memref<32xi32, #tpu.memory_space<hbm>>) dst(%arg10 : memref<32xi32, #tpu.memory_space<vmem>>)
      tpu.yield
    }) : () -> ()
    %scan3A_15 = arith.constant 0 : i32
    %scan3A_16 = arith.constant 32 : i32
    %scan3A_17 = arith.addi %scan3A_15, %scan3A_16 : i32
    %scan3A_18 = arith.constant 1 : i32
    scf.for %scan3A_38 = %scan3A_15 to %scan3A_17 step %scan3A_18  : i32 {
      %mul3A_39 = arith.constant 1 : i32
      %mul3A_40 = arith.muli %scan3A_38, %mul3A_39 : i32
      %add3A_41 = arith.constant 0 : i32
      %add3A_42 = arith.addi %add3A_41, %mul3A_40 : i32
      %mul3A_43 = arith.constant 32 : i32
      %mul3A_44 = arith.muli %add3A_6, %mul3A_43 : i32
      %add3A_45 = arith.addi %mul3A_44, %add3A_42 : i32
      %jit3A = arith.constant 16 : i32
      %div3A = arith.divsi %add3A_42, %jit3A : i32
      %sign3A = arith.constant 0 : i32
      %sign3A_46 = arith.cmpi sgt, %add3A_42, %sign3A : i32
      %sign3A_47 = arith.extui %sign3A_46 : i1 to i32
      %sign3A_48 = arith.constant 0 : i32
      %sign3A_49 = arith.cmpi slt, %add3A_42, %sign3A_48 : i32
      %sign3A_50 = arith.extui %sign3A_49 : i1 to i32
      %sign3A_51 = arith.subi %sign3A_47, %sign3A_50 : i32
      %sign3A_52 = arith.constant 0 : i32
      %sign3A_53 = arith.cmpi sgt, %jit3A, %sign3A_52 : i32
      %sign3A_54 = arith.extui %sign3A_53 : i1 to i32
      %sign3A_55 = arith.constant 0 : i32
      %sign3A_56 = arith.cmpi slt, %jit3A, %sign3A_55 : i32
      %sign3A_57 = arith.extui %sign3A_56 : i1 to i32
      %sign3A_58 = arith.subi %sign3A_54, %sign3A_57 : i32
      %ne3A = arith.cmpi ne, %sign3A_51, %sign3A_58 : i32
      %rem3A = arith.remsi %add3A_42, %jit3A : i32
      %ne3A_59 = arith.constant 0 : i32
      %ne3A_60 = arith.cmpi ne, %rem3A, %ne3A_59 : i32
      %and3A = arith.andi %ne3A, %ne3A_60 : i1
      %sub3A = arith.constant 1 : i32
      %sub3A_61 = arith.subi %div3A, %sub3A : i32
      %select_n3A = arith.select %and3A, %sub3A_61, %div3A : i32
      %mul3A_62 = arith.constant 16 : i32
      %mul3A_63 = arith.muli %select_n3A, %mul3A_62 : i32
      %get3A = arith.index_cast %mul3A_63 : i32 to index
      %get3A_64 = tpu.vector_load %arg10[%get3A] {strides = array<i32>} : memref<32xi32, #tpu.memory_space<vmem>>, vector<16xi32>,
      %jit3A_65 = arith.constant 16 : i32
      %eq3A = arith.constant 0 : i32
      %eq3A_66 = arith.cmpi eq, %jit3A_65, %eq3A : i32
      %jit3A_67 = arith.constant 1 : i32
      %select_n3A_68 = arith.select %eq3A_66, %jit3A_67, %jit3A_65 : i32
      %rem3A_69 = arith.remsi %add3A_42, %select_n3A_68 : i32
      %ne3A_70 = arith.constant 0 : i32
      %ne3A_71 = arith.cmpi ne, %rem3A_69, %ne3A_70 : i32
      %lt3A = arith.constant 0 : i32
      %lt3A_72 = arith.cmpi slt, %rem3A_69, %lt3A : i32
      %lt3A_73 = arith.constant 0 : i32
      %lt3A_74 = arith.cmpi slt, %select_n3A_68, %lt3A_73 : i32
      %ne3A_75 = arith.xori %lt3A_72, %lt3A_74 : i1
      %and3A_76 = arith.andi %ne3A_75, %ne3A_71 : i1
      %add3A_77 = arith.addi %rem3A_69, %select_n3A_68 : i32
      %select_n3A_78 = arith.select %and3A_76, %add3A_77, %rem3A_69 : i32
      %eq3A_79 = vector.broadcast %select_n3A_78 : i32 to vector<16xi32>
      %eq3A_80 = arith.cmpi eq, %iota3A, %eq3A_79 : vector<16xi32>
      %jit3A_81 = arith.constant 0 : i32
      %broadcast_in_dim3A = vector.broadcast %jit3A_81 : i32 to vector<16xi32>
      %select_n3A_82 = arith.select %eq3A_80, %get3A_64, %broadcast_in_dim3A : vector<16xi1>, vector<16xi32>
      %reduce_sum3A = arith.constant true
      %reduce_sum3A_83 = vector.broadcast %reduce_sum3A : i1 to vector<16xi1>
      %reduce_sum3A_84 = tpu.scan <sum>, %select_n3A_82 masked %reduce_sum3A_83 : vector<16xi32>, vector<16xi1> -> vector<16xi32>
      %reduce_sum3A_85 = vector.extract %reduce_sum3A_84[15] : i32 from vector<16xi32>
      %scan3A_86 = arith.constant 0 : i32
      %scan3A_87 = arith.constant 0 : i32
      %scan3A_88 = arith.constant 32 : i32
      %scan3A_89 = arith.addi %scan3A_87, %scan3A_88 : i32
      %scan3A_90 = arith.constant 1 : i32
      %scan3A_91 = scf.for %scan3A_116 = %scan3A_87 to %scan3A_89 step %scan3A_90 iter_args(%scan3A_117 = %scan3A_86) -> (i32)  : i32 {
        %shift_right_logical3A = arith.shrui %reduce_sum3A_85, %scan3A_116 : i32
        %and3A_118 = arith.constant 1 : i32
        %and3A_119 = arith.andi %shift_right_logical3A, %and3A_118 : i32
        %gt3A_120 = arith.constant 0 : i32
        %gt3A_121 = arith.cmpi sgt, %and3A_119, %gt3A_120 : i32
        %lt3A_122 = arith.constant 32 : i32
        %lt3A_123 = arith.cmpi slt, %scan3A_117, %lt3A_122 : i32
        %and3A_124 = arith.andi %gt3A_121, %lt3A_123 : i1
        %convert_element_type3A = arith.extui %and3A_124 : i1 to i32
        %cond3A = arith.constant 0 : i32
        %cond3A_125 = arith.cmpi ne, %convert_element_type3A, %cond3A : i32
        %cond3A_126 = scf.if %cond3A_125 -> (i32) {
          %mul3A_127 = arith.constant 512 : i32
          %mul3A_128 = arith.muli %add3A_42, %mul3A_127 : i32
          %mul3A_129 = arith.constant 16 : i32
          %mul3A_130 = arith.muli %scan3A_116, %mul3A_129 : i32
          %add3A_131 = arith.addi %mul3A_128, %mul3A_130 : i32
          %get3A_132 = arith.index_cast %add3A_131 : i32 to index
          %get3A_133 = tpu.vector_load %arg9[%get3A_132] {strides = array<i32>} : memref<16384xi32, #tpu.memory_space<vmem>>, vector<16xi32>,
          %scan3A_134 = arith.constant 0 : i32
          %scan3A_135 = arith.constant 16 : i32
          %scan3A_136 = arith.addi %scan3A_134, %scan3A_135 : i32
          %scan3A_137 = arith.constant 1 : i32
          %scan3A_138 = scf.for %scan3A_140 = %scan3A_134 to %scan3A_136 step %scan3A_137 iter_args(%scan3A_141 = %scan3A_117) -> (i32)  : i32 {
            %eq3A_142 = vector.broadcast %scan3A_140 : i32 to vector<16xi32>
            %eq3A_143 = arith.cmpi eq, %iota3A, %eq3A_142 : vector<16xi32>
            %jit3A_144 = arith.constant 0 : i32
            %broadcast_in_dim3A_145 = vector.broadcast %jit3A_144 : i32 to vector<16xi32>
            %select_n3A_146 = arith.select %eq3A_143, %get3A_133, %broadcast_in_dim3A_145 : vector<16xi1>, vector<16xi32>
            %reduce_sum3A_147 = arith.constant true
            %reduce_sum3A_148 = vector.broadcast %reduce_sum3A_147 : i1 to vector<16xi1>
            %reduce_sum3A_149 = tpu.scan <sum>, %select_n3A_146 masked %reduce_sum3A_148 : vector<16xi32>, vector<16xi1> -> vector<16xi32>
            %reduce_sum3A_150 = vector.extract %reduce_sum3A_149[15] : i32 from vector<16xi32>
            %ne3A_151 = arith.constant 0 : i32
            %ne3A_152 = arith.cmpi ne, %reduce_sum3A_150, %ne3A_151 : i32
            %convert_element_type3A_153 = arith.extui %ne3A_152 : i1 to i32
            %cond3A_154 = arith.constant 0 : i32
            %cond3A_155 = arith.cmpi ne, %convert_element_type3A_153, %cond3A_154 : i32
            %cond3A_156 = scf.if %cond3A_155 -> (i32) {
              %mul3A_157 = arith.constant 16 : i32
              %mul3A_158 = arith.muli %scan3A_116, %mul3A_157 : i32
              %add3A_159 = arith.addi %mul3A_158, %scan3A_140 : i32
              %mul3A_160 = arith.constant 32 : i32
              %mul3A_161 = arith.muli %add3A_159, %mul3A_160 : i32
              %broadcast_in_dim3A_162 = vector.broadcast %reduce_sum3A_150 : i32 to vector<16xi32>
              %add3A_163 = arith.constant 0 : i32
              %add3A_164 = vector.broadcast %add3A_163 : i32 to vector<16xi32>
              %add3A_165 = arith.addi %iota3A, %add3A_164 : vector<16xi32>
              %shift_right_logical3A_166 = arith.shrui %broadcast_in_dim3A_162, %add3A_165 : vector<16xi32>
              %and3A_167 = arith.constant 1 : i32
              %and3A_168 = vector.broadcast %and3A_167 : i32 to vector<16xi32>
              %and3A_169 = arith.andi %shift_right_logical3A_166, %and3A_168 : vector<16xi32>
              %cumsum3A = arith.constant true
              %cumsum3A_170 = vector.broadcast %cumsum3A : i1 to vector<16xi1>
              %cumsum3A_171 = tpu.scan <sum>, %and3A_169 masked %cumsum3A_170 : vector<16xi32>, vector<16xi1> -> vector<16xi32>
              %add3A_172 = vector.broadcast %scan3A_141 : i32 to vector<16xi32>
              %add3A_173 = arith.addi %add3A_172, %cumsum3A_171 : vector<16xi32>
              %sub3A_174 = arith.constant 1 : i32
              %sub3A_175 = vector.broadcast %sub3A_174 : i32 to vector<16xi32>
              %sub3A_176 = arith.subi %add3A_173, %sub3A_175 : vector<16xi32>
              %gt3A_177 = arith.constant 0 : i32
              %gt3A_178 = vector.broadcast %gt3A_177 : i32 to vector<16xi32>
              %gt3A_179 = arith.cmpi sgt, %and3A_169, %gt3A_178 : vector<16xi32>
              %lt3A_180 = arith.constant 32 : i32
              %lt3A_181 = vector.broadcast %lt3A_180 : i32 to vector<16xi32>
              %lt3A_182 = arith.cmpi slt, %sub3A_176, %lt3A_181 : vector<16xi32>
              %and3A_183 = arith.andi %gt3A_179, %lt3A_182 : vector<16xi1>
              %jit3A_184 = arith.constant 0 : i32
              %jit3A_185 = arith.constant 31 : i32
              %max3A = vector.broadcast %jit3A_184 : i32 to vector<16xi32>
              %max3A_186 = arith.maxsi %max3A, %sub3A_176 : vector<16xi32>
              %min3A_187 = vector.broadcast %jit3A_185 : i32 to vector<16xi32>
              %min3A_188 = arith.minsi %min3A_187, %max3A_186 : vector<16xi32>
              %add3A_189 = arith.constant 0 : i32
              %add3A_190 = arith.addi %mul3A_161, %add3A_189 : i32
              %add3A_191 = vector.broadcast %add3A_190 : i32 to vector<16xi32>
              %add3A_192 = arith.addi %add3A_191, %iota3A : vector<16xi32>
              %mul3A_193 = arith.constant 32 : i32
              %mul3A_194 = arith.muli %add3A_45, %mul3A_193 : i32
              %add3A_195 = vector.broadcast %mul3A_194 : i32 to vector<16xi32>
              %add3A_196 = arith.addi %add3A_195, %min3A_188 : vector<16xi32>
              tpu.vector_store_idx %arg11[%add3A_196], %add3A_192 masked %and3A_183 : memref<1024xi32, #tpu.memory_space<vmem>>[vector<16xi32>], vector<16xi32>, vector<16xi1>
              %reduce_sum3A_197 = arith.constant true
              %reduce_sum3A_198 = vector.broadcast %reduce_sum3A_197 : i1 to vector<16xi1>
              %reduce_sum3A_199 = tpu.scan <sum>, %and3A_169 masked %reduce_sum3A_198 : vector<16xi32>, vector<16xi1> -> vector<16xi32>
              %reduce_sum3A_200 = vector.extract %reduce_sum3A_199[15] : i32 from vector<16xi32>
              %add3A_201 = arith.addi %scan3A_141, %reduce_sum3A_200 : i32
              %add3A_202 = arith.constant 16 : i32
              %add3A_203 = vector.broadcast %add3A_202 : i32 to vector<16xi32>
              %add3A_204 = arith.addi %iota3A, %add3A_203 : vector<16xi32>
              %shift_right_logical3A_205 = arith.shrui %broadcast_in_dim3A_162, %add3A_204 : vector<16xi32>
              %and3A_206 = arith.constant 1 : i32
              %and3A_207 = vector.broadcast %and3A_206 : i32 to vector<16xi32>
              %and3A_208 = arith.andi %shift_right_logical3A_205, %and3A_207 : vector<16xi32>
              %cumsum3A_209 = arith.constant true
              %cumsum3A_210 = vector.broadcast %cumsum3A_209 : i1 to vector<16xi1>
              %cumsum3A_211 = tpu.scan <sum>, %and3A_208 masked %cumsum3A_210 : vector<16xi32>, vector<16xi1> -> vector<16xi32>
              %add3A_212 = vector.broadcast %add3A_201 : i32 to vector<16xi32>
              %add3A_213 = arith.addi %add3A_212, %cumsum3A_211 : vector<16xi32>
              %sub3A_214 = arith.constant 1 : i32
              %sub3A_215 = vector.broadcast %sub3A_214 : i32 to vector<16xi32>
              %sub3A_216 = arith.subi %add3A_213, %sub3A_215 : vector<16xi32>
              %gt3A_217 = arith.constant 0 : i32
              %gt3A_218 = vector.broadcast %gt3A_217 : i32 to vector<16xi32>
              %gt3A_219 = arith.cmpi sgt, %and3A_208, %gt3A_218 : vector<16xi32>
              %lt3A_220 = arith.constant 32 : i32
              %lt3A_221 = vector.broadcast %lt3A_220 : i32 to vector<16xi32>
              %lt3A_222 = arith.cmpi slt, %sub3A_216, %lt3A_221 : vector<16xi32>
              %and3A_223 = arith.andi %gt3A_219, %lt3A_222 : vector<16xi1>
              %jit3A_224 = arith.constant 0 : i32
              %jit3A_225 = arith.constant 31 : i32
              %max3A_226 = vector.broadcast %jit3A_224 : i32 to vector<16xi32>
              %max3A_227 = arith.maxsi %max3A_226, %sub3A_216 : vector<16xi32>
              %min3A_228 = vector.broadcast %jit3A_225 : i32 to vector<16xi32>
              %min3A_229 = arith.minsi %min3A_228, %max3A_227 : vector<16xi32>
              %add3A_230 = arith.constant 16 : i32
              %add3A_231 = arith.addi %mul3A_161, %add3A_230 : i32
              %add3A_232 = vector.broadcast %add3A_231 : i32 to vector<16xi32>
              %add3A_233 = arith.addi %add3A_232, %iota3A : vector<16xi32>
              %mul3A_234 = arith.constant 32 : i32
              %mul3A_235 = arith.muli %add3A_45, %mul3A_234 : i32
              %add3A_236 = vector.broadcast %mul3A_235 : i32 to vector<16xi32>
              %add3A_237 = arith.addi %add3A_236, %min3A_229 : vector<16xi32>
              tpu.vector_store_idx %arg11[%add3A_237], %add3A_233 masked %and3A_223 : memref<1024xi32, #tpu.memory_space<vmem>>[vector<16xi32>], vector<16xi32>, vector<16xi1>
              %reduce_sum3A_238 = arith.constant true
              %reduce_sum3A_239 = vector.broadcast %reduce_sum3A_238 : i1 to vector<16xi1>
              %reduce_sum3A_240 = tpu.scan <sum>, %and3A_208 masked %reduce_sum3A_239 : vector<16xi32>, vector<16xi1> -> vector<16xi32>
              %reduce_sum3A_241 = vector.extract %reduce_sum3A_240[15] : i32 from vector<16xi32>
              %add3A_242 = arith.addi %add3A_201, %reduce_sum3A_241 : i32
              scf.yield %add3A_242 : i32
            } else {
              scf.yield %scan3A_141 : i32
            }
            scf.yield %cond3A_156 : i32
          }
          %scan3A_139 = arith.constant 16 : i32
          scf.yield %scan3A_138 : i32
        } else {
          scf.yield %scan3A_117 : i32
        }
        scf.yield %cond3A_126 : i32
      }
      %scan3A_92 = arith.constant 32 : i32
      %min3A = arith.constant 32 : i32
      %min3A_93 = arith.minsi %scan3A_91, %min3A : i32
      %mul3A_94 = arith.constant 32 : i32
      %mul3A_95 = arith.muli %add3A_45, %mul3A_94 : i32
      %get3A_96 = arith.index_cast %mul3A_95 : i32 to index
      %get3A_97 = tpu.vector_load %arg11[%get3A_96] {strides = array<i32>} : memref<1024xi32, #tpu.memory_space<vmem>>, vector<16xi32>,
      %eq3A_98 = arith.constant 0 : i32
      %eq3A_99 = vector.broadcast %eq3A_98 : i32 to vector<16xi32>
      %eq3A_100 = arith.cmpi eq, %iota3A, %eq3A_99 : vector<16xi32>
      %jit3A_101 = arith.constant 0 : i32
      %broadcast_in_dim3A_102 = vector.broadcast %jit3A_101 : i32 to vector<16xi32>
      %select_n3A_103 = arith.select %eq3A_100, %get3A_97, %broadcast_in_dim3A_102 : vector<16xi1>, vector<16xi32>
      %reduce_sum3A_104 = arith.constant true
      %reduce_sum3A_105 = vector.broadcast %reduce_sum3A_104 : i1 to vector<16xi1>
      %reduce_sum3A_106 = tpu.scan <sum>, %select_n3A_103 masked %reduce_sum3A_105 : vector<16xi32>, vector<16xi1> -> vector<16xi32>
      %reduce_sum3A_107 = vector.extract %reduce_sum3A_106[15] : i32 from vector<16xi32>
      %gt3A = arith.constant 0 : i32
      %gt3A_108 = arith.cmpi sgt, %scan3A_91, %gt3A : i32
      %jit3A_109 = arith.constant 0 : i32
      %select_n3A_110 = arith.select %gt3A_108, %reduce_sum3A_107, %jit3A_109 : i32
      %scan3A_111 = arith.constant 0 : i32
      %scan3A_112 = arith.constant 2 : i32
      %scan3A_113 = arith.addi %scan3A_111, %scan3A_112 : i32
      %scan3A_114 = arith.constant 1 : i32
      scf.for %scan3A_116 = %scan3A_111 to %scan3A_113 step %scan3A_114  : i32 {
        %mul3A_117 = arith.constant 1 : i32
        %mul3A_118 = arith.muli %scan3A_116, %mul3A_117 : i32
        %add3A_119 = arith.constant 0 : i32
        %add3A_120 = arith.addi %add3A_119, %mul3A_118 : i32
        %mul3A_121 = arith.constant 16 : i32
        %mul3A_122 = arith.muli %mul3A_121, %add3A_120 : i32
        %add3A_123 = vector.broadcast %mul3A_122 : i32 to vector<16xi32>
        %add3A_124 = arith.addi %iota3A, %add3A_123 : vector<16xi32>
        %mul3A_125 = arith.constant 32 : i32
        %mul3A_126 = arith.muli %add3A_45, %mul3A_125 : i32
        %mul3A_127 = arith.constant 16 : i32
        %mul3A_128 = arith.muli %mul3A_127, %add3A_120 : i32
        %add3A_129 = arith.addi %mul3A_126, %mul3A_128 : i32
        %get3A_130 = arith.index_cast %add3A_129 : i32 to index
        %get3A_131 = tpu.vector_load %arg11[%get3A_130] {strides = array<i32>} : memref<1024xi32, #tpu.memory_space<vmem>>, vector<16xi32>,
        %lt3A_132 = vector.broadcast %min3A_93 : i32 to vector<16xi32>
        %lt3A_133 = arith.cmpi slt, %add3A_124, %lt3A_132 : vector<16xi32>
        %broadcast_in_dim3A_134 = vector.broadcast %select_n3A_110 : i32 to vector<16xi32>
        %select_n3A_135 = arith.select %lt3A_133, %get3A_131, %broadcast_in_dim3A_134 : vector<16xi1>, vector<16xi32>
        %mul3A_136 = arith.constant 32 : i32
        %mul3A_137 = arith.muli %add3A_45, %mul3A_136 : i32
        %mul3A_138 = arith.constant 16 : i32
        %mul3A_139 = arith.muli %mul3A_138, %add3A_120 : i32
        %add3A_140 = arith.addi %mul3A_137, %mul3A_139 : i32
        %swap3A = arith.index_cast %add3A_140 : i32 to index
        %swap3A_141 = tpu.vector_load %arg11[%swap3A] {strides = array<i32>} : memref<1024xi32, #tpu.memory_space<vmem>>, vector<16xi32>,
        tpu.vector_store %arg11[%swap3A], %select_n3A_135 {strides = array<i32>} : memref<1024xi32, #tpu.memory_space<vmem>>, vector<16xi32>,
        %lt3A_142 = vector.broadcast %min3A_93 : i32 to vector<16xi32>
        %lt3A_143 = arith.cmpi slt, %add3A_124, %lt3A_142 : vector<16xi32>
        %convert_element_type3A = arith.extui %lt3A_143 : vector<16xi1> to vector<16xi32>
        %mul3A_144 = arith.constant 32 : i32
        %mul3A_145 = arith.muli %add3A_45, %mul3A_144 : i32
        %mul3A_146 = arith.constant 16 : i32
        %mul3A_147 = arith.muli %mul3A_146, %add3A_120 : i32
        %add3A_148 = arith.addi %mul3A_145, %mul3A_147 : i32
        %swap3A_149 = arith.index_cast %add3A_148 : i32 to index
        %swap3A_150 = tpu.vector_load %arg12[%swap3A_149] {strides = array<i32>} : memref<1024xi32, #tpu.memory_space<vmem>>, vector<16xi32>,
        tpu.vector_store %arg12[%swap3A_149], %convert_element_type3A {strides = array<i32>} : memref<1024xi32, #tpu.memory_space<vmem>>, vector<16xi32>,
      }
      %scan3A_115 = arith.constant 2 : i32
    }
    %scan3A_19 = arith.constant 32 : i32
    %scan3A_20 = arith.constant 1 : i32
    %mul3A_21 = arith.constant 32 : i32
    %mul3A_22 = arith.muli %mul3A_2, %mul3A_21 : i32
    "tpu.region"() ({
      %run_scoped3A = tpu.sem_alloc : memref<!tpu.dma_semaphore, #tpu.memory_space<semaphore_mem>>
      %dma_start3A = tpu.memref_slice %arg7[%mul3A_22] : memref<32768xi32, #tpu.memory_space<hbm>> -> memref<1024xi32, #tpu.memory_space<hbm>>
      %dma_start3A_38 = tpu.memref_slice %arg7[%mul3A_22] : memref<32768xi32, #tpu.memory_space<hbm>> -> memref<1024xi32, #tpu.memory_space<hbm>>
      tpu.enqueue_dma source(%arg12 : memref<1024xi32, #tpu.memory_space<vmem>>) target(%dma_start3A_38 : memref<1024xi32, #tpu.memory_space<hbm>>) target_semaphore(%run_scoped3A : memref<!tpu.dma_semaphore, #tpu.memory_space<semaphore_mem>>)
      %dma_wait3A = tpu.memref_slice %arg7[%mul3A_22] : memref<32768xi32, #tpu.memory_space<hbm>> -> memref<1024xi32, #tpu.memory_space<hbm>>
      %dma_wait3A_39 = tpu.memref_slice %arg7[%mul3A_22] : memref<32768xi32, #tpu.memory_space<hbm>> -> memref<1024xi32, #tpu.memory_space<hbm>>
      tpu.wait_dma2 semaphore(%run_scoped3A : memref<!tpu.dma_semaphore, #tpu.memory_space<semaphore_mem>>) src(%arg12 : memref<1024xi32, #tpu.memory_space<vmem>>) dst(%dma_wait3A_39 : memref<1024xi32, #tpu.memory_space<hbm>>)
      tpu.yield
    }) : () -> ()
    %scan3A_23 = arith.constant 0 : i32
    %scan3A_24 = arith.constant 64 : i32
    %scan3A_25 = arith.addi %scan3A_23, %scan3A_24 : i32
    %scan3A_26 = arith.constant 1 : i32
    scf.for %scan3A_38 = %scan3A_23 to %scan3A_25 step %scan3A_26  : i32 {
      %mul3A_39 = arith.constant 1 : i32
      %mul3A_40 = arith.muli %scan3A_38, %mul3A_39 : i32
      %add3A_41 = arith.constant 0 : i32
      %add3A_42 = arith.addi %add3A_41, %mul3A_40 : i32
      %mul3A_43 = arith.constant 16 : i32
      %mul3A_44 = arith.muli %add3A_42, %mul3A_43 : i32
      %get3A = arith.index_cast %mul3A_44 : i32 to index
      %get3A_45 = tpu.vector_load %arg11[%get3A] {strides = array<i32>} : memref<1024xi32, #tpu.memory_space<vmem>>, vector<16xi32>,
      %add3A_46 = arith.constant 0 : i32
      %add3A_47 = vector.broadcast %add3A_46 : i32 to vector<16xi32>
      %add3A_48 = arith.addi %get3A_45, %add3A_47 : vector<16xi32>
      %gather3A = tpu.vector_load_idx %arg14[%add3A_48] : memref<49152xf32, #tpu.memory_space<vmem>>[vector<16xi32>], vector<16xf32>,
      %mul3A_49 = arith.constant 16 : i32
      %mul3A_50 = arith.muli %add3A_42, %mul3A_49 : i32
      %add3A_51 = arith.constant 0 : i32
      %add3A_52 = arith.addi %add3A_51, %mul3A_50 : i32
      %swap3A = arith.index_cast %add3A_52 : i32 to index
      %swap3A_53 = tpu.vector_load %arg15[%swap3A] {strides = array<i32>} : memref<3072xf32, #tpu.memory_space<vmem>>, vector<16xf32>,
      tpu.vector_store %arg15[%swap3A], %gather3A {strides = array<i32>} : memref<3072xf32, #tpu.memory_space<vmem>>, vector<16xf32>,
      %add3A_54 = arith.constant 16384 : i32
      %add3A_55 = vector.broadcast %add3A_54 : i32 to vector<16xi32>
      %add3A_56 = arith.addi %get3A_45, %add3A_55 : vector<16xi32>
      %gather3A_57 = tpu.vector_load_idx %arg14[%add3A_56] : memref<49152xf32, #tpu.memory_space<vmem>>[vector<16xi32>], vector<16xf32>,
      %mul3A_58 = arith.constant 16 : i32
      %mul3A_59 = arith.muli %add3A_42, %mul3A_58 : i32
      %add3A_60 = arith.constant 1024 : i32
      %add3A_61 = arith.addi %add3A_60, %mul3A_59 : i32
      %swap3A_62 = arith.index_cast %add3A_61 : i32 to index
      %swap3A_63 = tpu.vector_load %arg15[%swap3A_62] {strides = array<i32>} : memref<3072xf32, #tpu.memory_space<vmem>>, vector<16xf32>,
      tpu.vector_store %arg15[%swap3A_62], %gather3A_57 {strides = array<i32>} : memref<3072xf32, #tpu.memory_space<vmem>>, vector<16xf32>,
      %add3A_64 = arith.constant 32768 : i32
      %add3A_65 = vector.broadcast %add3A_64 : i32 to vector<16xi32>
      %add3A_66 = arith.addi %get3A_45, %add3A_65 : vector<16xi32>
      %gather3A_67 = tpu.vector_load_idx %arg14[%add3A_66] : memref<49152xf32, #tpu.memory_space<vmem>>[vector<16xi32>], vector<16xf32>,
      %mul3A_68 = arith.constant 16 : i32
      %mul3A_69 = arith.muli %add3A_42, %mul3A_68 : i32
      %add3A_70 = arith.constant 2048 : i32
      %add3A_71 = arith.addi %add3A_70, %mul3A_69 : i32
      %swap3A_72 = arith.index_cast %add3A_71 : i32 to index
      %swap3A_73 = tpu.vector_load %arg15[%swap3A_72] {strides = array<i32>} : memref<3072xf32, #tpu.memory_space<vmem>>, vector<16xf32>,
      tpu.vector_store %arg15[%swap3A_72], %gather3A_67 {strides = array<i32>} : memref<3072xf32, #tpu.memory_space<vmem>>, vector<16xf32>,
    }
    %scan3A_27 = arith.constant 64 : i32
    %scan3A_28 = arith.constant 0 : i32
    %scan3A_29 = arith.constant 3 : i32
    %scan3A_30 = arith.addi %scan3A_28, %scan3A_29 : i32
    %scan3A_31 = arith.constant 1 : i32
    scf.for %scan3A_38 = %scan3A_28 to %scan3A_30 step %scan3A_31  : i32 {
      %mul3A_39 = arith.constant 1 : i32
      %mul3A_40 = arith.muli %scan3A_38, %mul3A_39 : i32
      %add3A_41 = arith.constant 0 : i32
      %add3A_42 = arith.addi %add3A_41, %mul3A_40 : i32
      %mul3A_43 = arith.constant 32 : i32
      %mul3A_44 = arith.muli %add3A_42, %mul3A_43 : i32
      %mul3A_45 = arith.constant 32 : i32
      %mul3A_46 = arith.muli %mul3A_44, %mul3A_45 : i32
      %mul3A_47 = arith.constant 1024 : i32
      %mul3A_48 = arith.muli %add3A_42, %mul3A_47 : i32
      %mul3A_49 = arith.constant 32 : i32
      %mul3A_50 = arith.muli %mul3A_48, %mul3A_49 : i32
      %mul3A_51 = arith.constant 32 : i32
      %mul3A_52 = arith.muli %mul3A_2, %mul3A_51 : i32
      %add3A_53 = arith.addi %mul3A_50, %mul3A_52 : i32
      "tpu.region"() ({
        %run_scoped3A = tpu.sem_alloc : memref<!tpu.dma_semaphore, #tpu.memory_space<semaphore_mem>>
        %dma_start3A = tpu.memref_slice %arg15[%mul3A_46] : memref<3072xf32, #tpu.memory_space<vmem>> -> memref<1024xf32, #tpu.memory_space<vmem>>
        %dma_start3A_54 = tpu.memref_slice %arg8[%add3A_53] : memref<98304xf32, #tpu.memory_space<hbm>> -> memref<1024xf32, #tpu.memory_space<hbm>>
        %dma_start3A_55 = tpu.memref_slice %arg8[%add3A_53] : memref<98304xf32, #tpu.memory_space<hbm>> -> memref<1024xf32, #tpu.memory_space<hbm>>
        %dma_start3A_56 = tpu.memref_slice %arg15[%mul3A_46] : memref<3072xf32, #tpu.memory_space<vmem>> -> memref<1024xf32, #tpu.memory_space<vmem>>
        tpu.enqueue_dma source(%dma_start3A_56 : memref<1024xf32, #tpu.memory_space<vmem>>) target(%dma_start3A_55 : memref<1024xf32, #tpu.memory_space<hbm>>) target_semaphore(%run_scoped3A : memref<!tpu.dma_semaphore, #tpu.memory_space<semaphore_mem>>)
        %dma_wait3A = tpu.memref_slice %arg15[%mul3A_46] : memref<3072xf32, #tpu.memory_space<vmem>> -> memref<1024xf32, #tpu.memory_space<vmem>>
        %dma_wait3A_57 = tpu.memref_slice %arg8[%add3A_53] : memref<98304xf32, #tpu.memory_space<hbm>> -> memref<1024xf32, #tpu.memory_space<hbm>>
        %dma_wait3A_58 = tpu.memref_slice %arg8[%add3A_53] : memref<98304xf32, #tpu.memory_space<hbm>> -> memref<1024xf32, #tpu.memory_space<hbm>>
        %dma_wait3A_59 = tpu.memref_slice %arg15[%mul3A_46] : memref<3072xf32, #tpu.memory_space<vmem>> -> memref<1024xf32, #tpu.memory_space<vmem>>
        tpu.wait_dma2 semaphore(%run_scoped3A : memref<!tpu.dma_semaphore, #tpu.memory_space<semaphore_mem>>) src(%dma_wait3A_59 : memref<1024xf32, #tpu.memory_space<vmem>>) dst(%dma_wait3A_58 : memref<1024xf32, #tpu.memory_space<hbm>>)
        tpu.yield
      }) : () -> ()
    }
    %scan3A_32 = arith.constant 3 : i32
    %scan3A_33 = arith.constant 0 : i32
    %scan3A_34 = arith.constant 8 : i32
    %scan3A_35 = arith.addi %scan3A_33, %scan3A_34 : i32
    %scan3A_36 = arith.constant 1 : i32
    scf.for %scan3A_38 = %scan3A_33 to %scan3A_35 step %scan3A_36  : i32 {
      %mul3A_39 = arith.constant 1 : i32
      %mul3A_40 = arith.muli %scan3A_38, %mul3A_39 : i32
      %add3A_41 = arith.constant 0 : i32
      %add3A_42 = arith.addi %add3A_41, %mul3A_40 : i32
      %mul3A_43 = arith.constant 4 : i32
      %mul3A_44 = arith.muli %add3A_42, %mul3A_43 : i32
      %mul3A_45 = arith.constant 32 : i32
      %mul3A_46 = arith.muli %mul3A_44, %mul3A_45 : i32
      %dma_start3A = tpu.memref_slice %arg11[%mul3A_46] : memref<1024xi32, #tpu.memory_space<vmem>> -> memref<128xi32, #tpu.memory_space<vmem>>
      %dma_start3A_47 = arith.constant 0 : i32
      %dma_start3A_48 = arith.constant 0 : i32
      %dma_start3A_49 = tpu.memref_slice %arg4[%dma_start3A_47, %dma_start3A_48] : memref<16384x64xf32, #tpu.memory_space<hbm>> -> memref<16384x64xf32, #tpu.memory_space<hbm>>
      tpu.enqueue_indirect_dma source(%dma_start3A_49 : memref<16384x64xf32, #tpu.memory_space<hbm>>) target(%arg13 : memref<128x64xf32, #tpu.memory_space<vmem>>) offsets(%dma_start3A : memref<128xi32, #tpu.memory_space<vmem>>) semaphore(%arg16 : memref<!tpu.dma_semaphore, #tpu.memory_space<semaphore_mem>>)
      %dma_wait3A = tpu.memref_slice %arg11[%mul3A_46] : memref<1024xi32, #tpu.memory_space<vmem>> -> memref<128xi32, #tpu.memory_space<vmem>>
      %dma_wait3A_50 = arith.constant 0 : i32
      %dma_wait3A_51 = arith.constant 0 : i32
      %dma_wait3A_52 = tpu.memref_slice %arg4[%dma_wait3A_50, %dma_wait3A_51] : memref<16384x64xf32, #tpu.memory_space<hbm>> -> memref<16384x64xf32, #tpu.memory_space<hbm>>
      tpu.wait_indirect_dma semaphore(%arg16 : memref<!tpu.dma_semaphore, #tpu.memory_space<semaphore_mem>>) src(%dma_wait3A_52 : memref<16384x64xf32, #tpu.memory_space<hbm>>) dst(%arg13 : memref<128x64xf32, #tpu.memory_space<vmem>>)
      %mul3A_53 = arith.constant 4 : i32
      %mul3A_54 = arith.muli %add3A_42, %mul3A_53 : i32
      %add3A_55 = arith.addi %mul3A_2, %mul3A_54 : i32
      %mul3A_56 = arith.constant 32 : i32
      %mul3A_57 = arith.muli %add3A_55, %mul3A_56 : i32
      "tpu.region"() ({
        %run_scoped3A = tpu.sem_alloc : memref<!tpu.dma_semaphore, #tpu.memory_space<semaphore_mem>>
        %dma_start3A_58 = arith.constant 0 : i32
        %dma_start3A_59 = tpu.memref_slice %arg6[%mul3A_57, %dma_start3A_58] : memref<32768x64xf32, #tpu.memory_space<hbm>> -> memref<128x64xf32, #tpu.memory_space<hbm>>
        %dma_start3A_60 = arith.constant 0 : i32
        %dma_start3A_61 = tpu.memref_slice %arg6[%mul3A_57, %dma_start3A_60] : memref<32768x64xf32, #tpu.memory_space<hbm>> -> memref<128x64xf32, #tpu.memory_space<hbm>>
        tpu.enqueue_dma source(%arg13 : memref<128x64xf32, #tpu.memory_space<vmem>>) target(%dma_start3A_61 : memref<128x64xf32, #tpu.memory_space<hbm>>) target_semaphore(%run_scoped3A : memref<!tpu.dma_semaphore, #tpu.memory_space<semaphore_mem>>)
        %dma_wait3A_62 = arith.constant 0 : i32
        %dma_wait3A_63 = tpu.memref_slice %arg6[%mul3A_57, %dma_wait3A_62] : memref<32768x64xf32, #tpu.memory_space<hbm>> -> memref<128x64xf32, #tpu.memory_space<hbm>>
        %dma_wait3A_64 = arith.constant 0 : i32
        %dma_wait3A_65 = tpu.memref_slice %arg6[%mul3A_57, %dma_wait3A_64] : memref<32768x64xf32, #tpu.memory_space<hbm>> -> memref<128x64xf32, #tpu.memory_space<hbm>>
        tpu.wait_dma2 semaphore(%run_scoped3A : memref<!tpu.dma_semaphore, #tpu.memory_space<semaphore_mem>>) src(%arg13 : memref<128x64xf32, #tpu.memory_space<vmem>>) dst(%dma_wait3A_65 : memref<128x64xf32, #tpu.memory_space<hbm>>)
        tpu.yield
      }) : () -> ()
    }
    %scan3A_37 = arith.constant 8 : i32
    return
  }
}

module attributes {stable_mosaic.version = 14 : i64} {
  func.func @_mask_body(%arg0: i32, %arg1: i32, %arg2: memref<512x3xf32, #tpu.memory_space<vmem>>, %arg3: memref<3x4096xf32, #tpu.memory_space<vmem>>, %arg4: memref<4096x256xbf16, #tpu.memory_space<vmem>>, %arg5: memref<256x128xbf16, #tpu.memory_space<vmem>>, %arg6: memref<512x128xi32, #tpu.memory_space<vmem>>, %arg7: memref<512x1xi32, #tpu.memory_space<vmem>>) attributes {dimension_semantics = [#tpu.dimension_semantics<arbitrary>, #tpu.dimension_semantics<arbitrary>], iteration_bounds = array<i64: 2, 4>, scalar_prefetch = 0 : i64, scratch_operands = 0 : i64, tpu.core_type = #tpu.core_type<tc>, window_params = [{transform_indices = @transform_0, window_bounds = array<i64: 512, 3>}, {transform_indices = @transform_1, window_bounds = array<i64: 3, 4096>}, {pipeline_mode = #tpu.pipeline_mode<synchronous>, transform_indices = @transform_2, window_bounds = array<i64: 4096, 256>}, {pipeline_mode = #tpu.pipeline_mode<synchronous>, transform_indices = @transform_3, window_bounds = array<i64: 256, 128>}, {transform_indices = @transform_4, window_bounds = array<i64: 512, 128>}, {transform_indices = @transform_5, window_bounds = array<i64: 512, 1>}]} {
    %get3A = arith.constant 0 : index
    %get3A_0 = arith.constant 0 : index
    %get3A_1 = vector.load %arg2[%get3A, %get3A_0] : memref<512x3xf32, #tpu.memory_space<vmem>>, vector<512x1xf32>
    %get3A_2 = arith.constant 0 : index
    %get3A_3 = arith.constant 1 : index
    %get3A_4 = vector.load %arg2[%get3A_2, %get3A_3] : memref<512x3xf32, #tpu.memory_space<vmem>>, vector<512x1xf32>
    %get3A_5 = arith.constant 0 : index
    %get3A_6 = arith.constant 2 : index
    %get3A_7 = vector.load %arg2[%get3A_5, %get3A_6] : memref<512x3xf32, #tpu.memory_space<vmem>>, vector<512x1xf32>
    %get3A_8 = arith.constant 0 : index
    %get3A_9 = arith.constant 0 : index
    %get3A_10 = vector.load %arg3[%get3A_8, %get3A_9] : memref<3x4096xf32, #tpu.memory_space<vmem>>, vector<1x4096xf32>
    %get3A_11 = arith.constant 1 : index
    %get3A_12 = arith.constant 0 : index
    %get3A_13 = vector.load %arg3[%get3A_11, %get3A_12] : memref<3x4096xf32, #tpu.memory_space<vmem>>, vector<1x4096xf32>
    %get3A_14 = arith.constant 2 : index
    %get3A_15 = arith.constant 0 : index
    %get3A_16 = vector.load %arg3[%get3A_14, %get3A_15] : memref<3x4096xf32, #tpu.memory_space<vmem>>, vector<1x4096xf32>
    %sub3A = vector.broadcast %get3A_1 : vector<512x1xf32> to vector<512x4096xf32>
    %sub3A_17 = vector.broadcast %get3A_10 : vector<1x4096xf32> to vector<512x4096xf32>
    %sub3A_18 = arith.subf %sub3A, %sub3A_17 : vector<512x4096xf32>
    %sub3A_19 = vector.broadcast %get3A_4 : vector<512x1xf32> to vector<512x4096xf32>
    %sub3A_20 = vector.broadcast %get3A_13 : vector<1x4096xf32> to vector<512x4096xf32>
    %sub3A_21 = arith.subf %sub3A_19, %sub3A_20 : vector<512x4096xf32>
    %sub3A_22 = vector.broadcast %get3A_7 : vector<512x1xf32> to vector<512x4096xf32>
    %sub3A_23 = vector.broadcast %get3A_16 : vector<1x4096xf32> to vector<512x4096xf32>
    %sub3A_24 = arith.subf %sub3A_22, %sub3A_23 : vector<512x4096xf32>
    %mul3A = arith.mulf %sub3A_18, %sub3A_18 : vector<512x4096xf32>
    %mul3A_25 = arith.mulf %sub3A_21, %sub3A_21 : vector<512x4096xf32>
    %add3A = arith.addf %mul3A, %mul3A_25 : vector<512x4096xf32>
    %mul3A_26 = arith.mulf %sub3A_24, %sub3A_24 : vector<512x4096xf32>
    %add3A_27 = arith.addf %add3A, %mul3A_26 : vector<512x4096xf32>
    %lt3A = arith.constant 4.000000e-02 : f32
    %lt3A_28 = vector.broadcast %lt3A : f32 to vector<512x4096xf32>
    %lt3A_29 = arith.cmpf olt, %add3A_27, %lt3A_28 : vector<512x4096xf32>
    %convert_element_type3A = arith.extui %lt3A_29 : vector<512x4096xi1> to vector<512x4096xi32>
    %convert_element_type3A_30 = arith.sitofp %convert_element_type3A : vector<512x4096xi32> to vector<512x4096xf32>
    %convert_element_type3A_31 = arith.truncf %convert_element_type3A_30 : vector<512x4096xf32> to vector<512x4096xbf16>
    %get3A_32 = arith.constant 0 : index
    %get3A_33 = arith.constant 0 : index
    %get3A_34 = vector.load %arg4[%get3A_32, %get3A_33] : memref<4096x256xbf16, #tpu.memory_space<vmem>>, vector<4096x256xbf16>
    %dot_general3A = arith.constant dense<0.000000e+00> : vector<512x256xf32>
    %dot_general3A_35 = tpu.matmul %convert_element_type3A_31, %get3A_34, %dot_general3A {dimension_numbers = #tpu.dot_dimension_numbers<[1], [0], [0], [1], [0, 0, 1, 1], [], []>, transpose_lhs_hint = false} : vector<512x4096xbf16>, vector<4096x256xbf16>, vector<512x256xf32> -> vector<512x256xf32>
    %slice3A = vector.extract_strided_slice %dot_general3A_35 {offsets = [0, 0], sizes = [512, 128], strides = [1, 1]} : vector<512x256xf32> to vector<512x128xf32>
    %convert_element_type3A_36 = arith.fptosi %slice3A : vector<512x128xf32> to vector<512x128xi32>
    %slice3A_37 = vector.extract_strided_slice %dot_general3A_35 {offsets = [0, 128], sizes = [512, 128], strides = [1, 1]} : vector<512x256xf32> to vector<512x128xf32>
    %convert_element_type3A_38 = arith.fptosi %slice3A_37 : vector<512x128xf32> to vector<512x128xi32>
    %shift_left3A = arith.constant 16 : i32
    %shift_left3A_39 = vector.broadcast %shift_left3A : i32 to vector<512x128xi32>
    %shift_left3A_40 = arith.shli %convert_element_type3A_38, %shift_left3A_39 : vector<512x128xi32>
    %or3A = arith.ori %convert_element_type3A_36, %shift_left3A_40 : vector<512x128xi32>
    %swap3A = arith.constant 0 : index
    %swap3A_41 = arith.constant 0 : index
    %swap3A_42 = vector.load %arg6[%swap3A, %swap3A_41] : memref<512x128xi32, #tpu.memory_space<vmem>>, vector<512x128xi32>
    tpu.vector_store %arg6[%swap3A, %swap3A_41], %or3A {strides = array<i32>} : memref<512x128xi32, #tpu.memory_space<vmem>>, vector<512x128xi32>,
    %convert_element_type3A_43 = arith.truncf %dot_general3A_35 : vector<512x256xf32> to vector<512x256xbf16>
    %get3A_44 = arith.constant 0 : index
    %get3A_45 = arith.constant 0 : index
    %get3A_46 = vector.load %arg5[%get3A_44, %get3A_45] : memref<256x128xbf16, #tpu.memory_space<vmem>>, vector<256x128xbf16>
    %dot_general3A_47 = arith.constant dense<0.000000e+00> : vector<512x128xf32>
    %dot_general3A_48 = tpu.matmul %convert_element_type3A_43, %get3A_46, %dot_general3A_47 {dimension_numbers = #tpu.dot_dimension_numbers<[1], [0], [0], [1], [0, 0, 1, 1], [], []>, transpose_lhs_hint = false} : vector<512x256xbf16>, vector<256x128xbf16>, vector<512x128xf32> -> vector<512x128xf32>
    %iota3A = tpu.iota {dimensions = array<i32: 1>} : vector<512x8xi32>
    %mul3A_49 = arith.constant 8 : i32
    %mul3A_50 = arith.muli %mul3A_49, %arg1 : i32
    %add3A_51 = vector.broadcast %mul3A_50 : i32 to vector<512x8xi32>
    %add3A_52 = arith.addi %iota3A, %add3A_51 : vector<512x8xi32>
    %slice3A_53 = vector.extract_strided_slice %dot_general3A_48 {offsets = [0, 0], sizes = [512, 8], strides = [1, 1]} : vector<512x128xf32> to vector<512x8xf32>
    %gt3A = arith.constant 0.000000e+00 : f32
    %gt3A_54 = vector.broadcast %gt3A : f32 to vector<512x8xf32>
    %gt3A_55 = arith.cmpf ogt, %slice3A_53, %gt3A_54 : vector<512x8xf32>
    %convert_element_type3A_56 = arith.extui %gt3A_55 : vector<512x8xi1> to vector<512x8xi32>
    %shift_left3A_57 = arith.shli %convert_element_type3A_56, %add3A_52 : vector<512x8xi32>
    %reduce_sum3A = arith.constant dense<0> : vector<512xi32>
    %reduce_sum3A_58 = vector.multi_reduction <add>, %shift_left3A_57, %reduce_sum3A [1] : vector<512x8xi32> to vector<512xi32>
    %broadcast_in_dim3A = vector.shape_cast %reduce_sum3A_58 : vector<512xi32> to vector<512x1xi32>
    %eq3A = arith.constant 0 : i32
    %eq3A_59 = arith.cmpi eq, %arg1, %eq3A : i32
    %get3A_60 = arith.constant 0 : index
    %get3A_61 = arith.constant 0 : index
    %get3A_62 = vector.load %arg7[%get3A_60, %get3A_61] : memref<512x1xi32, #tpu.memory_space<vmem>>, vector<512x1xi32>
    %jit3A = arith.constant 0 : i32
    %broadcast_in_dim3A_63 = vector.broadcast %jit3A : i32 to vector<512x1xi32>
    %select_n3A = arith.select %eq3A_59, %broadcast_in_dim3A_63, %get3A_62 : vector<512x1xi32>
    %add3A_64 = arith.addi %select_n3A, %broadcast_in_dim3A : vector<512x1xi32>
    %swap3A_65 = arith.constant 0 : index
    %swap3A_66 = arith.constant 0 : index
    %swap3A_67 = vector.load %arg7[%swap3A_65, %swap3A_66] : memref<512x1xi32, #tpu.memory_space<vmem>>, vector<512x1xi32>
    tpu.vector_store %arg7[%swap3A_65, %swap3A_66], %add3A_64 {strides = array<i32>} : memref<512x1xi32, #tpu.memory_space<vmem>>, vector<512x1xi32>,
    return
  }
  func.func @transform_0(%arg0: i32, %arg1: i32) -> (i32, i32) {
    %c0_i32 = arith.constant 0 : i32
    %c0_i32_0 = arith.constant 0 : i32
    return %arg0, %c0_i32 : i32, i32
  }
  func.func @transform_1(%arg0: i32, %arg1: i32) -> (i32, i32) {
    %c0_i32 = arith.constant 0 : i32
    %c0_i32_0 = arith.constant 0 : i32
    return %c0_i32, %arg1 : i32, i32
  }
  func.func @transform_2(%arg0: i32, %arg1: i32) -> (i32, i32) {
    %c0_i32 = arith.constant 0 : i32
    %c0_i32_0 = arith.constant 0 : i32
    %c0_i32_1 = arith.constant 0 : i32
    return %c0_i32, %c0_i32_0 : i32, i32
  }
  func.func @transform_3(%arg0: i32, %arg1: i32) -> (i32, i32) {
    %c0_i32 = arith.constant 0 : i32
    %c0_i32_0 = arith.constant 0 : i32
    %c0_i32_1 = arith.constant 0 : i32
    return %c0_i32, %c0_i32_0 : i32, i32
  }
  func.func @transform_4(%arg0: i32, %arg1: i32) -> (i32, i32) {
    %c0_i32 = arith.constant 0 : i32
    return %arg0, %arg1 : i32, i32
  }
  func.func @transform_5(%arg0: i32, %arg1: i32) -> (i32, i32) {
    %c0_i32 = arith.constant 0 : i32
    %c0_i32_0 = arith.constant 0 : i32
    return %arg0, %c0_i32 : i32, i32
  }
}

module attributes {stable_mosaic.version = 14 : i64} {
  func.func @_table_body(%arg0: i32, %arg1: memref<64x2048xf32, #tpu.memory_space<vmem>>, %arg2: memref<2048x64xf32, #tpu.memory_space<vmem>>) attributes {dimension_semantics = [#tpu.dimension_semantics<arbitrary>], iteration_bounds = array<i64: 8>, scalar_prefetch = 0 : i64, scratch_operands = 0 : i64, tpu.core_type = #tpu.core_type<tc>, window_params = [{transform_indices = @transform_0, window_bounds = array<i64: 64, 2048>}, {transform_indices = @transform_1, window_bounds = array<i64: 2048, 64>}]} {
    %get3A = arith.constant 0 : index
    %get3A_0 = arith.constant 0 : index
    %get3A_1 = vector.load %arg1[%get3A, %get3A_0] : memref<64x2048xf32, #tpu.memory_space<vmem>>, vector<64x2048xf32>
    %transpose3A = tpu.transpose %get3A_1, [1, 0] : vector<64x2048xf32> -> vector<2048x64xf32>
    %swap3A = arith.constant 0 : index
    %swap3A_2 = arith.constant 0 : index
    %swap3A_3 = vector.load %arg2[%swap3A, %swap3A_2] : memref<2048x64xf32, #tpu.memory_space<vmem>>, vector<2048x64xf32>
    tpu.vector_store %arg2[%swap3A, %swap3A_2], %transpose3A {strides = array<i32>} : memref<2048x64xf32, #tpu.memory_space<vmem>>, vector<2048x64xf32>,
    return
  }
  func.func @transform_0(%arg0: i32) -> (i32, i32) {
    %c0_i32 = arith.constant 0 : i32
    %c0_i32_0 = arith.constant 0 : i32
    return %c0_i32, %arg0 : i32, i32
  }
  func.func @transform_1(%arg0: i32) -> (i32, i32) {
    %c0_i32 = arith.constant 0 : i32
    %c0_i32_0 = arith.constant 0 : i32
    return %arg0, %c0_i32 : i32, i32
  }
}

module attributes {stable_mosaic.version = 14 : i64} {
  func.func @_final_body(%arg0: i32, %arg1: i32, %arg2: memref<4096x64xf32, #tpu.memory_space<vmem>>, %arg3: memref<3x4096xf32, #tpu.memory_space<vmem>>, %arg4: memref<1x3x4096xf32, #tpu.memory_space<vmem>>, %arg5: memref<1x72x4096xf32, #tpu.memory_space<vmem>>) attributes {dimension_semantics = [#tpu.dimension_semantics<arbitrary>, #tpu.dimension_semantics<arbitrary>], iteration_bounds = array<i64: 1, 8>, scalar_prefetch = 0 : i64, scratch_operands = 0 : i64, tpu.core_type = #tpu.core_type<tc>, window_params = [{transform_indices = @transform_0, window_bounds = array<i64: 4096, 64>}, {transform_indices = @transform_1, window_bounds = array<i64: 3, 4096>}, {transform_indices = @transform_2, window_bounds = array<i64: 1, 3, 4096>}, {transform_indices = @transform_3, window_bounds = array<i64: 1, 72, 4096>}]} {
    %get3A = arith.constant 0 : index
    %get3A_0 = arith.constant 0 : index
    %get3A_1 = vector.load %arg2[%get3A, %get3A_0] : memref<4096x64xf32, #tpu.memory_space<vmem>>, vector<4096x64xf32>
    %transpose3A = tpu.transpose %get3A_1, [1, 0] : vector<4096x64xf32> -> vector<64x4096xf32>
    %swap3A = arith.constant 0 : index
    %swap3A_2 = arith.constant 0 : index
    %swap3A_3 = arith.constant 0 : index
    %swap3A_4 = vector.load %arg5[%swap3A, %swap3A_2, %swap3A_3] : memref<1x72x4096xf32, #tpu.memory_space<vmem>>, vector<1x64x4096xf32>
    %swap3A_5 = vector.shape_cast %swap3A_4 : vector<1x64x4096xf32> to vector<64x4096xf32>
    %swap3A_6 = vector.shape_cast %transpose3A : vector<64x4096xf32> to vector<1x64x4096xf32>
    tpu.vector_store %arg5[%swap3A, %swap3A_2, %swap3A_3], %swap3A_6 {strides = array<i32>} : memref<1x72x4096xf32, #tpu.memory_space<vmem>>, vector<1x64x4096xf32>,
    %get3A_7 = arith.constant 0 : index
    %get3A_8 = arith.constant 0 : index
    %get3A_9 = vector.load %arg3[%get3A_7, %get3A_8] : memref<3x4096xf32, #tpu.memory_space<vmem>>, vector<3x4096xf32>
    %get3A_10 = arith.constant 0 : index
    %get3A_11 = arith.constant 0 : index
    %get3A_12 = arith.constant 0 : index
    %get3A_13 = vector.load %arg4[%get3A_10, %get3A_11, %get3A_12] : memref<1x3x4096xf32, #tpu.memory_space<vmem>>, vector<1x3x4096xf32>
    %get3A_14 = vector.shape_cast %get3A_13 : vector<1x3x4096xf32> to vector<3x4096xf32>
    %sub3A = arith.subf %get3A_9, %get3A_14 : vector<3x4096xf32>
    %broadcast_in_dim3A = arith.constant 0.000000e+00 : f32
    %broadcast_in_dim3A_15 = vector.broadcast %broadcast_in_dim3A : f32 to vector<5x4096xf32>
    %concatenate3A = tpu.concatenate %sub3A, %broadcast_in_dim3A_15 in 0 : vector<3x4096xf32>, vector<5x4096xf32> -> vector<8x4096xf32>
    %swap3A_16 = arith.constant 0 : index
    %swap3A_17 = arith.constant 64 : index
    %swap3A_18 = arith.constant 0 : index
    %swap3A_19 = vector.load %arg5[%swap3A_16, %swap3A_17, %swap3A_18] : memref<1x72x4096xf32, #tpu.memory_space<vmem>>, vector<1x8x4096xf32>
    %swap3A_20 = vector.shape_cast %swap3A_19 : vector<1x8x4096xf32> to vector<8x4096xf32>
    %swap3A_21 = vector.shape_cast %concatenate3A : vector<8x4096xf32> to vector<1x8x4096xf32>
    tpu.vector_store %arg5[%swap3A_16, %swap3A_17, %swap3A_18], %swap3A_21 {strides = array<i32>} : memref<1x72x4096xf32, #tpu.memory_space<vmem>>, vector<1x8x4096xf32>,
    return
  }
  func.func @transform_0(%arg0: i32, %arg1: i32) -> (i32, i32) {
    %mul3A = arith.constant 8 : i32
    %mul3A_0 = arith.muli %arg0, %mul3A : i32
    %add3A = arith.addi %mul3A_0, %arg1 : i32
    %c0_i32 = arith.constant 0 : i32
    %c0_i32_1 = arith.constant 0 : i32
    return %add3A, %c0_i32 : i32, i32
  }
  func.func @transform_1(%arg0: i32, %arg1: i32) -> (i32, i32) {
    %mul3A = arith.constant 8 : i32
    %mul3A_0 = arith.muli %arg0, %mul3A : i32
    %add3A = arith.addi %mul3A_0, %arg1 : i32
    %c0_i32 = arith.constant 0 : i32
    %c0_i32_1 = arith.constant 0 : i32
    return %c0_i32, %add3A : i32, i32
  }
  func.func @transform_2(%arg0: i32, %arg1: i32) -> (i32, i32, i32) {
    %c0_i32 = arith.constant 0 : i32
    %c0_i32_0 = arith.constant 0 : i32
    return %arg0, %c0_i32, %arg1 : i32, i32, i32
  }
  func.func @transform_3(%arg0: i32, %arg1: i32) -> (i32, i32, i32) {
    %c0_i32 = arith.constant 0 : i32
    %c0_i32_0 = arith.constant 0 : i32
    return %arg0, %c0_i32, %arg1 : i32, i32, i32
  }
}

</mosaic_0001>

<sc_bundles>
// kernel: kernel.15.cloned.1.call-start
scs
__scs_entry_jumppad:
0x0: {  	(pc) =	sbr.rel $0x88, $3  }
0x1: {  	(tag) =	ssettag $0x0;
	lr =	simm.s32 $0x1  }
0x2: {  	[smem:$0x3F9E] =	sst lr;
	_ =	strace $0xD0000000  }
0x3: {  	_ = 	snop  }
0x4: {  	_ = 	snop  }
0x5: {  	_ = 	snop  }
0x6: {  	_ = 	snop  }
0x7: {  	_ = 	snop  }
__scs_overlays_trampoline_lowered:
0x8: {  	[smem:$0x3FAD] =	sst s0  }
0x9: {  	[smem:$0x3FAE] =	sst s1  }
0xa: {  	[smem:$0x3FAF] =	sst s2  }
0xb: {  	[smem:$0x3FB0] =	sst s3  }
0xc: {  	[smem:$0x3FB1] =	sst s4  }
0xd: {  	[smem:$0x3FB2] =	sst s5  }
0xe: {  	[smem:$0x3FB3] =	sst s6  }
0xf: {  	[smem:$0x3FB4] =	sst s7  }
0x10: {  	[smem:$0x3FB5] =	sst s8  }
0x11: {  	[smem:$0x3FB6] =	sst s9;
	s0 =	simm.s32 @!p0 $0x0  }
0x12: {  	s1 =	sld [smem:$0x3F9C];
	s0 =	simm.s32 @p0 $0x1  }
0x13: {  	[smem:$0x3FB7] =	sst s0;
	s0 =	simm.s32 @!p1 $0x0  }
0x14: {  	s2 =	sld [smem:$0x3F9B];
	s0 =	simm.s32 @p1 $0x1  }
0x15: {  	[smem:$0x3FB8] =	sst s0;
	s0 =	simm.s32 @!p2 $0x0  }
0x16: {  	s3 =	sld [smem:$0x3FDB];
	s0 =	simm.s32 @p2 $0x1  }
0x17: {  	s4 =	simm.s32 $0x1BF5;
	[smem:$0x3FBA] =	sst s0  }
0x18: {  	s0 =	sld [smem:$0x3F9D];
	_ =	swait.ge [sflag:s4], $0x0  }
0x19: {  	s7 =	sld [smem:$0x3F9E]  }
0x1a: {  	s8 =	sadd.s32 $0xFFFFE003, lr  }
0x1b: {  	s9 =	sadd.s32 $0xFFFFFEF7, lr;
	s5 =	simm.s32 $0xFFFFFFFF;
	p2 =	slt.u32 s8, $0xFFFFF086  }
0x1c: {  	p1 =	slt.u32 s9, $0xF7A;
	s5 =	simm.s32 @!p2 $0x0  }
0x1d: {  	s5 =	simm.s32 @p1 $0x1;
	p0 =	seq.s32 s7, s2  }
0x1e: {  	s7 =	smul.u32 @!p0 $0xF7A, s2;
	p2 =	seq.s32 @!p0 s5, $0x0  }
0x1f: {  	s9 =	smul.u32 $0xF7A, s1;
	s8 =	simm.s32 @!p0 $0x1BF5;
	p2 =	por !p2, p0  }
0x20: {  	[sflag:s8] =	ssyncset.s32 @!p0 $0xFFFFF086;
	s6 =	sadd.s32 @!p0 s3, s7;
	s7 =	simm.s32 @!p0 $0x108  }
0x21: {  	s3 =	sadd.s32 s3, s9;
	s6 =	sadd.s32 @!p0 $0x88, s6;
	s7 =	simm.s32 @p2 $0x1082  }
0x22: {  	[simem:s7], [sflag:s8] =	dma.local @!p0 [hbm:s6], $0xF7A  }
0x23: {  	s9 =	sor.u32 $0xD0000000, s2;
	s6 =	simm.s32 $0x108;
	_ =	swait.ge @!p0 [sflag:s8], $0x0  }
0x24: {  	s3 =	sadd.s32 $0x88, s3;
	s6 =	simm.s32 @!p1 $0x1082;
	[sflag:s4] =	ssyncset.s32 $0xFFFFF086  }
0x25: {  	[simem:s6], [sflag:s4] =	dma.local [hbm:s3], $0xF7A  }
0x26: {  	[smem:$0x3F9E] =	sst s1;
	(tag) =	ssettag s2;
	_ =	strace s9  }
0x27: {  	s1 =	sld [smem:$0x3FAE]  }
0x28: {  	s2 =	sld [smem:$0x3FAF]  }
0x29: {  	s4 =	sld [smem:$0x3FB1]  }
0x2a: {  	p0 =	seq.s32 s5, $0x0;
	s5 =	sld [smem:$0x3FB2]  }
0x2b: {  	s6 =	sld [smem:$0x3FB3]  }
0x2c: {  	s7 =	sld [smem:$0x3FB4]  }
0x2d: {  	s3 =	simm.s32 $0x108;
	s8 =	sld [smem:$0x3FB5]  }
0x2e: {  	s3 =	simm.s32 @!p0 $0x1082;
	s9 =	sld [smem:$0x3FB6]  }
0x2f: {  	lr =	sadd.s32 s0, s3;
	s0 =	sld [smem:$0x3FAD]  }
0x30: {  	s3 =	sld [smem:$0x3FB0]  }
0x31: {  	[smem:$0x3FB9] =	sst s10  }
0x32: {  	s10 =	sld [smem:$0x3FB7];
	_ =	sdelay $0x3  }
0x33: {  	p0 =	seq.s32 s10, $0x1;
	s10 =	sld [smem:$0x3FB9];
	_ =	sdelay $0x3  }
0x34: {  	[smem:$0x3FB9] =	sst s10  }
0x35: {  	s10 =	sld [smem:$0x3FB8];
	_ =	sdelay $0x3  }
0x36: {  	p1 =	seq.s32 s10, $0x1;
	s10 =	sld [smem:$0x3FB9];
	_ =	sdelay $0x3  }
0x37: {  	[smem:$0x3FB9] =	sst s10  }
0x38: {  	s10 =	sld [smem:$0x3FBA]  }
0x39: {  	_ = 	snop;
	(pc) =	sbr.ind lr, $3  }
0x3a: {  	_ = 	snop  }
0x3b: {  	_ = 	snop  }
0x3c: {  	p2 =	seq.s32 s10, $0x1;
	s10 =	sld [smem:$0x3FB9]  }
0x3d: {  	_ =	shalt  }
0x3e: {  	_ =	shalt  }
0x3f: {  	_ =	shalt  }
0x40: {  	_ =	shalt  }
0x41: {  	_ =	shalt  }
0x42: {  	_ =	shalt  }
0x43: {  	_ =	shalt  }
0x44: {  	_ =	shalt  }
0x45: {  	_ =	shalt  }
0x46: {  	_ =	shalt  }
0x47: {  	_ =	shalt  }
0x48: {  	_ =	shalt  }
0x49: {  	_ =	shalt  }
0x4a: {  	_ =	shalt  }
0x4b: {  	_ =	shalt  }
0x4c: {  	_ =	shalt  }
0x4d: {  	_ =	shalt  }
0x4e: {  	_ =	shalt  }
0x4f: {  	_ =	shalt  }
0x50: {  	_ =	shalt  }
0x51: {  	_ =	shalt  }
0x52: {  	_ =	shalt  }
0x53: {  	_ =	shalt  }
0x54: {  	_ =	shalt  }
0x55: {  	_ =	shalt  }
0x56: {  	_ =	shalt  }
0x57: {  	_ =	shalt  }
0x58: {  	_ =	shalt  }
0x59: {  	_ =	shalt  }
0x5a: {  	_ =	shalt  }
0x5b: {  	_ =	shalt  }
0x5c: {  	_ =	shalt  }
0x5d: {  	_ =	shalt  }
0x5e: {  	_ =	shalt  }
0x5f: {  	_ =	shalt  }
0x60: {  	_ =	shalt  }
0x61: {  	_ =	shalt  }
0x62: {  	_ =	shalt  }
0x63: {  	_ =	shalt  }
0x64: {  	_ =	shalt  }
0x65: {  	_ =	shalt  }
0x66: {  	_ =	shalt  }
0x67: {  	_ =	shalt  }
0x68: {  	_ =	shalt  }
0x69: {  	_ =	shalt  }
0x6a: {  	_ =	shalt  }
0x6b: {  	_ =	shalt  }
0x6c: {  	_ =	shalt  }
0x6d: {  	_ =	shalt  }
0x6e: {  	_ =	shalt  }
0x6f: {  	_ =	shalt  }
0x70: {  	_ =	shalt  }
0x71: {  	_ =	shalt  }
0x72: {  	_ =	shalt  }
0x73: {  	_ =	shalt  }
0x74: {  	_ =	shalt  }
0x75: {  	_ =	shalt  }
0x76: {  	_ =	shalt  }
0x77: {  	_ =	shalt  }
0x78: {  	_ =	shalt  }
0x79: {  	_ =	shalt  }
0x7a: {  	_ =	shalt  }
0x7b: {  	_ =	shalt  }
0x7c: {  	_ =	shalt  }
0x7d: {  	_ =	shalt  }
0x7e: {  	_ =	shalt  }
0x7f: {  	_ =	shalt  }
0x80: {  	_ =	shalt  }
0x81: {  	_ =	shalt  }
0x82: {  	_ =	shalt  }
0x83: {  	_ =	shalt  }
0x84: {  	_ =	shalt  }
0x85: {  	_ =	shalt  }
0x86: {  	_ =	shalt  }
0x87: {  	_ =	shalt  }
.Lfunc_end0:
.L_simem_size_0:
called_computation.2_lowered:
.L_overlay_start_0:
0x88: {  	s2 =	sld [smem:$0x3FD9]  }
0x89: {  	s3 =	sld [smem:$0x3FFE];
	_ =	sdelay $0x1  }
0x8a: {  	s1 =	srdreg.scid  }
0x8b: {  	s0 =	sand.u32 $0x1, s1  }
0x8c: {  	s15 =	sshll.u32 s0, $0xA;
	s2 =	sadd.s32 s3, s2  }
0x8d: {  	s2 =	sadd.s32 s2, s15  }
0x8e: {  	[smem:$0x3FC5] =	sst s2  }
0x8f: {  	_ = 	snop  }
0x90: {  	s2 =	sld [smem:$0x3FD0];
	_ =	sdelay $0x2  }
0x91: {  	s16 =	simm.s32 $0xD;
	s4 =	simm.s32 $0x10  }
0x92: {  	[smem:s4], [sflag:s16] =	dma.local [hbm:s2], $0x1  }
0x93: {  	_ =	swait.eq [sflag:s16], $0x1  }
0x94: {  	[sflag:s16] =	ssyncset.done $0x0  }
0x95: {  	[sflag:s16] =	ssyncadd.s32 $0xFFFFFFFF  }
0x96: {  	s17 =	sld [smem:$0x11];
	(tm) =	ssettm $0x1  }
0x97: {  	s18 =	sld [smem:$0x3FFB];
	_ =	sdelay $0x3  }
0x98: {  	_ =	strace s18  }
0x99: {  	s2 =	sld [smem:$0x3FFC];
	_ =	sdelay $0x3  }
0x9a: {  	_ =	strace s2  }
0x9b: {  	s2 =	sld [smem:$0x3FFD];
	_ =	sdelay $0x3  }
0x9c: {  	_ =	strace s2  }
0x9d: {  	_ =	strace $0x8FFFFFFF  }
0x9e: {  	s19 =	sld [smem:$0x3FDB];
	_ =	sdelay $0x1  }
0x9f: {  	s20 =	simm.s32 $_scs_section_size  }
0xa0: {  	s5 =	simm.s32 $_size__tile_overlayer_lowered;
	s6 =	simm.s32 $_tile_overlayer_lowered  }
0xa1: {  	s7 =	simm.s32 $0x1BFF;
	s21 =	sshll.u32 s6, $0x1;
	s4 =	sadd.s32 s20, s19  }
0xa2: {  	s22 =	simm.s32 $0x0;
	s5 =	sshll.u32 s5, $0x1;
	s6 =	sadd.s32 s21, s4  }
0xa3: {  	[timem:s22], [sflag:s7] =	dma.local [hbm:s6], s5  }
0xa4: {  	_ =	swait.ge [sflag:s7], s5  }
0xa5: {  	s5 =	ssub.s32 $0x0, s5;
	[sflag:s7] =	ssyncset.done $0x0  }
0xa6: {  	[sflag:s7] =	ssyncadd.s32 s5;
	_ =	sdelay $0x1  }
0xa7: {  	s23 =	simm.s32 $0x1B8B  }
0xa8: {  	_ =	swait.ge [sflag:s23], $0x1  }
0xa9: {  	[sflag:s23] =	ssyncset.done $0x0  }
0xaa: {  	[sflag:s23] =	ssyncadd.s32 $0xFFFFFFFF  }
0xab: {  	s5 =	sld [smem:$0x0]  }
0xac: {  	s6 =	sand.u32 $0xFFFFFFFE, s1  }
0xad: {  	p0 =	sne.s32 s1, s6  }
0xae: {  	s6 =	sshll.u32 @p0 s6, $0xE  }
0xaf: {  	s6 =	sadd.s32 @p0 $0x11B8D, s6;
	s7 =	sshll.u32 @p0 s5, $0x11  }
0xb0: {  	s6 =	sor.u32 @p0 s7, s6  }
0xb1: {  	[sflag:s6] =	ssyncadd.remote.s32 @p0 $0x1;
	_ =	sdelay $0x1  }
0xb2: {  	s6 =	simm.s32 @p0 $0x1B8D  }
0xb3: {  	_ =	swait.eq @p0 [sflag:s6], $0x1  }
0xb4: {  	[sflag:s6] =	ssyncadd.s32 @p0 $0xFFFFFFFF  }
0xb5: {  	s7 =	sshll.u32 @!p0 s1, $0xE  }
0xb6: {  	s7 =	sor.u32 @!p0 $0x4000, s7;
	s6 =	simm.s32 @!p0 $0x1B8D  }
0xb7: {  	s5 =	sshll.u32 @!p0 s5, $0x11;
	s7 =	sadd.s32 @!p0 $0x11B8D, s7;
	_ =	swait.eq @!p0 [sflag:s6], $0x1  }
0xb8: {  	s5 =	sor.u32 @!p0 s5, s7;
	[sflag:s6] =	ssyncadd.s32 @!p0 $0xFFFFFFFF  }
0xb9: {  	s25 =	simm.s32 $0x1B8E;
	s24 =	sld [smem:$0x3FFE];
	[sflag:s5] =	ssyncadd.remote.s32 @!p0 $0x1  }
0xba: {  	s26 =	simm.s32 $execute0_lowered;
	[smem:$0x3FD2] =	sst s25  }
0xbb: {  	s6 =	sshll.u32 s26, $0x1;
	_ =	strace $0x8000004F;
	[dreg:$0x1] =	wrdreg $0xFFFFFFFF  }
0xbc: {  	s28 =	simm.s32 $_size_execute0_lowered;
	s4 =	sadd.s32 s4, s6;
	[dreg:$0x0] =	wrdreg $0x0  }
0xbd: {  	s6 =	sshll.u32 s28, $0x1;
	[dreg:$0x2] =	wrdreg s4  }
0xbe: {  	[dreg:$0x3] =	wrdreg s6  }
0xbf: {  	[dreg:$0x4] =	wrdreg $0xC0  }
0xc0: {  	_ =	task [dreg:s22], $0x5FFFF  }
0xc1: {  	[dreg:$0x1] =	wrdreg $0xFFFFFFFF  }
0xc2: {  	[dreg:$0x0] =	wrdreg $0x60  }
0xc3: {  	[dreg:$0x2] =	wrdreg s24  }
0xc4: {  	[dreg:$0x3] =	wrdreg s17  }
0xc5: {  	[dreg:$0x4] =	wrdreg $0x9  }
0xc6: {  	_ =	task.clear_ibuf [dreg:s22], $0x5FFFF;
	_ =	strace $0x9000004F  }
0xc7: {  	s29 =	simm.s32 $0x9;
	_ =	strace $0x80000051  }
0xc8: {  	_ =	swait.ge [sflag:s29], $0x1  }
0xc9: {  	[sflag:s29] =	ssyncadd.s32 $0xFFFFFFFF  }
0xca: {  	_ =	strace $0x90000051  }
0xcb: {  	_ =	sfence  }
0xcc: {  	s30 =	sld [smem:$0x0];
	_ =	sdelay $0x2  }
0xcd: {  	s31 =	sshll.u32 s1, $0xD;
	s1 =	sshrl.u32 s1, $0x2  }
0xce: {  	s4 =	sand.u32 $0x4000, s31;
	s1 =	sadd.s32 s1, s30  }
0xcf: {  	s0 =	sor.u32 s4, s0;
	s1 =	sshll.u32 s1, $0x11  }
0xd0: {  	s0 =	sor.u32 s1, s0  }
0xd1: {  	s0 =	sadd.s32 $0x8F2B, s0  }
0xd2: {  	[sflag:s0] =	ssyncadd.remote.s32 $0x1  }
0xd3: {  	_ =	sfence.sel $0xFFFF  }
0xd4: {  	[dreg:$0x0] =	wrdreg $0xFFFFFFFF;
	(pc) =	sbr.abs _section_cstart, $3  }
0xd5: {  	[dreg:$0x1] =	wrdreg $0xFFFFFFFF  }
0xd6: {  	_ =	task.clear_ibuf [dreg:s22], $0x2FFFF;
	_ =	strace $0x9FFFFFFF  }
0xd7: {  	(tm) =	ssettm $0x7FFFFFFF  }
tec
execute0_lowered:
.L_overlay_start_1:
0x0: {  	(tag) =	ssettag $0x1  }
0x1: {  	s0 =	rddreg [dreg:$0x0]  }
0x2: {  	s1 =	rddreg [dreg:$0x1]  }
0x3: {  	s3 =	srdreg.scid;
	s5 =	stileid.u32  }
0x4: {  	s2 =	simm.s32 $0x0;
	s28 =	simm.s32 $0x80;
	s30 =	simm.s32 $0x4820  }
0x5: {  	s31 =	simm.s32 $0x1;
	s29 =	simm.s32 $0x0;
	s4 =	sand.u32 $0x1, s3  }
0x6: {  	s20 =	sshll.u32 s5, $0x1;
	[smem:$0x7FF] =	sst s2;
	s8 =	sadd.s32 $0x3000, s0  }
0x7: {  	s5 =	sor.u32 s4, s20;
	_ =	strace $0x80000050;
	[dreg:$0x3] =	wrdreg s8  }
0x8: {  	s4 =	ssub.s32 $0x2, s4;
	s20 =	simm.s32 $0x6820;
	s3 =	sshll.u32 s5, $0xB  }
0x9: {  	s6 =	sshll.u32 s5, $0x2;
	s21 =	sshll.u32 s5, $0xD;
	s5 =	sshll.u32 s5, $0x7  }
0xa: {  	s10 =	sshrl.u32 s4, $0x1;
	s7 =	sadd.s32 s3, s0;
	s6 =	sadd.s32 s6, s0  }
0xb: {  	s3 =	sadd.s32 $0x4800, s0;
	s9 =	sadd.s32 s21, s0;
	s0 =	sadd.s32 s5, s0  }
0xc: {  	s8 =	sadd.s32 s1, s5;
	s26 =	ssub.s32 s4, s10;
	s7 =	sadd.s32 $0x110E00, s7  }
0xd: {  	s21 =	simm.s32 $0x2;
	s6 =	sadd.s32 $0x120E00, s6;
	[dreg:$0x4] =	wrdreg s7  }
0xe: {  	s0 =	sadd.s32 $0x161000, s0;
	s22 =	sadd.s32 $0x121000, s9;
	[dreg:$0x5] =	wrdreg s6  }
0xf: {  	s23 =	sadd.s32 $0x1000, s8;
	s24 =	sadd.s32 $0x2000, s8;
	[dreg:$0x6] =	wrdreg s0  }
0x10: {  	s25 =	sadd.s32 $0x121400, s9;
	s13 =	sadd.s32 $0x121800, s9;
	[dreg:$0x7] =	wrdreg s22  }
0x11: {  	s14 =	sadd.s32 $0x121C00, s9;
	s15 =	smax.u32 s26, $0x1;
	[dreg:$0x8] =	wrdreg s23  }
0x12: {  	v0 =	vlaneseq.u32;
	s16 =	sadd.s32 $0x122400, s9;
	s17 =	sadd.s32 $0x122800, s9;
	[dreg:$0x9] =	wrdreg s24  }
0x13: {  	vm0 =	vmmov $0x1;
	v1 =	vimm.s32 $0x0;
	v2 =	vor.u32 $0x10, v0;
	s18 =	sadd.s32 $0x122000, s9;
	s19 =	sadd.s32 $0x122C00, s9;
	[dreg:$0xa] =	wrdreg s25  }
.LBB2_1:
0x14: {  	s0 =	rddreg [dreg:$0x3]  }
0x15: {  	[tilespmem:s20], [sflag:$0x2] =	stream.linear.gather [hbm4b:s0+s2], $0xC000, $0x38;
	[tilespmem:$0x13420] =	vst v63  }
0x16: {  	_ =	swait.ge [sflag:s21], $0xC000  }
0x17: {  	[sflag:s21] =	ssyncset.done $0x0  }
0x18: {  	s25 =	rddreg [dreg:$0x4];
	[sflag:s21] =	ssyncadd.s32 $0xFFFF4000  }
0x19: {  	[tilespmem:s2], [sflag:$0x2] =	stream.linear.gather [hbm4b:s25+s2], $0x4000, $0x38;
	[tilespmem:$0x13420] =	vst v63  }
0x1a: {  	_ =	swait.ge [sflag:s21], $0x4000  }
0x1b: {  	s1 =	simm.s32 $0x4000;
	[sflag:s21] =	ssyncset.done $0x0  }
.Ltmp0:
0x1c: {  	s26 =	rddreg [dreg:$0x5];
	[sflag:s21] =	ssyncadd.s32 $0xFFFFC000;
	(pc) =	sbr.rel .LBB2_2-.Ltmp0, $4  }
0x1d: {  	[tilespmem:s1], [sflag:$0x2] =	stream.linear.gather [hbm4b:s26+s2], $0x20, $0x38;
	[tilespmem:$0x13420] =	vst v63  }
0x1e: {  	_ =	swait.ge [sflag:s21], $0x20  }
0x1f: {  	[sflag:s21] =	ssyncset.done $0x0  }
0x20: {  	s0 =	simm.s32 $0x0;
	[sflag:s21] =	ssyncadd.s32 $0xFFFFFFE0  }
.LBB2_9:
0x21: {  	v3 =	vld [tilespmem:s1+$0x4020];
	_ =	sdelay $0x4  }
0x22: {  	v4 =	vnsel vm0, $0x0, v3  }
0x23: {  	(xrf0) =	vadd.scan.msk.s32 $0xffff, v4;
	_ =	sdelay $0x5  }
0x24: {  	v4, _, _ =	vpop (xrf0)  }
0x25: {  	(v2sf) =	vpush v4, $0xF;
	_ =	sdelay $0xc  }
0x26: {  	p0 =	slt.s32 s7, $0x20  }
0x27: {  	p1 =	sgt.s32 s7, $0x0;
	v63 =	vld [tilespmem:s1+$0x4030];
	s7 =	simm.s32 @!p0 $0x20  }
0x28: {  	s0 =	sadd.s32 $0x1, s0;
	v5 =	vmov s7;
	s4 =	spop (v2sf)  }
0x29: {  	p0 =	sne.s32 s0, $0x20;
	vm1 =	vgt.s32 v5, v0;
	s4 =	simm.s32 @!p1 $0x0  }
.Ltmp1:
0x2a: {  	v3 =	vnsel vm1, s4, v3;
	(pc) =	sbr.rel @!p0 .LBB2_10-.Ltmp1, $4  }
0x2b: {  	[tilespmem:s1+$0x4020] =	vst v3;
	v3 =	vsel vm1, $0x1, v1;
	vm1 =	vgt.s32 v5, v2  }
0x2c: {  	[tilespmem:s1+$0x4420] =	vst v3;
	v3 =	vnsel vm1, s4, v63  }
0x2d: {  	[tilespmem:s1+$0x4030] =	vst v3;
	v3 =	vsel vm1, $0x1, v1  }
0x2e: {  	[tilespmem:s1+$0x4430] =	vst v3  }
.LBB2_2:
0x2f: {  	s1 =	sand.u32 $0x10, s0  }
0x30: {  	v3 =	vld [tilespmem:s1+$0x4000];
	_ =	sdelay $0x1  }
0x31: {  	s25 =	sand.u32 $0xF, s0  }
0x32: {  	v4 =	vmov s25  }
0x33: {  	vm1 =	veq.s32 v4, v0  }
0x34: {  	v3 =	vnsel vm1, $0x0, v3  }
0x35: {  	(xrf0) =	vadd.scan.msk.s32 $0xffff, v3;
	_ =	sdelay $0x5  }
0x36: {  	v3, _, _ =	vpop (xrf0)  }
0x37: {  	(v2sf) =	vpush v3, $0xF;
	_ =	sdelay $0xa  }
.Ltmp2:
0x38: {  	_ = 	snop;
	(pc) =	sbr.rel .LBB2_3-.Ltmp2, $4  }
0x39: {  	_ = 	snop  }
0x3a: {  	s26 =	sshll.u32 s0, $0x9  }
0x3b: {  	s7 =	simm.s32 $0x0;
	s4 =	sand.u32 $0x3FFFFE00, s26;
	s1 =	sshll.u32 s0, $0x5  }
0x3c: {  	s23 =	simm.s32 $0x10;
	s24 =	simm.s32 $0x0;
	v4 =	vmov s4;
	v3 =	vmov s1;
	s22 =	spop (v2sf)  }
.LBB2_4:
0x3d: {  	s7 =	smov.u32 @p0 s7  }
.LBB2_8:
0x3e: {  	s24 =	sadd.s32 $0x1, s24  }
0x3f: {  	p0 =	sne.s32 s24, $0x20  }
.Ltmp3:
0x40: {  	_ = 	snop;
	(pc) =	sbr.rel @!p0 .LBB2_9-.Ltmp3, $2  }
0x41: {  	_ =	sdelay $0x2  }
0x42: {  	s23 =	sadd.s32 $0x200, s23  }
.LBB2_3:
0x43: {  	s4 =	sshrl.u32 s22, s24  }
0x44: {  	s4 =	sand.u32 $0x1, s4  }
0x45: {  	p0 =	sgt.s32 s7, $0x1F;
	p1 =	seq.s32 s4, $0x1  }
0x46: {  	p1 =	por p0, !p1  }
.Ltmp4:
0x47: {  	_ = 	snop;
	(pc) =	sbr.rel @p1 .LBB2_4-.Ltmp4, $1  }
0x48: {  	_ =	sdelay $0x3  }
0x49: {  	_ =	sdelay $0x2  }
0x4a: {  	s4 =	sshll.u32 s24, $0x4  }
0x4b: {  	v14 =	vld.idx.msk [tilespmem:v4+s4+$0x0 ss:$0x1], $0xffff;
	_ =	sdelay $0x1  }
0x4c: {  	s12 =	simm.s32 $0x0  }
0x4d: {  	v5 =	vmov s12  }
0x4e: {  	vm1 =	veq.s32 v5, v0  }
0x4f: {  	v5 =	vnsel vm1, $0x0, v14  }
0x50: {  	(xrf0) =	vadd.scan.msk.s32 $0xffff, v5;
	_ =	sdelay $0x5  }
0x51: {  	v5, _, _ =	vpop (xrf0)  }
0x52: {  	s25 =	simm.s32 $0x1;
	(v2sf) =	vpush v5, $0xF  }
0x53: {  	v6 =	vmov s25  }
0x54: {  	vm1 =	veq.s32 v6, v0  }
0x55: {  	v6 =	vnsel vm1, $0x0, v14  }
0x56: {  	(xrf0) =	vadd.scan.msk.s32 $0xffff, v6;
	_ =	sdelay $0x5  }
0x57: {  	v6, _, _ =	vpop (xrf0)  }
0x58: {  	(v2sf) =	vpush v6, $0xF;
	_ =	sdelay $0x3  }
0x59: {  	s26 =	simm.s32 $0x2;
	s5 =	spop (v2sf)  }
0x5a: {  	v7 =	vmov s26;
	p6 =	seq.s32 s5, $0x0  }
0x5b: {  	vm1 =	veq.s32 v7, v0;
	v5 =	vbroadcast @!p6 v5, $0xF  }
0x5c: {  	v7 =	vnsel vm1, $0x0, v14;
	v8 =	vlaneseq.u32 @!p6  }
0x5d: {  	(xrf0) =	vadd.scan.msk.s32 $0xffff, v7;
	v7 =	vshrl.u32 @!p6 v5, v8  }
0x5e: {  	v7 =	vand.u32 @!p6 $0x1, v7  }
0x5f: {  	(xrf0) =	vadd.scan.msk.s32 @!p6 $0xffff, v7;
	_ =	sdelay $0x3  }
0x60: {  	s6 =	simm.s32 $0x3  }
0x61: {  	v9 =	vmov s6;
	v10, _, _ =	vpop (xrf0);
	s9 =	spop (v2sf);
	p0 =	por p6, p6;
	v12 =	vor.u32 @!p6 $0x10, v8  }
0x62: {  	vm1 =	veq.s32 v9, v0;
	(v2sf) =	vpush v10, $0xF;
	p2 =	seq.s32 s9, $0x0;
	v5 =	vshrl.u32 @!p0 v5, v12;
	v11, _, _ =	vpop @!p6 (xrf0)  }
0x63: {  	v12 =	vbroadcast @!p2 v6, $0xF;
	v6 =	vnsel vm1, $0x0, v14;
	(v2sf) =	vpush @!p0 v11, $0xF  }
0x64: {  	(xrf0) =	vadd.scan.msk.s32 $0xffff, v6;
	_ =	sdelay $0x4  }
0x65: {  	v9 =	vlaneseq.u32 @!p2;
	v13 =	vand.u32 @!p0 $0x1, v5  }
0x66: {  	v5 =	vshrl.u32 @!p2 v12, v9;
	(xrf0) =	vadd.scan.msk.s32 @!p0 $0xffff, v13;
	v20, _, _ =	vpop (xrf0)  }
0x67: {  	v15 =	vand.u32 @!p2 $0x1, v5;
	(v2sf) =	vpush v20, $0xF  }
0x68: {  	(xrf0) =	vadd.scan.msk.s32 @!p2 $0xffff, v15  }
0x69: {  	s6 =	simm.s32 $0x4  }
0x6a: {  	v17 =	vmov s6;
	s4 =	sadd.s32 @!p6 $0xFFFFFFF0, s23  }
0x6b: {  	vm3 =	veq.s32 v17, v0;
	vm1 =	veq.s32 @!p6 v7, $0x1;
	v7 =	vor.u32 @!p6 s4, v8;
	s4 =	sadd.s32 $0x20, s23  }
0x6c: {  	p1 =	por p2, p2;
	v5 =	vor.u32 @!p6 s23, v8;
	v8 =	vor.u32 @!p2 $0x10, v9;
	v6 =	vor.u32 @!p2 s4, v9;
	p0 =	por p0, p0;
	v16, _, _ =	vpop @!p6 (xrf0)  }
0x6d: {  	s10 =	spop (v2sf);
	s5 =	sadd.s32 @!p2 $0xFFFFFFF0, s4;
	v8 =	vshrl.u32 @!p1 v12, v8;
	v12 =	vnsel vm3, $0x0, v14;
	(v2sf) =	vpush @!p0 v16, $0xF  }
0x6e: {  	p3 =	seq.s32 s10, $0x0;
	vm2 =	veq.s32 @!p2 v15, $0x1;
	v9 =	vor.u32 @!p2 s5, v9;
	v17 =	vand.u32 @!p1 $0x1, v8;
	(xrf0) =	vadd.scan.msk.s32 $0xffff, v12;
	v15, _, _ =	vpop @!p2 (xrf0);
	s5 =	spop @!p6 (v2sf)  }
0x6f: {  	v21 =	vbroadcast @!p3 v10, $0xF;
	(xrf0) =	vadd.scan.msk.s32 @!p1 $0xffff, v17;
	(v2sf) =	vpush @!p1 v15, $0xF;
	s5 =	sadd.s32 @!p0 s7, s5  }
0x70: {  	v10 =	vlaneseq.u32 @!p3;
	v18 =	vmov @!p0 s7;
	v19 =	vmov @!p0 s5  }
0x71: {  	v12 =	vshrl.u32 @!p3 v21, v10;
	v18 =	vadd.s32 @!p0 $0xFFFFFFFF, v18;
	v19 =	vadd.s32 @!p0 $0xFFFFFFFF, v19  }
0x72: {  	v12 =	vand.u32 @!p3 $0x1, v12;
	v18 =	vbroadcast @!p0 v18, $0x0  }
0x73: {  	vm4 =	veq.s32 @!p3 v12, $0x1;
	(xrf0) =	vadd.scan.msk.s32 @!p3 $0xffff, v12;
	v12 =	vbroadcast @!p0 v19, $0x0  }
0x74: {  	vm3 =	vmmov vm2;
	vm2 =	veq.s32 @!p0 v13, $0x1;
	v11 =	vadd.s32 @!p0 v11, v18;
	p0 =	por p0, p0;
	v19, _, _ =	vpop (xrf0)  }
0x75: {  	s11 =	simm.s32 $0x5;
	p5 =	por p1, p1;
	v12 =	vadd.s32 @!p0 v16, v12;
	(v2sf) =	vpush v19, $0xF;
	v16, _, _ =	vpop @!p2 (xrf0)  }
0x76: {  	p4 =	por p3, p3;
	v22 =	vor.u32 @!p3 $0x10, v10;
	vm1 =	vmmov vm1;
	s12 =	sadd.s32 $0x20, s4;
	s9 =	spop (v2sf);
	(v2sf) =	vpush @!p5 v16, $0xF  }
0x77: {  	v23 =	vmov s11;
	v24 =	vshrl.u32 @!p4 v21, v22;
	vm1 =	vmmov vm1;
	s4 =	sadd.s32 @!p3 $0xFFFFFFF0, s12;
	p1 =	seq.s32 s9, $0x0  }
0x78: {  	v8 =	vor.u32 @!p3 s12, v10;
	v10 =	vor.u32 @!p3 s4, v10;
	v21 =	vbroadcast @!p1 v20, $0xF  }
0x79: {  	v20 =	vand.u32 @!p4 $0x1, v24;
	vm5 =	vlt.s32 @!p0 v11, $0x20;
	vm6 =	vgt.s32 @!p0 v11, $0x0  }
0x7a: {  	vm1 =	vmand @!p0 vm5, vm1;
	v11 =	vnsel @!p0 vm6, $0x0, v11;
	vm6 =	vgt.s32 @!p0 v12, $0x0  }
0x7b: {  	s26 =	simm.s32 @!p2 $0x4020;
	vm5 =	vlt.s32 @!p0 v12, $0x20;
	v11 =	vmin.u32 @!p0 v11, $0x1F;
	v13 =	vnsel @!p0 vm6, $0x0, v12  }
0x7c: {  	s25 =	simm.s32 @!p3 $0x4020;
	s4 =	simm.s32 @!p6 $0x4020;
	s10 =	spop @!p6 (v2sf);
	vm2 =	vmand @!p0 vm5, vm2;
	v12 =	vor.u32 @!p0 v3, v11;
	v11 =	vmin.u32 @!p0 v13, $0x1F  }
0x7d: {  	s9 =	simm.s32 $0x6;
	s6 =	simm.s32 @!p1 $0x4020;
	s10 =	sadd.s32 @!p0 s10, s5;
	v18, _, _ =	vpop @!p3 (xrf0);
	vm5 =	veq.s32 v23, v0;
	v13 =	vor.u32 @!p0 v3, v11;
	v11 =	vlaneseq.u32 @!p1  }
0x7e: {  	s11 =	spop @!p2 (v2sf);
	s5 =	sadd.s32 $0x20, s12;
	s10 =	smov.u32 @p0 s7;
	(v2sf) =	vpush @!p4 v18, $0xF;
	v23 =	vnsel vm5, $0x0, v14;
	v22 =	vor.u32 @!p1 $0x10, v11  }
.LBB2_6:
0x7f: {  	p6 =	por p2, p2;
	s7 =	smov.u32 s10  }
0x80: {  	v25 =	vmov @!p5 s10;
	s10 =	sadd.s32 @!p5 s10, s11;
	s11 =	smov.u32 s9;
	s9 =	sadd.s32 $0x1, s9  }
0x81: {  	p2 =	por p3, p3;
	p3 =	por p1, p1;
	(xrf0) =	vadd.scan.msk.s32 $0xffff, v23;
	v24 =	vor.u32 @!p1 s5, v11;
	[tilespmem:v12+s4+$0x0] =	vst.idx.msk @!p0 vm1, v7;
	v23 =	vshrl.u32 @!p1 v21, v11;
	p1 =	sne.s32 s9, $0x10  }
0x82: {  	vm5 =	vmmov vm3;
	v25 =	vadd.s32 @!p5 $0xFFFFFFFF, v25;
	[tilespmem:v13+s4+$0x0] =	vst.idx.msk @!p0 vm2, v5;
	s4 =	smov.u32 s26;
	s12 =	simm.s32 @!p1 $0x0  }
0x83: {  	vm3 =	vmmov vm4;
	(xrf0) =	vadd.scan.msk.s32 @!p4 $0xffff, v20;
	v26 =	vmov @!p5 s10;
	s26 =	smov.u32 s25;
	s25 =	smov.u32 s6;
	v25 =	vbroadcast @!p5 v25, $0x0;
	s12 =	simm.s32 @p1 $0x1  }
0x84: {  	vm2 =	veq.s32 @!p5 v17, $0x1;
	v23 =	vand.u32 @!p3 $0x1, v23;
	v26 =	vadd.s32 @!p5 $0xFFFFFFFF, v26;
	[smem:$0x7FD] =	sst s12;
	s12 =	sadd.s32 @!p3 $0xFFFFFFF0, s5;
	s6 =	spop (v2sf)  }
0x85: {  	v7 =	vmovc v9;
	v9 =	vmovc v10;
	p0 =	por p5, p5;
	v12 =	vbroadcast @!p5 v26, $0x0;
	v13 =	vadd.s32 @!p5 v15, v25;
	p5 =	por p4, p4;
	v11 =	vor.u32 @!p3 s12, v11;
	s12 =	spop @!p6 (v2sf)  }
0x86: {  	v5 =	vmovc v6;
	v6 =	vmov v8;
	(xrf0) =	vadd.scan.msk.s32 @!p3 $0xffff, v23;
	vm4 =	veq.s32 @!p3 v23, $0x1;
	v23 =	vmov s11;
	p4 =	por p3, p3;
	s10 =	sadd.s32 @!p0 s12, s10;
	s12 =	sld [smem:$0x7FD]  }
0x87: {  	v8 =	vmovc v24;
	v17 =	vmovc v20;
	vm1 =	vlt.s32 @!p0 v13, $0x20;
	vm6 =	vgt.s32 @!p0 v13, $0x0;
	v24 =	vshrl.u32 @!p4 v21, v22  }
0x88: {  	v10 =	vmov v11;
	v11 =	vadd.s32 @!p0 v16, v12;
	v20, _, _ =	vpop (xrf0);
	vm1 =	vmand @!p0 vm1, vm5  }
0x89: {  	v12 =	vnsel @!p0 vm6, $0x0, v13;
	vm5 =	vlt.s32 @!p0 v11, $0x20;
	(v2sf) =	vpush v20, $0xF;
	v16, _, _ =	vpop @!p2 (xrf0);
	p6 =	seq.s32 s12, $0x1  }
.Ltmp5:
0x8a: {  	v12 =	vmin.u32 @!p0 v12, $0x1F;
	vm6 =	vgt.s32 @!p0 v11, $0x0;
	(v2sf) =	vpush @!p5 v16, $0xF;
	(pc) =	sbr.rel @p6 .LBB2_6-.Ltmp5, $4  }
0x8b: {  	v15 =	vmovc v18;
	vm2 =	vmand @!p0 vm5, vm2;
	v11 =	vnsel @!p0 vm6, $0x0, v11;
	vm5 =	veq.s32 v23, v0  }
0x8c: {  	v12 =	vor.u32 @!p0 v3, v12;
	v18, _, _ =	vpop @!p3 (xrf0);
	v11 =	vmin.u32 @!p0 v11, $0x1F;
	v23 =	vnsel vm5, $0x0, v14;
	p1 =	seq.s32 s6, $0x0  }
0x8d: {  	s5 =	sadd.s32 $0x20, s5;
	v13 =	vor.u32 @!p0 v3, v11;
	(v2sf) =	vpush @!p4 v18, $0xF;
	v11 =	vlaneseq.u32 @!p1  }
0x8e: {  	v21 =	vbroadcast @!p1 v19, $0xF;
	s6 =	simm.s32 @!p1 $0x4020;
	s11 =	spop @!p2 (v2sf);
	v19 =	vmovc v20;
	v20 =	vand.u32 @!p4 $0x1, v24;
	v22 =	vor.u32 @!p1 $0x10, v11;
	s10 =	smov.u32 @p0 s7  }
0x8f: {  	_ = 	snop  }
0x90: {  	(xrf0) =	vadd.scan.msk.s32 $0xffff, v23;
	v14 =	vshrl.u32 @!p1 v21, v11  }
0x91: {  	(xrf0) =	vadd.scan.msk.s32 @!p4 $0xffff, v20;
	v23 =	vand.u32 @!p1 $0x1, v14  }
0x92: {  	(xrf0) =	vadd.scan.msk.s32 @!p1 $0xffff, v23;
	_ =	sdelay $0x2  }
0x93: {  	p6 =	por p1, p1  }
0x94: {  	v14 =	vshrl.u32 @!p6 v21, v22;
	v21, _, _ =	vpop (xrf0)  }
0x95: {  	p4 =	por p4, p4;
	(v2sf) =	vpush v21, $0xF;
	v24, _, _ =	vpop @!p3 (xrf0)  }
0x96: {  	v22 =	vand.u32 @!p6 $0x1, v14;
	(v2sf) =	vpush @!p4 v24, $0xF;
	v25, _, _ =	vpop @!p1 (xrf0)  }
0x97: {  	(xrf0) =	vadd.scan.msk.s32 @!p6 $0xffff, v22;
	s12 =	spop (v2sf);
	(v2sf) =	vpush @!p6 v25, $0xF;
	p6 =	por p6, p6  }
0x98: {  	s9 =	simm.s32 @!p6 $0x0  }
0x99: {  	s9 =	simm.s32 @p6 $0x1  }
0x9a: {  	[smem:$0x7F7] =	sst s9  }
0x9b: {  	p6 =	seq.s32 s12, $0x0;
	s12 =	sld [smem:$0x7F7];
	_ =	sdelay $0x1  }
0x9c: {  	s7 =	simm.s32 @!p4 $0x0  }
0x9d: {  	s7 =	simm.s32 @p4 $0x1;
	v26, _, _ =	vpop @!p1 (xrf0);
	v19 =	vbroadcast @!p6 v19, $0xF;
	p4 =	seq.s32 s12, $0x1  }
0x9e: {  	v14 =	vlaneseq.u32 @!p6;
	(v2sf) =	vpush @!p4 v26, $0xF  }
0x9f: {  	[smem:$0x7F6] =	sst s7;
	s7 =	spop @!p2 (v2sf);
	p2 =	por p5, p5;
	v27 =	vshrl.u32 @!p6 v19, v14  }
0xa0: {  	s9 =	sadd.s32 @!p5 s10, s11;
	s11 =	simm.s32 @!p2 $0x0;
	v27 =	vand.u32 @!p6 $0x1, v27  }
0xa1: {  	v29 =	vor.u32 @!p6 $0x10, v14;
	s11 =	simm.s32 @p2 $0x1;
	(xrf0) =	vadd.scan.msk.s32 @!p6 $0xffff, v27;
	s12 =	sld [smem:$0x7F6];
	p4 =	por p6, p6  }
0xa2: {  	v28 =	vmov @!p5 s10;
	[smem:$0x7FB] =	sst s11;
	s11 =	spop @!p3 (v2sf);
	v19 =	vshrl.u32 @!p4 v19, v29  }
0xa3: {  	v28 =	vadd.s32 @!p5 $0xFFFFFFFF, v28;
	s7 =	sadd.s32 @!p2 s7, s9;
	v29 =	vmov @!p5 s9;
	v19 =	vand.u32 @!p4 $0x1, v19;
	s9 =	spop (v2sf)  }
0xa4: {  	v28 =	vbroadcast @!p5 v28, $0x0;
	s7 =	smov.u32 @p2 s10;
	(xrf0) =	vadd.scan.msk.s32 @!p4 $0xffff, v19;
	s10 =	spop @!p3 (v2sf);
	p3 =	seq.s32 s12, $0x1  }
0xa5: {  	vm6 =	veq.s32 @!p5 v17, $0x1;
	s11 =	sadd.s32 @!p3 s7, s11;
	p2 =	por p3, p3  }
0xa6: {  	v28 =	vadd.s32 @!p5 v15, v28;
	v15 =	vmov @!p3 s7;
	v17 =	vmov @!p3 s11;
	s12 =	simm.s32 @!p2 $0x0;
	s10 =	sadd.s32 @!p2 s10, s11;
	s11 =	sld [smem:$0x7FB]  }
0xa7: {  	v30, _, _ =	vpop @!p6 (xrf0);
	v15 =	vadd.s32 @!p3 $0xFFFFFFFF, v15;
	s12 =	simm.s32 @p2 $0x1;
	s10 =	smov.u32 @p2 s7;
	p2 =	seq.s32 s9, $0x0  }
0xa8: {  	(v2sf) =	vpush @!p4 v30, $0xF;
	v15 =	vbroadcast @!p3 v15, $0x0;
	s9 =	sld [smem:$0x7F7];
	s7 =	simm.s32 @!p2 $0x0  }
0xa9: {  	vm3 =	vmmov vm3;
	v29 =	vadd.s32 @!p5 $0xFFFFFFFF, v29;
	v17 =	vadd.s32 @!p3 $0xFFFFFFFF, v17;
	[smem:$0x7F8] =	sst s12;
	s7 =	simm.s32 @p2 $0x1  }
0xaa: {  	vm7 =	veq.s32 @!p3 v20, $0x1;
	v17 =	vbroadcast @!p3 v17, $0x0;
	v32, _, _ =	vpop @!p6 (xrf0);
	v18 =	vadd.s32 @!p3 v18, v15;
	p3 =	por p4, p4;
	[smem:$0x7FA] =	sst s7  }
0xab: {  	v29 =	vbroadcast @!p5 v29, $0x0;
	v21 =	vbroadcast @!p2 v21, $0xF;
	p5 =	seq.s32 s9, $0x1;
	s7 =	spop @!p1 (v2sf);
	s9 =	simm.s32 @!p6 $0x0;
	(v2sf) =	vpush @!p3 v32, $0xF  }
0xac: {  	vm11 =	vmmov vm4;
	v15 =	vlaneseq.u32 @!p2;
	p4 =	por p6, p6;
	v31 =	vmov @!p5 s10;
	s7 =	sadd.s32 @!p5 s10, s7;
	s9 =	simm.s32 @p6 $0x1  }
0xad: {  	v20 =	vshrl.u32 @!p2 v21, v15;
	vm9 =	veq.s32 @!p4 v27, $0x1;
	p6 =	por p5, p5;
	v31 =	vadd.s32 @!p5 $0xFFFFFFFF, v31;
	[smem:$0x7FC] =	sst s9;
	s9 =	spop @!p1 (v2sf)  }
0xae: {  	s12 =	sld [smem:$0x7F8];
	p4 =	por p2, p2;
	v20 =	vand.u32 @!p2 $0x1, v20;
	v33 =	vmov @!p5 s7;
	v31 =	vbroadcast @!p5 v31, $0x0;
	s7 =	sadd.s32 @!p6 s9, s7  }
0xaf: {  	vm10 =	veq.s32 @!p1 v23, $0x1;
	vm8 =	veq.s32 @!p5 v22, $0x1;
	(xrf0) =	vadd.scan.msk.s32 @!p2 $0xffff, v20;
	v22 =	vadd.s32 @!p5 $0xFFFFFFFF, v33;
	s9 =	simm.s32 @!p4 $0x0;
	s7 =	smov.u32 @p6 s10;
	s10 =	sld [smem:$0x7FB]  }
0xb0: {  	vm10 =	vmmov vm10;
	v22 =	vbroadcast @!p5 v22, $0x0;
	v25 =	vadd.s32 @!p5 v25, v31;
	p5 =	seq.s32 s11, $0x1;
	s11 =	sld [smem:$0x7FA];
	s9 =	simm.s32 @p4 $0x1  }
0xb1: {  	vm10 =	vmmov vm10;
	vm5 =	veq.s32 @!p2 v20, $0x1;
	v23 =	vmov @!p3 s7;
	[smem:$0x7F9] =	sst s9  }
0xb2: {  	v20 =	vor.u32 @!p2 $0x10, v15;
	v16 =	vadd.s32 @!p5 v16, v29;
	p5 =	seq.s32 s12, $0x1;
	v23 =	vadd.s32 @!p3 $0xFFFFFFFF, v23;
	s12 =	sld [smem:$0x7F9];
	p2 =	seq.s32 s10, $0x1  }
0xb3: {  	v20 =	vshrl.u32 @!p4 v21, v20;
	v17 =	vadd.s32 @!p5 v24, v17;
	s10 =	sld [smem:$0x7FC];
	vm4 =	vlt.s32 @!p2 v28, $0x20  }
0xb4: {  	p4 =	seq.s32 s11, $0x1;
	v21 =	vbroadcast @!p3 v23, $0x0;
	vm12 =	vgt.s32 @!p2 v28, $0x0;
	vm3 =	vmand @!p2 vm4, vm3  }
0xb5: {  	v23, _, _ =	vpop @!p4 (xrf0);
	v24 =	vnsel @!p2 vm12, $0x0, v28;
	vm4 =	vgt.s32 @!p2 v16, $0x0;
	p4 =	seq.s32 s12, $0x1;
	vm12 =	vlt.s32 @!p2 v16, $0x20  }
0xb6: {  	s11 =	sld [smem:$0x7F9];
	(v2sf) =	vpush @!p4 v23, $0xF;
	v24 =	vmin.u32 @!p2 v24, $0x1F;
	v16 =	vnsel @!p2 vm4, $0x0, v16;
	p4 =	seq.s32 s10, $0x1  }
0xb7: {  	vm4 =	vmand @!p2 vm12, vm6;
	vm6 =	vmmov vm11;
	vm11 =	vlt.s32 @!p5 v18, $0x20;
	s9 =	spop @!p4 (v2sf)  }
0xb8: {  	s12 =	sld [smem:$0x7F9];
	v24 =	vor.u32 @!p2 v3, v24;
	v16 =	vmin.u32 @!p2 v16, $0x1F;
	vm6 =	vmand @!p5 vm11, vm6;
	s9 =	sadd.s32 @!p3 s7, s9  }
0xb9: {  	vm11 =	veq.s32 @!p3 v19, $0x1;
	v16 =	vor.u32 @!p2 v3, v16;
	p2 =	seq.s32 s11, $0x1;
	v19 =	vmov @!p3 s9  }
0xba: {  	vm13 =	vmmov vm9;
	v20 =	vand.u32 @!p2 $0x1, v20;
	p2 =	por p3, p3;
	s10 =	spop @!p4 (v2sf);
	v19 =	vadd.s32 @!p3 $0xFFFFFFFF, v19  }
0xbb: {  	v21 =	vadd.s32 @!p3 v30, v21;
	vm12 =	vgt.s32 @!p5 v18, $0x0;
	s9 =	sadd.s32 @!p2 s10, s9;
	v19 =	vbroadcast @!p3 v19, $0x0;
	p3 =	seq.s32 s12, $0x1  }
0xbc: {  	vm5 =	vmmov vm5;
	v18 =	vnsel @!p5 vm12, $0x0, v18;
	vm12 =	vlt.s32 @!p5 v17, $0x20;
	s9 =	smov.u32 @p2 s7;
	p4 =	por p3, p3  }
0xbd: {  	v22 =	vadd.s32 @!p6 v26, v22;
	vm7 =	vmand @!p5 vm12, vm7;
	(xrf0) =	vadd.scan.msk.s32 @!p3 $0xffff, v20;
	v26 =	vmov @!p4 s9  }
0xbe: {  	vm12 =	vgt.s32 @!p5 v17, $0x0;
	v18 =	vmin.u32 @!p5 v18, $0x1F;
	v26 =	vadd.s32 @!p4 $0xFFFFFFFF, v26  }
0xbf: {  	s11 =	sld [smem:$0x7FA];
	v17 =	vnsel @!p5 vm12, $0x0, v17;
	vm12 =	vlt.s32 @!p6 v25, $0x20;
	v26 =	vbroadcast @!p4 v26, $0x0  }
0xc0: {  	[tilespmem:v12+s4+$0x0] =	vst.idx.msk @!p0 vm1, v7;
	vm1 =	vmmov vm5;
	v18 =	vor.u32 @!p5 v3, v18;
	vm9 =	vmand @!p6 vm12, vm10  }
0xc1: {  	vm10 =	vgt.s32 @!p6 v25, $0x0;
	vm12 =	vlt.s32 @!p2 v21, $0x20;
	v17 =	vmin.u32 @!p5 v17, $0x1F  }
0xc2: {  	v25 =	vnsel @!p6 vm10, $0x0, v25;
	vm10 =	vlt.s32 @!p6 v22, $0x20;
	v17 =	vor.u32 @!p5 v3, v17;
	p3 =	seq.s32 s11, $0x1  }
0xc3: {  	vm8 =	vmand @!p6 vm10, vm8;
	vm10 =	vgt.s32 @!p6 v22, $0x0;
	v23 =	vadd.s32 @!p4 v23, v26;
	v26, _, _ =	vpop @!p3 (xrf0)  }
0xc4: {  	s12 =	sld [smem:$0x7FB];
	v22 =	vnsel @!p6 vm10, $0x0, v22;
	vm10 =	vmmov vm13;
	(v2sf) =	vpush @!p4 v26, $0xF  }
0xc5: {  	v19 =	vadd.s32 @!p2 v32, v19;
	vm10 =	vmand @!p2 vm12, vm10;
	vm12 =	vgt.s32 @!p2 v21, $0x0  }
0xc6: {  	v25 =	vmin.u32 @!p6 v25, $0x1F;
	v21 =	vnsel @!p2 vm12, $0x0, v21;
	vm12 =	vlt.s32 @!p2 v19, $0x20;
	s7 =	spop @!p3 (v2sf)  }
0xc7: {  	[tilespmem:v13+s4+$0x0] =	vst.idx.msk @!p0 vm2, v5;
	v22 =	vmin.u32 @!p6 v22, $0x1F;
	p0 =	seq.s32 s12, $0x1;
	vm11 =	vmand @!p2 vm12, vm11;
	vm12 =	vgt.s32 @!p2 v19, $0x0;
	s7 =	sadd.s32 @!p4 s9, s7  }
0xc8: {  	[tilespmem:v24+s26+$0x0] =	vst.idx.msk @!p0 vm3, v9;
	v19 =	vnsel @!p2 vm12, $0x0, v19;
	vm12 =	veq.s32 @!p4 v20, $0x1;
	v20 =	vmov @!p4 s7  }
0xc9: {  	v25 =	vor.u32 @!p6 v3, v25;
	v22 =	vor.u32 @!p6 v3, v22;
	[tilespmem:v16+s26+$0x0] =	vst.idx.msk @!p0 vm4, v6;
	v20 =	vadd.s32 @!p4 $0xFFFFFFFF, v20  }
0xca: {  	s4 =	sadd.s32 @!p1 $0xFFFFFFF0, s5;
	v5 =	vmin.u32 @!p2 v21, $0x1F;
	[tilespmem:v18+s25+$0x0] =	vst.idx.msk @!p5 vm6, v10;
	v6 =	vmin.u32 @!p2 v19, $0x1F;
	v20 =	vbroadcast @!p4 v20, $0x0  }
0xcb: {  	v5 =	vor.u32 @!p2 v3, v5;
	[tilespmem:v17+s25+$0x0] =	vst.idx.msk @!p5 vm7, v8;
	v8 =	vor.u32 @!p1 s4, v11;
	v6 =	vor.u32 @!p2 v3, v6;
	p4 =	por p4, p4  }
0xcc: {  	s26 =	sld [smem:$0x7FC];
	vm5 =	vlt.s32 @!p4 v23, $0x20;
	vm2 =	vgt.s32 @!p4 v23, $0x0;
	v7 =	vadd.s32 @!p4 v26, v20  }
0xcd: {  	vm1 =	vmand @!p4 vm5, vm1;
	v9 =	vnsel @!p4 vm2, $0x0, v23;
	vm3 =	vgt.s32 @!p4 v7, $0x0  }
0xce: {  	vm2 =	vlt.s32 @!p4 v7, $0x20;
	v9 =	vmin.u32 @!p4 v9, $0x1F;
	v7 =	vnsel @!p4 vm3, $0x0, v7  }
0xcf: {  	s4 =	sadd.s32 $0x20, s5;
	p0 =	seq.s32 s26, $0x1;
	vm2 =	vmand @!p4 vm2, vm12;
	v9 =	vor.u32 @!p4 v3, v9;
	v7 =	vmin.u32 @!p4 v7, $0x1F  }
0xd0: {  	v10 =	vor.u32 @!p1 s5, v11;
	[tilespmem:v25+s6+$0x0] =	vst.idx.msk @!p6 vm9, v8;
	s5 =	sadd.s32 @!p0 $0xFFFFFFF0, s4;
	v7 =	vor.u32 @!p4 v3, v7  }
.Ltmp6:
0xd1: {  	s10 =	simm.s32 @!p0 $0x4020;
	[tilespmem:v22+s6+$0x0] =	vst.idx.msk @!p6 vm8, v10;
	v8 =	vor.u32 @!p0 s5, v14;
	s5 =	sadd.s32 $0x20, s4;
	(pc) =	sbr.rel .LBB2_8-.Ltmp6, $4  }
0xd2: {  	v10 =	vor.u32 @!p0 s4, v14;
	s4 =	sadd.s32 @!p3 $0xFFFFFFF0, s5;
	[tilespmem:v5+s10+$0x0] =	vst.idx.msk @!p2 vm10, v8  }
0xd3: {  	s6 =	simm.s32 @!p3 $0x4020;
	v5 =	vor.u32 @!p3 s4, v15;
	[tilespmem:v6+s10+$0x0] =	vst.idx.msk @!p2 vm11, v10;
	s4 =	spop @!p3 (v2sf)  }
0xd4: {  	v6 =	vor.u32 @!p3 s5, v15;
	[tilespmem:v9+s6+$0x0] =	vst.idx.msk @!p4 vm1, v5;
	s7 =	sadd.s32 @!p4 s4, s7  }
0xd5: {  	[tilespmem:v7+s6+$0x0] =	vst.idx.msk @!p4 vm2, v6;
	s7 =	smov.u32 @p4 s9  }
.LBB2_10:
0xd6: {  	s0 =	simm.s32 $0x0;
	s1 =	rddreg [dreg:$0x6];
	s4 =	simm.s32 $0x4420  }
0xd7: {  	[hbm4b:s1+s0] =	stream.linear.scatter [tilespmem:s4], [sflag:$0x2], $0x400, $0x38;
	[tilespmem:$0x13420] =	vst v63  }
0xd8: {  	_ =	swait.ge [sflag:s21], $0x400  }
0xd9: {  	[sflag:s21] =	ssyncset.done $0x0  }
0xda: {  	s0 =	simm.s32 $0x0;
	[sflag:s21] =	ssyncadd.s32 $0xFFFFFC00  }
0xdb: {  	v4 =	vld [tilespmem:s0+$0x4020];
	_ =	sdelay $0x7  }
0xdc: {  	v3 =	vld.idx.msk [tilespmem:v4+s20+$0x0], $0xffff  }
0xdd: {  	v5 =	vadd.s32 $0x4000, v4;
	_ =	sdelay $0x3  }
0xde: {  	[tilespmem:s0+$0x12820] =	vst v3  }
0xdf: {  	v3 =	vld.idx.msk [tilespmem:v5+s20+$0x0], $0xffff  }
0xe0: {  	v4 =	vadd.s32 $0x8000, v4;
	_ =	sdelay $0x2  }
0xe1: {  	s4 =	simm.s32 $0x10;
	s1 =	simm.s32 $0x80  }
.LBB2_11:
0xe2: {  	p0 =	sne.s32 s1, $0xFC0;
	v5 =	vld [tilespmem:s4+$0x4020];
	[tilespmem:s0+$0x12C20] =	vst v3  }
0xe3: {  	v3 =	vld.idx.msk [tilespmem:v4+s20+$0x0], $0xffff;
	_ =	sdelay $0x5  }
0xe4: {  	[tilespmem:s0+$0x13020] =	vst v3;
	s0 =	smov.u32 s4  }
0xe5: {  	v3 =	vld.idx.msk [tilespmem:v5+s20+$0x0], $0xffff;
	_ =	sdelay $0x1  }
0xe6: {  	v4 =	vadd.s32 $0x4000, v5;
	_ =	sdelay $0x3  }
0xe7: {  	[tilespmem:s0+$0x12820] =	vst v3  }
0xe8: {  	v3 =	vld.idx.msk [tilespmem:v4+s20+$0x0], $0xffff  }
.Ltmp7:
0xe9: {  	(pc) =	sbr.rel @p0 .LBB2_11-.Ltmp7, $2  }
0xea: {  	v4 =	vadd.s32 $0x8000, v5;
	_ =	sdelay $0x2  }
0xeb: {  	s4 =	sshra.s32 s1, $0x2;
	s1 =	sadd.s32 $0x40, s1  }
0xec: {  	_ =	sdelay $0x1  }
0xed: {  	v5 =	vld [tilespmem:s4+$0x4020]  }
0xee: {  	[tilespmem:s0+$0x12C20] =	vst v3  }
0xef: {  	v3 =	vld.idx.msk [tilespmem:v4+s20+$0x0], $0xffff;
	_ =	sdelay $0x4  }
0xf0: {  	[tilespmem:s0+$0x13020] =	vst v3  }
0xf1: {  	v3 =	vld.idx.msk [tilespmem:v5+s20+$0x0], $0xffff  }
0xf2: {  	v62 =	vadd.s32 $0x4000, v5;
	_ =	sdelay $0x3  }
0xf3: {  	[tilespmem:s4+$0x12820] =	vst v3  }
0xf4: {  	v3 =	vld.idx.msk [tilespmem:v62+s20+$0x0], $0xffff  }
0xf5: {  	v63 =	vadd.s32 $0x8000, v5;
	_ =	sdelay $0x3  }
0xf6: {  	[tilespmem:s4+$0x12C20] =	vst v3  }
0xf7: {  	v3 =	vld.idx.msk [tilespmem:v63+s20+$0x0], $0xffff;
	_ =	sdelay $0x4  }
0xf8: {  	s1 =	simm.s32 $0x12820;
	[tilespmem:s4+$0x13020] =	vst v3  }
0xf9: {  	[hbm4b:s8+s2] =	stream.linear.scatter [tilespmem:s1], [sflag:$0x2], $0x400, $0x38;
	[tilespmem:$0x13420] =	vst v63  }
0xfa: {  	_ =	swait.ge [sflag:s21], $0x400  }
0xfb: {  	[sflag:s21] =	ssyncset.done $0x0  }
0xfc: {  	s1 =	simm.s32 $0x12C20;
	s4 =	rddreg [dreg:$0x8];
	[sflag:s21] =	ssyncadd.s32 $0xFFFFFC00  }
0xfd: {  	[hbm4b:s4+s2] =	stream.linear.scatter [tilespmem:s1], [sflag:$0x2], $0x400, $0x38;
	[tilespmem:$0x13420] =	vst v63  }
0xfe: {  	_ =	swait.ge [sflag:s21], $0x400  }
0xff: {  	[sflag:s21] =	ssyncset.done $0x0  }
0x100: {  	s6 =	simm.s32 $0x13020;
	s5 =	rddreg [dreg:$0x9];
	[sflag:s21] =	ssyncadd.s32 $0xFFFFFC00  }
0x101: {  	[hbm4b:s5+s2] =	stream.linear.scatter [tilespmem:s6], [sflag:$0x2], $0x400, $0x38;
	[tilespmem:$0x13420] =	vst v63  }
0x102: {  	_ =	swait.ge [sflag:s21], $0x400  }
0x103: {  	[sflag:s21] =	ssyncset.done $0x0  }
0x104: {  	s7 =	simm.s32 $0x4020;
	[sflag:s21] =	ssyncadd.s32 $0xFFFFFC00  }
0x105: {  	[tilespmem:s30], [sflag:$0x1] =	stream.indirect.gather [hbm4b:s3+s28], $0x40, s7, s28, $0xb8;
	[tilespmem:$0x13420] =	vst v63  }
0x106: {  	_ =	swait.ge [sflag:s31], $0x2000  }
0x107: {  	[sflag:s31] =	ssyncset.done $0x0  }
0x108: {  	s9 =	rddreg [dreg:$0x7];
	[sflag:s31] =	ssyncadd.s32 $0xFFFFE000  }
0x109: {  	[hbm4b:s9+s2] =	stream.linear.scatter [tilespmem:s30], [sflag:$0x2], $0x2000, $0x38;
	[tilespmem:$0x13420] =	vst v63  }
0x10a: {  	_ =	swait.ge [sflag:s21], $0x2000  }
0x10b: {  	[sflag:s21] =	ssyncset.done $0x0  }
0x10c: {  	s10 =	simm.s32 $0x40A0;
	[sflag:s21] =	ssyncadd.s32 $0xFFFFE000  }
0x10d: {  	[tilespmem:s30], [sflag:$0x1] =	stream.indirect.gather [hbm4b:s3+s28], $0x40, s10, s28, $0xb8;
	[tilespmem:$0x13420] =	vst v63  }
0x10e: {  	_ =	swait.ge [sflag:s31], $0x2000  }
0x10f: {  	[sflag:s31] =	ssyncset.done $0x0  }
0x110: {  	s11 =	rddreg [dreg:$0xa];
	[sflag:s31] =	ssyncadd.s32 $0xFFFFE000  }
0x111: {  	[hbm4b:s11+s2] =	stream.linear.scatter [tilespmem:s30], [sflag:$0x2], $0x2000, $0x38;
	[tilespmem:$0x13420] =	vst v63  }
0x112: {  	_ =	swait.ge [sflag:s21], $0x2000  }
0x113: {  	[sflag:s21] =	ssyncset.done $0x0  }
0x114: {  	s12 =	simm.s32 $0x4120;
	[sflag:s21] =	ssyncadd.s32 $0xFFFFE000  }
0x115: {  	[tilespmem:s30], [sflag:$0x1] =	stream.indirect.gather [hbm4b:s3+s28], $0x40, s12, s28, $0xb8;
	[tilespmem:$0x13420] =	vst v63  }
0x116: {  	_ =	swait.ge [sflag:s31], $0x2000  }
0x117: {  	[sflag:s31] =	ssyncset.done $0x0  }
0x118: {  	[sflag:s31] =	ssyncadd.s32 $0xFFFFE000  }
0x119: {  	[hbm4b:s13+s2] =	stream.linear.scatter [tilespmem:s30], [sflag:$0x2], $0x2000, $0x38;
	[tilespmem:$0x13420] =	vst v63  }
0x11a: {  	_ =	swait.ge [sflag:s21], $0x2000  }
0x11b: {  	[sflag:s21] =	ssyncset.done $0x0  }
0x11c: {  	s22 =	simm.s32 $0x41A0;
	[sflag:s21] =	ssyncadd.s32 $0xFFFFE000  }
0x11d: {  	[tilespmem:s30], [sflag:$0x1] =	stream.indirect.gather [hbm4b:s3+s28], $0x40, s22, s28, $0xb8;
	[tilespmem:$0x13420] =	vst v63  }
0x11e: {  	_ =	swait.ge [sflag:s31], $0x2000  }
0x11f: {  	[sflag:s31] =	ssyncset.done $0x0  }
0x120: {  	[sflag:s31] =	ssyncadd.s32 $0xFFFFE000  }
0x121: {  	[hbm4b:s14+s2] =	stream.linear.scatter [tilespmem:s30], [sflag:$0x2], $0x2000, $0x38;
	[tilespmem:$0x13420] =	vst v63  }
0x122: {  	_ =	swait.ge [sflag:s21], $0x2000  }
0x123: {  	[sflag:s21] =	ssyncset.done $0x0  }
0x124: {  	s23 =	simm.s32 $0x4220;
	[sflag:s21] =	ssyncadd.s32 $0xFFFFE000  }
0x125: {  	[tilespmem:s30], [sflag:$0x1] =	stream.indirect.gather [hbm4b:s3+s28], $0x40, s23, s28, $0xb8;
	[tilespmem:$0x13420] =	vst v63  }
0x126: {  	_ =	swait.ge [sflag:s31], $0x2000  }
0x127: {  	[sflag:s31] =	ssyncset.done $0x0  }
0x128: {  	[sflag:s31] =	ssyncadd.s32 $0xFFFFE000  }
0x129: {  	[hbm4b:s18+s2] =	stream.linear.scatter [tilespmem:s30], [sflag:$0x2], $0x2000, $0x38;
	[tilespmem:$0x13420] =	vst v63  }
0x12a: {  	_ =	swait.ge [sflag:s21], $0x2000  }
0x12b: {  	[sflag:s21] =	ssyncset.done $0x0  }
0x12c: {  	s24 =	simm.s32 $0x42A0;
	[sflag:s21] =	ssyncadd.s32 $0xFFFFE000  }
0x12d: {  	[tilespmem:s30], [sflag:$0x1] =	stream.indirect.gather [hbm4b:s3+s28], $0x40, s24, s28, $0xb8;
	[tilespmem:$0x13420] =	vst v63  }
0x12e: {  	_ =	swait.ge [sflag:s31], $0x2000  }
0x12f: {  	[sflag:s31] =	ssyncset.done $0x0  }
0x130: {  	[sflag:s31] =	ssyncadd.s32 $0xFFFFE000  }
0x131: {  	[hbm4b:s16+s2] =	stream.linear.scatter [tilespmem:s30], [sflag:$0x2], $0x2000, $0x38;
	[tilespmem:$0x13420] =	vst v63  }
0x132: {  	_ =	swait.ge [sflag:s21], $0x2000  }
0x133: {  	[sflag:s21] =	ssyncset.done $0x0  }
0x134: {  	s25 =	simm.s32 $0x4320;
	[sflag:s21] =	ssyncadd.s32 $0xFFFFE000  }
0x135: {  	[tilespmem:s30], [sflag:$0x1] =	stream.indirect.gather [hbm4b:s3+s28], $0x40, s25, s28, $0xb8;
	[tilespmem:$0x13420] =	vst v63  }
0x136: {  	_ =	swait.ge [sflag:s31], $0x2000  }
0x137: {  	[sflag:s31] =	ssyncset.done $0x0  }
0x138: {  	[sflag:s31] =	ssyncadd.s32 $0xFFFFE000  }
0x139: {  	[hbm4b:s17+s2] =	stream.linear.scatter [tilespmem:s30], [sflag:$0x2], $0x2000, $0x38;
	[tilespmem:$0x13420] =	vst v63  }
0x13a: {  	_ =	swait.ge [sflag:s21], $0x2000  }
0x13b: {  	[sflag:s21] =	ssyncset.done $0x0  }
0x13c: {  	s26 =	simm.s32 $0x43A0;
	[sflag:s21] =	ssyncadd.s32 $0xFFFFE000  }
0x13d: {  	[tilespmem:s30], [sflag:$0x1] =	stream.indirect.gather [hbm4b:s3+s28], $0x40, s26, s28, $0xb8;
	[tilespmem:$0x13420] =	vst v63  }
0x13e: {  	s29 =	sadd.s32 $0x1, s29;
	_ =	swait.ge [sflag:s31], $0x2000  }
0x13f: {  	p0 =	sne.s32 s29, s15;
	[sflag:s31] =	ssyncset.done $0x0  }
.Ltmp8:
0x140: {  	[sflag:s31] =	ssyncadd.s32 $0xFFFFE000;
	(pc) =	sbr.rel @p0 .LBB2_1-.Ltmp8, $4  }
0x141: {  	[hbm4b:s19+s2] =	stream.linear.scatter [tilespmem:s30], [sflag:$0x2], $0x2000, $0x38;
	[tilespmem:$0x13420] =	vst v63  }
0x142: {  	_ =	swait.ge [sflag:s21], $0x2000  }
0x143: {  	[sflag:s21] =	ssyncset.done $0x0  }
0x144: {  	[sflag:s21] =	ssyncadd.s32 $0xFFFFE000  }
0x145: {  	_ =	sfence.sel $0x180000  }
0x146: {  	[bflag:$0x0] =	sbarrier.arrive $0xFFFF  }
0x147: {  	_ =	strace $0x90000050  }
0x148: {  	s0 =	stileid.u32;
	[bflag:$0x2] =	sbarrier.arrive $0xFFFF  }
0x149: {  	p0 =	sne.s32 s0, $0x0;
	s0 =	rddreg [dreg:$0x2]  }
0x14a: {  	s0 =	sadd.s32 @!p0 $0x100000, s0  }
0x14b: {  	[sflag:s0] =	ssyncadd.tile.s32 @!p0 $0x1;
	_ =	shalt  }
.Lfunc_end2:
_tile_overlayer_lowered:
.L_overlay_start_2:
0x14c: {  	(tag) =	ssettag $0x2  }
0x14d: {  	s0 =	rddreg [dreg:$0x0];
	s2 =	stileid.u32  }
0x14e: {  	s1 =	rddreg [dreg:$0x1];
	p0 =	sne.s32 s2, $0x0  }
0x14f: {  	s3 =	rddreg [dreg:$0x2];
	[bflag:$0x3] =	sbarrier.arrive $0xFFFF;
	s2 =	simm.s32 @!p0 $0x1C02  }
0x150: {  	[timem:s3], [sflag:s2] =	dma.local @!p0 [hbm:s0], s1  }
0x151: {  	s0 =	simm.s32 @!p0 $0x2  }
0x152: {  	_ =	swait.ge @!p0 [sflag:s0], s1  }
0x153: {  	s1 =	ssub.s32 @!p0 $0x0, s1;
	[sflag:s0] =	ssyncset.done @!p0 $0x0  }
0x154: {  	[sflag:s0] =	ssyncadd.s32 @!p0 s1  }
0x155: {  	[bflag:$0x3] =	sbarrier.arrive $0xFFFF  }
0x156: {  	_ =	shalt  }

// kernel: kernel.18.cloned.1.call-start
scs
__scs_entry_jumppad:
0x0: {  	(pc) =	sbr.rel $0x88, $3  }
0x1: {  	(tag) =	ssettag $0x0;
	lr =	simm.s32 $0x1  }
0x2: {  	[smem:$0x3F9E] =	sst lr;
	_ =	strace $0xD0000000  }
0x3: {  	_ = 	snop  }
0x4: {  	_ = 	snop  }
0x5: {  	_ = 	snop  }
0x6: {  	_ = 	snop  }
0x7: {  	_ = 	snop  }
__scs_overlays_trampoline_lowered:
0x8: {  	[smem:$0x3FAD] =	sst s0  }
0x9: {  	[smem:$0x3FAE] =	sst s1  }
0xa: {  	[smem:$0x3FAF] =	sst s2  }
0xb: {  	[smem:$0x3FB0] =	sst s3  }
0xc: {  	[smem:$0x3FB1] =	sst s4  }
0xd: {  	[smem:$0x3FB2] =	sst s5  }
0xe: {  	[smem:$0x3FB3] =	sst s6  }
0xf: {  	[smem:$0x3FB4] =	sst s7  }
0x10: {  	[smem:$0x3FB5] =	sst s8  }
0x11: {  	[smem:$0x3FB6] =	sst s9;
	s0 =	simm.s32 @!p0 $0x0  }
0x12: {  	s1 =	sld [smem:$0x3F9C];
	s0 =	simm.s32 @p0 $0x1  }
0x13: {  	[smem:$0x3FB7] =	sst s0;
	s0 =	simm.s32 @!p1 $0x0  }
0x14: {  	s2 =	sld [smem:$0x3F9B];
	s0 =	simm.s32 @p1 $0x1  }
0x15: {  	[smem:$0x3FB8] =	sst s0;
	s0 =	simm.s32 @!p2 $0x0  }
0x16: {  	s3 =	sld [smem:$0x3FDB];
	s0 =	simm.s32 @p2 $0x1  }
0x17: {  	s4 =	simm.s32 $0x1BF5;
	[smem:$0x3FBA] =	sst s0  }
0x18: {  	s0 =	sld [smem:$0x3F9D];
	_ =	swait.ge [sflag:s4], $0x0  }
0x19: {  	s7 =	sld [smem:$0x3F9E]  }
0x1a: {  	s8 =	sadd.s32 $0xFFFFE003, lr  }
0x1b: {  	s9 =	sadd.s32 $0xFFFFFEF7, lr;
	s5 =	simm.s32 $0xFFFFFFFF;
	p2 =	slt.u32 s8, $0xFFFFF086  }
0x1c: {  	p1 =	slt.u32 s9, $0xF7A;
	s5 =	simm.s32 @!p2 $0x0  }
0x1d: {  	s5 =	simm.s32 @p1 $0x1;
	p0 =	seq.s32 s7, s2  }
0x1e: {  	s7 =	smul.u32 @!p0 $0xF7A, s2;
	p2 =	seq.s32 @!p0 s5, $0x0  }
0x1f: {  	s9 =	smul.u32 $0xF7A, s1;
	s8 =	simm.s32 @!p0 $0x1BF5;
	p2 =	por !p2, p0  }
0x20: {  	[sflag:s8] =	ssyncset.s32 @!p0 $0xFFFFF086;
	s6 =	sadd.s32 @!p0 s3, s7;
	s7 =	simm.s32 @!p0 $0x108  }
0x21: {  	s3 =	sadd.s32 s3, s9;
	s6 =	sadd.s32 @!p0 $0x88, s6;
	s7 =	simm.s32 @p2 $0x1082  }
0x22: {  	[simem:s7], [sflag:s8] =	dma.local @!p0 [hbm:s6], $0xF7A  }
0x23: {  	s9 =	sor.u32 $0xD0000000, s2;
	s6 =	simm.s32 $0x108;
	_ =	swait.ge @!p0 [sflag:s8], $0x0  }
0x24: {  	s3 =	sadd.s32 $0x88, s3;
	s6 =	simm.s32 @!p1 $0x1082;
	[sflag:s4] =	ssyncset.s32 $0xFFFFF086  }
0x25: {  	[simem:s6], [sflag:s4] =	dma.local [hbm:s3], $0xF7A  }
0x26: {  	[smem:$0x3F9E] =	sst s1;
	(tag) =	ssettag s2;
	_ =	strace s9  }
0x27: {  	s1 =	sld [smem:$0x3FAE]  }
0x28: {  	s2 =	sld [smem:$0x3FAF]  }
0x29: {  	s4 =	sld [smem:$0x3FB1]  }
0x2a: {  	p0 =	seq.s32 s5, $0x0;
	s5 =	sld [smem:$0x3FB2]  }
0x2b: {  	s6 =	sld [smem:$0x3FB3]  }
0x2c: {  	s7 =	sld [smem:$0x3FB4]  }
0x2d: {  	s3 =	simm.s32 $0x108;
	s8 =	sld [smem:$0x3FB5]  }
0x2e: {  	s3 =	simm.s32 @!p0 $0x1082;
	s9 =	sld [smem:$0x3FB6]  }
0x2f: {  	lr =	sadd.s32 s0, s3;
	s0 =	sld [smem:$0x3FAD]  }
0x30: {  	s3 =	sld [smem:$0x3FB0]  }
0x31: {  	[smem:$0x3FB9] =	sst s10  }
0x32: {  	s10 =	sld [smem:$0x3FB7];
	_ =	sdelay $0x3  }
0x33: {  	p0 =	seq.s32 s10, $0x1;
	s10 =	sld [smem:$0x3FB9];
	_ =	sdelay $0x3  }
0x34: {  	[smem:$0x3FB9] =	sst s10  }
0x35: {  	s10 =	sld [smem:$0x3FB8];
	_ =	sdelay $0x3  }
0x36: {  	p1 =	seq.s32 s10, $0x1;
	s10 =	sld [smem:$0x3FB9];
	_ =	sdelay $0x3  }
0x37: {  	[smem:$0x3FB9] =	sst s10  }
0x38: {  	s10 =	sld [smem:$0x3FBA]  }
0x39: {  	_ = 	snop;
	(pc) =	sbr.ind lr, $3  }
0x3a: {  	_ = 	snop  }
0x3b: {  	_ = 	snop  }
0x3c: {  	p2 =	seq.s32 s10, $0x1;
	s10 =	sld [smem:$0x3FB9]  }
0x3d: {  	_ =	shalt  }
0x3e: {  	_ =	shalt  }
0x3f: {  	_ =	shalt  }
0x40: {  	_ =	shalt  }
0x41: {  	_ =	shalt  }
0x42: {  	_ =	shalt  }
0x43: {  	_ =	shalt  }
0x44: {  	_ =	shalt  }
0x45: {  	_ =	shalt  }
0x46: {  	_ =	shalt  }
0x47: {  	_ =	shalt  }
0x48: {  	_ =	shalt  }
0x49: {  	_ =	shalt  }
0x4a: {  	_ =	shalt  }
0x4b: {  	_ =	shalt  }
0x4c: {  	_ =	shalt  }
0x4d: {  	_ =	shalt  }
0x4e: {  	_ =	shalt  }
0x4f: {  	_ =	shalt  }
0x50: {  	_ =	shalt  }
0x51: {  	_ =	shalt  }
0x52: {  	_ =	shalt  }
0x53: {  	_ =	shalt  }
0x54: {  	_ =	shalt  }
0x55: {  	_ =	shalt  }
0x56: {  	_ =	shalt  }
0x57: {  	_ =	shalt  }
0x58: {  	_ =	shalt  }
0x59: {  	_ =	shalt  }
0x5a: {  	_ =	shalt  }
0x5b: {  	_ =	shalt  }
0x5c: {  	_ =	shalt  }
0x5d: {  	_ =	shalt  }
0x5e: {  	_ =	shalt  }
0x5f: {  	_ =	shalt  }
0x60: {  	_ =	shalt  }
0x61: {  	_ =	shalt  }
0x62: {  	_ =	shalt  }
0x63: {  	_ =	shalt  }
0x64: {  	_ =	shalt  }
0x65: {  	_ =	shalt  }
0x66: {  	_ =	shalt  }
0x67: {  	_ =	shalt  }
0x68: {  	_ =	shalt  }
0x69: {  	_ =	shalt  }
0x6a: {  	_ =	shalt  }
0x6b: {  	_ =	shalt  }
0x6c: {  	_ =	shalt  }
0x6d: {  	_ =	shalt  }
0x6e: {  	_ =	shalt  }
0x6f: {  	_ =	shalt  }
0x70: {  	_ =	shalt  }
0x71: {  	_ =	shalt  }
0x72: {  	_ =	shalt  }
0x73: {  	_ =	shalt  }
0x74: {  	_ =	shalt  }
0x75: {  	_ =	shalt  }
0x76: {  	_ =	shalt  }
0x77: {  	_ =	shalt  }
0x78: {  	_ =	shalt  }
0x79: {  	_ =	shalt  }
0x7a: {  	_ =	shalt  }
0x7b: {  	_ =	shalt  }
0x7c: {  	_ =	shalt  }
0x7d: {  	_ =	shalt  }
0x7e: {  	_ =	shalt  }
0x7f: {  	_ =	shalt  }
0x80: {  	_ =	shalt  }
0x81: {  	_ =	shalt  }
0x82: {  	_ =	shalt  }
0x83: {  	_ =	shalt  }
0x84: {  	_ =	shalt  }
0x85: {  	_ =	shalt  }
0x86: {  	_ =	shalt  }
0x87: {  	_ =	shalt  }
.Lfunc_end0:
.L_simem_size_0:
called_computation.3_lowered:
.L_overlay_start_0:
0x88: {  	s2 =	sld [smem:$0x3FD9]  }
0x89: {  	s3 =	sld [smem:$0x3FFE];
	_ =	sdelay $0x1  }
0x8a: {  	s1 =	srdreg.scid  }
0x8b: {  	s0 =	sand.u32 $0x1, s1  }
0x8c: {  	s17 =	sshll.u32 s0, $0xA;
	s2 =	sadd.s32 s3, s2  }
0x8d: {  	s2 =	sadd.s32 s2, s17  }
0x8e: {  	[smem:$0x3FC5] =	sst s2  }
0x8f: {  	_ = 	snop  }
0x90: {  	(tm) =	ssettm $0x1  }
0x91: {  	s18 =	sld [smem:$0x3FFB];
	_ =	sdelay $0x3  }
0x92: {  	_ =	strace s18  }
0x93: {  	s2 =	sld [smem:$0x3FFC];
	_ =	sdelay $0x3  }
0x94: {  	_ =	strace s2  }
0x95: {  	s2 =	sld [smem:$0x3FFD];
	_ =	sdelay $0x3  }
0x96: {  	_ =	strace s2  }
0x97: {  	_ =	strace $0x8FFFFFFF  }
0x98: {  	s19 =	sld [smem:$0x3FDB];
	_ =	sdelay $0x1  }
0x99: {  	s20 =	simm.s32 $_scs_section_size  }
0x9a: {  	s4 =	simm.s32 $_size__tile_overlayer_lowered;
	s5 =	simm.s32 $_tile_overlayer_lowered  }
0x9b: {  	s6 =	simm.s32 $0x1BFF;
	s21 =	sshll.u32 s5, $0x1;
	s3 =	sadd.s32 s20, s19  }
0x9c: {  	s22 =	simm.s32 $0x0;
	s4 =	sshll.u32 s4, $0x1;
	s5 =	sadd.s32 s21, s3  }
0x9d: {  	[timem:s22], [sflag:s6] =	dma.local [hbm:s5], s4  }
0x9e: {  	_ =	swait.ge [sflag:s6], s4  }
0x9f: {  	s4 =	ssub.s32 $0x0, s4;
	[sflag:s6] =	ssyncset.done $0x0  }
0xa0: {  	[sflag:s6] =	ssyncadd.s32 s4;
	_ =	sdelay $0x1  }
0xa1: {  	s23 =	simm.s32 $0x1B8B  }
0xa2: {  	_ =	swait.ge [sflag:s23], $0x1  }
0xa3: {  	[sflag:s23] =	ssyncset.done $0x0  }
0xa4: {  	[sflag:s23] =	ssyncadd.s32 $0xFFFFFFFF  }
0xa5: {  	s4 =	sld [smem:$0x0]  }
0xa6: {  	s5 =	sand.u32 $0xFFFFFFFE, s1  }
0xa7: {  	p0 =	sne.s32 s1, s5  }
0xa8: {  	s5 =	sshll.u32 @p0 s5, $0xE  }
0xa9: {  	s5 =	sadd.s32 @p0 $0x11B8D, s5;
	s6 =	sshll.u32 @p0 s4, $0x11  }
0xaa: {  	s5 =	sor.u32 @p0 s6, s5  }
0xab: {  	[sflag:s5] =	ssyncadd.remote.s32 @p0 $0x1;
	_ =	sdelay $0x1  }
0xac: {  	s5 =	simm.s32 @p0 $0x1B8D  }
0xad: {  	_ =	swait.eq @p0 [sflag:s5], $0x1  }
0xae: {  	[sflag:s5] =	ssyncadd.s32 @p0 $0xFFFFFFFF  }
0xaf: {  	s6 =	sshll.u32 @!p0 s1, $0xE  }
0xb0: {  	s6 =	sor.u32 @!p0 $0x4000, s6;
	s5 =	simm.s32 @!p0 $0x1B8D  }
0xb1: {  	s4 =	sshll.u32 @!p0 s4, $0x11;
	s6 =	sadd.s32 @!p0 $0x11B8D, s6;
	_ =	swait.eq @!p0 [sflag:s5], $0x1  }
0xb2: {  	s4 =	sor.u32 @!p0 s4, s6;
	[sflag:s5] =	ssyncadd.s32 @!p0 $0xFFFFFFFF  }
0xb3: {  	s25 =	simm.s32 $0x1B8E;
	s24 =	sld [smem:$0x3FFE];
	[sflag:s4] =	ssyncadd.remote.s32 @!p0 $0x1  }
0xb4: {  	s26 =	simm.s32 $execute0_lowered;
	[smem:$0x3FD2] =	sst s25  }
0xb5: {  	s5 =	sshll.u32 s26, $0x1;
	_ =	strace $0x8000004C;
	[dreg:$0x1] =	wrdreg $0xFFFFFFFF  }
0xb6: {  	s28 =	simm.s32 $_size_execute0_lowered;
	s3 =	sadd.s32 s3, s5;
	[dreg:$0x0] =	wrdreg $0x0  }
0xb7: {  	s5 =	sshll.u32 s28, $0x1;
	[dreg:$0x2] =	wrdreg s3  }
0xb8: {  	[dreg:$0x3] =	wrdreg s5  }
0xb9: {  	[dreg:$0x4] =	wrdreg $0xC0  }
0xba: {  	_ =	task [dreg:s22], $0x5FFFF  }
0xbb: {  	[dreg:$0x1] =	wrdreg $0xFFFFFFFF  }
0xbc: {  	[dreg:$0x0] =	wrdreg $0x60  }
0xbd: {  	[dreg:$0x2] =	wrdreg s24  }
0xbe: {  	[dreg:$0x3] =	wrdreg $0xA  }
0xbf: {  	_ =	task.clear_ibuf [dreg:s22], $0x4FFFF;
	_ =	strace $0x9000004C  }
0xc0: {  	s29 =	simm.s32 $0xA;
	_ =	strace $0x8000004E  }
0xc1: {  	_ =	swait.ge [sflag:s29], $0x1  }
0xc2: {  	[sflag:s29] =	ssyncadd.s32 $0xFFFFFFFF  }
0xc3: {  	_ =	strace $0x9000004E  }
0xc4: {  	_ =	sfence  }
0xc5: {  	s30 =	sld [smem:$0x0];
	_ =	sdelay $0x2  }
0xc6: {  	s31 =	sshll.u32 s1, $0xD;
	s1 =	sshrl.u32 s1, $0x2  }
0xc7: {  	s4 =	sand.u32 $0x4000, s31;
	s1 =	sadd.s32 s1, s30  }
0xc8: {  	s0 =	sor.u32 s4, s0;
	s1 =	sshll.u32 s1, $0x11  }
0xc9: {  	s0 =	sor.u32 s1, s0  }
0xca: {  	s0 =	sadd.s32 $0x8F2B, s0  }
0xcb: {  	[sflag:s0] =	ssyncadd.remote.s32 $0x1  }
0xcc: {  	_ =	sfence.sel $0xFFFF  }
0xcd: {  	[dreg:$0x0] =	wrdreg $0xFFFFFFFF;
	(pc) =	sbr.abs _section_cstart, $3  }
0xce: {  	[dreg:$0x1] =	wrdreg $0xFFFFFFFF  }
0xcf: {  	_ =	task.clear_ibuf [dreg:s22], $0x2FFFF;
	_ =	strace $0x9FFFFFFF  }
0xd0: {  	(tm) =	ssettm $0x7FFFFFFF  }
0xd1: {  	_ =	shalt  }
tec
execute0_lowered:
.L_overlay_start_1:
0x0: {  	(tag) =	ssettag $0x1  }
0x1: {  	s0 =	rddreg [dreg:$0x0]  }
0x2: {  	s1 =	srdreg.scid;
	s3 =	stileid.u32  }
0x3: {  	s2 =	simm.s32 $0x0;
	s28 =	simm.s32 $0x80;
	s30 =	simm.s32 $0x4820  }
0x4: {  	s31 =	simm.s32 $0x1;
	s29 =	simm.s32 $0x0;
	s1 =	sand.u32 $0x1, s1  }
0x5: {  	s3 =	sshll.u32 s3, $0x1;
	[smem:$0x7FF] =	sst s2;
	s7 =	sadd.s32 $0x3000, s0  }
0x6: {  	s4 =	sor.u32 s1, s3;
	_ =	strace $0x8000004D;
	[dreg:$0x2] =	wrdreg s7  }
0x7: {  	s1 =	ssub.s32 $0x2, s1;
	s3 =	sshll.u32 s4, $0xB;
	s5 =	sshll.u32 s4, $0x2  }
0x8: {  	s20 =	sshll.u32 s4, $0xD;
	s4 =	sshll.u32 s4, $0x7;
	s8 =	sshrl.u32 s1, $0x1  }
0x9: {  	s6 =	sadd.s32 s3, s0;
	s5 =	sadd.s32 s5, s0;
	s3 =	sadd.s32 $0x4800, s0  }
0xa: {  	s7 =	sadd.s32 s20, s0;
	s0 =	sadd.s32 s4, s0;
	s1 =	ssub.s32 s1, s8  }
0xb: {  	s20 =	simm.s32 $0x6820;
	s21 =	sadd.s32 $0xBCC00, s6;
	s22 =	sadd.s32 $0xCCC00, s5  }
0xc: {  	s23 =	sadd.s32 $0x10FE00, s0;
	s24 =	sadd.s32 $0xCCE00, s0;
	[dreg:$0x3] =	wrdreg s21  }
0xd: {  	s25 =	sadd.s32 $0xCFE00, s7;
	s1 =	smax.u32 s1, $0x1;
	[dreg:$0x4] =	wrdreg s22  }
0xe: {  	s26 =	sadd.s32 $0xCDE00, s0;
	s12 =	sadd.s32 $0xCEE00, s0;
	[dreg:$0x5] =	wrdreg s23  }
0xf: {  	s13 =	sadd.s32 $0xD0200, s7;
	s14 =	sadd.s32 $0xD0600, s7;
	[dreg:$0x6] =	wrdreg s24  }
0x10: {  	s15 =	sadd.s32 $0xD0A00, s7;
	s16 =	sadd.s32 $0xD0E00, s7;
	[dreg:$0x7] =	wrdreg s25  }
0x11: {  	v0 =	vlaneseq.u32;
	s17 =	sadd.s32 $0xD1200, s7;
	s18 =	sadd.s32 $0xD1600, s7;
	[dreg:$0x8] =	wrdreg s1  }
0x12: {  	vm0 =	vmmov $0x1;
	v1 =	vimm.s32 $0x0;
	v2 =	vor.u32 $0x10, v0;
	s19 =	sadd.s32 $0xD1A00, s7;
	[dreg:$0x9] =	wrdreg s26;
	s21 =	simm.s32 $0x2  }
.LBB2_1:
0x13: {  	s0 =	rddreg [dreg:$0x2]  }
0x14: {  	[tilespmem:s20], [sflag:$0x2] =	stream.linear.gather [hbm4b:s0+s2], $0xC000, $0x38;
	[tilespmem:$0x13420] =	vst v63  }
0x15: {  	_ =	swait.ge [sflag:s21], $0xC000  }
0x16: {  	[sflag:s21] =	ssyncset.done $0x0  }
0x17: {  	s25 =	rddreg [dreg:$0x3];
	[sflag:s21] =	ssyncadd.s32 $0xFFFF4000  }
0x18: {  	[tilespmem:s2], [sflag:$0x2] =	stream.linear.gather [hbm4b:s25+s2], $0x4000, $0x38;
	[tilespmem:$0x13420] =	vst v63  }
0x19: {  	_ =	swait.ge [sflag:s21], $0x4000  }
0x1a: {  	s1 =	simm.s32 $0x4000;
	[sflag:s21] =	ssyncset.done $0x0  }
.Ltmp0:
0x1b: {  	s26 =	rddreg [dreg:$0x4];
	[sflag:s21] =	ssyncadd.s32 $0xFFFFC000;
	(pc) =	sbr.rel .LBB2_2-.Ltmp0, $4  }
0x1c: {  	[tilespmem:s1], [sflag:$0x2] =	stream.linear.gather [hbm4b:s26+s2], $0x20, $0x38;
	[tilespmem:$0x13420] =	vst v63  }
0x1d: {  	_ =	swait.ge [sflag:s21], $0x20  }
0x1e: {  	[sflag:s21] =	ssyncset.done $0x0  }
0x1f: {  	s0 =	simm.s32 $0x0;
	[sflag:s21] =	ssyncadd.s32 $0xFFFFFFE0  }
.LBB2_9:
0x20: {  	v3 =	vld [tilespmem:s1+$0x4020];
	_ =	sdelay $0x4  }
0x21: {  	v4 =	vnsel vm0, $0x0, v3  }
0x22: {  	(xrf0) =	vadd.scan.msk.s32 $0xffff, v4;
	_ =	sdelay $0x5  }
0x23: {  	v4, _, _ =	vpop (xrf0)  }
0x24: {  	(v2sf) =	vpush v4, $0xF;
	_ =	sdelay $0xc  }
0x25: {  	p0 =	slt.s32 s7, $0x20  }
0x26: {  	p1 =	sgt.s32 s7, $0x0;
	v63 =	vld [tilespmem:s1+$0x4030];
	s7 =	simm.s32 @!p0 $0x20  }
0x27: {  	s0 =	sadd.s32 $0x1, s0;
	v5 =	vmov s7;
	s4 =	spop (v2sf)  }
0x28: {  	p0 =	sne.s32 s0, $0x20;
	vm1 =	vgt.s32 v5, v0;
	s4 =	simm.s32 @!p1 $0x0  }
.Ltmp1:
0x29: {  	v3 =	vnsel vm1, s4, v3;
	(pc) =	sbr.rel @!p0 .LBB2_10-.Ltmp1, $4  }
0x2a: {  	[tilespmem:s1+$0x4020] =	vst v3;
	v3 =	vsel vm1, $0x1, v1;
	vm1 =	vgt.s32 v5, v2  }
0x2b: {  	[tilespmem:s1+$0x4420] =	vst v3;
	v3 =	vnsel vm1, s4, v63  }
0x2c: {  	[tilespmem:s1+$0x4030] =	vst v3;
	v3 =	vsel vm1, $0x1, v1  }
0x2d: {  	[tilespmem:s1+$0x4430] =	vst v3  }
.LBB2_2:
0x2e: {  	s1 =	sand.u32 $0x10, s0  }
0x2f: {  	v3 =	vld [tilespmem:s1+$0x4000];
	_ =	sdelay $0x1  }
0x30: {  	s25 =	sand.u32 $0xF, s0  }
0x31: {  	v4 =	vmov s25  }
0x32: {  	vm1 =	veq.s32 v4, v0  }
0x33: {  	v3 =	vnsel vm1, $0x0, v3  }
0x34: {  	(xrf0) =	vadd.scan.msk.s32 $0xffff, v3;
	_ =	sdelay $0x5  }
0x35: {  	v3, _, _ =	vpop (xrf0)  }
0x36: {  	(v2sf) =	vpush v3, $0xF;
	_ =	sdelay $0xa  }
.Ltmp2:
0x37: {  	_ = 	snop;
	(pc) =	sbr.rel .LBB2_3-.Ltmp2, $4  }
0x38: {  	_ = 	snop  }
0x39: {  	s26 =	sshll.u32 s0, $0x9  }
0x3a: {  	s7 =	simm.s32 $0x0;
	s4 =	sand.u32 $0x3FFFFE00, s26;
	s1 =	sshll.u32 s0, $0x5  }
0x3b: {  	s23 =	simm.s32 $0x10;
	s24 =	simm.s32 $0x0;
	v4 =	vmov s4;
	v3 =	vmov s1;
	s22 =	spop (v2sf)  }
.LBB2_4:
0x3c: {  	s7 =	smov.u32 @p0 s7  }
.LBB2_8:
0x3d: {  	s24 =	sadd.s32 $0x1, s24  }
0x3e: {  	p0 =	sne.s32 s24, $0x20  }
.Ltmp3:
0x3f: {  	_ = 	snop;
	(pc) =	sbr.rel @!p0 .LBB2_9-.Ltmp3, $2  }
0x40: {  	_ =	sdelay $0x2  }
0x41: {  	s23 =	sadd.s32 $0x200, s23  }
.LBB2_3:
0x42: {  	s4 =	sshrl.u32 s22, s24  }
0x43: {  	s4 =	sand.u32 $0x1, s4  }
0x44: {  	p0 =	sgt.s32 s7, $0x1F;
	p1 =	seq.s32 s4, $0x1  }
0x45: {  	p1 =	por p0, !p1  }
.Ltmp4:
0x46: {  	_ = 	snop;
	(pc) =	sbr.rel @p1 .LBB2_4-.Ltmp4, $1  }
0x47: {  	_ =	sdelay $0x3  }
0x48: {  	_ =	sdelay $0x2  }
0x49: {  	s4 =	sshll.u32 s24, $0x4  }
0x4a: {  	v14 =	vld.idx.msk [tilespmem:v4+s4+$0x0 ss:$0x1], $0xffff;
	_ =	sdelay $0x1  }
0x4b: {  	s11 =	simm.s32 $0x0  }
0x4c: {  	v5 =	vmov s11  }
0x4d: {  	vm1 =	veq.s32 v5, v0  }
0x4e: {  	v5 =	vnsel vm1, $0x0, v14  }
0x4f: {  	(xrf0) =	vadd.scan.msk.s32 $0xffff, v5;
	_ =	sdelay $0x5  }
0x50: {  	v5, _, _ =	vpop (xrf0)  }
0x51: {  	s25 =	simm.s32 $0x1;
	(v2sf) =	vpush v5, $0xF  }
0x52: {  	v6 =	vmov s25  }
0x53: {  	vm1 =	veq.s32 v6, v0  }
0x54: {  	v6 =	vnsel vm1, $0x0, v14  }
0x55: {  	(xrf0) =	vadd.scan.msk.s32 $0xffff, v6;
	_ =	sdelay $0x5  }
0x56: {  	v6, _, _ =	vpop (xrf0)  }
0x57: {  	(v2sf) =	vpush v6, $0xF;
	_ =	sdelay $0x3  }
0x58: {  	s26 =	simm.s32 $0x2;
	s5 =	spop (v2sf)  }
0x59: {  	v7 =	vmov s26;
	p6 =	seq.s32 s5, $0x0  }
0x5a: {  	vm1 =	veq.s32 v7, v0;
	v5 =	vbroadcast @!p6 v5, $0xF  }
0x5b: {  	v7 =	vnsel vm1, $0x0, v14;
	v8 =	vlaneseq.u32 @!p6  }
0x5c: {  	(xrf0) =	vadd.scan.msk.s32 $0xffff, v7;
	v7 =	vshrl.u32 @!p6 v5, v8  }
0x5d: {  	v7 =	vand.u32 @!p6 $0x1, v7  }
0x5e: {  	(xrf0) =	vadd.scan.msk.s32 @!p6 $0xffff, v7;
	_ =	sdelay $0x3  }
0x5f: {  	s6 =	simm.s32 $0x3  }
0x60: {  	v9 =	vmov s6;
	v10, _, _ =	vpop (xrf0);
	s8 =	spop (v2sf);
	p0 =	por p6, p6;
	v12 =	vor.u32 @!p6 $0x10, v8  }
0x61: {  	vm1 =	veq.s32 v9, v0;
	(v2sf) =	vpush v10, $0xF;
	p2 =	seq.s32 s8, $0x0;
	v5 =	vshrl.u32 @!p0 v5, v12;
	v11, _, _ =	vpop @!p6 (xrf0)  }
0x62: {  	v12 =	vbroadcast @!p2 v6, $0xF;
	v6 =	vnsel vm1, $0x0, v14;
	(v2sf) =	vpush @!p0 v11, $0xF  }
0x63: {  	(xrf0) =	vadd.scan.msk.s32 $0xffff, v6;
	_ =	sdelay $0x4  }
0x64: {  	v9 =	vlaneseq.u32 @!p2;
	v13 =	vand.u32 @!p0 $0x1, v5  }
0x65: {  	v5 =	vshrl.u32 @!p2 v12, v9;
	(xrf0) =	vadd.scan.msk.s32 @!p0 $0xffff, v13;
	v20, _, _ =	vpop (xrf0)  }
0x66: {  	v15 =	vand.u32 @!p2 $0x1, v5;
	(v2sf) =	vpush v20, $0xF  }
0x67: {  	(xrf0) =	vadd.scan.msk.s32 @!p2 $0xffff, v15  }
0x68: {  	s6 =	simm.s32 $0x4  }
0x69: {  	v17 =	vmov s6;
	s4 =	sadd.s32 @!p6 $0xFFFFFFF0, s23  }
0x6a: {  	vm3 =	veq.s32 v17, v0;
	vm1 =	veq.s32 @!p6 v7, $0x1;
	v7 =	vor.u32 @!p6 s4, v8;
	s4 =	sadd.s32 $0x20, s23  }
0x6b: {  	p1 =	por p2, p2;
	v5 =	vor.u32 @!p6 s23, v8;
	v8 =	vor.u32 @!p2 $0x10, v9;
	v6 =	vor.u32 @!p2 s4, v9;
	p0 =	por p0, p0;
	v16, _, _ =	vpop @!p6 (xrf0)  }
0x6c: {  	s9 =	spop (v2sf);
	s5 =	sadd.s32 @!p2 $0xFFFFFFF0, s4;
	v8 =	vshrl.u32 @!p1 v12, v8;
	v12 =	vnsel vm3, $0x0, v14;
	(v2sf) =	vpush @!p0 v16, $0xF  }
0x6d: {  	p3 =	seq.s32 s9, $0x0;
	vm2 =	veq.s32 @!p2 v15, $0x1;
	v9 =	vor.u32 @!p2 s5, v9;
	v17 =	vand.u32 @!p1 $0x1, v8;
	(xrf0) =	vadd.scan.msk.s32 $0xffff, v12;
	v15, _, _ =	vpop @!p2 (xrf0);
	s5 =	spop @!p6 (v2sf)  }
0x6e: {  	v21 =	vbroadcast @!p3 v10, $0xF;
	(xrf0) =	vadd.scan.msk.s32 @!p1 $0xffff, v17;
	(v2sf) =	vpush @!p1 v15, $0xF;
	s5 =	sadd.s32 @!p0 s7, s5  }
0x6f: {  	v10 =	vlaneseq.u32 @!p3;
	v18 =	vmov @!p0 s7;
	v19 =	vmov @!p0 s5  }
0x70: {  	v12 =	vshrl.u32 @!p3 v21, v10;
	v18 =	vadd.s32 @!p0 $0xFFFFFFFF, v18;
	v19 =	vadd.s32 @!p0 $0xFFFFFFFF, v19  }
0x71: {  	v12 =	vand.u32 @!p3 $0x1, v12;
	v18 =	vbroadcast @!p0 v18, $0x0  }
0x72: {  	vm4 =	veq.s32 @!p3 v12, $0x1;
	(xrf0) =	vadd.scan.msk.s32 @!p3 $0xffff, v12;
	v12 =	vbroadcast @!p0 v19, $0x0  }
0x73: {  	vm3 =	vmmov vm2;
	vm2 =	veq.s32 @!p0 v13, $0x1;
	v11 =	vadd.s32 @!p0 v11, v18;
	p0 =	por p0, p0;
	v19, _, _ =	vpop (xrf0)  }
0x74: {  	s10 =	simm.s32 $0x5;
	p5 =	por p1, p1;
	v12 =	vadd.s32 @!p0 v16, v12;
	(v2sf) =	vpush v19, $0xF;
	v16, _, _ =	vpop @!p2 (xrf0)  }
0x75: {  	p4 =	por p3, p3;
	v22 =	vor.u32 @!p3 $0x10, v10;
	vm1 =	vmmov vm1;
	s11 =	sadd.s32 $0x20, s4;
	s8 =	spop (v2sf);
	(v2sf) =	vpush @!p5 v16, $0xF  }
0x76: {  	v23 =	vmov s10;
	v24 =	vshrl.u32 @!p4 v21, v22;
	vm1 =	vmmov vm1;
	s4 =	sadd.s32 @!p3 $0xFFFFFFF0, s11;
	p1 =	seq.s32 s8, $0x0  }
0x77: {  	v8 =	vor.u32 @!p3 s11, v10;
	v10 =	vor.u32 @!p3 s4, v10;
	v21 =	vbroadcast @!p1 v20, $0xF  }
0x78: {  	v20 =	vand.u32 @!p4 $0x1, v24;
	vm5 =	vlt.s32 @!p0 v11, $0x20;
	vm6 =	vgt.s32 @!p0 v11, $0x0  }
0x79: {  	vm1 =	vmand @!p0 vm5, vm1;
	v11 =	vnsel @!p0 vm6, $0x0, v11;
	vm6 =	vgt.s32 @!p0 v12, $0x0  }
0x7a: {  	s26 =	simm.s32 @!p2 $0x4020;
	vm5 =	vlt.s32 @!p0 v12, $0x20;
	v11 =	vmin.u32 @!p0 v11, $0x1F;
	v13 =	vnsel @!p0 vm6, $0x0, v12  }
0x7b: {  	s25 =	simm.s32 @!p3 $0x4020;
	s4 =	simm.s32 @!p6 $0x4020;
	s9 =	spop @!p6 (v2sf);
	vm2 =	vmand @!p0 vm5, vm2;
	v12 =	vor.u32 @!p0 v3, v11;
	v11 =	vmin.u32 @!p0 v13, $0x1F  }
0x7c: {  	s8 =	simm.s32 $0x6;
	s6 =	simm.s32 @!p1 $0x4020;
	s9 =	sadd.s32 @!p0 s9, s5;
	v18, _, _ =	vpop @!p3 (xrf0);
	vm5 =	veq.s32 v23, v0;
	v13 =	vor.u32 @!p0 v3, v11;
	v11 =	vlaneseq.u32 @!p1  }
0x7d: {  	s10 =	spop @!p2 (v2sf);
	s5 =	sadd.s32 $0x20, s11;
	s9 =	smov.u32 @p0 s7;
	(v2sf) =	vpush @!p4 v18, $0xF;
	v23 =	vnsel vm5, $0x0, v14;
	v22 =	vor.u32 @!p1 $0x10, v11  }
.LBB2_6:
0x7e: {  	p6 =	por p2, p2;
	s7 =	smov.u32 s9  }
0x7f: {  	v25 =	vmov @!p5 s9;
	s9 =	sadd.s32 @!p5 s9, s10;
	s10 =	smov.u32 s8;
	s8 =	sadd.s32 $0x1, s8  }
0x80: {  	p2 =	por p3, p3;
	p3 =	por p1, p1;
	(xrf0) =	vadd.scan.msk.s32 $0xffff, v23;
	v24 =	vor.u32 @!p1 s5, v11;
	[tilespmem:v12+s4+$0x0] =	vst.idx.msk @!p0 vm1, v7;
	v23 =	vshrl.u32 @!p1 v21, v11;
	p1 =	sne.s32 s8, $0x10  }
0x81: {  	vm5 =	vmmov vm3;
	v25 =	vadd.s32 @!p5 $0xFFFFFFFF, v25;
	[tilespmem:v13+s4+$0x0] =	vst.idx.msk @!p0 vm2, v5;
	s4 =	smov.u32 s26;
	s11 =	simm.s32 @!p1 $0x0  }
0x82: {  	vm3 =	vmmov vm4;
	(xrf0) =	vadd.scan.msk.s32 @!p4 $0xffff, v20;
	v26 =	vmov @!p5 s9;
	s26 =	smov.u32 s25;
	s25 =	smov.u32 s6;
	v25 =	vbroadcast @!p5 v25, $0x0;
	s11 =	simm.s32 @p1 $0x1  }
0x83: {  	vm2 =	veq.s32 @!p5 v17, $0x1;
	v23 =	vand.u32 @!p3 $0x1, v23;
	v26 =	vadd.s32 @!p5 $0xFFFFFFFF, v26;
	[smem:$0x7FD] =	sst s11;
	s11 =	sadd.s32 @!p3 $0xFFFFFFF0, s5;
	s6 =	spop (v2sf)  }
0x84: {  	v7 =	vmovc v9;
	v9 =	vmovc v10;
	p0 =	por p5, p5;
	v12 =	vbroadcast @!p5 v26, $0x0;
	v13 =	vadd.s32 @!p5 v15, v25;
	p5 =	por p4, p4;
	v11 =	vor.u32 @!p3 s11, v11;
	s11 =	spop @!p6 (v2sf)  }
0x85: {  	v5 =	vmovc v6;
	v6 =	vmov v8;
	(xrf0) =	vadd.scan.msk.s32 @!p3 $0xffff, v23;
	vm4 =	veq.s32 @!p3 v23, $0x1;
	v23 =	vmov s10;
	p4 =	por p3, p3;
	s9 =	sadd.s32 @!p0 s11, s9;
	s11 =	sld [smem:$0x7FD]  }
0x86: {  	v8 =	vmovc v24;
	v17 =	vmovc v20;
	vm1 =	vlt.s32 @!p0 v13, $0x20;
	vm6 =	vgt.s32 @!p0 v13, $0x0;
	v24 =	vshrl.u32 @!p4 v21, v22  }
0x87: {  	v10 =	vmov v11;
	v11 =	vadd.s32 @!p0 v16, v12;
	v20, _, _ =	vpop (xrf0);
	vm1 =	vmand @!p0 vm1, vm5  }
0x88: {  	v12 =	vnsel @!p0 vm6, $0x0, v13;
	vm5 =	vlt.s32 @!p0 v11, $0x20;
	(v2sf) =	vpush v20, $0xF;
	v16, _, _ =	vpop @!p2 (xrf0);
	p6 =	seq.s32 s11, $0x1  }
.Ltmp5:
0x89: {  	v12 =	vmin.u32 @!p0 v12, $0x1F;
	vm6 =	vgt.s32 @!p0 v11, $0x0;
	(v2sf) =	vpush @!p5 v16, $0xF;
	(pc) =	sbr.rel @p6 .LBB2_6-.Ltmp5, $4  }
0x8a: {  	v15 =	vmovc v18;
	vm2 =	vmand @!p0 vm5, vm2;
	v11 =	vnsel @!p0 vm6, $0x0, v11;
	vm5 =	veq.s32 v23, v0  }
0x8b: {  	v12 =	vor.u32 @!p0 v3, v12;
	v18, _, _ =	vpop @!p3 (xrf0);
	v11 =	vmin.u32 @!p0 v11, $0x1F;
	v23 =	vnsel vm5, $0x0, v14;
	p1 =	seq.s32 s6, $0x0  }
0x8c: {  	s5 =	sadd.s32 $0x20, s5;
	v13 =	vor.u32 @!p0 v3, v11;
	(v2sf) =	vpush @!p4 v18, $0xF;
	v11 =	vlaneseq.u32 @!p1  }
0x8d: {  	v21 =	vbroadcast @!p1 v19, $0xF;
	s6 =	simm.s32 @!p1 $0x4020;
	s10 =	spop @!p2 (v2sf);
	v19 =	vmovc v20;
	v20 =	vand.u32 @!p4 $0x1, v24;
	v22 =	vor.u32 @!p1 $0x10, v11;
	s9 =	smov.u32 @p0 s7  }
0x8e: {  	_ = 	snop  }
0x8f: {  	(xrf0) =	vadd.scan.msk.s32 $0xffff, v23;
	v14 =	vshrl.u32 @!p1 v21, v11  }
0x90: {  	(xrf0) =	vadd.scan.msk.s32 @!p4 $0xffff, v20;
	v23 =	vand.u32 @!p1 $0x1, v14  }
0x91: {  	(xrf0) =	vadd.scan.msk.s32 @!p1 $0xffff, v23;
	_ =	sdelay $0x2  }
0x92: {  	p6 =	por p1, p1  }
0x93: {  	v14 =	vshrl.u32 @!p6 v21, v22;
	v21, _, _ =	vpop (xrf0)  }
0x94: {  	p4 =	por p4, p4;
	(v2sf) =	vpush v21, $0xF;
	v24, _, _ =	vpop @!p3 (xrf0)  }
0x95: {  	v22 =	vand.u32 @!p6 $0x1, v14;
	(v2sf) =	vpush @!p4 v24, $0xF;
	v25, _, _ =	vpop @!p1 (xrf0)  }
0x96: {  	(xrf0) =	vadd.scan.msk.s32 @!p6 $0xffff, v22;
	s11 =	spop (v2sf);
	(v2sf) =	vpush @!p6 v25, $0xF;
	p6 =	por p6, p6  }
0x97: {  	s8 =	simm.s32 @!p6 $0x0  }
0x98: {  	s8 =	simm.s32 @p6 $0x1  }
0x99: {  	[smem:$0x7F7] =	sst s8  }
0x9a: {  	p6 =	seq.s32 s11, $0x0;
	s11 =	sld [smem:$0x7F7];
	_ =	sdelay $0x1  }
0x9b: {  	s7 =	simm.s32 @!p4 $0x0  }
0x9c: {  	s7 =	simm.s32 @p4 $0x1;
	v26, _, _ =	vpop @!p1 (xrf0);
	v19 =	vbroadcast @!p6 v19, $0xF;
	p4 =	seq.s32 s11, $0x1  }
0x9d: {  	v14 =	vlaneseq.u32 @!p6;
	(v2sf) =	vpush @!p4 v26, $0xF  }
0x9e: {  	[smem:$0x7F6] =	sst s7;
	s7 =	spop @!p2 (v2sf);
	p2 =	por p5, p5;
	v27 =	vshrl.u32 @!p6 v19, v14  }
0x9f: {  	s8 =	sadd.s32 @!p5 s9, s10;
	s10 =	simm.s32 @!p2 $0x0;
	v27 =	vand.u32 @!p6 $0x1, v27  }
0xa0: {  	v29 =	vor.u32 @!p6 $0x10, v14;
	s10 =	simm.s32 @p2 $0x1;
	(xrf0) =	vadd.scan.msk.s32 @!p6 $0xffff, v27;
	s11 =	sld [smem:$0x7F6];
	p4 =	por p6, p6  }
0xa1: {  	v28 =	vmov @!p5 s9;
	[smem:$0x7FB] =	sst s10;
	s10 =	spop @!p3 (v2sf);
	v19 =	vshrl.u32 @!p4 v19, v29  }
0xa2: {  	v28 =	vadd.s32 @!p5 $0xFFFFFFFF, v28;
	s7 =	sadd.s32 @!p2 s7, s8;
	v29 =	vmov @!p5 s8;
	v19 =	vand.u32 @!p4 $0x1, v19;
	s8 =	spop (v2sf)  }
0xa3: {  	v28 =	vbroadcast @!p5 v28, $0x0;
	s7 =	smov.u32 @p2 s9;
	(xrf0) =	vadd.scan.msk.s32 @!p4 $0xffff, v19;
	s9 =	spop @!p3 (v2sf);
	p3 =	seq.s32 s11, $0x1  }
0xa4: {  	vm6 =	veq.s32 @!p5 v17, $0x1;
	s10 =	sadd.s32 @!p3 s7, s10;
	p2 =	por p3, p3  }
0xa5: {  	v28 =	vadd.s32 @!p5 v15, v28;
	v15 =	vmov @!p3 s7;
	v17 =	vmov @!p3 s10;
	s11 =	simm.s32 @!p2 $0x0;
	s9 =	sadd.s32 @!p2 s9, s10;
	s10 =	sld [smem:$0x7FB]  }
0xa6: {  	v30, _, _ =	vpop @!p6 (xrf0);
	v15 =	vadd.s32 @!p3 $0xFFFFFFFF, v15;
	s11 =	simm.s32 @p2 $0x1;
	s9 =	smov.u32 @p2 s7;
	p2 =	seq.s32 s8, $0x0  }
0xa7: {  	(v2sf) =	vpush @!p4 v30, $0xF;
	v15 =	vbroadcast @!p3 v15, $0x0;
	s8 =	sld [smem:$0x7F7];
	s7 =	simm.s32 @!p2 $0x0  }
0xa8: {  	vm3 =	vmmov vm3;
	v29 =	vadd.s32 @!p5 $0xFFFFFFFF, v29;
	v17 =	vadd.s32 @!p3 $0xFFFFFFFF, v17;
	[smem:$0x7F8] =	sst s11;
	s7 =	simm.s32 @p2 $0x1  }
0xa9: {  	vm7 =	veq.s32 @!p3 v20, $0x1;
	v17 =	vbroadcast @!p3 v17, $0x0;
	v32, _, _ =	vpop @!p6 (xrf0);
	v18 =	vadd.s32 @!p3 v18, v15;
	p3 =	por p4, p4;
	[smem:$0x7FA] =	sst s7  }
0xaa: {  	v29 =	vbroadcast @!p5 v29, $0x0;
	v21 =	vbroadcast @!p2 v21, $0xF;
	p5 =	seq.s32 s8, $0x1;
	s7 =	spop @!p1 (v2sf);
	s8 =	simm.s32 @!p6 $0x0;
	(v2sf) =	vpush @!p3 v32, $0xF  }
0xab: {  	vm11 =	vmmov vm4;
	v15 =	vlaneseq.u32 @!p2;
	p4 =	por p6, p6;
	v31 =	vmov @!p5 s9;
	s7 =	sadd.s32 @!p5 s9, s7;
	s8 =	simm.s32 @p6 $0x1  }
0xac: {  	v20 =	vshrl.u32 @!p2 v21, v15;
	vm9 =	veq.s32 @!p4 v27, $0x1;
	p6 =	por p5, p5;
	v31 =	vadd.s32 @!p5 $0xFFFFFFFF, v31;
	[smem:$0x7FC] =	sst s8;
	s8 =	spop @!p1 (v2sf)  }
0xad: {  	s11 =	sld [smem:$0x7F8];
	p4 =	por p2, p2;
	v20 =	vand.u32 @!p2 $0x1, v20;
	v33 =	vmov @!p5 s7;
	v31 =	vbroadcast @!p5 v31, $0x0;
	s7 =	sadd.s32 @!p6 s8, s7  }
0xae: {  	vm10 =	veq.s32 @!p1 v23, $0x1;
	vm8 =	veq.s32 @!p5 v22, $0x1;
	(xrf0) =	vadd.scan.msk.s32 @!p2 $0xffff, v20;
	v22 =	vadd.s32 @!p5 $0xFFFFFFFF, v33;
	s8 =	simm.s32 @!p4 $0x0;
	s7 =	smov.u32 @p6 s9;
	s9 =	sld [smem:$0x7FB]  }
0xaf: {  	vm10 =	vmmov vm10;
	v22 =	vbroadcast @!p5 v22, $0x0;
	v25 =	vadd.s32 @!p5 v25, v31;
	p5 =	seq.s32 s10, $0x1;
	s10 =	sld [smem:$0x7FA];
	s8 =	simm.s32 @p4 $0x1  }
0xb0: {  	vm10 =	vmmov vm10;
	vm5 =	veq.s32 @!p2 v20, $0x1;
	v23 =	vmov @!p3 s7;
	[smem:$0x7F9] =	sst s8  }
0xb1: {  	v20 =	vor.u32 @!p2 $0x10, v15;
	v16 =	vadd.s32 @!p5 v16, v29;
	p5 =	seq.s32 s11, $0x1;
	v23 =	vadd.s32 @!p3 $0xFFFFFFFF, v23;
	s11 =	sld [smem:$0x7F9];
	p2 =	seq.s32 s9, $0x1  }
0xb2: {  	v20 =	vshrl.u32 @!p4 v21, v20;
	v17 =	vadd.s32 @!p5 v24, v17;
	s9 =	sld [smem:$0x7FC];
	vm4 =	vlt.s32 @!p2 v28, $0x20  }
0xb3: {  	p4 =	seq.s32 s10, $0x1;
	v21 =	vbroadcast @!p3 v23, $0x0;
	vm12 =	vgt.s32 @!p2 v28, $0x0;
	vm3 =	vmand @!p2 vm4, vm3  }
0xb4: {  	v23, _, _ =	vpop @!p4 (xrf0);
	v24 =	vnsel @!p2 vm12, $0x0, v28;
	vm4 =	vgt.s32 @!p2 v16, $0x0;
	p4 =	seq.s32 s11, $0x1;
	vm12 =	vlt.s32 @!p2 v16, $0x20  }
0xb5: {  	s10 =	sld [smem:$0x7F9];
	(v2sf) =	vpush @!p4 v23, $0xF;
	v24 =	vmin.u32 @!p2 v24, $0x1F;
	v16 =	vnsel @!p2 vm4, $0x0, v16;
	p4 =	seq.s32 s9, $0x1  }
0xb6: {  	vm4 =	vmand @!p2 vm12, vm6;
	vm6 =	vmmov vm11;
	vm11 =	vlt.s32 @!p5 v18, $0x20;
	s8 =	spop @!p4 (v2sf)  }
0xb7: {  	s11 =	sld [smem:$0x7F9];
	v24 =	vor.u32 @!p2 v3, v24;
	v16 =	vmin.u32 @!p2 v16, $0x1F;
	vm6 =	vmand @!p5 vm11, vm6;
	s8 =	sadd.s32 @!p3 s7, s8  }
0xb8: {  	vm11 =	veq.s32 @!p3 v19, $0x1;
	v16 =	vor.u32 @!p2 v3, v16;
	p2 =	seq.s32 s10, $0x1;
	v19 =	vmov @!p3 s8  }
0xb9: {  	vm13 =	vmmov vm9;
	v20 =	vand.u32 @!p2 $0x1, v20;
	p2 =	por p3, p3;
	s9 =	spop @!p4 (v2sf);
	v19 =	vadd.s32 @!p3 $0xFFFFFFFF, v19  }
0xba: {  	v21 =	vadd.s32 @!p3 v30, v21;
	vm12 =	vgt.s32 @!p5 v18, $0x0;
	s8 =	sadd.s32 @!p2 s9, s8;
	v19 =	vbroadcast @!p3 v19, $0x0;
	p3 =	seq.s32 s11, $0x1  }
0xbb: {  	vm5 =	vmmov vm5;
	v18 =	vnsel @!p5 vm12, $0x0, v18;
	vm12 =	vlt.s32 @!p5 v17, $0x20;
	s8 =	smov.u32 @p2 s7;
	p4 =	por p3, p3  }
0xbc: {  	v22 =	vadd.s32 @!p6 v26, v22;
	vm7 =	vmand @!p5 vm12, vm7;
	(xrf0) =	vadd.scan.msk.s32 @!p3 $0xffff, v20;
	v26 =	vmov @!p4 s8  }
0xbd: {  	vm12 =	vgt.s32 @!p5 v17, $0x0;
	v18 =	vmin.u32 @!p5 v18, $0x1F;
	v26 =	vadd.s32 @!p4 $0xFFFFFFFF, v26  }
0xbe: {  	s10 =	sld [smem:$0x7FA];
	v17 =	vnsel @!p5 vm12, $0x0, v17;
	vm12 =	vlt.s32 @!p6 v25, $0x20;
	v26 =	vbroadcast @!p4 v26, $0x0  }
0xbf: {  	[tilespmem:v12+s4+$0x0] =	vst.idx.msk @!p0 vm1, v7;
	vm1 =	vmmov vm5;
	v18 =	vor.u32 @!p5 v3, v18;
	vm9 =	vmand @!p6 vm12, vm10  }
0xc0: {  	vm10 =	vgt.s32 @!p6 v25, $0x0;
	vm12 =	vlt.s32 @!p2 v21, $0x20;
	v17 =	vmin.u32 @!p5 v17, $0x1F  }
0xc1: {  	v25 =	vnsel @!p6 vm10, $0x0, v25;
	vm10 =	vlt.s32 @!p6 v22, $0x20;
	v17 =	vor.u32 @!p5 v3, v17;
	p3 =	seq.s32 s10, $0x1  }
0xc2: {  	vm8 =	vmand @!p6 vm10, vm8;
	vm10 =	vgt.s32 @!p6 v22, $0x0;
	v23 =	vadd.s32 @!p4 v23, v26;
	v26, _, _ =	vpop @!p3 (xrf0)  }
0xc3: {  	s11 =	sld [smem:$0x7FB];
	v22 =	vnsel @!p6 vm10, $0x0, v22;
	vm10 =	vmmov vm13;
	(v2sf) =	vpush @!p4 v26, $0xF  }
0xc4: {  	v19 =	vadd.s32 @!p2 v32, v19;
	vm10 =	vmand @!p2 vm12, vm10;
	vm12 =	vgt.s32 @!p2 v21, $0x0  }
0xc5: {  	v25 =	vmin.u32 @!p6 v25, $0x1F;
	v21 =	vnsel @!p2 vm12, $0x0, v21;
	vm12 =	vlt.s32 @!p2 v19, $0x20;
	s7 =	spop @!p3 (v2sf)  }
0xc6: {  	[tilespmem:v13+s4+$0x0] =	vst.idx.msk @!p0 vm2, v5;
	v22 =	vmin.u32 @!p6 v22, $0x1F;
	p0 =	seq.s32 s11, $0x1;
	vm11 =	vmand @!p2 vm12, vm11;
	vm12 =	vgt.s32 @!p2 v19, $0x0;
	s7 =	sadd.s32 @!p4 s8, s7  }
0xc7: {  	[tilespmem:v24+s26+$0x0] =	vst.idx.msk @!p0 vm3, v9;
	v19 =	vnsel @!p2 vm12, $0x0, v19;
	vm12 =	veq.s32 @!p4 v20, $0x1;
	v20 =	vmov @!p4 s7  }
0xc8: {  	v25 =	vor.u32 @!p6 v3, v25;
	v22 =	vor.u32 @!p6 v3, v22;
	[tilespmem:v16+s26+$0x0] =	vst.idx.msk @!p0 vm4, v6;
	v20 =	vadd.s32 @!p4 $0xFFFFFFFF, v20  }
0xc9: {  	s4 =	sadd.s32 @!p1 $0xFFFFFFF0, s5;
	v5 =	vmin.u32 @!p2 v21, $0x1F;
	[tilespmem:v18+s25+$0x0] =	vst.idx.msk @!p5 vm6, v10;
	v6 =	vmin.u32 @!p2 v19, $0x1F;
	v20 =	vbroadcast @!p4 v20, $0x0  }
0xca: {  	v5 =	vor.u32 @!p2 v3, v5;
	[tilespmem:v17+s25+$0x0] =	vst.idx.msk @!p5 vm7, v8;
	v8 =	vor.u32 @!p1 s4, v11;
	v6 =	vor.u32 @!p2 v3, v6;
	p4 =	por p4, p4  }
0xcb: {  	s26 =	sld [smem:$0x7FC];
	vm5 =	vlt.s32 @!p4 v23, $0x20;
	vm2 =	vgt.s32 @!p4 v23, $0x0;
	v7 =	vadd.s32 @!p4 v26, v20  }
0xcc: {  	vm1 =	vmand @!p4 vm5, vm1;
	v9 =	vnsel @!p4 vm2, $0x0, v23;
	vm3 =	vgt.s32 @!p4 v7, $0x0  }
0xcd: {  	vm2 =	vlt.s32 @!p4 v7, $0x20;
	v9 =	vmin.u32 @!p4 v9, $0x1F;
	v7 =	vnsel @!p4 vm3, $0x0, v7  }
0xce: {  	s4 =	sadd.s32 $0x20, s5;
	p0 =	seq.s32 s26, $0x1;
	vm2 =	vmand @!p4 vm2, vm12;
	v9 =	vor.u32 @!p4 v3, v9;
	v7 =	vmin.u32 @!p4 v7, $0x1F  }
0xcf: {  	v10 =	vor.u32 @!p1 s5, v11;
	[tilespmem:v25+s6+$0x0] =	vst.idx.msk @!p6 vm9, v8;
	s5 =	sadd.s32 @!p0 $0xFFFFFFF0, s4;
	v7 =	vor.u32 @!p4 v3, v7  }
.Ltmp6:
0xd0: {  	s9 =	simm.s32 @!p0 $0x4020;
	[tilespmem:v22+s6+$0x0] =	vst.idx.msk @!p6 vm8, v10;
	v8 =	vor.u32 @!p0 s5, v14;
	s5 =	sadd.s32 $0x20, s4;
	(pc) =	sbr.rel .LBB2_8-.Ltmp6, $4  }
0xd1: {  	v10 =	vor.u32 @!p0 s4, v14;
	s4 =	sadd.s32 @!p3 $0xFFFFFFF0, s5;
	[tilespmem:v5+s9+$0x0] =	vst.idx.msk @!p2 vm10, v8  }
0xd2: {  	s6 =	simm.s32 @!p3 $0x4020;
	v5 =	vor.u32 @!p3 s4, v15;
	[tilespmem:v6+s9+$0x0] =	vst.idx.msk @!p2 vm11, v10;
	s4 =	spop @!p3 (v2sf)  }
0xd3: {  	v6 =	vor.u32 @!p3 s5, v15;
	[tilespmem:v9+s6+$0x0] =	vst.idx.msk @!p4 vm1, v5;
	s7 =	sadd.s32 @!p4 s4, s7  }
0xd4: {  	[tilespmem:v7+s6+$0x0] =	vst.idx.msk @!p4 vm2, v6;
	s7 =	smov.u32 @p4 s8  }
.LBB2_10:
0xd5: {  	s0 =	simm.s32 $0x0;
	s1 =	rddreg [dreg:$0x5];
	s4 =	simm.s32 $0x4420  }
0xd6: {  	[hbm4b:s1+s0] =	stream.linear.scatter [tilespmem:s4], [sflag:$0x2], $0x400, $0x38;
	[tilespmem:$0x13420] =	vst v63  }
0xd7: {  	_ =	swait.ge [sflag:s21], $0x400  }
0xd8: {  	[sflag:s21] =	ssyncset.done $0x0  }
0xd9: {  	s0 =	simm.s32 $0x0;
	[sflag:s21] =	ssyncadd.s32 $0xFFFFFC00  }
0xda: {  	v4 =	vld [tilespmem:s0+$0x4020];
	_ =	sdelay $0x7  }
0xdb: {  	v3 =	vld.idx.msk [tilespmem:v4+s20+$0x0], $0xffff  }
0xdc: {  	v5 =	vadd.s32 $0x4000, v4;
	_ =	sdelay $0x3  }
0xdd: {  	[tilespmem:s0+$0x12820] =	vst v3  }
0xde: {  	v3 =	vld.idx.msk [tilespmem:v5+s20+$0x0], $0xffff  }
0xdf: {  	v4 =	vadd.s32 $0x8000, v4;
	_ =	sdelay $0x2  }
0xe0: {  	s4 =	simm.s32 $0x10;
	s1 =	simm.s32 $0x80  }
.LBB2_11:
0xe1: {  	p0 =	sne.s32 s1, $0xFC0;
	v5 =	vld [tilespmem:s4+$0x4020];
	[tilespmem:s0+$0x12C20] =	vst v3  }
0xe2: {  	v3 =	vld.idx.msk [tilespmem:v4+s20+$0x0], $0xffff;
	_ =	sdelay $0x5  }
0xe3: {  	[tilespmem:s0+$0x13020] =	vst v3;
	s0 =	smov.u32 s4  }
0xe4: {  	v3 =	vld.idx.msk [tilespmem:v5+s20+$0x0], $0xffff;
	_ =	sdelay $0x1  }
0xe5: {  	v4 =	vadd.s32 $0x4000, v5;
	_ =	sdelay $0x3  }
0xe6: {  	[tilespmem:s0+$0x12820] =	vst v3  }
0xe7: {  	v3 =	vld.idx.msk [tilespmem:v4+s20+$0x0], $0xffff  }
.Ltmp7:
0xe8: {  	(pc) =	sbr.rel @p0 .LBB2_11-.Ltmp7, $2  }
0xe9: {  	v4 =	vadd.s32 $0x8000, v5;
	_ =	sdelay $0x2  }
0xea: {  	s4 =	sshra.s32 s1, $0x2;
	s1 =	sadd.s32 $0x40, s1  }
0xeb: {  	_ =	sdelay $0x1  }
0xec: {  	v5 =	vld [tilespmem:s4+$0x4020]  }
0xed: {  	[tilespmem:s0+$0x12C20] =	vst v3  }
0xee: {  	v3 =	vld.idx.msk [tilespmem:v4+s20+$0x0], $0xffff;
	_ =	sdelay $0x4  }
0xef: {  	[tilespmem:s0+$0x13020] =	vst v3  }
0xf0: {  	v3 =	vld.idx.msk [tilespmem:v5+s20+$0x0], $0xffff  }
0xf1: {  	v62 =	vadd.s32 $0x4000, v5;
	_ =	sdelay $0x3  }
0xf2: {  	[tilespmem:s4+$0x12820] =	vst v3  }
0xf3: {  	v3 =	vld.idx.msk [tilespmem:v62+s20+$0x0], $0xffff  }
0xf4: {  	v63 =	vadd.s32 $0x8000, v5;
	_ =	sdelay $0x3  }
0xf5: {  	[tilespmem:s4+$0x12C20] =	vst v3  }
0xf6: {  	v3 =	vld.idx.msk [tilespmem:v63+s20+$0x0], $0xffff;
	_ =	sdelay $0x4  }
0xf7: {  	s26 =	rddreg [dreg:$0x6];
	s1 =	simm.s32 $0x12820;
	[tilespmem:s4+$0x13020] =	vst v3  }
0xf8: {  	[hbm4b:s26+s2] =	stream.linear.scatter [tilespmem:s1], [sflag:$0x2], $0x400, $0x38;
	[tilespmem:$0x13420] =	vst v63  }
0xf9: {  	_ =	swait.ge [sflag:s21], $0x400  }
0xfa: {  	[sflag:s21] =	ssyncset.done $0x0  }
0xfb: {  	s5 =	simm.s32 $0x12C20;
	s4 =	rddreg [dreg:$0x9];
	[sflag:s21] =	ssyncadd.s32 $0xFFFFFC00  }
0xfc: {  	[hbm4b:s4+s2] =	stream.linear.scatter [tilespmem:s5], [sflag:$0x2], $0x400, $0x38;
	[tilespmem:$0x13420] =	vst v63  }
0xfd: {  	_ =	swait.ge [sflag:s21], $0x400  }
0xfe: {  	[sflag:s21] =	ssyncset.done $0x0  }
0xff: {  	s6 =	simm.s32 $0x13020;
	[sflag:s21] =	ssyncadd.s32 $0xFFFFFC00  }
0x100: {  	[hbm4b:s12+s2] =	stream.linear.scatter [tilespmem:s6], [sflag:$0x2], $0x400, $0x38;
	[tilespmem:$0x13420] =	vst v63  }
0x101: {  	_ =	swait.ge [sflag:s21], $0x400  }
0x102: {  	[sflag:s21] =	ssyncset.done $0x0  }
0x103: {  	s7 =	simm.s32 $0x4020;
	[sflag:s21] =	ssyncadd.s32 $0xFFFFFC00  }
0x104: {  	[tilespmem:s30], [sflag:$0x1] =	stream.indirect.gather [hbm4b:s3+s28], $0x40, s7, s28, $0xb8;
	[tilespmem:$0x13420] =	vst v63  }
0x105: {  	_ =	swait.ge [sflag:s31], $0x2000  }
0x106: {  	[sflag:s31] =	ssyncset.done $0x0  }
0x107: {  	s8 =	rddreg [dreg:$0x7];
	[sflag:s31] =	ssyncadd.s32 $0xFFFFE000  }
0x108: {  	[hbm4b:s8+s2] =	stream.linear.scatter [tilespmem:s30], [sflag:$0x2], $0x2000, $0x38;
	[tilespmem:$0x13420] =	vst v63  }
0x109: {  	_ =	swait.ge [sflag:s21], $0x2000  }
0x10a: {  	[sflag:s21] =	ssyncset.done $0x0  }
0x10b: {  	s9 =	simm.s32 $0x40A0;
	[sflag:s21] =	ssyncadd.s32 $0xFFFFE000  }
0x10c: {  	[tilespmem:s30], [sflag:$0x1] =	stream.indirect.gather [hbm4b:s3+s28], $0x40, s9, s28, $0xb8;
	[tilespmem:$0x13420] =	vst v63  }
0x10d: {  	_ =	swait.ge [sflag:s31], $0x2000  }
0x10e: {  	[sflag:s31] =	ssyncset.done $0x0  }
0x10f: {  	[sflag:s31] =	ssyncadd.s32 $0xFFFFE000  }
0x110: {  	[hbm4b:s13+s2] =	stream.linear.scatter [tilespmem:s30], [sflag:$0x2], $0x2000, $0x38;
	[tilespmem:$0x13420] =	vst v63  }
0x111: {  	_ =	swait.ge [sflag:s21], $0x2000  }
0x112: {  	[sflag:s21] =	ssyncset.done $0x0  }
0x113: {  	s10 =	simm.s32 $0x4120;
	[sflag:s21] =	ssyncadd.s32 $0xFFFFE000  }
0x114: {  	[tilespmem:s30], [sflag:$0x1] =	stream.indirect.gather [hbm4b:s3+s28], $0x40, s10, s28, $0xb8;
	[tilespmem:$0x13420] =	vst v63  }
0x115: {  	_ =	swait.ge [sflag:s31], $0x2000  }
0x116: {  	[sflag:s31] =	ssyncset.done $0x0  }
0x117: {  	[sflag:s31] =	ssyncadd.s32 $0xFFFFE000  }
0x118: {  	[hbm4b:s14+s2] =	stream.linear.scatter [tilespmem:s30], [sflag:$0x2], $0x2000, $0x38;
	[tilespmem:$0x13420] =	vst v63  }
0x119: {  	_ =	swait.ge [sflag:s21], $0x2000  }
0x11a: {  	[sflag:s21] =	ssyncset.done $0x0  }
0x11b: {  	s11 =	simm.s32 $0x41A0;
	[sflag:s21] =	ssyncadd.s32 $0xFFFFE000  }
0x11c: {  	[tilespmem:s30], [sflag:$0x1] =	stream.indirect.gather [hbm4b:s3+s28], $0x40, s11, s28, $0xb8;
	[tilespmem:$0x13420] =	vst v63  }
0x11d: {  	_ =	swait.ge [sflag:s31], $0x2000  }
0x11e: {  	[sflag:s31] =	ssyncset.done $0x0  }
0x11f: {  	[sflag:s31] =	ssyncadd.s32 $0xFFFFE000  }
0x120: {  	[hbm4b:s15+s2] =	stream.linear.scatter [tilespmem:s30], [sflag:$0x2], $0x2000, $0x38;
	[tilespmem:$0x13420] =	vst v63  }
0x121: {  	_ =	swait.ge [sflag:s21], $0x2000  }
0x122: {  	[sflag:s21] =	ssyncset.done $0x0  }
0x123: {  	s22 =	simm.s32 $0x4220;
	[sflag:s21] =	ssyncadd.s32 $0xFFFFE000  }
0x124: {  	[tilespmem:s30], [sflag:$0x1] =	stream.indirect.gather [hbm4b:s3+s28], $0x40, s22, s28, $0xb8;
	[tilespmem:$0x13420] =	vst v63  }
0x125: {  	_ =	swait.ge [sflag:s31], $0x2000  }
0x126: {  	[sflag:s31] =	ssyncset.done $0x0  }
0x127: {  	[sflag:s31] =	ssyncadd.s32 $0xFFFFE000  }
0x128: {  	[hbm4b:s16+s2] =	stream.linear.scatter [tilespmem:s30], [sflag:$0x2], $0x2000, $0x38;
	[tilespmem:$0x13420] =	vst v63  }
0x129: {  	_ =	swait.ge [sflag:s21], $0x2000  }
0x12a: {  	[sflag:s21] =	ssyncset.done $0x0  }
0x12b: {  	s23 =	simm.s32 $0x42A0;
	[sflag:s21] =	ssyncadd.s32 $0xFFFFE000  }
0x12c: {  	[tilespmem:s30], [sflag:$0x1] =	stream.indirect.gather [hbm4b:s3+s28], $0x40, s23, s28, $0xb8;
	[tilespmem:$0x13420] =	vst v63  }
0x12d: {  	_ =	swait.ge [sflag:s31], $0x2000  }
0x12e: {  	[sflag:s31] =	ssyncset.done $0x0  }
0x12f: {  	[sflag:s31] =	ssyncadd.s32 $0xFFFFE000  }
0x130: {  	[hbm4b:s17+s2] =	stream.linear.scatter [tilespmem:s30], [sflag:$0x2], $0x2000, $0x38;
	[tilespmem:$0x13420] =	vst v63  }
0x131: {  	_ =	swait.ge [sflag:s21], $0x2000  }
0x132: {  	[sflag:s21] =	ssyncset.done $0x0  }
0x133: {  	s24 =	simm.s32 $0x4320;
	[sflag:s21] =	ssyncadd.s32 $0xFFFFE000  }
0x134: {  	[tilespmem:s30], [sflag:$0x1] =	stream.indirect.gather [hbm4b:s3+s28], $0x40, s24, s28, $0xb8;
	[tilespmem:$0x13420] =	vst v63  }
0x135: {  	_ =	swait.ge [sflag:s31], $0x2000  }
0x136: {  	[sflag:s31] =	ssyncset.done $0x0  }
0x137: {  	[sflag:s31] =	ssyncadd.s32 $0xFFFFE000  }
0x138: {  	[hbm4b:s18+s2] =	stream.linear.scatter [tilespmem:s30], [sflag:$0x2], $0x2000, $0x38;
	[tilespmem:$0x13420] =	vst v63  }
0x139: {  	_ =	swait.ge [sflag:s21], $0x2000  }
0x13a: {  	[sflag:s21] =	ssyncset.done $0x0  }
0x13b: {  	s25 =	simm.s32 $0x43A0;
	[sflag:s21] =	ssyncadd.s32 $0xFFFFE000  }
0x13c: {  	[tilespmem:s30], [sflag:$0x1] =	stream.indirect.gather [hbm4b:s3+s28], $0x40, s25, s28, $0xb8;
	[tilespmem:$0x13420] =	vst v63  }
0x13d: {  	_ =	swait.ge [sflag:s31], $0x2000  }
0x13e: {  	[sflag:s31] =	ssyncset.done $0x0  }
0x13f: {  	[sflag:s31] =	ssyncadd.s32 $0xFFFFE000  }
0x140: {  	[hbm4b:s19+s2] =	stream.linear.scatter [tilespmem:s30], [sflag:$0x2], $0x2000, $0x38;
	[tilespmem:$0x13420] =	vst v63  }
0x141: {  	_ =	swait.ge [sflag:s21], $0x2000  }
0x142: {  	s29 =	sadd.s32 $0x1, s29;
	s26 =	rddreg [dreg:$0x8]  }
0x143: {  	p0 =	sne.s32 s29, s26  }
.Ltmp8:
0x144: {  	_ = 	snop;
	(pc) =	sbr.rel @p0 .LBB2_1-.Ltmp8, $3  }
0x145: {  	_ =	sdelay $0x1  }
0x146: {  	[sflag:s21] =	ssyncset.done $0x0  }
0x147: {  	[sflag:s21] =	ssyncadd.s32 $0xFFFFE000  }
0x148: {  	_ =	sfence.sel $0x180000  }
0x149: {  	[bflag:$0x0] =	sbarrier.arrive $0xFFFF  }
0x14a: {  	_ =	strace $0x9000004D  }
0x14b: {  	s0 =	stileid.u32;
	[bflag:$0x2] =	sbarrier.arrive $0xFFFF  }
0x14c: {  	p0 =	sne.s32 s0, $0x0;
	s0 =	rddreg [dreg:$0x1]  }
0x14d: {  	s0 =	sadd.s32 @!p0 $0x100000, s0  }
0x14e: {  	[sflag:s0] =	ssyncadd.tile.s32 @!p0 $0x1;
	_ =	shalt  }
.Lfunc_end2:
_tile_overlayer_lowered:
.L_overlay_start_2:
0x14f: {  	(tag) =	ssettag $0x2  }
0x150: {  	s0 =	rddreg [dreg:$0x0];
	s2 =	stileid.u32  }
0x151: {  	s1 =	rddreg [dreg:$0x1];
	p0 =	sne.s32 s2, $0x0  }
0x152: {  	s3 =	rddreg [dreg:$0x2];
	[bflag:$0x3] =	sbarrier.arrive $0xFFFF;
	s2 =	simm.s32 @!p0 $0x1C02  }
0x153: {  	[timem:s3], [sflag:s2] =	dma.local @!p0 [hbm:s0], s1  }
0x154: {  	s0 =	simm.s32 @!p0 $0x2  }
0x155: {  	_ =	swait.ge @!p0 [sflag:s0], s1  }
0x156: {  	s1 =	ssub.s32 @!p0 $0x0, s1;
	[sflag:s0] =	ssyncset.done @!p0 $0x0  }
0x157: {  	[sflag:s0] =	ssyncadd.s32 @!p0 s1  }
0x158: {  	[bflag:$0x3] =	sbarrier.arrive $0xFFFF  }
0x159: {  	_ =	shalt  }

// kernel: kernel.21.cloned.1.call-start
scs
__scs_entry_jumppad:
0x0: {  	(pc) =	sbr.rel $0x88, $3  }
0x1: {  	(tag) =	ssettag $0x0;
	lr =	simm.s32 $0x1  }
0x2: {  	[smem:$0x3F9E] =	sst lr;
	_ =	strace $0xD0000000  }
0x3: {  	_ = 	snop  }
0x4: {  	_ = 	snop  }
0x5: {  	_ = 	snop  }
0x6: {  	_ = 	snop  }
0x7: {  	_ = 	snop  }
__scs_overlays_trampoline_lowered:
0x8: {  	[smem:$0x3FAD] =	sst s0  }
0x9: {  	[smem:$0x3FAE] =	sst s1  }
0xa: {  	[smem:$0x3FAF] =	sst s2  }
0xb: {  	[smem:$0x3FB0] =	sst s3  }
0xc: {  	[smem:$0x3FB1] =	sst s4  }
0xd: {  	[smem:$0x3FB2] =	sst s5  }
0xe: {  	[smem:$0x3FB3] =	sst s6  }
0xf: {  	[smem:$0x3FB4] =	sst s7  }
0x10: {  	[smem:$0x3FB5] =	sst s8  }
0x11: {  	[smem:$0x3FB6] =	sst s9;
	s0 =	simm.s32 @!p0 $0x0  }
0x12: {  	s1 =	sld [smem:$0x3F9C];
	s0 =	simm.s32 @p0 $0x1  }
0x13: {  	[smem:$0x3FB7] =	sst s0;
	s0 =	simm.s32 @!p1 $0x0  }
0x14: {  	s2 =	sld [smem:$0x3F9B];
	s0 =	simm.s32 @p1 $0x1  }
0x15: {  	[smem:$0x3FB8] =	sst s0;
	s0 =	simm.s32 @!p2 $0x0  }
0x16: {  	s3 =	sld [smem:$0x3FDB];
	s0 =	simm.s32 @p2 $0x1  }
0x17: {  	s4 =	simm.s32 $0x1BF5;
	[smem:$0x3FBA] =	sst s0  }
0x18: {  	s0 =	sld [smem:$0x3F9D];
	_ =	swait.ge [sflag:s4], $0x0  }
0x19: {  	s7 =	sld [smem:$0x3F9E]  }
0x1a: {  	s8 =	sadd.s32 $0xFFFFE003, lr  }
0x1b: {  	s9 =	sadd.s32 $0xFFFFFEF7, lr;
	s5 =	simm.s32 $0xFFFFFFFF;
	p2 =	slt.u32 s8, $0xFFFFF086  }
0x1c: {  	p1 =	slt.u32 s9, $0xF7A;
	s5 =	simm.s32 @!p2 $0x0  }
0x1d: {  	s5 =	simm.s32 @p1 $0x1;
	p0 =	seq.s32 s7, s2  }
0x1e: {  	s7 =	smul.u32 @!p0 $0xF7A, s2;
	p2 =	seq.s32 @!p0 s5, $0x0  }
0x1f: {  	s9 =	smul.u32 $0xF7A, s1;
	s8 =	simm.s32 @!p0 $0x1BF5;
	p2 =	por !p2, p0  }
0x20: {  	[sflag:s8] =	ssyncset.s32 @!p0 $0xFFFFF086;
	s6 =	sadd.s32 @!p0 s3, s7;
	s7 =	simm.s32 @!p0 $0x108  }
0x21: {  	s3 =	sadd.s32 s3, s9;
	s6 =	sadd.s32 @!p0 $0x88, s6;
	s7 =	simm.s32 @p2 $0x1082  }
0x22: {  	[simem:s7], [sflag:s8] =	dma.local @!p0 [hbm:s6], $0xF7A  }
0x23: {  	s9 =	sor.u32 $0xD0000000, s2;
	s6 =	simm.s32 $0x108;
	_ =	swait.ge @!p0 [sflag:s8], $0x0  }
0x24: {  	s3 =	sadd.s32 $0x88, s3;
	s6 =	simm.s32 @!p1 $0x1082;
	[sflag:s4] =	ssyncset.s32 $0xFFFFF086  }
0x25: {  	[simem:s6], [sflag:s4] =	dma.local [hbm:s3], $0xF7A  }
0x26: {  	[smem:$0x3F9E] =	sst s1;
	(tag) =	ssettag s2;
	_ =	strace s9  }
0x27: {  	s1 =	sld [smem:$0x3FAE]  }
0x28: {  	s2 =	sld [smem:$0x3FAF]  }
0x29: {  	s4 =	sld [smem:$0x3FB1]  }
0x2a: {  	p0 =	seq.s32 s5, $0x0;
	s5 =	sld [smem:$0x3FB2]  }
0x2b: {  	s6 =	sld [smem:$0x3FB3]  }
0x2c: {  	s7 =	sld [smem:$0x3FB4]  }
0x2d: {  	s3 =	simm.s32 $0x108;
	s8 =	sld [smem:$0x3FB5]  }
0x2e: {  	s3 =	simm.s32 @!p0 $0x1082;
	s9 =	sld [smem:$0x3FB6]  }
0x2f: {  	lr =	sadd.s32 s0, s3;
	s0 =	sld [smem:$0x3FAD]  }
0x30: {  	s3 =	sld [smem:$0x3FB0]  }
0x31: {  	[smem:$0x3FB9] =	sst s10  }
0x32: {  	s10 =	sld [smem:$0x3FB7];
	_ =	sdelay $0x3  }
0x33: {  	p0 =	seq.s32 s10, $0x1;
	s10 =	sld [smem:$0x3FB9];
	_ =	sdelay $0x3  }
0x34: {  	[smem:$0x3FB9] =	sst s10  }
0x35: {  	s10 =	sld [smem:$0x3FB8];
	_ =	sdelay $0x3  }
0x36: {  	p1 =	seq.s32 s10, $0x1;
	s10 =	sld [smem:$0x3FB9];
	_ =	sdelay $0x3  }
0x37: {  	[smem:$0x3FB9] =	sst s10  }
0x38: {  	s10 =	sld [smem:$0x3FBA]  }
0x39: {  	_ = 	snop;
	(pc) =	sbr.ind lr, $3  }
0x3a: {  	_ = 	snop  }
0x3b: {  	_ = 	snop  }
0x3c: {  	p2 =	seq.s32 s10, $0x1;
	s10 =	sld [smem:$0x3FB9]  }
0x3d: {  	_ =	shalt  }
0x3e: {  	_ =	shalt  }
0x3f: {  	_ =	shalt  }
0x40: {  	_ =	shalt  }
0x41: {  	_ =	shalt  }
0x42: {  	_ =	shalt  }
0x43: {  	_ =	shalt  }
0x44: {  	_ =	shalt  }
0x45: {  	_ =	shalt  }
0x46: {  	_ =	shalt  }
0x47: {  	_ =	shalt  }
0x48: {  	_ =	shalt  }
0x49: {  	_ =	shalt  }
0x4a: {  	_ =	shalt  }
0x4b: {  	_ =	shalt  }
0x4c: {  	_ =	shalt  }
0x4d: {  	_ =	shalt  }
0x4e: {  	_ =	shalt  }
0x4f: {  	_ =	shalt  }
0x50: {  	_ =	shalt  }
0x51: {  	_ =	shalt  }
0x52: {  	_ =	shalt  }
0x53: {  	_ =	shalt  }
0x54: {  	_ =	shalt  }
0x55: {  	_ =	shalt  }
0x56: {  	_ =	shalt  }
0x57: {  	_ =	shalt  }
0x58: {  	_ =	shalt  }
0x59: {  	_ =	shalt  }
0x5a: {  	_ =	shalt  }
0x5b: {  	_ =	shalt  }
0x5c: {  	_ =	shalt  }
0x5d: {  	_ =	shalt  }
0x5e: {  	_ =	shalt  }
0x5f: {  	_ =	shalt  }
0x60: {  	_ =	shalt  }
0x61: {  	_ =	shalt  }
0x62: {  	_ =	shalt  }
0x63: {  	_ =	shalt  }
0x64: {  	_ =	shalt  }
0x65: {  	_ =	shalt  }
0x66: {  	_ =	shalt  }
0x67: {  	_ =	shalt  }
0x68: {  	_ =	shalt  }
0x69: {  	_ =	shalt  }
0x6a: {  	_ =	shalt  }
0x6b: {  	_ =	shalt  }
0x6c: {  	_ =	shalt  }
0x6d: {  	_ =	shalt  }
0x6e: {  	_ =	shalt  }
0x6f: {  	_ =	shalt  }
0x70: {  	_ =	shalt  }
0x71: {  	_ =	shalt  }
0x72: {  	_ =	shalt  }
0x73: {  	_ =	shalt  }
0x74: {  	_ =	shalt  }
0x75: {  	_ =	shalt  }
0x76: {  	_ =	shalt  }
0x77: {  	_ =	shalt  }
0x78: {  	_ =	shalt  }
0x79: {  	_ =	shalt  }
0x7a: {  	_ =	shalt  }
0x7b: {  	_ =	shalt  }
0x7c: {  	_ =	shalt  }
0x7d: {  	_ =	shalt  }
0x7e: {  	_ =	shalt  }
0x7f: {  	_ =	shalt  }
0x80: {  	_ =	shalt  }
0x81: {  	_ =	shalt  }
0x82: {  	_ =	shalt  }
0x83: {  	_ =	shalt  }
0x84: {  	_ =	shalt  }
0x85: {  	_ =	shalt  }
0x86: {  	_ =	shalt  }
0x87: {  	_ =	shalt  }
.Lfunc_end0:
.L_simem_size_0:
called_computation.4_lowered:
.L_overlay_start_0:
0x88: {  	s2 =	sld [smem:$0x3FD9]  }
0x89: {  	s3 =	sld [smem:$0x3FFE];
	_ =	sdelay $0x1  }
0x8a: {  	s1 =	srdreg.scid  }
0x8b: {  	s0 =	sand.u32 $0x1, s1  }
0x8c: {  	s17 =	sshll.u32 s0, $0xA;
	s2 =	sadd.s32 s3, s2  }
0x8d: {  	s2 =	sadd.s32 s2, s17  }
0x8e: {  	[smem:$0x3FC5] =	sst s2  }
0x8f: {  	_ = 	snop  }
0x90: {  	(tm) =	ssettm $0x1  }
0x91: {  	s18 =	sld [smem:$0x3FFB];
	_ =	sdelay $0x3  }
0x92: {  	_ =	strace s18  }
0x93: {  	s2 =	sld [smem:$0x3FFC];
	_ =	sdelay $0x3  }
0x94: {  	_ =	strace s2  }
0x95: {  	s2 =	sld [smem:$0x3FFD];
	_ =	sdelay $0x3  }
0x96: {  	_ =	strace s2  }
0x97: {  	_ =	strace $0x8FFFFFFF  }
0x98: {  	s19 =	sld [smem:$0x3FDB];
	_ =	sdelay $0x1  }
0x99: {  	s20 =	simm.s32 $_scs_section_size  }
0x9a: {  	s4 =	simm.s32 $_size__tile_overlayer_lowered;
	s5 =	simm.s32 $_tile_overlayer_lowered  }
0x9b: {  	s6 =	simm.s32 $0x1BFF;
	s21 =	sshll.u32 s5, $0x1;
	s3 =	sadd.s32 s20, s19  }
0x9c: {  	s22 =	simm.s32 $0x0;
	s4 =	sshll.u32 s4, $0x1;
	s5 =	sadd.s32 s21, s3  }
0x9d: {  	[timem:s22], [sflag:s6] =	dma.local [hbm:s5], s4  }
0x9e: {  	_ =	swait.ge [sflag:s6], s4  }
0x9f: {  	s4 =	ssub.s32 $0x0, s4;
	[sflag:s6] =	ssyncset.done $0x0  }
0xa0: {  	[sflag:s6] =	ssyncadd.s32 s4;
	_ =	sdelay $0x1  }
0xa1: {  	s23 =	simm.s32 $0x1B8B  }
0xa2: {  	_ =	swait.ge [sflag:s23], $0x1  }
0xa3: {  	[sflag:s23] =	ssyncset.done $0x0  }
0xa4: {  	[sflag:s23] =	ssyncadd.s32 $0xFFFFFFFF  }
0xa5: {  	s4 =	sld [smem:$0x0]  }
0xa6: {  	s5 =	sand.u32 $0xFFFFFFFE, s1  }
0xa7: {  	p0 =	sne.s32 s1, s5  }
0xa8: {  	s5 =	sshll.u32 @p0 s5, $0xE  }
0xa9: {  	s5 =	sadd.s32 @p0 $0x11B8D, s5;
	s6 =	sshll.u32 @p0 s4, $0x11  }
0xaa: {  	s5 =	sor.u32 @p0 s6, s5  }
0xab: {  	[sflag:s5] =	ssyncadd.remote.s32 @p0 $0x1;
	_ =	sdelay $0x1  }
0xac: {  	s5 =	simm.s32 @p0 $0x1B8D  }
0xad: {  	_ =	swait.eq @p0 [sflag:s5], $0x1  }
0xae: {  	[sflag:s5] =	ssyncadd.s32 @p0 $0xFFFFFFFF  }
0xaf: {  	s6 =	sshll.u32 @!p0 s1, $0xE  }
0xb0: {  	s6 =	sor.u32 @!p0 $0x4000, s6;
	s5 =	simm.s32 @!p0 $0x1B8D  }
0xb1: {  	s4 =	sshll.u32 @!p0 s4, $0x11;
	s6 =	sadd.s32 @!p0 $0x11B8D, s6;
	_ =	swait.eq @!p0 [sflag:s5], $0x1  }
0xb2: {  	s4 =	sor.u32 @!p0 s4, s6;
	[sflag:s5] =	ssyncadd.s32 @!p0 $0xFFFFFFFF  }
0xb3: {  	s25 =	simm.s32 $0x1B8E;
	s24 =	sld [smem:$0x3FFE];
	[sflag:s4] =	ssyncadd.remote.s32 @!p0 $0x1  }
0xb4: {  	s26 =	simm.s32 $execute0_lowered;
	[smem:$0x3FD2] =	sst s25  }
0xb5: {  	s5 =	sshll.u32 s26, $0x1;
	_ =	strace $0x80000049;
	[dreg:$0x1] =	wrdreg $0xFFFFFFFF  }
0xb6: {  	s28 =	simm.s32 $_size_execute0_lowered;
	s3 =	sadd.s32 s3, s5;
	[dreg:$0x0] =	wrdreg $0x0  }
0xb7: {  	s5 =	sshll.u32 s28, $0x1;
	[dreg:$0x2] =	wrdreg s3  }
0xb8: {  	[dreg:$0x3] =	wrdreg s5  }
0xb9: {  	[dreg:$0x4] =	wrdreg $0xC0  }
0xba: {  	_ =	task [dreg:s22], $0x5FFFF  }
0xbb: {  	[dreg:$0x1] =	wrdreg $0xFFFFFFFF  }
0xbc: {  	[dreg:$0x0] =	wrdreg $0x60  }
0xbd: {  	[dreg:$0x2] =	wrdreg s24  }
0xbe: {  	[dreg:$0x3] =	wrdreg $0xB  }
0xbf: {  	_ =	task.clear_ibuf [dreg:s22], $0x4FFFF;
	_ =	strace $0x90000049  }
0xc0: {  	s29 =	simm.s32 $0xB;
	_ =	strace $0x8000004B  }
0xc1: {  	_ =	swait.ge [sflag:s29], $0x1  }
0xc2: {  	[sflag:s29] =	ssyncadd.s32 $0xFFFFFFFF  }
0xc3: {  	_ =	strace $0x9000004B  }
0xc4: {  	_ =	sfence  }
0xc5: {  	s30 =	sld [smem:$0x0];
	_ =	sdelay $0x2  }
0xc6: {  	s31 =	sshll.u32 s1, $0xD;
	s1 =	sshrl.u32 s1, $0x2  }
0xc7: {  	s4 =	sand.u32 $0x4000, s31;
	s1 =	sadd.s32 s1, s30  }
0xc8: {  	s0 =	sor.u32 s4, s0;
	s1 =	sshll.u32 s1, $0x11  }
0xc9: {  	s0 =	sor.u32 s1, s0  }
0xca: {  	s0 =	sadd.s32 $0x8F2B, s0  }
0xcb: {  	[sflag:s0] =	ssyncadd.remote.s32 $0x1  }
0xcc: {  	_ =	sfence.sel $0xFFFF  }
0xcd: {  	[dreg:$0x0] =	wrdreg $0xFFFFFFFF;
	(pc) =	sbr.abs _section_cstart, $3  }
0xce: {  	[dreg:$0x1] =	wrdreg $0xFFFFFFFF  }
0xcf: {  	_ =	task.clear_ibuf [dreg:s22], $0x2FFFF;
	_ =	strace $0x9FFFFFFF  }
0xd0: {  	(tm) =	ssettm $0x7FFFFFFF  }
0xd1: {  	_ =	shalt  }
tec
execute0_lowered:
.L_overlay_start_1:
0x0: {  	(tag) =	ssettag $0x1  }
0x1: {  	s0 =	rddreg [dreg:$0x0]  }
0x2: {  	s1 =	srdreg.scid;
	s3 =	stileid.u32  }
0x3: {  	s2 =	simm.s32 $0x0;
	s28 =	simm.s32 $0x80;
	s30 =	simm.s32 $0x4820  }
0x4: {  	s31 =	simm.s32 $0x1;
	s29 =	simm.s32 $0x0;
	s1 =	sand.u32 $0x1, s1  }
0x5: {  	s3 =	sshll.u32 s3, $0x1;
	[smem:$0x7FF] =	sst s2;
	s7 =	sadd.s32 $0x3000, s0  }
0x6: {  	s4 =	sor.u32 s1, s3;
	_ =	strace $0x8000004A;
	[dreg:$0x2] =	wrdreg s7  }
0x7: {  	s1 =	ssub.s32 $0x2, s1;
	s3 =	sshll.u32 s4, $0xB;
	s5 =	sshll.u32 s4, $0x2  }
0x8: {  	s20 =	sshll.u32 s4, $0xD;
	s4 =	sshll.u32 s4, $0x7;
	s8 =	sshrl.u32 s1, $0x1  }
0x9: {  	s6 =	sadd.s32 s3, s0;
	s5 =	sadd.s32 s5, s0;
	s3 =	sadd.s32 $0x4800, s0  }
0xa: {  	s7 =	sadd.s32 s20, s0;
	s0 =	sadd.s32 s4, s0;
	s1 =	ssub.s32 s1, s8  }
0xb: {  	s20 =	simm.s32 $0x6820;
	s21 =	sadd.s32 $0x68A00, s6;
	s22 =	sadd.s32 $0x78A00, s5  }
0xc: {  	s23 =	sadd.s32 $0xBBC00, s0;
	s24 =	sadd.s32 $0x78C00, s0;
	[dreg:$0x3] =	wrdreg s21  }
0xd: {  	s25 =	sadd.s32 $0x7BC00, s7;
	s1 =	smax.u32 s1, $0x1;
	[dreg:$0x4] =	wrdreg s22  }
0xe: {  	s26 =	sadd.s32 $0x79C00, s0;
	s12 =	sadd.s32 $0x7AC00, s0;
	[dreg:$0x5] =	wrdreg s23  }
0xf: {  	s13 =	sadd.s32 $0x7C000, s7;
	s14 =	sadd.s32 $0x7C400, s7;
	[dreg:$0x6] =	wrdreg s24  }
0x10: {  	s15 =	sadd.s32 $0x7C800, s7;
	s16 =	sadd.s32 $0x7CC00, s7;
	[dreg:$0x7] =	wrdreg s25  }
0x11: {  	v0 =	vlaneseq.u32;
	s17 =	sadd.s32 $0x7D000, s7;
	s18 =	sadd.s32 $0x7D400, s7;
	[dreg:$0x8] =	wrdreg s1  }
0x12: {  	vm0 =	vmmov $0x1;
	v1 =	vimm.s32 $0x0;
	v2 =	vor.u32 $0x10, v0;
	s19 =	sadd.s32 $0x7D800, s7;
	[dreg:$0x9] =	wrdreg s26;
	s21 =	simm.s32 $0x2  }
.LBB2_1:
0x13: {  	s0 =	rddreg [dreg:$0x2]  }
0x14: {  	[tilespmem:s20], [sflag:$0x2] =	stream.linear.gather [hbm4b:s0+s2], $0xC000, $0x38;
	[tilespmem:$0x13420] =	vst v63  }
0x15: {  	_ =	swait.ge [sflag:s21], $0xC000  }
0x16: {  	[sflag:s21] =	ssyncset.done $0x0  }
0x17: {  	s25 =	rddreg [dreg:$0x3];
	[sflag:s21] =	ssyncadd.s32 $0xFFFF4000  }
0x18: {  	[tilespmem:s2], [sflag:$0x2] =	stream.linear.gather [hbm4b:s25+s2], $0x4000, $0x38;
	[tilespmem:$0x13420] =	vst v63  }
0x19: {  	_ =	swait.ge [sflag:s21], $0x4000  }
0x1a: {  	s1 =	simm.s32 $0x4000;
	[sflag:s21] =	ssyncset.done $0x0  }
.Ltmp0:
0x1b: {  	s26 =	rddreg [dreg:$0x4];
	[sflag:s21] =	ssyncadd.s32 $0xFFFFC000;
	(pc) =	sbr.rel .LBB2_2-.Ltmp0, $4  }
0x1c: {  	[tilespmem:s1], [sflag:$0x2] =	stream.linear.gather [hbm4b:s26+s2], $0x20, $0x38;
	[tilespmem:$0x13420] =	vst v63  }
0x1d: {  	_ =	swait.ge [sflag:s21], $0x20  }
0x1e: {  	[sflag:s21] =	ssyncset.done $0x0  }
0x1f: {  	s0 =	simm.s32 $0x0;
	[sflag:s21] =	ssyncadd.s32 $0xFFFFFFE0  }
.LBB2_9:
0x20: {  	v3 =	vld [tilespmem:s1+$0x4020];
	_ =	sdelay $0x4  }
0x21: {  	v4 =	vnsel vm0, $0x0, v3  }
0x22: {  	(xrf0) =	vadd.scan.msk.s32 $0xffff, v4;
	_ =	sdelay $0x5  }
0x23: {  	v4, _, _ =	vpop (xrf0)  }
0x24: {  	(v2sf) =	vpush v4, $0xF;
	_ =	sdelay $0xc  }
0x25: {  	p0 =	slt.s32 s7, $0x20  }
0x26: {  	p1 =	sgt.s32 s7, $0x0;
	v63 =	vld [tilespmem:s1+$0x4030];
	s7 =	simm.s32 @!p0 $0x20  }
0x27: {  	s0 =	sadd.s32 $0x1, s0;
	v5 =	vmov s7;
	s4 =	spop (v2sf)  }
0x28: {  	p0 =	sne.s32 s0, $0x20;
	vm1 =	vgt.s32 v5, v0;
	s4 =	simm.s32 @!p1 $0x0  }
.Ltmp1:
0x29: {  	v3 =	vnsel vm1, s4, v3;
	(pc) =	sbr.rel @!p0 .LBB2_10-.Ltmp1, $4  }
0x2a: {  	[tilespmem:s1+$0x4020] =	vst v3;
	v3 =	vsel vm1, $0x1, v1;
	vm1 =	vgt.s32 v5, v2  }
0x2b: {  	[tilespmem:s1+$0x4420] =	vst v3;
	v3 =	vnsel vm1, s4, v63  }
0x2c: {  	[tilespmem:s1+$0x4030] =	vst v3;
	v3 =	vsel vm1, $0x1, v1  }
0x2d: {  	[tilespmem:s1+$0x4430] =	vst v3  }
.LBB2_2:
0x2e: {  	s1 =	sand.u32 $0x10, s0  }
0x2f: {  	v3 =	vld [tilespmem:s1+$0x4000];
	_ =	sdelay $0x1  }
0x30: {  	s25 =	sand.u32 $0xF, s0  }
0x31: {  	v4 =	vmov s25  }
0x32: {  	vm1 =	veq.s32 v4, v0  }
0x33: {  	v3 =	vnsel vm1, $0x0, v3  }
0x34: {  	(xrf0) =	vadd.scan.msk.s32 $0xffff, v3;
	_ =	sdelay $0x5  }
0x35: {  	v3, _, _ =	vpop (xrf0)  }
0x36: {  	(v2sf) =	vpush v3, $0xF;
	_ =	sdelay $0xa  }
.Ltmp2:
0x37: {  	_ = 	snop;
	(pc) =	sbr.rel .LBB2_3-.Ltmp2, $4  }
0x38: {  	_ = 	snop  }
0x39: {  	s26 =	sshll.u32 s0, $0x9  }
0x3a: {  	s7 =	simm.s32 $0x0;
	s4 =	sand.u32 $0x3FFFFE00, s26;
	s1 =	sshll.u32 s0, $0x5  }
0x3b: {  	s23 =	simm.s32 $0x10;
	s24 =	simm.s32 $0x0;
	v4 =	vmov s4;
	v3 =	vmov s1;
	s22 =	spop (v2sf)  }
.LBB2_4:
0x3c: {  	s7 =	smov.u32 @p0 s7  }
.LBB2_8:
0x3d: {  	s24 =	sadd.s32 $0x1, s24  }
0x3e: {  	p0 =	sne.s32 s24, $0x20  }
.Ltmp3:
0x3f: {  	_ = 	snop;
	(pc) =	sbr.rel @!p0 .LBB2_9-.Ltmp3, $2  }
0x40: {  	_ =	sdelay $0x2  }
0x41: {  	s23 =	sadd.s32 $0x200, s23  }
.LBB2_3:
0x42: {  	s4 =	sshrl.u32 s22, s24  }
0x43: {  	s4 =	sand.u32 $0x1, s4  }
0x44: {  	p0 =	sgt.s32 s7, $0x1F;
	p1 =	seq.s32 s4, $0x1  }
0x45: {  	p1 =	por p0, !p1  }
.Ltmp4:
0x46: {  	_ = 	snop;
	(pc) =	sbr.rel @p1 .LBB2_4-.Ltmp4, $1  }
0x47: {  	_ =	sdelay $0x3  }
0x48: {  	_ =	sdelay $0x2  }
0x49: {  	s4 =	sshll.u32 s24, $0x4  }
0x4a: {  	v14 =	vld.idx.msk [tilespmem:v4+s4+$0x0 ss:$0x1], $0xffff;
	_ =	sdelay $0x1  }
0x4b: {  	s11 =	simm.s32 $0x0  }
0x4c: {  	v5 =	vmov s11  }
0x4d: {  	vm1 =	veq.s32 v5, v0  }
0x4e: {  	v5 =	vnsel vm1, $0x0, v14  }
0x4f: {  	(xrf0) =	vadd.scan.msk.s32 $0xffff, v5;
	_ =	sdelay $0x5  }
0x50: {  	v5, _, _ =	vpop (xrf0)  }
0x51: {  	s25 =	simm.s32 $0x1;
	(v2sf) =	vpush v5, $0xF  }
0x52: {  	v6 =	vmov s25  }
0x53: {  	vm1 =	veq.s32 v6, v0  }
0x54: {  	v6 =	vnsel vm1, $0x0, v14  }
0x55: {  	(xrf0) =	vadd.scan.msk.s32 $0xffff, v6;
	_ =	sdelay $0x5  }
0x56: {  	v6, _, _ =	vpop (xrf0)  }
0x57: {  	(v2sf) =	vpush v6, $0xF;
	_ =	sdelay $0x3  }
0x58: {  	s26 =	simm.s32 $0x2;
	s5 =	spop (v2sf)  }
0x59: {  	v7 =	vmov s26;
	p6 =	seq.s32 s5, $0x0  }
0x5a: {  	vm1 =	veq.s32 v7, v0;
	v5 =	vbroadcast @!p6 v5, $0xF  }
0x5b: {  	v7 =	vnsel vm1, $0x0, v14;
	v8 =	vlaneseq.u32 @!p6  }
0x5c: {  	(xrf0) =	vadd.scan.msk.s32 $0xffff, v7;
	v7 =	vshrl.u32 @!p6 v5, v8  }
0x5d: {  	v7 =	vand.u32 @!p6 $0x1, v7  }
0x5e: {  	(xrf0) =	vadd.scan.msk.s32 @!p6 $0xffff, v7;
	_ =	sdelay $0x3  }
0x5f: {  	s6 =	simm.s32 $0x3  }
0x60: {  	v9 =	vmov s6;
	v10, _, _ =	vpop (xrf0);
	s8 =	spop (v2sf);
	p0 =	por p6, p6;
	v12 =	vor.u32 @!p6 $0x10, v8  }
0x61: {  	vm1 =	veq.s32 v9, v0;
	(v2sf) =	vpush v10, $0xF;
	p2 =	seq.s32 s8, $0x0;
	v5 =	vshrl.u32 @!p0 v5, v12;
	v11, _, _ =	vpop @!p6 (xrf0)  }
0x62: {  	v12 =	vbroadcast @!p2 v6, $0xF;
	v6 =	vnsel vm1, $0x0, v14;
	(v2sf) =	vpush @!p0 v11, $0xF  }
0x63: {  	(xrf0) =	vadd.scan.msk.s32 $0xffff, v6;
	_ =	sdelay $0x4  }
0x64: {  	v9 =	vlaneseq.u32 @!p2;
	v13 =	vand.u32 @!p0 $0x1, v5  }
0x65: {  	v5 =	vshrl.u32 @!p2 v12, v9;
	(xrf0) =	vadd.scan.msk.s32 @!p0 $0xffff, v13;
	v20, _, _ =	vpop (xrf0)  }
0x66: {  	v15 =	vand.u32 @!p2 $0x1, v5;
	(v2sf) =	vpush v20, $0xF  }
0x67: {  	(xrf0) =	vadd.scan.msk.s32 @!p2 $0xffff, v15  }
0x68: {  	s6 =	simm.s32 $0x4  }
0x69: {  	v17 =	vmov s6;
	s4 =	sadd.s32 @!p6 $0xFFFFFFF0, s23  }
0x6a: {  	vm3 =	veq.s32 v17, v0;
	vm1 =	veq.s32 @!p6 v7, $0x1;
	v7 =	vor.u32 @!p6 s4, v8;
	s4 =	sadd.s32 $0x20, s23  }
0x6b: {  	p1 =	por p2, p2;
	v5 =	vor.u32 @!p6 s23, v8;
	v8 =	vor.u32 @!p2 $0x10, v9;
	v6 =	vor.u32 @!p2 s4, v9;
	p0 =	por p0, p0;
	v16, _, _ =	vpop @!p6 (xrf0)  }
0x6c: {  	s9 =	spop (v2sf);
	s5 =	sadd.s32 @!p2 $0xFFFFFFF0, s4;
	v8 =	vshrl.u32 @!p1 v12, v8;
	v12 =	vnsel vm3, $0x0, v14;
	(v2sf) =	vpush @!p0 v16, $0xF  }
0x6d: {  	p3 =	seq.s32 s9, $0x0;
	vm2 =	veq.s32 @!p2 v15, $0x1;
	v9 =	vor.u32 @!p2 s5, v9;
	v17 =	vand.u32 @!p1 $0x1, v8;
	(xrf0) =	vadd.scan.msk.s32 $0xffff, v12;
	v15, _, _ =	vpop @!p2 (xrf0);
	s5 =	spop @!p6 (v2sf)  }
0x6e: {  	v21 =	vbroadcast @!p3 v10, $0xF;
	(xrf0) =	vadd.scan.msk.s32 @!p1 $0xffff, v17;
	(v2sf) =	vpush @!p1 v15, $0xF;
	s5 =	sadd.s32 @!p0 s7, s5  }
0x6f: {  	v10 =	vlaneseq.u32 @!p3;
	v18 =	vmov @!p0 s7;
	v19 =	vmov @!p0 s5  }
0x70: {  	v12 =	vshrl.u32 @!p3 v21, v10;
	v18 =	vadd.s32 @!p0 $0xFFFFFFFF, v18;
	v19 =	vadd.s32 @!p0 $0xFFFFFFFF, v19  }
0x71: {  	v12 =	vand.u32 @!p3 $0x1, v12;
	v18 =	vbroadcast @!p0 v18, $0x0  }
0x72: {  	vm4 =	veq.s32 @!p3 v12, $0x1;
	(xrf0) =	vadd.scan.msk.s32 @!p3 $0xffff, v12;
	v12 =	vbroadcast @!p0 v19, $0x0  }
0x73: {  	vm3 =	vmmov vm2;
	vm2 =	veq.s32 @!p0 v13, $0x1;
	v11 =	vadd.s32 @!p0 v11, v18;
	p0 =	por p0, p0;
	v19, _, _ =	vpop (xrf0)  }
0x74: {  	s10 =	simm.s32 $0x5;
	p5 =	por p1, p1;
	v12 =	vadd.s32 @!p0 v16, v12;
	(v2sf) =	vpush v19, $0xF;
	v16, _, _ =	vpop @!p2 (xrf0)  }
0x75: {  	p4 =	por p3, p3;
	v22 =	vor.u32 @!p3 $0x10, v10;
	vm1 =	vmmov vm1;
	s11 =	sadd.s32 $0x20, s4;
	s8 =	spop (v2sf);
	(v2sf) =	vpush @!p5 v16, $0xF  }
0x76: {  	v23 =	vmov s10;
	v24 =	vshrl.u32 @!p4 v21, v22;
	vm1 =	vmmov vm1;
	s4 =	sadd.s32 @!p3 $0xFFFFFFF0, s11;
	p1 =	seq.s32 s8, $0x0  }
0x77: {  	v8 =	vor.u32 @!p3 s11, v10;
	v10 =	vor.u32 @!p3 s4, v10;
	v21 =	vbroadcast @!p1 v20, $0xF  }
0x78: {  	v20 =	vand.u32 @!p4 $0x1, v24;
	vm5 =	vlt.s32 @!p0 v11, $0x20;
	vm6 =	vgt.s32 @!p0 v11, $0x0  }
0x79: {  	vm1 =	vmand @!p0 vm5, vm1;
	v11 =	vnsel @!p0 vm6, $0x0, v11;
	vm6 =	vgt.s32 @!p0 v12, $0x0  }
0x7a: {  	s26 =	simm.s32 @!p2 $0x4020;
	vm5 =	vlt.s32 @!p0 v12, $0x20;
	v11 =	vmin.u32 @!p0 v11, $0x1F;
	v13 =	vnsel @!p0 vm6, $0x0, v12  }
0x7b: {  	s25 =	simm.s32 @!p3 $0x4020;
	s4 =	simm.s32 @!p6 $0x4020;
	s9 =	spop @!p6 (v2sf);
	vm2 =	vmand @!p0 vm5, vm2;
	v12 =	vor.u32 @!p0 v3, v11;
	v11 =	vmin.u32 @!p0 v13, $0x1F  }
0x7c: {  	s8 =	simm.s32 $0x6;
	s6 =	simm.s32 @!p1 $0x4020;
	s9 =	sadd.s32 @!p0 s9, s5;
	v18, _, _ =	vpop @!p3 (xrf0);
	vm5 =	veq.s32 v23, v0;
	v13 =	vor.u32 @!p0 v3, v11;
	v11 =	vlaneseq.u32 @!p1  }
0x7d: {  	s10 =	spop @!p2 (v2sf);
	s5 =	sadd.s32 $0x20, s11;
	s9 =	smov.u32 @p0 s7;
	(v2sf) =	vpush @!p4 v18, $0xF;
	v23 =	vnsel vm5, $0x0, v14;
	v22 =	vor.u32 @!p1 $0x10, v11  }
.LBB2_6:
0x7e: {  	p6 =	por p2, p2;
	s7 =	smov.u32 s9  }
0x7f: {  	v25 =	vmov @!p5 s9;
	s9 =	sadd.s32 @!p5 s9, s10;
	s10 =	smov.u32 s8;
	s8 =	sadd.s32 $0x1, s8  }
0x80: {  	p2 =	por p3, p3;
	p3 =	por p1, p1;
	(xrf0) =	vadd.scan.msk.s32 $0xffff, v23;
	v24 =	vor.u32 @!p1 s5, v11;
	[tilespmem:v12+s4+$0x0] =	vst.idx.msk @!p0 vm1, v7;
	v23 =	vshrl.u32 @!p1 v21, v11;
	p1 =	sne.s32 s8, $0x10  }
0x81: {  	vm5 =	vmmov vm3;
	v25 =	vadd.s32 @!p5 $0xFFFFFFFF, v25;
	[tilespmem:v13+s4+$0x0] =	vst.idx.msk @!p0 vm2, v5;
	s4 =	smov.u32 s26;
	s11 =	simm.s32 @!p1 $0x0  }
0x82: {  	vm3 =	vmmov vm4;
	(xrf0) =	vadd.scan.msk.s32 @!p4 $0xffff, v20;
	v26 =	vmov @!p5 s9;
	s26 =	smov.u32 s25;
	s25 =	smov.u32 s6;
	v25 =	vbroadcast @!p5 v25, $0x0;
	s11 =	simm.s32 @p1 $0x1  }
0x83: {  	vm2 =	veq.s32 @!p5 v17, $0x1;
	v23 =	vand.u32 @!p3 $0x1, v23;
	v26 =	vadd.s32 @!p5 $0xFFFFFFFF, v26;
	[smem:$0x7FD] =	sst s11;
	s11 =	sadd.s32 @!p3 $0xFFFFFFF0, s5;
	s6 =	spop (v2sf)  }
0x84: {  	v7 =	vmovc v9;
	v9 =	vmovc v10;
	p0 =	por p5, p5;
	v12 =	vbroadcast @!p5 v26, $0x0;
	v13 =	vadd.s32 @!p5 v15, v25;
	p5 =	por p4, p4;
	v11 =	vor.u32 @!p3 s11, v11;
	s11 =	spop @!p6 (v2sf)  }
0x85: {  	v5 =	vmovc v6;
	v6 =	vmov v8;
	(xrf0) =	vadd.scan.msk.s32 @!p3 $0xffff, v23;
	vm4 =	veq.s32 @!p3 v23, $0x1;
	v23 =	vmov s10;
	p4 =	por p3, p3;
	s9 =	sadd.s32 @!p0 s11, s9;
	s11 =	sld [smem:$0x7FD]  }
0x86: {  	v8 =	vmovc v24;
	v17 =	vmovc v20;
	vm1 =	vlt.s32 @!p0 v13, $0x20;
	vm6 =	vgt.s32 @!p0 v13, $0x0;
	v24 =	vshrl.u32 @!p4 v21, v22  }
0x87: {  	v10 =	vmov v11;
	v11 =	vadd.s32 @!p0 v16, v12;
	v20, _, _ =	vpop (xrf0);
	vm1 =	vmand @!p0 vm1, vm5  }
0x88: {  	v12 =	vnsel @!p0 vm6, $0x0, v13;
	vm5 =	vlt.s32 @!p0 v11, $0x20;
	(v2sf) =	vpush v20, $0xF;
	v16, _, _ =	vpop @!p2 (xrf0);
	p6 =	seq.s32 s11, $0x1  }
.Ltmp5:
0x89: {  	v12 =	vmin.u32 @!p0 v12, $0x1F;
	vm6 =	vgt.s32 @!p0 v11, $0x0;
	(v2sf) =	vpush @!p5 v16, $0xF;
	(pc) =	sbr.rel @p6 .LBB2_6-.Ltmp5, $4  }
0x8a: {  	v15 =	vmovc v18;
	vm2 =	vmand @!p0 vm5, vm2;
	v11 =	vnsel @!p0 vm6, $0x0, v11;
	vm5 =	veq.s32 v23, v0  }
0x8b: {  	v12 =	vor.u32 @!p0 v3, v12;
	v18, _, _ =	vpop @!p3 (xrf0);
	v11 =	vmin.u32 @!p0 v11, $0x1F;
	v23 =	vnsel vm5, $0x0, v14;
	p1 =	seq.s32 s6, $0x0  }
0x8c: {  	s5 =	sadd.s32 $0x20, s5;
	v13 =	vor.u32 @!p0 v3, v11;
	(v2sf) =	vpush @!p4 v18, $0xF;
	v11 =	vlaneseq.u32 @!p1  }
0x8d: {  	v21 =	vbroadcast @!p1 v19, $0xF;
	s6 =	simm.s32 @!p1 $0x4020;
	s10 =	spop @!p2 (v2sf);
	v19 =	vmovc v20;
	v20 =	vand.u32 @!p4 $0x1, v24;
	v22 =	vor.u32 @!p1 $0x10, v11;
	s9 =	smov.u32 @p0 s7  }
0x8e: {  	_ = 	snop  }
0x8f: {  	(xrf0) =	vadd.scan.msk.s32 $0xffff, v23;
	v14 =	vshrl.u32 @!p1 v21, v11  }
0x90: {  	(xrf0) =	vadd.scan.msk.s32 @!p4 $0xffff, v20;
	v23 =	vand.u32 @!p1 $0x1, v14  }
0x91: {  	(xrf0) =	vadd.scan.msk.s32 @!p1 $0xffff, v23;
	_ =	sdelay $0x2  }
0x92: {  	p6 =	por p1, p1  }
0x93: {  	v14 =	vshrl.u32 @!p6 v21, v22;
	v21, _, _ =	vpop (xrf0)  }
0x94: {  	p4 =	por p4, p4;
	(v2sf) =	vpush v21, $0xF;
	v24, _, _ =	vpop @!p3 (xrf0)  }
0x95: {  	v22 =	vand.u32 @!p6 $0x1, v14;
	(v2sf) =	vpush @!p4 v24, $0xF;
	v25, _, _ =	vpop @!p1 (xrf0)  }
0x96: {  	(xrf0) =	vadd.scan.msk.s32 @!p6 $0xffff, v22;
	s11 =	spop (v2sf);
	(v2sf) =	vpush @!p6 v25, $0xF;
	p6 =	por p6, p6  }
0x97: {  	s8 =	simm.s32 @!p6 $0x0  }
0x98: {  	s8 =	simm.s32 @p6 $0x1  }
0x99: {  	[smem:$0x7F7] =	sst s8  }
0x9a: {  	p6 =	seq.s32 s11, $0x0;
	s11 =	sld [smem:$0x7F7];
	_ =	sdelay $0x1  }
0x9b: {  	s7 =	simm.s32 @!p4 $0x0  }
0x9c: {  	s7 =	simm.s32 @p4 $0x1;
	v26, _, _ =	vpop @!p1 (xrf0);
	v19 =	vbroadcast @!p6 v19, $0xF;
	p4 =	seq.s32 s11, $0x1  }
0x9d: {  	v14 =	vlaneseq.u32 @!p6;
	(v2sf) =	vpush @!p4 v26, $0xF  }
0x9e: {  	[smem:$0x7F6] =	sst s7;
	s7 =	spop @!p2 (v2sf);
	p2 =	por p5, p5;
	v27 =	vshrl.u32 @!p6 v19, v14  }
0x9f: {  	s8 =	sadd.s32 @!p5 s9, s10;
	s10 =	simm.s32 @!p2 $0x0;
	v27 =	vand.u32 @!p6 $0x1, v27  }
0xa0: {  	v29 =	vor.u32 @!p6 $0x10, v14;
	s10 =	simm.s32 @p2 $0x1;
	(xrf0) =	vadd.scan.msk.s32 @!p6 $0xffff, v27;
	s11 =	sld [smem:$0x7F6];
	p4 =	por p6, p6  }
0xa1: {  	v28 =	vmov @!p5 s9;
	[smem:$0x7FB] =	sst s10;
	s10 =	spop @!p3 (v2sf);
	v19 =	vshrl.u32 @!p4 v19, v29  }
0xa2: {  	v28 =	vadd.s32 @!p5 $0xFFFFFFFF, v28;
	s7 =	sadd.s32 @!p2 s7, s8;
	v29 =	vmov @!p5 s8;
	v19 =	vand.u32 @!p4 $0x1, v19;
	s8 =	spop (v2sf)  }
0xa3: {  	v28 =	vbroadcast @!p5 v28, $0x0;
	s7 =	smov.u32 @p2 s9;
	(xrf0) =	vadd.scan.msk.s32 @!p4 $0xffff, v19;
	s9 =	spop @!p3 (v2sf);
	p3 =	seq.s32 s11, $0x1  }
0xa4: {  	vm6 =	veq.s32 @!p5 v17, $0x1;
	s10 =	sadd.s32 @!p3 s7, s10;
	p2 =	por p3, p3  }
0xa5: {  	v28 =	vadd.s32 @!p5 v15, v28;
	v15 =	vmov @!p3 s7;
	v17 =	vmov @!p3 s10;
	s11 =	simm.s32 @!p2 $0x0;
	s9 =	sadd.s32 @!p2 s9, s10;
	s10 =	sld [smem:$0x7FB]  }
0xa6: {  	v30, _, _ =	vpop @!p6 (xrf0);
	v15 =	vadd.s32 @!p3 $0xFFFFFFFF, v15;
	s11 =	simm.s32 @p2 $0x1;
	s9 =	smov.u32 @p2 s7;
	p2 =	seq.s32 s8, $0x0  }
0xa7: {  	(v2sf) =	vpush @!p4 v30, $0xF;
	v15 =	vbroadcast @!p3 v15, $0x0;
	s8 =	sld [smem:$0x7F7];
	s7 =	simm.s32 @!p2 $0x0  }
0xa8: {  	vm3 =	vmmov vm3;
	v29 =	vadd.s32 @!p5 $0xFFFFFFFF, v29;
	v17 =	vadd.s32 @!p3 $0xFFFFFFFF, v17;
	[smem:$0x7F8] =	sst s11;
	s7 =	simm.s32 @p2 $0x1  }
0xa9: {  	vm7 =	veq.s32 @!p3 v20, $0x1;
	v17 =	vbroadcast @!p3 v17, $0x0;
	v32, _, _ =	vpop @!p6 (xrf0);
	v18 =	vadd.s32 @!p3 v18, v15;
	p3 =	por p4, p4;
	[smem:$0x7FA] =	sst s7  }
0xaa: {  	v29 =	vbroadcast @!p5 v29, $0x0;
	v21 =	vbroadcast @!p2 v21, $0xF;
	p5 =	seq.s32 s8, $0x1;
	s7 =	spop @!p1 (v2sf);
	s8 =	simm.s32 @!p6 $0x0;
	(v2sf) =	vpush @!p3 v32, $0xF  }
0xab: {  	vm11 =	vmmov vm4;
	v15 =	vlaneseq.u32 @!p2;
	p4 =	por p6, p6;
	v31 =	vmov @!p5 s9;
	s7 =	sadd.s32 @!p5 s9, s7;
	s8 =	simm.s32 @p6 $0x1  }
0xac: {  	v20 =	vshrl.u32 @!p2 v21, v15;
	vm9 =	veq.s32 @!p4 v27, $0x1;
	p6 =	por p5, p5;
	v31 =	vadd.s32 @!p5 $0xFFFFFFFF, v31;
	[smem:$0x7FC] =	sst s8;
	s8 =	spop @!p1 (v2sf)  }
0xad: {  	s11 =	sld [smem:$0x7F8];
	p4 =	por p2, p2;
	v20 =	vand.u32 @!p2 $0x1, v20;
	v33 =	vmov @!p5 s7;
	v31 =	vbroadcast @!p5 v31, $0x0;
	s7 =	sadd.s32 @!p6 s8, s7  }
0xae: {  	vm10 =	veq.s32 @!p1 v23, $0x1;
	vm8 =	veq.s32 @!p5 v22, $0x1;
	(xrf0) =	vadd.scan.msk.s32 @!p2 $0xffff, v20;
	v22 =	vadd.s32 @!p5 $0xFFFFFFFF, v33;
	s8 =	simm.s32 @!p4 $0x0;
	s7 =	smov.u32 @p6 s9;
	s9 =	sld [smem:$0x7FB]  }
0xaf: {  	vm10 =	vmmov vm10;
	v22 =	vbroadcast @!p5 v22, $0x0;
	v25 =	vadd.s32 @!p5 v25, v31;
	p5 =	seq.s32 s10, $0x1;
	s10 =	sld [smem:$0x7FA];
	s8 =	simm.s32 @p4 $0x1  }
0xb0: {  	vm10 =	vmmov vm10;
	vm5 =	veq.s32 @!p2 v20, $0x1;
	v23 =	vmov @!p3 s7;
	[smem:$0x7F9] =	sst s8  }
0xb1: {  	v20 =	vor.u32 @!p2 $0x10, v15;
	v16 =	vadd.s32 @!p5 v16, v29;
	p5 =	seq.s32 s11, $0x1;
	v23 =	vadd.s32 @!p3 $0xFFFFFFFF, v23;
	s11 =	sld [smem:$0x7F9];
	p2 =	seq.s32 s9, $0x1  }
0xb2: {  	v20 =	vshrl.u32 @!p4 v21, v20;
	v17 =	vadd.s32 @!p5 v24, v17;
	s9 =	sld [smem:$0x7FC];
	vm4 =	vlt.s32 @!p2 v28, $0x20  }
0xb3: {  	p4 =	seq.s32 s10, $0x1;
	v21 =	vbroadcast @!p3 v23, $0x0;
	vm12 =	vgt.s32 @!p2 v28, $0x0;
	vm3 =	vmand @!p2 vm4, vm3  }
0xb4: {  	v23, _, _ =	vpop @!p4 (xrf0);
	v24 =	vnsel @!p2 vm12, $0x0, v28;
	vm4 =	vgt.s32 @!p2 v16, $0x0;
	p4 =	seq.s32 s11, $0x1;
	vm12 =	vlt.s32 @!p2 v16, $0x20  }
0xb5: {  	s10 =	sld [smem:$0x7F9];
	(v2sf) =	vpush @!p4 v23, $0xF;
	v24 =	vmin.u32 @!p2 v24, $0x1F;
	v16 =	vnsel @!p2 vm4, $0x0, v16;
	p4 =	seq.s32 s9, $0x1  }
0xb6: {  	vm4 =	vmand @!p2 vm12, vm6;
	vm6 =	vmmov vm11;
	vm11 =	vlt.s32 @!p5 v18, $0x20;
	s8 =	spop @!p4 (v2sf)  }
0xb7: {  	s11 =	sld [smem:$0x7F9];
	v24 =	vor.u32 @!p2 v3, v24;
	v16 =	vmin.u32 @!p2 v16, $0x1F;
	vm6 =	vmand @!p5 vm11, vm6;
	s8 =	sadd.s32 @!p3 s7, s8  }
0xb8: {  	vm11 =	veq.s32 @!p3 v19, $0x1;
	v16 =	vor.u32 @!p2 v3, v16;
	p2 =	seq.s32 s10, $0x1;
	v19 =	vmov @!p3 s8  }
0xb9: {  	vm13 =	vmmov vm9;
	v20 =	vand.u32 @!p2 $0x1, v20;
	p2 =	por p3, p3;
	s9 =	spop @!p4 (v2sf);
	v19 =	vadd.s32 @!p3 $0xFFFFFFFF, v19  }
0xba: {  	v21 =	vadd.s32 @!p3 v30, v21;
	vm12 =	vgt.s32 @!p5 v18, $0x0;
	s8 =	sadd.s32 @!p2 s9, s8;
	v19 =	vbroadcast @!p3 v19, $0x0;
	p3 =	seq.s32 s11, $0x1  }
0xbb: {  	vm5 =	vmmov vm5;
	v18 =	vnsel @!p5 vm12, $0x0, v18;
	vm12 =	vlt.s32 @!p5 v17, $0x20;
	s8 =	smov.u32 @p2 s7;
	p4 =	por p3, p3  }
0xbc: {  	v22 =	vadd.s32 @!p6 v26, v22;
	vm7 =	vmand @!p5 vm12, vm7;
	(xrf0) =	vadd.scan.msk.s32 @!p3 $0xffff, v20;
	v26 =	vmov @!p4 s8  }
0xbd: {  	vm12 =	vgt.s32 @!p5 v17, $0x0;
	v18 =	vmin.u32 @!p5 v18, $0x1F;
	v26 =	vadd.s32 @!p4 $0xFFFFFFFF, v26  }
0xbe: {  	s10 =	sld [smem:$0x7FA];
	v17 =	vnsel @!p5 vm12, $0x0, v17;
	vm12 =	vlt.s32 @!p6 v25, $0x20;
	v26 =	vbroadcast @!p4 v26, $0x0  }
0xbf: {  	[tilespmem:v12+s4+$0x0] =	vst.idx.msk @!p0 vm1, v7;
	vm1 =	vmmov vm5;
	v18 =	vor.u32 @!p5 v3, v18;
	vm9 =	vmand @!p6 vm12, vm10  }
0xc0: {  	vm10 =	vgt.s32 @!p6 v25, $0x0;
	vm12 =	vlt.s32 @!p2 v21, $0x20;
	v17 =	vmin.u32 @!p5 v17, $0x1F  }
0xc1: {  	v25 =	vnsel @!p6 vm10, $0x0, v25;
	vm10 =	vlt.s32 @!p6 v22, $0x20;
	v17 =	vor.u32 @!p5 v3, v17;
	p3 =	seq.s32 s10, $0x1  }
0xc2: {  	vm8 =	vmand @!p6 vm10, vm8;
	vm10 =	vgt.s32 @!p6 v22, $0x0;
	v23 =	vadd.s32 @!p4 v23, v26;
	v26, _, _ =	vpop @!p3 (xrf0)  }
0xc3: {  	s11 =	sld [smem:$0x7FB];
	v22 =	vnsel @!p6 vm10, $0x0, v22;
	vm10 =	vmmov vm13;
	(v2sf) =	vpush @!p4 v26, $0xF  }
0xc4: {  	v19 =	vadd.s32 @!p2 v32, v19;
	vm10 =	vmand @!p2 vm12, vm10;
	vm12 =	vgt.s32 @!p2 v21, $0x0  }
0xc5: {  	v25 =	vmin.u32 @!p6 v25, $0x1F;
	v21 =	vnsel @!p2 vm12, $0x0, v21;
	vm12 =	vlt.s32 @!p2 v19, $0x20;
	s7 =	spop @!p3 (v2sf)  }
0xc6: {  	[tilespmem:v13+s4+$0x0] =	vst.idx.msk @!p0 vm2, v5;
	v22 =	vmin.u32 @!p6 v22, $0x1F;
	p0 =	seq.s32 s11, $0x1;
	vm11 =	vmand @!p2 vm12, vm11;
	vm12 =	vgt.s32 @!p2 v19, $0x0;
	s7 =	sadd.s32 @!p4 s8, s7  }
0xc7: {  	[tilespmem:v24+s26+$0x0] =	vst.idx.msk @!p0 vm3, v9;
	v19 =	vnsel @!p2 vm12, $0x0, v19;
	vm12 =	veq.s32 @!p4 v20, $0x1;
	v20 =	vmov @!p4 s7  }
0xc8: {  	v25 =	vor.u32 @!p6 v3, v25;
	v22 =	vor.u32 @!p6 v3, v22;
	[tilespmem:v16+s26+$0x0] =	vst.idx.msk @!p0 vm4, v6;
	v20 =	vadd.s32 @!p4 $0xFFFFFFFF, v20  }
0xc9: {  	s4 =	sadd.s32 @!p1 $0xFFFFFFF0, s5;
	v5 =	vmin.u32 @!p2 v21, $0x1F;
	[tilespmem:v18+s25+$0x0] =	vst.idx.msk @!p5 vm6, v10;
	v6 =	vmin.u32 @!p2 v19, $0x1F;
	v20 =	vbroadcast @!p4 v20, $0x0  }
0xca: {  	v5 =	vor.u32 @!p2 v3, v5;
	[tilespmem:v17+s25+$0x0] =	vst.idx.msk @!p5 vm7, v8;
	v8 =	vor.u32 @!p1 s4, v11;
	v6 =	vor.u32 @!p2 v3, v6;
	p4 =	por p4, p4  }
0xcb: {  	s26 =	sld [smem:$0x7FC];
	vm5 =	vlt.s32 @!p4 v23, $0x20;
	vm2 =	vgt.s32 @!p4 v23, $0x0;
	v7 =	vadd.s32 @!p4 v26, v20  }
0xcc: {  	vm1 =	vmand @!p4 vm5, vm1;
	v9 =	vnsel @!p4 vm2, $0x0, v23;
	vm3 =	vgt.s32 @!p4 v7, $0x0  }
0xcd: {  	vm2 =	vlt.s32 @!p4 v7, $0x20;
	v9 =	vmin.u32 @!p4 v9, $0x1F;
	v7 =	vnsel @!p4 vm3, $0x0, v7  }
0xce: {  	s4 =	sadd.s32 $0x20, s5;
	p0 =	seq.s32 s26, $0x1;
	vm2 =	vmand @!p4 vm2, vm12;
	v9 =	vor.u32 @!p4 v3, v9;
	v7 =	vmin.u32 @!p4 v7, $0x1F  }
0xcf: {  	v10 =	vor.u32 @!p1 s5, v11;
	[tilespmem:v25+s6+$0x0] =	vst.idx.msk @!p6 vm9, v8;
	s5 =	sadd.s32 @!p0 $0xFFFFFFF0, s4;
	v7 =	vor.u32 @!p4 v3, v7  }
.Ltmp6:
0xd0: {  	s9 =	simm.s32 @!p0 $0x4020;
	[tilespmem:v22+s6+$0x0] =	vst.idx.msk @!p6 vm8, v10;
	v8 =	vor.u32 @!p0 s5, v14;
	s5 =	sadd.s32 $0x20, s4;
	(pc) =	sbr.rel .LBB2_8-.Ltmp6, $4  }
0xd1: {  	v10 =	vor.u32 @!p0 s4, v14;
	s4 =	sadd.s32 @!p3 $0xFFFFFFF0, s5;
	[tilespmem:v5+s9+$0x0] =	vst.idx.msk @!p2 vm10, v8  }
0xd2: {  	s6 =	simm.s32 @!p3 $0x4020;
	v5 =	vor.u32 @!p3 s4, v15;
	[tilespmem:v6+s9+$0x0] =	vst.idx.msk @!p2 vm11, v10;
	s4 =	spop @!p3 (v2sf)  }
0xd3: {  	v6 =	vor.u32 @!p3 s5, v15;
	[tilespmem:v9+s6+$0x0] =	vst.idx.msk @!p4 vm1, v5;
	s7 =	sadd.s32 @!p4 s4, s7  }
0xd4: {  	[tilespmem:v7+s6+$0x0] =	vst.idx.msk @!p4 vm2, v6;
	s7 =	smov.u32 @p4 s8  }
.LBB2_10:
0xd5: {  	s0 =	simm.s32 $0x0;
	s1 =	rddreg [dreg:$0x5];
	s4 =	simm.s32 $0x4420  }
0xd6: {  	[hbm4b:s1+s0] =	stream.linear.scatter [tilespmem:s4], [sflag:$0x2], $0x400, $0x38;
	[tilespmem:$0x13420] =	vst v63  }
0xd7: {  	_ =	swait.ge [sflag:s21], $0x400  }
0xd8: {  	[sflag:s21] =	ssyncset.done $0x0  }
0xd9: {  	s0 =	simm.s32 $0x0;
	[sflag:s21] =	ssyncadd.s32 $0xFFFFFC00  }
0xda: {  	v4 =	vld [tilespmem:s0+$0x4020];
	_ =	sdelay $0x7  }
0xdb: {  	v3 =	vld.idx.msk [tilespmem:v4+s20+$0x0], $0xffff  }
0xdc: {  	v5 =	vadd.s32 $0x4000, v4;
	_ =	sdelay $0x3  }
0xdd: {  	[tilespmem:s0+$0x12820] =	vst v3  }
0xde: {  	v3 =	vld.idx.msk [tilespmem:v5+s20+$0x0], $0xffff  }
0xdf: {  	v4 =	vadd.s32 $0x8000, v4;
	_ =	sdelay $0x2  }
0xe0: {  	s4 =	simm.s32 $0x10;
	s1 =	simm.s32 $0x80  }
.LBB2_11:
0xe1: {  	p0 =	sne.s32 s1, $0xFC0;
	v5 =	vld [tilespmem:s4+$0x4020];
	[tilespmem:s0+$0x12C20] =	vst v3  }
0xe2: {  	v3 =	vld.idx.msk [tilespmem:v4+s20+$0x0], $0xffff;
	_ =	sdelay $0x5  }
0xe3: {  	[tilespmem:s0+$0x13020] =	vst v3;
	s0 =	smov.u32 s4  }
0xe4: {  	v3 =	vld.idx.msk [tilespmem:v5+s20+$0x0], $0xffff;
	_ =	sdelay $0x1  }
0xe5: {  	v4 =	vadd.s32 $0x4000, v5;
	_ =	sdelay $0x3  }
0xe6: {  	[tilespmem:s0+$0x12820] =	vst v3  }
0xe7: {  	v3 =	vld.idx.msk [tilespmem:v4+s20+$0x0], $0xffff  }
.Ltmp7:
0xe8: {  	(pc) =	sbr.rel @p0 .LBB2_11-.Ltmp7, $2  }
0xe9: {  	v4 =	vadd.s32 $0x8000, v5;
	_ =	sdelay $0x2  }
0xea: {  	s4 =	sshra.s32 s1, $0x2;
	s1 =	sadd.s32 $0x40, s1  }
0xeb: {  	_ =	sdelay $0x1  }
0xec: {  	v5 =	vld [tilespmem:s4+$0x4020]  }
0xed: {  	[tilespmem:s0+$0x12C20] =	vst v3  }
0xee: {  	v3 =	vld.idx.msk [tilespmem:v4+s20+$0x0], $0xffff;
	_ =	sdelay $0x4  }
0xef: {  	[tilespmem:s0+$0x13020] =	vst v3  }
0xf0: {  	v3 =	vld.idx.msk [tilespmem:v5+s20+$0x0], $0xffff  }
0xf1: {  	v62 =	vadd.s32 $0x4000, v5;
	_ =	sdelay $0x3  }
0xf2: {  	[tilespmem:s4+$0x12820] =	vst v3  }
0xf3: {  	v3 =	vld.idx.msk [tilespmem:v62+s20+$0x0], $0xffff  }
0xf4: {  	v63 =	vadd.s32 $0x8000, v5;
	_ =	sdelay $0x3  }
0xf5: {  	[tilespmem:s4+$0x12C20] =	vst v3  }
0xf6: {  	v3 =	vld.idx.msk [tilespmem:v63+s20+$0x0], $0xffff;
	_ =	sdelay $0x4  }
0xf7: {  	s26 =	rddreg [dreg:$0x6];
	s1 =	simm.s32 $0x12820;
	[tilespmem:s4+$0x13020] =	vst v3  }
0xf8: {  	[hbm4b:s26+s2] =	stream.linear.scatter [tilespmem:s1], [sflag:$0x2], $0x400, $0x38;
	[tilespmem:$0x13420] =	vst v63  }
0xf9: {  	_ =	swait.ge [sflag:s21], $0x400  }
0xfa: {  	[sflag:s21] =	ssyncset.done $0x0  }
0xfb: {  	s5 =	simm.s32 $0x12C20;
	s4 =	rddreg [dreg:$0x9];
	[sflag:s21] =	ssyncadd.s32 $0xFFFFFC00  }
0xfc: {  	[hbm4b:s4+s2] =	stream.linear.scatter [tilespmem:s5], [sflag:$0x2], $0x400, $0x38;
	[tilespmem:$0x13420] =	vst v63  }
0xfd: {  	_ =	swait.ge [sflag:s21], $0x400  }
0xfe: {  	[sflag:s21] =	ssyncset.done $0x0  }
0xff: {  	s6 =	simm.s32 $0x13020;
	[sflag:s21] =	ssyncadd.s32 $0xFFFFFC00  }
0x100: {  	[hbm4b:s12+s2] =	stream.linear.scatter [tilespmem:s6], [sflag:$0x2], $0x400, $0x38;
	[tilespmem:$0x13420] =	vst v63  }
0x101: {  	_ =	swait.ge [sflag:s21], $0x400  }
0x102: {  	[sflag:s21] =	ssyncset.done $0x0  }
0x103: {  	s7 =	simm.s32 $0x4020;
	[sflag:s21] =	ssyncadd.s32 $0xFFFFFC00  }
0x104: {  	[tilespmem:s30], [sflag:$0x1] =	stream.indirect.gather [hbm4b:s3+s28], $0x40, s7, s28, $0xb8;
	[tilespmem:$0x13420] =	vst v63  }
0x105: {  	_ =	swait.ge [sflag:s31], $0x2000  }
0x106: {  	[sflag:s31] =	ssyncset.done $0x0  }
0x107: {  	s8 =	rddreg [dreg:$0x7];
	[sflag:s31] =	ssyncadd.s32 $0xFFFFE000  }
0x108: {  	[hbm4b:s8+s2] =	stream.linear.scatter [tilespmem:s30], [sflag:$0x2], $0x2000, $0x38;
	[tilespmem:$0x13420] =	vst v63  }
0x109: {  	_ =	swait.ge [sflag:s21], $0x2000  }
0x10a: {  	[sflag:s21] =	ssyncset.done $0x0  }
0x10b: {  	s9 =	simm.s32 $0x40A0;
	[sflag:s21] =	ssyncadd.s32 $0xFFFFE000  }
0x10c: {  	[tilespmem:s30], [sflag:$0x1] =	stream.indirect.gather [hbm4b:s3+s28], $0x40, s9, s28, $0xb8;
	[tilespmem:$0x13420] =	vst v63  }
0x10d: {  	_ =	swait.ge [sflag:s31], $0x2000  }
0x10e: {  	[sflag:s31] =	ssyncset.done $0x0  }
0x10f: {  	[sflag:s31] =	ssyncadd.s32 $0xFFFFE000  }
0x110: {  	[hbm4b:s13+s2] =	stream.linear.scatter [tilespmem:s30], [sflag:$0x2], $0x2000, $0x38;
	[tilespmem:$0x13420] =	vst v63  }
0x111: {  	_ =	swait.ge [sflag:s21], $0x2000  }
0x112: {  	[sflag:s21] =	ssyncset.done $0x0  }
0x113: {  	s10 =	simm.s32 $0x4120;
	[sflag:s21] =	ssyncadd.s32 $0xFFFFE000  }
0x114: {  	[tilespmem:s30], [sflag:$0x1] =	stream.indirect.gather [hbm4b:s3+s28], $0x40, s10, s28, $0xb8;
	[tilespmem:$0x13420] =	vst v63  }
0x115: {  	_ =	swait.ge [sflag:s31], $0x2000  }
0x116: {  	[sflag:s31] =	ssyncset.done $0x0  }
0x117: {  	[sflag:s31] =	ssyncadd.s32 $0xFFFFE000  }
0x118: {  	[hbm4b:s14+s2] =	stream.linear.scatter [tilespmem:s30], [sflag:$0x2], $0x2000, $0x38;
	[tilespmem:$0x13420] =	vst v63  }
0x119: {  	_ =	swait.ge [sflag:s21], $0x2000  }
0x11a: {  	[sflag:s21] =	ssyncset.done $0x0  }
0x11b: {  	s11 =	simm.s32 $0x41A0;
	[sflag:s21] =	ssyncadd.s32 $0xFFFFE000  }
0x11c: {  	[tilespmem:s30], [sflag:$0x1] =	stream.indirect.gather [hbm4b:s3+s28], $0x40, s11, s28, $0xb8;
	[tilespmem:$0x13420] =	vst v63  }
0x11d: {  	_ =	swait.ge [sflag:s31], $0x2000  }
0x11e: {  	[sflag:s31] =	ssyncset.done $0x0  }
0x11f: {  	[sflag:s31] =	ssyncadd.s32 $0xFFFFE000  }
0x120: {  	[hbm4b:s15+s2] =	stream.linear.scatter [tilespmem:s30], [sflag:$0x2], $0x2000, $0x38;
	[tilespmem:$0x13420] =	vst v63  }
0x121: {  	_ =	swait.ge [sflag:s21], $0x2000  }
0x122: {  	[sflag:s21] =	ssyncset.done $0x0  }
0x123: {  	s22 =	simm.s32 $0x4220;
	[sflag:s21] =	ssyncadd.s32 $0xFFFFE000  }
0x124: {  	[tilespmem:s30], [sflag:$0x1] =	stream.indirect.gather [hbm4b:s3+s28], $0x40, s22, s28, $0xb8;
	[tilespmem:$0x13420] =	vst v63  }
0x125: {  	_ =	swait.ge [sflag:s31], $0x2000  }
0x126: {  	[sflag:s31] =	ssyncset.done $0x0  }
0x127: {  	[sflag:s31] =	ssyncadd.s32 $0xFFFFE000  }
0x128: {  	[hbm4b:s16+s2] =	stream.linear.scatter [tilespmem:s30], [sflag:$0x2], $0x2000, $0x38;
	[tilespmem:$0x13420] =	vst v63  }
0x129: {  	_ =	swait.ge [sflag:s21], $0x2000  }
0x12a: {  	[sflag:s21] =	ssyncset.done $0x0  }
0x12b: {  	s23 =	simm.s32 $0x42A0;
	[sflag:s21] =	ssyncadd.s32 $0xFFFFE000  }
0x12c: {  	[tilespmem:s30], [sflag:$0x1] =	stream.indirect.gather [hbm4b:s3+s28], $0x40, s23, s28, $0xb8;
	[tilespmem:$0x13420] =	vst v63  }
0x12d: {  	_ =	swait.ge [sflag:s31], $0x2000  }
0x12e: {  	[sflag:s31] =	ssyncset.done $0x0  }
0x12f: {  	[sflag:s31] =	ssyncadd.s32 $0xFFFFE000  }
0x130: {  	[hbm4b:s17+s2] =	stream.linear.scatter [tilespmem:s30], [sflag:$0x2], $0x2000, $0x38;
	[tilespmem:$0x13420] =	vst v63  }
0x131: {  	_ =	swait.ge [sflag:s21], $0x2000  }
0x132: {  	[sflag:s21] =	ssyncset.done $0x0  }
0x133: {  	s24 =	simm.s32 $0x4320;
	[sflag:s21] =	ssyncadd.s32 $0xFFFFE000  }
0x134: {  	[tilespmem:s30], [sflag:$0x1] =	stream.indirect.gather [hbm4b:s3+s28], $0x40, s24, s28, $0xb8;
	[tilespmem:$0x13420] =	vst v63  }
0x135: {  	_ =	swait.ge [sflag:s31], $0x2000  }
0x136: {  	[sflag:s31] =	ssyncset.done $0x0  }
0x137: {  	[sflag:s31] =	ssyncadd.s32 $0xFFFFE000  }
0x138: {  	[hbm4b:s18+s2] =	stream.linear.scatter [tilespmem:s30], [sflag:$0x2], $0x2000, $0x38;
	[tilespmem:$0x13420] =	vst v63  }
0x139: {  	_ =	swait.ge [sflag:s21], $0x2000  }
0x13a: {  	[sflag:s21] =	ssyncset.done $0x0  }
0x13b: {  	s25 =	simm.s32 $0x43A0;
	[sflag:s21] =	ssyncadd.s32 $0xFFFFE000  }
0x13c: {  	[tilespmem:s30], [sflag:$0x1] =	stream.indirect.gather [hbm4b:s3+s28], $0x40, s25, s28, $0xb8;
	[tilespmem:$0x13420] =	vst v63  }
0x13d: {  	_ =	swait.ge [sflag:s31], $0x2000  }
0x13e: {  	[sflag:s31] =	ssyncset.done $0x0  }
0x13f: {  	[sflag:s31] =	ssyncadd.s32 $0xFFFFE000  }
0x140: {  	[hbm4b:s19+s2] =	stream.linear.scatter [tilespmem:s30], [sflag:$0x2], $0x2000, $0x38;
	[tilespmem:$0x13420] =	vst v63  }
0x141: {  	_ =	swait.ge [sflag:s21], $0x2000  }
0x142: {  	s29 =	sadd.s32 $0x1, s29;
	s26 =	rddreg [dreg:$0x8]  }
0x143: {  	p0 =	sne.s32 s29, s26  }
.Ltmp8:
0x144: {  	_ = 	snop;
	(pc) =	sbr.rel @p0 .LBB2_1-.Ltmp8, $3  }
0x145: {  	_ =	sdelay $0x1  }
0x146: {  	[sflag:s21] =	ssyncset.done $0x0  }
0x147: {  	[sflag:s21] =	ssyncadd.s32 $0xFFFFE000  }
0x148: {  	_ =	sfence.sel $0x180000  }
0x149: {  	[bflag:$0x0] =	sbarrier.arrive $0xFFFF  }
0x14a: {  	_ =	strace $0x9000004A  }
0x14b: {  	s0 =	stileid.u32;
	[bflag:$0x2] =	sbarrier.arrive $0xFFFF  }
0x14c: {  	p0 =	sne.s32 s0, $0x0;
	s0 =	rddreg [dreg:$0x1]  }
0x14d: {  	s0 =	sadd.s32 @!p0 $0x100000, s0  }
0x14e: {  	[sflag:s0] =	ssyncadd.tile.s32 @!p0 $0x1;
	_ =	shalt  }
.Lfunc_end2:
_tile_overlayer_lowered:
.L_overlay_start_2:
0x14f: {  	(tag) =	ssettag $0x2  }
0x150: {  	s0 =	rddreg [dreg:$0x0];
	s2 =	stileid.u32  }
0x151: {  	s1 =	rddreg [dreg:$0x1];
	p0 =	sne.s32 s2, $0x0  }
0x152: {  	s3 =	rddreg [dreg:$0x2];
	[bflag:$0x3] =	sbarrier.arrive $0xFFFF;
	s2 =	simm.s32 @!p0 $0x1C02  }
0x153: {  	[timem:s3], [sflag:s2] =	dma.local @!p0 [hbm:s0], s1  }
0x154: {  	s0 =	simm.s32 @!p0 $0x2  }
0x155: {  	_ =	swait.ge @!p0 [sflag:s0], s1  }
0x156: {  	s1 =	ssub.s32 @!p0 $0x0, s1;
	[sflag:s0] =	ssyncset.done @!p0 $0x0  }
0x157: {  	[sflag:s0] =	ssyncadd.s32 @!p0 s1  }
0x158: {  	[bflag:$0x3] =	sbarrier.arrive $0xFFFF  }
0x159: {  	_ =	shalt  }

// kernel: kernel.24.cloned.1.call-start
scs
__scs_entry_jumppad:
0x0: {  	(pc) =	sbr.rel $0x88, $3  }
0x1: {  	(tag) =	ssettag $0x0;
	lr =	simm.s32 $0x1  }
0x2: {  	[smem:$0x3F9E] =	sst lr;
	_ =	strace $0xD0000000  }
0x3: {  	_ = 	snop  }
0x4: {  	_ = 	snop  }
0x5: {  	_ = 	snop  }
0x6: {  	_ = 	snop  }
0x7: {  	_ = 	snop  }
__scs_overlays_trampoline_lowered:
0x8: {  	[smem:$0x3FAD] =	sst s0  }
0x9: {  	[smem:$0x3FAE] =	sst s1  }
0xa: {  	[smem:$0x3FAF] =	sst s2  }
0xb: {  	[smem:$0x3FB0] =	sst s3  }
0xc: {  	[smem:$0x3FB1] =	sst s4  }
0xd: {  	[smem:$0x3FB2] =	sst s5  }
0xe: {  	[smem:$0x3FB3] =	sst s6  }
0xf: {  	[smem:$0x3FB4] =	sst s7  }
0x10: {  	[smem:$0x3FB5] =	sst s8  }
0x11: {  	[smem:$0x3FB6] =	sst s9;
	s0 =	simm.s32 @!p0 $0x0  }
0x12: {  	s1 =	sld [smem:$0x3F9C];
	s0 =	simm.s32 @p0 $0x1  }
0x13: {  	[smem:$0x3FB7] =	sst s0;
	s0 =	simm.s32 @!p1 $0x0  }
0x14: {  	s2 =	sld [smem:$0x3F9B];
	s0 =	simm.s32 @p1 $0x1  }
0x15: {  	[smem:$0x3FB8] =	sst s0;
	s0 =	simm.s32 @!p2 $0x0  }
0x16: {  	s3 =	sld [smem:$0x3FDB];
	s0 =	simm.s32 @p2 $0x1  }
0x17: {  	s4 =	simm.s32 $0x1BF5;
	[smem:$0x3FBA] =	sst s0  }
0x18: {  	s0 =	sld [smem:$0x3F9D];
	_ =	swait.ge [sflag:s4], $0x0  }
0x19: {  	s7 =	sld [smem:$0x3F9E]  }
0x1a: {  	s8 =	sadd.s32 $0xFFFFE003, lr  }
0x1b: {  	s9 =	sadd.s32 $0xFFFFFEF7, lr;
	s5 =	simm.s32 $0xFFFFFFFF;
	p2 =	slt.u32 s8, $0xFFFFF086  }
0x1c: {  	p1 =	slt.u32 s9, $0xF7A;
	s5 =	simm.s32 @!p2 $0x0  }
0x1d: {  	s5 =	simm.s32 @p1 $0x1;
	p0 =	seq.s32 s7, s2  }
0x1e: {  	s7 =	smul.u32 @!p0 $0xF7A, s2;
	p2 =	seq.s32 @!p0 s5, $0x0  }
0x1f: {  	s9 =	smul.u32 $0xF7A, s1;
	s8 =	simm.s32 @!p0 $0x1BF5;
	p2 =	por !p2, p0  }
0x20: {  	[sflag:s8] =	ssyncset.s32 @!p0 $0xFFFFF086;
	s6 =	sadd.s32 @!p0 s3, s7;
	s7 =	simm.s32 @!p0 $0x108  }
0x21: {  	s3 =	sadd.s32 s3, s9;
	s6 =	sadd.s32 @!p0 $0x88, s6;
	s7 =	simm.s32 @p2 $0x1082  }
0x22: {  	[simem:s7], [sflag:s8] =	dma.local @!p0 [hbm:s6], $0xF7A  }
0x23: {  	s9 =	sor.u32 $0xD0000000, s2;
	s6 =	simm.s32 $0x108;
	_ =	swait.ge @!p0 [sflag:s8], $0x0  }
0x24: {  	s3 =	sadd.s32 $0x88, s3;
	s6 =	simm.s32 @!p1 $0x1082;
	[sflag:s4] =	ssyncset.s32 $0xFFFFF086  }
0x25: {  	[simem:s6], [sflag:s4] =	dma.local [hbm:s3], $0xF7A  }
0x26: {  	[smem:$0x3F9E] =	sst s1;
	(tag) =	ssettag s2;
	_ =	strace s9  }
0x27: {  	s1 =	sld [smem:$0x3FAE]  }
0x28: {  	s2 =	sld [smem:$0x3FAF]  }
0x29: {  	s4 =	sld [smem:$0x3FB1]  }
0x2a: {  	p0 =	seq.s32 s5, $0x0;
	s5 =	sld [smem:$0x3FB2]  }
0x2b: {  	s6 =	sld [smem:$0x3FB3]  }
0x2c: {  	s7 =	sld [smem:$0x3FB4]  }
0x2d: {  	s3 =	simm.s32 $0x108;
	s8 =	sld [smem:$0x3FB5]  }
0x2e: {  	s3 =	simm.s32 @!p0 $0x1082;
	s9 =	sld [smem:$0x3FB6]  }
0x2f: {  	lr =	sadd.s32 s0, s3;
	s0 =	sld [smem:$0x3FAD]  }
0x30: {  	s3 =	sld [smem:$0x3FB0]  }
0x31: {  	[smem:$0x3FB9] =	sst s10  }
0x32: {  	s10 =	sld [smem:$0x3FB7];
	_ =	sdelay $0x3  }
0x33: {  	p0 =	seq.s32 s10, $0x1;
	s10 =	sld [smem:$0x3FB9];
	_ =	sdelay $0x3  }
0x34: {  	[smem:$0x3FB9] =	sst s10  }
0x35: {  	s10 =	sld [smem:$0x3FB8];
	_ =	sdelay $0x3  }
0x36: {  	p1 =	seq.s32 s10, $0x1;
	s10 =	sld [smem:$0x3FB9];
	_ =	sdelay $0x3  }
0x37: {  	[smem:$0x3FB9] =	sst s10  }
0x38: {  	s10 =	sld [smem:$0x3FBA]  }
0x39: {  	_ = 	snop;
	(pc) =	sbr.ind lr, $3  }
0x3a: {  	_ = 	snop  }
0x3b: {  	_ = 	snop  }
0x3c: {  	p2 =	seq.s32 s10, $0x1;
	s10 =	sld [smem:$0x3FB9]  }
0x3d: {  	_ =	shalt  }
0x3e: {  	_ =	shalt  }
0x3f: {  	_ =	shalt  }
0x40: {  	_ =	shalt  }
0x41: {  	_ =	shalt  }
0x42: {  	_ =	shalt  }
0x43: {  	_ =	shalt  }
0x44: {  	_ =	shalt  }
0x45: {  	_ =	shalt  }
0x46: {  	_ =	shalt  }
0x47: {  	_ =	shalt  }
0x48: {  	_ =	shalt  }
0x49: {  	_ =	shalt  }
0x4a: {  	_ =	shalt  }
0x4b: {  	_ =	shalt  }
0x4c: {  	_ =	shalt  }
0x4d: {  	_ =	shalt  }
0x4e: {  	_ =	shalt  }
0x4f: {  	_ =	shalt  }
0x50: {  	_ =	shalt  }
0x51: {  	_ =	shalt  }
0x52: {  	_ =	shalt  }
0x53: {  	_ =	shalt  }
0x54: {  	_ =	shalt  }
0x55: {  	_ =	shalt  }
0x56: {  	_ =	shalt  }
0x57: {  	_ =	shalt  }
0x58: {  	_ =	shalt  }
0x59: {  	_ =	shalt  }
0x5a: {  	_ =	shalt  }
0x5b: {  	_ =	shalt  }
0x5c: {  	_ =	shalt  }
0x5d: {  	_ =	shalt  }
0x5e: {  	_ =	shalt  }
0x5f: {  	_ =	shalt  }
0x60: {  	_ =	shalt  }
0x61: {  	_ =	shalt  }
0x62: {  	_ =	shalt  }
0x63: {  	_ =	shalt  }
0x64: {  	_ =	shalt  }
0x65: {  	_ =	shalt  }
0x66: {  	_ =	shalt  }
0x67: {  	_ =	shalt  }
0x68: {  	_ =	shalt  }
0x69: {  	_ =	shalt  }
0x6a: {  	_ =	shalt  }
0x6b: {  	_ =	shalt  }
0x6c: {  	_ =	shalt  }
0x6d: {  	_ =	shalt  }
0x6e: {  	_ =	shalt  }
0x6f: {  	_ =	shalt  }
0x70: {  	_ =	shalt  }
0x71: {  	_ =	shalt  }
0x72: {  	_ =	shalt  }
0x73: {  	_ =	shalt  }
0x74: {  	_ =	shalt  }
0x75: {  	_ =	shalt  }
0x76: {  	_ =	shalt  }
0x77: {  	_ =	shalt  }
0x78: {  	_ =	shalt  }
0x79: {  	_ =	shalt  }
0x7a: {  	_ =	shalt  }
0x7b: {  	_ =	shalt  }
0x7c: {  	_ =	shalt  }
0x7d: {  	_ =	shalt  }
0x7e: {  	_ =	shalt  }
0x7f: {  	_ =	shalt  }
0x80: {  	_ =	shalt  }
0x81: {  	_ =	shalt  }
0x82: {  	_ =	shalt  }
0x83: {  	_ =	shalt  }
0x84: {  	_ =	shalt  }
0x85: {  	_ =	shalt  }
0x86: {  	_ =	shalt  }
0x87: {  	_ =	shalt  }
.Lfunc_end0:
.L_simem_size_0:
called_computation.5_lowered:
.L_overlay_start_0:
0x88: {  	s2 =	sld [smem:$0x3FD9]  }
0x89: {  	s3 =	sld [smem:$0x3FFE];
	_ =	sdelay $0x1  }
0x8a: {  	s1 =	srdreg.scid  }
0x8b: {  	s0 =	sand.u32 $0x1, s1  }
0x8c: {  	s14 =	sshll.u32 s0, $0xA;
	s2 =	sadd.s32 s3, s2  }
0x8d: {  	s2 =	sadd.s32 s2, s14  }
0x8e: {  	[smem:$0x3FC5] =	sst s2  }
0x8f: {  	_ = 	snop  }
0x90: {  	s2 =	sld [smem:$0x3FD0];
	_ =	sdelay $0x2  }
0x91: {  	s15 =	simm.s32 $0xD;
	s4 =	simm.s32 $0x10  }
0x92: {  	[smem:s4], [sflag:s15] =	dma.local [hbm:s2], $0x1  }
0x93: {  	_ =	swait.eq [sflag:s15], $0x1  }
0x94: {  	[sflag:s15] =	ssyncset.done $0x0  }
0x95: {  	[sflag:s15] =	ssyncadd.s32 $0xFFFFFFFF  }
0x96: {  	s16 =	sld [smem:$0x10];
	(tm) =	ssettm $0x1  }
0x97: {  	s17 =	sld [smem:$0x3FFB];
	_ =	sdelay $0x3  }
0x98: {  	_ =	strace s17  }
0x99: {  	s3 =	sld [smem:$0x3FFC];
	_ =	sdelay $0x3  }
0x9a: {  	_ =	strace s3  }
0x9b: {  	s3 =	sld [smem:$0x3FFD];
	_ =	sdelay $0x3  }
0x9c: {  	_ =	strace s3  }
0x9d: {  	_ =	strace $0x8FFFFFFF  }
0x9e: {  	s18 =	sld [smem:$0x3FDB];
	_ =	sdelay $0x1  }
0x9f: {  	s19 =	simm.s32 $_scs_section_size  }
0xa0: {  	s5 =	simm.s32 $_size__tile_overlayer_lowered;
	s6 =	simm.s32 $_tile_overlayer_lowered  }
0xa1: {  	s22 =	simm.s32 $0x1BFF;
	s21 =	sshll.u32 s6, $0x1;
	s3 =	sadd.s32 s19, s18  }
0xa2: {  	s7 =	simm.s32 $0x0;
	s20 =	sshll.u32 s5, $0x1;
	s5 =	sadd.s32 s21, s3  }
0xa3: {  	[timem:s7], [sflag:s22] =	dma.local [hbm:s5], s20  }
0xa4: {  	_ =	swait.ge [sflag:s22], s20  }
0xa5: {  	s4 =	ssub.s32 $0x0, s20;
	[sflag:s22] =	ssyncset.done $0x0  }
0xa6: {  	[sflag:s22] =	ssyncadd.s32 s4;
	_ =	sdelay $0x1  }
0xa7: {  	s23 =	simm.s32 $0x1B8B  }
0xa8: {  	_ =	swait.ge [sflag:s23], $0x1  }
0xa9: {  	[sflag:s23] =	ssyncset.done $0x0  }
0xaa: {  	s25 =	simm.s32 $0x1B8E;
	s24 =	sld [smem:$0x3FFE];
	[sflag:s23] =	ssyncadd.s32 $0xFFFFFFFF  }
0xab: {  	s26 =	simm.s32 $execute0_lowered;
	[smem:$0x3FD2] =	sst s25  }
0xac: {  	s5 =	sshll.u32 s26, $0x1;
	_ =	strace $0x80000046;
	[dreg:$0x1] =	wrdreg $0xFFFFFFFF  }
0xad: {  	s28 =	simm.s32 $_size_execute0_lowered;
	s3 =	sadd.s32 s3, s5;
	[dreg:$0x0] =	wrdreg $0x0  }
0xae: {  	s5 =	sshll.u32 s28, $0x1;
	[dreg:$0x2] =	wrdreg s3  }
0xaf: {  	[dreg:$0x3] =	wrdreg s5  }
0xb0: {  	[dreg:$0x4] =	wrdreg $0xC0  }
0xb1: {  	_ =	task [dreg:s7], $0x5FFFF  }
0xb2: {  	[dreg:$0x1] =	wrdreg $0xFFFFFFFF  }
0xb3: {  	[dreg:$0x0] =	wrdreg $0x60  }
0xb4: {  	[dreg:$0x2] =	wrdreg s16  }
0xb5: {  	[dreg:$0x3] =	wrdreg s24  }
0xb6: {  	[dreg:$0x4] =	wrdreg $0xC  }
0xb7: {  	_ =	task.clear_ibuf [dreg:s7], $0x5FFFF;
	_ =	strace $0x90000046  }
0xb8: {  	s29 =	simm.s32 $0xC;
	_ =	strace $0x80000048  }
0xb9: {  	_ =	swait.ge [sflag:s29], $0x1  }
0xba: {  	[sflag:s29] =	ssyncadd.s32 $0xFFFFFFFF  }
0xbb: {  	_ =	strace $0x90000048  }
0xbc: {  	_ =	sfence  }
0xbd: {  	s30 =	sld [smem:$0x0];
	_ =	sdelay $0x2  }
0xbe: {  	s31 =	sshll.u32 s1, $0xD;
	s1 =	sshrl.u32 s1, $0x2  }
0xbf: {  	s3 =	sand.u32 $0x4000, s31;
	s1 =	sadd.s32 s1, s30  }
0xc0: {  	s0 =	sor.u32 s3, s0;
	s1 =	sshll.u32 s1, $0x11  }
0xc1: {  	s0 =	sor.u32 s1, s0  }
0xc2: {  	s0 =	sadd.s32 $0x8F2B, s0  }
0xc3: {  	[sflag:s0] =	ssyncadd.remote.s32 $0x1  }
0xc4: {  	_ =	sfence.sel $0xFFFF  }
0xc5: {  	[dreg:$0x0] =	wrdreg $0xFFFFFFFF;
	(pc) =	sbr.abs _section_cstart, $3  }
0xc6: {  	[dreg:$0x1] =	wrdreg $0xFFFFFFFF  }
0xc7: {  	_ =	task.clear_ibuf [dreg:s7], $0x2FFFF;
	_ =	strace $0x9FFFFFFF  }
0xc8: {  	(tm) =	ssettm $0x7FFFFFFF  }
0xc9: {  	_ =	shalt  }
tec
execute0_lowered:
.L_overlay_start_1:
0x0: {  	(tag) =	ssettag $0x1  }
0x1: {  	s0 =	rddreg [dreg:$0x0]  }
0x2: {  	s1 =	rddreg [dreg:$0x1];
	s3 =	srdreg.scid  }
0x3: {  	s5 =	stileid.u32;
	s2 =	simm.s32 $0x0;
	s28 =	simm.s32 $0x80  }
0x4: {  	s30 =	simm.s32 $0x4820;
	s31 =	simm.s32 $0x1;
	s29 =	simm.s32 $0x0  }
0x5: {  	s4 =	sand.u32 $0x1, s3;
	s19 =	sshll.u32 s5, $0x1;
	[smem:$0x7FF] =	sst s2  }
0x6: {  	s8 =	sadd.s32 $0x3000, s1;
	s5 =	sor.u32 s4, s19;
	_ =	strace $0x80000047  }
0x7: {  	[dreg:$0x3] =	wrdreg s8;
	s4 =	ssub.s32 $0x2, s4;
	s3 =	sshll.u32 s5, $0x2  }
0x8: {  	s7 =	sshll.u32 s5, $0xD;
	s20 =	sshll.u32 s5, $0x7;
	s9 =	sshrl.u32 s4, $0x1  }
0x9: {  	s5 =	sshll.u32 s5, $0xB;
	s6 =	sadd.s32 s3, s1;
	s3 =	sadd.s32 $0x4800, s1  }
0xa: {  	s7 =	sadd.s32 s7, s1;
	s1 =	sadd.s32 s20, s1;
	s0 =	sadd.s32 s0, s5  }
0xb: {  	s4 =	ssub.s32 s4, s9;
	s20 =	simm.s32 $0x6820;
	[dreg:$0x4] =	wrdreg s0  }
0xc: {  	s21 =	sadd.s32 $0x24800, s6;
	s22 =	sadd.s32 $0x67A00, s1;
	s23 =	sadd.s32 $0x24A00, s1  }
0xd: {  	s24 =	sadd.s32 $0x27A00, s7;
	s25 =	smax.u32 s4, $0x1;
	[dreg:$0x5] =	wrdreg s21  }
0xe: {  	s26 =	sadd.s32 $0x25A00, s1;
	s12 =	sadd.s32 $0x26A00, s1;
	[dreg:$0x6] =	wrdreg s22  }
0xf: {  	s13 =	sadd.s32 $0x27E00, s7;
	s14 =	sadd.s32 $0x28200, s7;
	[dreg:$0x7] =	wrdreg s23  }
0x10: {  	s15 =	sadd.s32 $0x28600, s7;
	s16 =	sadd.s32 $0x28A00, s7;
	[dreg:$0x8] =	wrdreg s24  }
0x11: {  	v0 =	vlaneseq.u32;
	s17 =	sadd.s32 $0x28E00, s7;
	s18 =	sadd.s32 $0x29200, s7;
	[dreg:$0x9] =	wrdreg s25  }
0x12: {  	vm0 =	vmmov $0x1;
	v1 =	vimm.s32 $0x0;
	v2 =	vor.u32 $0x10, v0;
	s19 =	sadd.s32 $0x29600, s7;
	[dreg:$0xa] =	wrdreg s26;
	s21 =	simm.s32 $0x2  }
.LBB2_1:
0x13: {  	s0 =	rddreg [dreg:$0x3]  }
0x14: {  	[tilespmem:s20], [sflag:$0x2] =	stream.linear.gather [hbm4b:s0+s2], $0xC000, $0x38;
	[tilespmem:$0x13420] =	vst v63  }
0x15: {  	_ =	swait.ge [sflag:s21], $0xC000  }
0x16: {  	[sflag:s21] =	ssyncset.done $0x0  }
0x17: {  	s25 =	rddreg [dreg:$0x4];
	[sflag:s21] =	ssyncadd.s32 $0xFFFF4000  }
0x18: {  	[tilespmem:s2], [sflag:$0x2] =	stream.linear.gather [hbm4b:s25+s2], $0x4000, $0x38;
	[tilespmem:$0x13420] =	vst v63  }
0x19: {  	_ =	swait.ge [sflag:s21], $0x4000  }
0x1a: {  	s1 =	simm.s32 $0x4000;
	[sflag:s21] =	ssyncset.done $0x0  }
.Ltmp0:
0x1b: {  	s26 =	rddreg [dreg:$0x5];
	[sflag:s21] =	ssyncadd.s32 $0xFFFFC000;
	(pc) =	sbr.rel .LBB2_2-.Ltmp0, $4  }
0x1c: {  	[tilespmem:s1], [sflag:$0x2] =	stream.linear.gather [hbm4b:s26+s2], $0x20, $0x38;
	[tilespmem:$0x13420] =	vst v63  }
0x1d: {  	_ =	swait.ge [sflag:s21], $0x20  }
0x1e: {  	[sflag:s21] =	ssyncset.done $0x0  }
0x1f: {  	s0 =	simm.s32 $0x0;
	[sflag:s21] =	ssyncadd.s32 $0xFFFFFFE0  }
.LBB2_9:
0x20: {  	v3 =	vld [tilespmem:s1+$0x4020];
	_ =	sdelay $0x4  }
0x21: {  	v4 =	vnsel vm0, $0x0, v3  }
0x22: {  	(xrf0) =	vadd.scan.msk.s32 $0xffff, v4;
	_ =	sdelay $0x5  }
0x23: {  	v4, _, _ =	vpop (xrf0)  }
0x24: {  	(v2sf) =	vpush v4, $0xF;
	_ =	sdelay $0xc  }
0x25: {  	p0 =	slt.s32 s7, $0x20  }
0x26: {  	p1 =	sgt.s32 s7, $0x0;
	v63 =	vld [tilespmem:s1+$0x4030];
	s7 =	simm.s32 @!p0 $0x20  }
0x27: {  	s0 =	sadd.s32 $0x1, s0;
	v5 =	vmov s7;
	s4 =	spop (v2sf)  }
0x28: {  	p0 =	sne.s32 s0, $0x20;
	vm1 =	vgt.s32 v5, v0;
	s4 =	simm.s32 @!p1 $0x0  }
.Ltmp1:
0x29: {  	v3 =	vnsel vm1, s4, v3;
	(pc) =	sbr.rel @!p0 .LBB2_10-.Ltmp1, $4  }
0x2a: {  	[tilespmem:s1+$0x4020] =	vst v3;
	v3 =	vsel vm1, $0x1, v1;
	vm1 =	vgt.s32 v5, v2  }
0x2b: {  	[tilespmem:s1+$0x4420] =	vst v3;
	v3 =	vnsel vm1, s4, v63  }
0x2c: {  	[tilespmem:s1+$0x4030] =	vst v3;
	v3 =	vsel vm1, $0x1, v1  }
0x2d: {  	[tilespmem:s1+$0x4430] =	vst v3  }
.LBB2_2:
0x2e: {  	s1 =	sand.u32 $0x10, s0  }
0x2f: {  	v3 =	vld [tilespmem:s1+$0x4000];
	_ =	sdelay $0x1  }
0x30: {  	s25 =	sand.u32 $0xF, s0  }
0x31: {  	v4 =	vmov s25  }
0x32: {  	vm1 =	veq.s32 v4, v0  }
0x33: {  	v3 =	vnsel vm1, $0x0, v3  }
0x34: {  	(xrf0) =	vadd.scan.msk.s32 $0xffff, v3;
	_ =	sdelay $0x5  }
0x35: {  	v3, _, _ =	vpop (xrf0)  }
0x36: {  	(v2sf) =	vpush v3, $0xF;
	_ =	sdelay $0xa  }
.Ltmp2:
0x37: {  	_ = 	snop;
	(pc) =	sbr.rel .LBB2_3-.Ltmp2, $4  }
0x38: {  	_ = 	snop  }
0x39: {  	s26 =	sshll.u32 s0, $0x9  }
0x3a: {  	s7 =	simm.s32 $0x0;
	s4 =	sand.u32 $0x3FFFFE00, s26;
	s1 =	sshll.u32 s0, $0x5  }
0x3b: {  	s23 =	simm.s32 $0x10;
	s24 =	simm.s32 $0x0;
	v4 =	vmov s4;
	v3 =	vmov s1;
	s22 =	spop (v2sf)  }
.LBB2_4:
0x3c: {  	s7 =	smov.u32 @p0 s7  }
.LBB2_8:
0x3d: {  	s24 =	sadd.s32 $0x1, s24  }
0x3e: {  	p0 =	sne.s32 s24, $0x20  }
.Ltmp3:
0x3f: {  	_ = 	snop;
	(pc) =	sbr.rel @!p0 .LBB2_9-.Ltmp3, $2  }
0x40: {  	_ =	sdelay $0x2  }
0x41: {  	s23 =	sadd.s32 $0x200, s23  }
.LBB2_3:
0x42: {  	s4 =	sshrl.u32 s22, s24  }
0x43: {  	s4 =	sand.u32 $0x1, s4  }
0x44: {  	p0 =	sgt.s32 s7, $0x1F;
	p1 =	seq.s32 s4, $0x1  }
0x45: {  	p1 =	por p0, !p1  }
.Ltmp4:
0x46: {  	_ = 	snop;
	(pc) =	sbr.rel @p1 .LBB2_4-.Ltmp4, $1  }
0x47: {  	_ =	sdelay $0x3  }
0x48: {  	_ =	sdelay $0x2  }
0x49: {  	s4 =	sshll.u32 s24, $0x4  }
0x4a: {  	v14 =	vld.idx.msk [tilespmem:v4+s4+$0x0 ss:$0x1], $0xffff;
	_ =	sdelay $0x1  }
0x4b: {  	s11 =	simm.s32 $0x0  }
0x4c: {  	v5 =	vmov s11  }
0x4d: {  	vm1 =	veq.s32 v5, v0  }
0x4e: {  	v5 =	vnsel vm1, $0x0, v14  }
0x4f: {  	(xrf0) =	vadd.scan.msk.s32 $0xffff, v5;
	_ =	sdelay $0x5  }
0x50: {  	v5, _, _ =	vpop (xrf0)  }
0x51: {  	s25 =	simm.s32 $0x1;
	(v2sf) =	vpush v5, $0xF  }
0x52: {  	v6 =	vmov s25  }
0x53: {  	vm1 =	veq.s32 v6, v0  }
0x54: {  	v6 =	vnsel vm1, $0x0, v14  }
0x55: {  	(xrf0) =	vadd.scan.msk.s32 $0xffff, v6;
	_ =	sdelay $0x5  }
0x56: {  	v6, _, _ =	vpop (xrf0)  }
0x57: {  	(v2sf) =	vpush v6, $0xF;
	_ =	sdelay $0x3  }
0x58: {  	s26 =	simm.s32 $0x2;
	s5 =	spop (v2sf)  }
0x59: {  	v7 =	vmov s26;
	p6 =	seq.s32 s5, $0x0  }
0x5a: {  	vm1 =	veq.s32 v7, v0;
	v5 =	vbroadcast @!p6 v5, $0xF  }
0x5b: {  	v7 =	vnsel vm1, $0x0, v14;
	v8 =	vlaneseq.u32 @!p6  }
0x5c: {  	(xrf0) =	vadd.scan.msk.s32 $0xffff, v7;
	v7 =	vshrl.u32 @!p6 v5, v8  }
0x5d: {  	v7 =	vand.u32 @!p6 $0x1, v7  }
0x5e: {  	(xrf0) =	vadd.scan.msk.s32 @!p6 $0xffff, v7;
	_ =	sdelay $0x3  }
0x5f: {  	s6 =	simm.s32 $0x3  }
0x60: {  	v9 =	vmov s6;
	v10, _, _ =	vpop (xrf0);
	s8 =	spop (v2sf);
	p0 =	por p6, p6;
	v12 =	vor.u32 @!p6 $0x10, v8  }
0x61: {  	vm1 =	veq.s32 v9, v0;
	(v2sf) =	vpush v10, $0xF;
	p2 =	seq.s32 s8, $0x0;
	v5 =	vshrl.u32 @!p0 v5, v12;
	v11, _, _ =	vpop @!p6 (xrf0)  }
0x62: {  	v12 =	vbroadcast @!p2 v6, $0xF;
	v6 =	vnsel vm1, $0x0, v14;
	(v2sf) =	vpush @!p0 v11, $0xF  }
0x63: {  	(xrf0) =	vadd.scan.msk.s32 $0xffff, v6;
	_ =	sdelay $0x4  }
0x64: {  	v9 =	vlaneseq.u32 @!p2;
	v13 =	vand.u32 @!p0 $0x1, v5  }
0x65: {  	v5 =	vshrl.u32 @!p2 v12, v9;
	(xrf0) =	vadd.scan.msk.s32 @!p0 $0xffff, v13;
	v20, _, _ =	vpop (xrf0)  }
0x66: {  	v15 =	vand.u32 @!p2 $0x1, v5;
	(v2sf) =	vpush v20, $0xF  }
0x67: {  	(xrf0) =	vadd.scan.msk.s32 @!p2 $0xffff, v15  }
0x68: {  	s6 =	simm.s32 $0x4  }
0x69: {  	v17 =	vmov s6;
	s4 =	sadd.s32 @!p6 $0xFFFFFFF0, s23  }
0x6a: {  	vm3 =	veq.s32 v17, v0;
	vm1 =	veq.s32 @!p6 v7, $0x1;
	v7 =	vor.u32 @!p6 s4, v8;
	s4 =	sadd.s32 $0x20, s23  }
0x6b: {  	p1 =	por p2, p2;
	v5 =	vor.u32 @!p6 s23, v8;
	v8 =	vor.u32 @!p2 $0x10, v9;
	v6 =	vor.u32 @!p2 s4, v9;
	p0 =	por p0, p0;
	v16, _, _ =	vpop @!p6 (xrf0)  }
0x6c: {  	s9 =	spop (v2sf);
	s5 =	sadd.s32 @!p2 $0xFFFFFFF0, s4;
	v8 =	vshrl.u32 @!p1 v12, v8;
	v12 =	vnsel vm3, $0x0, v14;
	(v2sf) =	vpush @!p0 v16, $0xF  }
0x6d: {  	p3 =	seq.s32 s9, $0x0;
	vm2 =	veq.s32 @!p2 v15, $0x1;
	v9 =	vor.u32 @!p2 s5, v9;
	v17 =	vand.u32 @!p1 $0x1, v8;
	(xrf0) =	vadd.scan.msk.s32 $0xffff, v12;
	v15, _, _ =	vpop @!p2 (xrf0);
	s5 =	spop @!p6 (v2sf)  }
0x6e: {  	v21 =	vbroadcast @!p3 v10, $0xF;
	(xrf0) =	vadd.scan.msk.s32 @!p1 $0xffff, v17;
	(v2sf) =	vpush @!p1 v15, $0xF;
	s5 =	sadd.s32 @!p0 s7, s5  }
0x6f: {  	v10 =	vlaneseq.u32 @!p3;
	v18 =	vmov @!p0 s7;
	v19 =	vmov @!p0 s5  }
0x70: {  	v12 =	vshrl.u32 @!p3 v21, v10;
	v18 =	vadd.s32 @!p0 $0xFFFFFFFF, v18;
	v19 =	vadd.s32 @!p0 $0xFFFFFFFF, v19  }
0x71: {  	v12 =	vand.u32 @!p3 $0x1, v12;
	v18 =	vbroadcast @!p0 v18, $0x0  }
0x72: {  	vm4 =	veq.s32 @!p3 v12, $0x1;
	(xrf0) =	vadd.scan.msk.s32 @!p3 $0xffff, v12;
	v12 =	vbroadcast @!p0 v19, $0x0  }
0x73: {  	vm3 =	vmmov vm2;
	vm2 =	veq.s32 @!p0 v13, $0x1;
	v11 =	vadd.s32 @!p0 v11, v18;
	p0 =	por p0, p0;
	v19, _, _ =	vpop (xrf0)  }
0x74: {  	s10 =	simm.s32 $0x5;
	p5 =	por p1, p1;
	v12 =	vadd.s32 @!p0 v16, v12;
	(v2sf) =	vpush v19, $0xF;
	v16, _, _ =	vpop @!p2 (xrf0)  }
0x75: {  	p4 =	por p3, p3;
	v22 =	vor.u32 @!p3 $0x10, v10;
	vm1 =	vmmov vm1;
	s11 =	sadd.s32 $0x20, s4;
	s8 =	spop (v2sf);
	(v2sf) =	vpush @!p5 v16, $0xF  }
0x76: {  	v23 =	vmov s10;
	v24 =	vshrl.u32 @!p4 v21, v22;
	vm1 =	vmmov vm1;
	s4 =	sadd.s32 @!p3 $0xFFFFFFF0, s11;
	p1 =	seq.s32 s8, $0x0  }
0x77: {  	v8 =	vor.u32 @!p3 s11, v10;
	v10 =	vor.u32 @!p3 s4, v10;
	v21 =	vbroadcast @!p1 v20, $0xF  }
0x78: {  	v20 =	vand.u32 @!p4 $0x1, v24;
	vm5 =	vlt.s32 @!p0 v11, $0x20;
	vm6 =	vgt.s32 @!p0 v11, $0x0  }
0x79: {  	vm1 =	vmand @!p0 vm5, vm1;
	v11 =	vnsel @!p0 vm6, $0x0, v11;
	vm6 =	vgt.s32 @!p0 v12, $0x0  }
0x7a: {  	s26 =	simm.s32 @!p2 $0x4020;
	vm5 =	vlt.s32 @!p0 v12, $0x20;
	v11 =	vmin.u32 @!p0 v11, $0x1F;
	v13 =	vnsel @!p0 vm6, $0x0, v12  }
0x7b: {  	s25 =	simm.s32 @!p3 $0x4020;
	s4 =	simm.s32 @!p6 $0x4020;
	s9 =	spop @!p6 (v2sf);
	vm2 =	vmand @!p0 vm5, vm2;
	v12 =	vor.u32 @!p0 v3, v11;
	v11 =	vmin.u32 @!p0 v13, $0x1F  }
0x7c: {  	s8 =	simm.s32 $0x6;
	s6 =	simm.s32 @!p1 $0x4020;
	s9 =	sadd.s32 @!p0 s9, s5;
	v18, _, _ =	vpop @!p3 (xrf0);
	vm5 =	veq.s32 v23, v0;
	v13 =	vor.u32 @!p0 v3, v11;
	v11 =	vlaneseq.u32 @!p1  }
0x7d: {  	s10 =	spop @!p2 (v2sf);
	s5 =	sadd.s32 $0x20, s11;
	s9 =	smov.u32 @p0 s7;
	(v2sf) =	vpush @!p4 v18, $0xF;
	v23 =	vnsel vm5, $0x0, v14;
	v22 =	vor.u32 @!p1 $0x10, v11  }
.LBB2_6:
0x7e: {  	p6 =	por p2, p2;
	s7 =	smov.u32 s9  }
0x7f: {  	v25 =	vmov @!p5 s9;
	s9 =	sadd.s32 @!p5 s9, s10;
	s10 =	smov.u32 s8;
	s8 =	sadd.s32 $0x1, s8  }
0x80: {  	p2 =	por p3, p3;
	p3 =	por p1, p1;
	(xrf0) =	vadd.scan.msk.s32 $0xffff, v23;
	v24 =	vor.u32 @!p1 s5, v11;
	[tilespmem:v12+s4+$0x0] =	vst.idx.msk @!p0 vm1, v7;
	v23 =	vshrl.u32 @!p1 v21, v11;
	p1 =	sne.s32 s8, $0x10  }
0x81: {  	vm5 =	vmmov vm3;
	v25 =	vadd.s32 @!p5 $0xFFFFFFFF, v25;
	[tilespmem:v13+s4+$0x0] =	vst.idx.msk @!p0 vm2, v5;
	s4 =	smov.u32 s26;
	s11 =	simm.s32 @!p1 $0x0  }
0x82: {  	vm3 =	vmmov vm4;
	(xrf0) =	vadd.scan.msk.s32 @!p4 $0xffff, v20;
	v26 =	vmov @!p5 s9;
	s26 =	smov.u32 s25;
	s25 =	smov.u32 s6;
	v25 =	vbroadcast @!p5 v25, $0x0;
	s11 =	simm.s32 @p1 $0x1  }
0x83: {  	vm2 =	veq.s32 @!p5 v17, $0x1;
	v23 =	vand.u32 @!p3 $0x1, v23;
	v26 =	vadd.s32 @!p5 $0xFFFFFFFF, v26;
	[smem:$0x7FD] =	sst s11;
	s11 =	sadd.s32 @!p3 $0xFFFFFFF0, s5;
	s6 =	spop (v2sf)  }
0x84: {  	v7 =	vmovc v9;
	v9 =	vmovc v10;
	p0 =	por p5, p5;
	v12 =	vbroadcast @!p5 v26, $0x0;
	v13 =	vadd.s32 @!p5 v15, v25;
	p5 =	por p4, p4;
	v11 =	vor.u32 @!p3 s11, v11;
	s11 =	spop @!p6 (v2sf)  }
0x85: {  	v5 =	vmovc v6;
	v6 =	vmov v8;
	(xrf0) =	vadd.scan.msk.s32 @!p3 $0xffff, v23;
	vm4 =	veq.s32 @!p3 v23, $0x1;
	v23 =	vmov s10;
	p4 =	por p3, p3;
	s9 =	sadd.s32 @!p0 s11, s9;
	s11 =	sld [smem:$0x7FD]  }
0x86: {  	v8 =	vmovc v24;
	v17 =	vmovc v20;
	vm1 =	vlt.s32 @!p0 v13, $0x20;
	vm6 =	vgt.s32 @!p0 v13, $0x0;
	v24 =	vshrl.u32 @!p4 v21, v22  }
0x87: {  	v10 =	vmov v11;
	v11 =	vadd.s32 @!p0 v16, v12;
	v20, _, _ =	vpop (xrf0);
	vm1 =	vmand @!p0 vm1, vm5  }
0x88: {  	v12 =	vnsel @!p0 vm6, $0x0, v13;
	vm5 =	vlt.s32 @!p0 v11, $0x20;
	(v2sf) =	vpush v20, $0xF;
	v16, _, _ =	vpop @!p2 (xrf0);
	p6 =	seq.s32 s11, $0x1  }
.Ltmp5:
0x89: {  	v12 =	vmin.u32 @!p0 v12, $0x1F;
	vm6 =	vgt.s32 @!p0 v11, $0x0;
	(v2sf) =	vpush @!p5 v16, $0xF;
	(pc) =	sbr.rel @p6 .LBB2_6-.Ltmp5, $4  }
0x8a: {  	v15 =	vmovc v18;
	vm2 =	vmand @!p0 vm5, vm2;
	v11 =	vnsel @!p0 vm6, $0x0, v11;
	vm5 =	veq.s32 v23, v0  }
0x8b: {  	v12 =	vor.u32 @!p0 v3, v12;
	v18, _, _ =	vpop @!p3 (xrf0);
	v11 =	vmin.u32 @!p0 v11, $0x1F;
	v23 =	vnsel vm5, $0x0, v14;
	p1 =	seq.s32 s6, $0x0  }
0x8c: {  	s5 =	sadd.s32 $0x20, s5;
	v13 =	vor.u32 @!p0 v3, v11;
	(v2sf) =	vpush @!p4 v18, $0xF;
	v11 =	vlaneseq.u32 @!p1  }
0x8d: {  	v21 =	vbroadcast @!p1 v19, $0xF;
	s6 =	simm.s32 @!p1 $0x4020;
	s10 =	spop @!p2 (v2sf);
	v19 =	vmovc v20;
	v20 =	vand.u32 @!p4 $0x1, v24;
	v22 =	vor.u32 @!p1 $0x10, v11;
	s9 =	smov.u32 @p0 s7  }
0x8e: {  	_ = 	snop  }
0x8f: {  	(xrf0) =	vadd.scan.msk.s32 $0xffff, v23;
	v14 =	vshrl.u32 @!p1 v21, v11  }
0x90: {  	(xrf0) =	vadd.scan.msk.s32 @!p4 $0xffff, v20;
	v23 =	vand.u32 @!p1 $0x1, v14  }
0x91: {  	(xrf0) =	vadd.scan.msk.s32 @!p1 $0xffff, v23;
	_ =	sdelay $0x2  }
0x92: {  	p6 =	por p1, p1  }
0x93: {  	v14 =	vshrl.u32 @!p6 v21, v22;
	v21, _, _ =	vpop (xrf0)  }
0x94: {  	p4 =	por p4, p4;
	(v2sf) =	vpush v21, $0xF;
	v24, _, _ =	vpop @!p3 (xrf0)  }
0x95: {  	v22 =	vand.u32 @!p6 $0x1, v14;
	(v2sf) =	vpush @!p4 v24, $0xF;
	v25, _, _ =	vpop @!p1 (xrf0)  }
0x96: {  	(xrf0) =	vadd.scan.msk.s32 @!p6 $0xffff, v22;
	s11 =	spop (v2sf);
	(v2sf) =	vpush @!p6 v25, $0xF;
	p6 =	por p6, p6  }
0x97: {  	s8 =	simm.s32 @!p6 $0x0  }
0x98: {  	s8 =	simm.s32 @p6 $0x1  }
0x99: {  	[smem:$0x7F7] =	sst s8  }
0x9a: {  	p6 =	seq.s32 s11, $0x0;
	s11 =	sld [smem:$0x7F7];
	_ =	sdelay $0x1  }
0x9b: {  	s7 =	simm.s32 @!p4 $0x0  }
0x9c: {  	s7 =	simm.s32 @p4 $0x1;
	v26, _, _ =	vpop @!p1 (xrf0);
	v19 =	vbroadcast @!p6 v19, $0xF;
	p4 =	seq.s32 s11, $0x1  }
0x9d: {  	v14 =	vlaneseq.u32 @!p6;
	(v2sf) =	vpush @!p4 v26, $0xF  }
0x9e: {  	[smem:$0x7F6] =	sst s7;
	s7 =	spop @!p2 (v2sf);
	p2 =	por p5, p5;
	v27 =	vshrl.u32 @!p6 v19, v14  }
0x9f: {  	s8 =	sadd.s32 @!p5 s9, s10;
	s10 =	simm.s32 @!p2 $0x0;
	v27 =	vand.u32 @!p6 $0x1, v27  }
0xa0: {  	v29 =	vor.u32 @!p6 $0x10, v14;
	s10 =	simm.s32 @p2 $0x1;
	(xrf0) =	vadd.scan.msk.s32 @!p6 $0xffff, v27;
	s11 =	sld [smem:$0x7F6];
	p4 =	por p6, p6  }
0xa1: {  	v28 =	vmov @!p5 s9;
	[smem:$0x7FB] =	sst s10;
	s10 =	spop @!p3 (v2sf);
	v19 =	vshrl.u32 @!p4 v19, v29  }
0xa2: {  	v28 =	vadd.s32 @!p5 $0xFFFFFFFF, v28;
	s7 =	sadd.s32 @!p2 s7, s8;
	v29 =	vmov @!p5 s8;
	v19 =	vand.u32 @!p4 $0x1, v19;
	s8 =	spop (v2sf)  }
0xa3: {  	v28 =	vbroadcast @!p5 v28, $0x0;
	s7 =	smov.u32 @p2 s9;
	(xrf0) =	vadd.scan.msk.s32 @!p4 $0xffff, v19;
	s9 =	spop @!p3 (v2sf);
	p3 =	seq.s32 s11, $0x1  }
0xa4: {  	vm6 =	veq.s32 @!p5 v17, $0x1;
	s10 =	sadd.s32 @!p3 s7, s10;
	p2 =	por p3, p3  }
0xa5: {  	v28 =	vadd.s32 @!p5 v15, v28;
	v15 =	vmov @!p3 s7;
	v17 =	vmov @!p3 s10;
	s11 =	simm.s32 @!p2 $0x0;
	s9 =	sadd.s32 @!p2 s9, s10;
	s10 =	sld [smem:$0x7FB]  }
0xa6: {  	v30, _, _ =	vpop @!p6 (xrf0);
	v15 =	vadd.s32 @!p3 $0xFFFFFFFF, v15;
	s11 =	simm.s32 @p2 $0x1;
	s9 =	smov.u32 @p2 s7;
	p2 =	seq.s32 s8, $0x0  }
0xa7: {  	(v2sf) =	vpush @!p4 v30, $0xF;
	v15 =	vbroadcast @!p3 v15, $0x0;
	s8 =	sld [smem:$0x7F7];
	s7 =	simm.s32 @!p2 $0x0  }
0xa8: {  	vm3 =	vmmov vm3;
	v29 =	vadd.s32 @!p5 $0xFFFFFFFF, v29;
	v17 =	vadd.s32 @!p3 $0xFFFFFFFF, v17;
	[smem:$0x7F8] =	sst s11;
	s7 =	simm.s32 @p2 $0x1  }
0xa9: {  	vm7 =	veq.s32 @!p3 v20, $0x1;
	v17 =	vbroadcast @!p3 v17, $0x0;
	v32, _, _ =	vpop @!p6 (xrf0);
	v18 =	vadd.s32 @!p3 v18, v15;
	p3 =	por p4, p4;
	[smem:$0x7FA] =	sst s7  }
0xaa: {  	v29 =	vbroadcast @!p5 v29, $0x0;
	v21 =	vbroadcast @!p2 v21, $0xF;
	p5 =	seq.s32 s8, $0x1;
	s7 =	spop @!p1 (v2sf);
	s8 =	simm.s32 @!p6 $0x0;
	(v2sf) =	vpush @!p3 v32, $0xF  }
0xab: {  	vm11 =	vmmov vm4;
	v15 =	vlaneseq.u32 @!p2;
	p4 =	por p6, p6;
	v31 =	vmov @!p5 s9;
	s7 =	sadd.s32 @!p5 s9, s7;
	s8 =	simm.s32 @p6 $0x1  }
0xac: {  	v20 =	vshrl.u32 @!p2 v21, v15;
	vm9 =	veq.s32 @!p4 v27, $0x1;
	p6 =	por p5, p5;
	v31 =	vadd.s32 @!p5 $0xFFFFFFFF, v31;
	[smem:$0x7FC] =	sst s8;
	s8 =	spop @!p1 (v2sf)  }
0xad: {  	s11 =	sld [smem:$0x7F8];
	p4 =	por p2, p2;
	v20 =	vand.u32 @!p2 $0x1, v20;
	v33 =	vmov @!p5 s7;
	v31 =	vbroadcast @!p5 v31, $0x0;
	s7 =	sadd.s32 @!p6 s8, s7  }
0xae: {  	vm10 =	veq.s32 @!p1 v23, $0x1;
	vm8 =	veq.s32 @!p5 v22, $0x1;
	(xrf0) =	vadd.scan.msk.s32 @!p2 $0xffff, v20;
	v22 =	vadd.s32 @!p5 $0xFFFFFFFF, v33;
	s8 =	simm.s32 @!p4 $0x0;
	s7 =	smov.u32 @p6 s9;
	s9 =	sld [smem:$0x7FB]  }
0xaf: {  	vm10 =	vmmov vm10;
	v22 =	vbroadcast @!p5 v22, $0x0;
	v25 =	vadd.s32 @!p5 v25, v31;
	p5 =	seq.s32 s10, $0x1;
	s10 =	sld [smem:$0x7FA];
	s8 =	simm.s32 @p4 $0x1  }
0xb0: {  	vm10 =	vmmov vm10;
	vm5 =	veq.s32 @!p2 v20, $0x1;
	v23 =	vmov @!p3 s7;
	[smem:$0x7F9] =	sst s8  }
0xb1: {  	v20 =	vor.u32 @!p2 $0x10, v15;
	v16 =	vadd.s32 @!p5 v16, v29;
	p5 =	seq.s32 s11, $0x1;
	v23 =	vadd.s32 @!p3 $0xFFFFFFFF, v23;
	s11 =	sld [smem:$0x7F9];
	p2 =	seq.s32 s9, $0x1  }
0xb2: {  	v20 =	vshrl.u32 @!p4 v21, v20;
	v17 =	vadd.s32 @!p5 v24, v17;
	s9 =	sld [smem:$0x7FC];
	vm4 =	vlt.s32 @!p2 v28, $0x20  }
0xb3: {  	p4 =	seq.s32 s10, $0x1;
	v21 =	vbroadcast @!p3 v23, $0x0;
	vm12 =	vgt.s32 @!p2 v28, $0x0;
	vm3 =	vmand @!p2 vm4, vm3  }
0xb4: {  	v23, _, _ =	vpop @!p4 (xrf0);
	v24 =	vnsel @!p2 vm12, $0x0, v28;
	vm4 =	vgt.s32 @!p2 v16, $0x0;
	p4 =	seq.s32 s11, $0x1;
	vm12 =	vlt.s32 @!p2 v16, $0x20  }
0xb5: {  	s10 =	sld [smem:$0x7F9];
	(v2sf) =	vpush @!p4 v23, $0xF;
	v24 =	vmin.u32 @!p2 v24, $0x1F;
	v16 =	vnsel @!p2 vm4, $0x0, v16;
	p4 =	seq.s32 s9, $0x1  }
0xb6: {  	vm4 =	vmand @!p2 vm12, vm6;
	vm6 =	vmmov vm11;
	vm11 =	vlt.s32 @!p5 v18, $0x20;
	s8 =	spop @!p4 (v2sf)  }
0xb7: {  	s11 =	sld [smem:$0x7F9];
	v24 =	vor.u32 @!p2 v3, v24;
	v16 =	vmin.u32 @!p2 v16, $0x1F;
	vm6 =	vmand @!p5 vm11, vm6;
	s8 =	sadd.s32 @!p3 s7, s8  }
0xb8: {  	vm11 =	veq.s32 @!p3 v19, $0x1;
	v16 =	vor.u32 @!p2 v3, v16;
	p2 =	seq.s32 s10, $0x1;
	v19 =	vmov @!p3 s8  }
0xb9: {  	vm13 =	vmmov vm9;
	v20 =	vand.u32 @!p2 $0x1, v20;
	p2 =	por p3, p3;
	s9 =	spop @!p4 (v2sf);
	v19 =	vadd.s32 @!p3 $0xFFFFFFFF, v19  }
0xba: {  	v21 =	vadd.s32 @!p3 v30, v21;
	vm12 =	vgt.s32 @!p5 v18, $0x0;
	s8 =	sadd.s32 @!p2 s9, s8;
	v19 =	vbroadcast @!p3 v19, $0x0;
	p3 =	seq.s32 s11, $0x1  }
0xbb: {  	vm5 =	vmmov vm5;
	v18 =	vnsel @!p5 vm12, $0x0, v18;
	vm12 =	vlt.s32 @!p5 v17, $0x20;
	s8 =	smov.u32 @p2 s7;
	p4 =	por p3, p3  }
0xbc: {  	v22 =	vadd.s32 @!p6 v26, v22;
	vm7 =	vmand @!p5 vm12, vm7;
	(xrf0) =	vadd.scan.msk.s32 @!p3 $0xffff, v20;
	v26 =	vmov @!p4 s8  }
0xbd: {  	vm12 =	vgt.s32 @!p5 v17, $0x0;
	v18 =	vmin.u32 @!p5 v18, $0x1F;
	v26 =	vadd.s32 @!p4 $0xFFFFFFFF, v26  }
0xbe: {  	s10 =	sld [smem:$0x7FA];
	v17 =	vnsel @!p5 vm12, $0x0, v17;
	vm12 =	vlt.s32 @!p6 v25, $0x20;
	v26 =	vbroadcast @!p4 v26, $0x0  }
0xbf: {  	[tilespmem:v12+s4+$0x0] =	vst.idx.msk @!p0 vm1, v7;
	vm1 =	vmmov vm5;
	v18 =	vor.u32 @!p5 v3, v18;
	vm9 =	vmand @!p6 vm12, vm10  }
0xc0: {  	vm10 =	vgt.s32 @!p6 v25, $0x0;
	vm12 =	vlt.s32 @!p2 v21, $0x20;
	v17 =	vmin.u32 @!p5 v17, $0x1F  }
0xc1: {  	v25 =	vnsel @!p6 vm10, $0x0, v25;
	vm10 =	vlt.s32 @!p6 v22, $0x20;
	v17 =	vor.u32 @!p5 v3, v17;
	p3 =	seq.s32 s10, $0x1  }
0xc2: {  	vm8 =	vmand @!p6 vm10, vm8;
	vm10 =	vgt.s32 @!p6 v22, $0x0;
	v23 =	vadd.s32 @!p4 v23, v26;
	v26, _, _ =	vpop @!p3 (xrf0)  }
0xc3: {  	s11 =	sld [smem:$0x7FB];
	v22 =	vnsel @!p6 vm10, $0x0, v22;
	vm10 =	vmmov vm13;
	(v2sf) =	vpush @!p4 v26, $0xF  }
0xc4: {  	v19 =	vadd.s32 @!p2 v32, v19;
	vm10 =	vmand @!p2 vm12, vm10;
	vm12 =	vgt.s32 @!p2 v21, $0x0  }
0xc5: {  	v25 =	vmin.u32 @!p6 v25, $0x1F;
	v21 =	vnsel @!p2 vm12, $0x0, v21;
	vm12 =	vlt.s32 @!p2 v19, $0x20;
	s7 =	spop @!p3 (v2sf)  }
0xc6: {  	[tilespmem:v13+s4+$0x0] =	vst.idx.msk @!p0 vm2, v5;
	v22 =	vmin.u32 @!p6 v22, $0x1F;
	p0 =	seq.s32 s11, $0x1;
	vm11 =	vmand @!p2 vm12, vm11;
	vm12 =	vgt.s32 @!p2 v19, $0x0;
	s7 =	sadd.s32 @!p4 s8, s7  }
0xc7: {  	[tilespmem:v24+s26+$0x0] =	vst.idx.msk @!p0 vm3, v9;
	v19 =	vnsel @!p2 vm12, $0x0, v19;
	vm12 =	veq.s32 @!p4 v20, $0x1;
	v20 =	vmov @!p4 s7  }
0xc8: {  	v25 =	vor.u32 @!p6 v3, v25;
	v22 =	vor.u32 @!p6 v3, v22;
	[tilespmem:v16+s26+$0x0] =	vst.idx.msk @!p0 vm4, v6;
	v20 =	vadd.s32 @!p4 $0xFFFFFFFF, v20  }
0xc9: {  	s4 =	sadd.s32 @!p1 $0xFFFFFFF0, s5;
	v5 =	vmin.u32 @!p2 v21, $0x1F;
	[tilespmem:v18+s25+$0x0] =	vst.idx.msk @!p5 vm6, v10;
	v6 =	vmin.u32 @!p2 v19, $0x1F;
	v20 =	vbroadcast @!p4 v20, $0x0  }
0xca: {  	v5 =	vor.u32 @!p2 v3, v5;
	[tilespmem:v17+s25+$0x0] =	vst.idx.msk @!p5 vm7, v8;
	v8 =	vor.u32 @!p1 s4, v11;
	v6 =	vor.u32 @!p2 v3, v6;
	p4 =	por p4, p4  }
0xcb: {  	s26 =	sld [smem:$0x7FC];
	vm5 =	vlt.s32 @!p4 v23, $0x20;
	vm2 =	vgt.s32 @!p4 v23, $0x0;
	v7 =	vadd.s32 @!p4 v26, v20  }
0xcc: {  	vm1 =	vmand @!p4 vm5, vm1;
	v9 =	vnsel @!p4 vm2, $0x0, v23;
	vm3 =	vgt.s32 @!p4 v7, $0x0  }
0xcd: {  	vm2 =	vlt.s32 @!p4 v7, $0x20;
	v9 =	vmin.u32 @!p4 v9, $0x1F;
	v7 =	vnsel @!p4 vm3, $0x0, v7  }
0xce: {  	s4 =	sadd.s32 $0x20, s5;
	p0 =	seq.s32 s26, $0x1;
	vm2 =	vmand @!p4 vm2, vm12;
	v9 =	vor.u32 @!p4 v3, v9;
	v7 =	vmin.u32 @!p4 v7, $0x1F  }
0xcf: {  	v10 =	vor.u32 @!p1 s5, v11;
	[tilespmem:v25+s6+$0x0] =	vst.idx.msk @!p6 vm9, v8;
	s5 =	sadd.s32 @!p0 $0xFFFFFFF0, s4;
	v7 =	vor.u32 @!p4 v3, v7  }
.Ltmp6:
0xd0: {  	s9 =	simm.s32 @!p0 $0x4020;
	[tilespmem:v22+s6+$0x0] =	vst.idx.msk @!p6 vm8, v10;
	v8 =	vor.u32 @!p0 s5, v14;
	s5 =	sadd.s32 $0x20, s4;
	(pc) =	sbr.rel .LBB2_8-.Ltmp6, $4  }
0xd1: {  	v10 =	vor.u32 @!p0 s4, v14;
	s4 =	sadd.s32 @!p3 $0xFFFFFFF0, s5;
	[tilespmem:v5+s9+$0x0] =	vst.idx.msk @!p2 vm10, v8  }
0xd2: {  	s6 =	simm.s32 @!p3 $0x4020;
	v5 =	vor.u32 @!p3 s4, v15;
	[tilespmem:v6+s9+$0x0] =	vst.idx.msk @!p2 vm11, v10;
	s4 =	spop @!p3 (v2sf)  }
0xd3: {  	v6 =	vor.u32 @!p3 s5, v15;
	[tilespmem:v9+s6+$0x0] =	vst.idx.msk @!p4 vm1, v5;
	s7 =	sadd.s32 @!p4 s4, s7  }
0xd4: {  	[tilespmem:v7+s6+$0x0] =	vst.idx.msk @!p4 vm2, v6;
	s7 =	smov.u32 @p4 s8  }
.LBB2_10:
0xd5: {  	s0 =	simm.s32 $0x0;
	s1 =	rddreg [dreg:$0x6];
	s4 =	simm.s32 $0x4420  }
0xd6: {  	[hbm4b:s1+s0] =	stream.linear.scatter [tilespmem:s4], [sflag:$0x2], $0x400, $0x38;
	[tilespmem:$0x13420] =	vst v63  }
0xd7: {  	_ =	swait.ge [sflag:s21], $0x400  }
0xd8: {  	[sflag:s21] =	ssyncset.done $0x0  }
0xd9: {  	s0 =	simm.s32 $0x0;
	[sflag:s21] =	ssyncadd.s32 $0xFFFFFC00  }
0xda: {  	v4 =	vld [tilespmem:s0+$0x4020];
	_ =	sdelay $0x7  }
0xdb: {  	v3 =	vld.idx.msk [tilespmem:v4+s20+$0x0], $0xffff  }
0xdc: {  	v5 =	vadd.s32 $0x4000, v4;
	_ =	sdelay $0x3  }
0xdd: {  	[tilespmem:s0+$0x12820] =	vst v3  }
0xde: {  	v3 =	vld.idx.msk [tilespmem:v5+s20+$0x0], $0xffff  }
0xdf: {  	v4 =	vadd.s32 $0x8000, v4;
	_ =	sdelay $0x2  }
0xe0: {  	s4 =	simm.s32 $0x10;
	s1 =	simm.s32 $0x80  }
.LBB2_11:
0xe1: {  	p0 =	sne.s32 s1, $0xFC0;
	v5 =	vld [tilespmem:s4+$0x4020];
	[tilespmem:s0+$0x12C20] =	vst v3  }
0xe2: {  	v3 =	vld.idx.msk [tilespmem:v4+s20+$0x0], $0xffff;
	_ =	sdelay $0x5  }
0xe3: {  	[tilespmem:s0+$0x13020] =	vst v3;
	s0 =	smov.u32 s4  }
0xe4: {  	v3 =	vld.idx.msk [tilespmem:v5+s20+$0x0], $0xffff;
	_ =	sdelay $0x1  }
0xe5: {  	v4 =	vadd.s32 $0x4000, v5;
	_ =	sdelay $0x3  }
0xe6: {  	[tilespmem:s0+$0x12820] =	vst v3  }
0xe7: {  	v3 =	vld.idx.msk [tilespmem:v4+s20+$0x0], $0xffff  }
.Ltmp7:
0xe8: {  	(pc) =	sbr.rel @p0 .LBB2_11-.Ltmp7, $2  }
0xe9: {  	v4 =	vadd.s32 $0x8000, v5;
	_ =	sdelay $0x2  }
0xea: {  	s4 =	sshra.s32 s1, $0x2;
	s1 =	sadd.s32 $0x40, s1  }
0xeb: {  	_ =	sdelay $0x1  }
0xec: {  	v5 =	vld [tilespmem:s4+$0x4020]  }
0xed: {  	[tilespmem:s0+$0x12C20] =	vst v3  }
0xee: {  	v3 =	vld.idx.msk [tilespmem:v4+s20+$0x0], $0xffff;
	_ =	sdelay $0x4  }
0xef: {  	[tilespmem:s0+$0x13020] =	vst v3  }
0xf0: {  	v3 =	vld.idx.msk [tilespmem:v5+s20+$0x0], $0xffff  }
0xf1: {  	v62 =	vadd.s32 $0x4000, v5;
	_ =	sdelay $0x3  }
0xf2: {  	[tilespmem:s4+$0x12820] =	vst v3  }
0xf3: {  	v3 =	vld.idx.msk [tilespmem:v62+s20+$0x0], $0xffff  }
0xf4: {  	v63 =	vadd.s32 $0x8000, v5;
	_ =	sdelay $0x3  }
0xf5: {  	[tilespmem:s4+$0x12C20] =	vst v3  }
0xf6: {  	v3 =	vld.idx.msk [tilespmem:v63+s20+$0x0], $0xffff;
	_ =	sdelay $0x4  }
0xf7: {  	s26 =	rddreg [dreg:$0x7];
	s1 =	simm.s32 $0x12820;
	[tilespmem:s4+$0x13020] =	vst v3  }
0xf8: {  	[hbm4b:s26+s2] =	stream.linear.scatter [tilespmem:s1], [sflag:$0x2], $0x400, $0x38;
	[tilespmem:$0x13420] =	vst v63  }
0xf9: {  	_ =	swait.ge [sflag:s21], $0x400  }
0xfa: {  	[sflag:s21] =	ssyncset.done $0x0  }
0xfb: {  	s5 =	simm.s32 $0x12C20;
	s4 =	rddreg [dreg:$0xa];
	[sflag:s21] =	ssyncadd.s32 $0xFFFFFC00  }
0xfc: {  	[hbm4b:s4+s2] =	stream.linear.scatter [tilespmem:s5], [sflag:$0x2], $0x400, $0x38;
	[tilespmem:$0x13420] =	vst v63  }
0xfd: {  	_ =	swait.ge [sflag:s21], $0x400  }
0xfe: {  	[sflag:s21] =	ssyncset.done $0x0  }
0xff: {  	s6 =	simm.s32 $0x13020;
	[sflag:s21] =	ssyncadd.s32 $0xFFFFFC00  }
0x100: {  	[hbm4b:s12+s2] =	stream.linear.scatter [tilespmem:s6], [sflag:$0x2], $0x400, $0x38;
	[tilespmem:$0x13420] =	vst v63  }
0x101: {  	_ =	swait.ge [sflag:s21], $0x400  }
0x102: {  	[sflag:s21] =	ssyncset.done $0x0  }
0x103: {  	s7 =	simm.s32 $0x4020;
	[sflag:s21] =	ssyncadd.s32 $0xFFFFFC00  }
0x104: {  	[tilespmem:s30], [sflag:$0x1] =	stream.indirect.gather [hbm4b:s3+s28], $0x40, s7, s28, $0xb8;
	[tilespmem:$0x13420] =	vst v63  }
0x105: {  	_ =	swait.ge [sflag:s31], $0x2000  }
0x106: {  	[sflag:s31] =	ssyncset.done $0x0  }
0x107: {  	s8 =	rddreg [dreg:$0x8];
	[sflag:s31] =	ssyncadd.s32 $0xFFFFE000  }
0x108: {  	[hbm4b:s8+s2] =	stream.linear.scatter [tilespmem:s30], [sflag:$0x2], $0x2000, $0x38;
	[tilespmem:$0x13420] =	vst v63  }
0x109: {  	_ =	swait.ge [sflag:s21], $0x2000  }
0x10a: {  	[sflag:s21] =	ssyncset.done $0x0  }
0x10b: {  	s9 =	simm.s32 $0x40A0;
	[sflag:s21] =	ssyncadd.s32 $0xFFFFE000  }
0x10c: {  	[tilespmem:s30], [sflag:$0x1] =	stream.indirect.gather [hbm4b:s3+s28], $0x40, s9, s28, $0xb8;
	[tilespmem:$0x13420] =	vst v63  }
0x10d: {  	_ =	swait.ge [sflag:s31], $0x2000  }
0x10e: {  	[sflag:s31] =	ssyncset.done $0x0  }
0x10f: {  	[sflag:s31] =	ssyncadd.s32 $0xFFFFE000  }
0x110: {  	[hbm4b:s13+s2] =	stream.linear.scatter [tilespmem:s30], [sflag:$0x2], $0x2000, $0x38;
	[tilespmem:$0x13420] =	vst v63  }
0x111: {  	_ =	swait.ge [sflag:s21], $0x2000  }
0x112: {  	[sflag:s21] =	ssyncset.done $0x0  }
0x113: {  	s10 =	simm.s32 $0x4120;
	[sflag:s21] =	ssyncadd.s32 $0xFFFFE000  }
0x114: {  	[tilespmem:s30], [sflag:$0x1] =	stream.indirect.gather [hbm4b:s3+s28], $0x40, s10, s28, $0xb8;
	[tilespmem:$0x13420] =	vst v63  }
0x115: {  	_ =	swait.ge [sflag:s31], $0x2000  }
0x116: {  	[sflag:s31] =	ssyncset.done $0x0  }
0x117: {  	[sflag:s31] =	ssyncadd.s32 $0xFFFFE000  }
0x118: {  	[hbm4b:s14+s2] =	stream.linear.scatter [tilespmem:s30], [sflag:$0x2], $0x2000, $0x38;
	[tilespmem:$0x13420] =	vst v63  }
0x119: {  	_ =	swait.ge [sflag:s21], $0x2000  }
0x11a: {  	[sflag:s21] =	ssyncset.done $0x0  }
0x11b: {  	s11 =	simm.s32 $0x41A0;
	[sflag:s21] =	ssyncadd.s32 $0xFFFFE000  }
0x11c: {  	[tilespmem:s30], [sflag:$0x1] =	stream.indirect.gather [hbm4b:s3+s28], $0x40, s11, s28, $0xb8;
	[tilespmem:$0x13420] =	vst v63  }
0x11d: {  	_ =	swait.ge [sflag:s31], $0x2000  }
0x11e: {  	[sflag:s31] =	ssyncset.done $0x0  }
0x11f: {  	[sflag:s31] =	ssyncadd.s32 $0xFFFFE000  }
0x120: {  	[hbm4b:s15+s2] =	stream.linear.scatter [tilespmem:s30], [sflag:$0x2], $0x2000, $0x38;
	[tilespmem:$0x13420] =	vst v63  }
0x121: {  	_ =	swait.ge [sflag:s21], $0x2000  }
0x122: {  	[sflag:s21] =	ssyncset.done $0x0  }
0x123: {  	s22 =	simm.s32 $0x4220;
	[sflag:s21] =	ssyncadd.s32 $0xFFFFE000  }
0x124: {  	[tilespmem:s30], [sflag:$0x1] =	stream.indirect.gather [hbm4b:s3+s28], $0x40, s22, s28, $0xb8;
	[tilespmem:$0x13420] =	vst v63  }
0x125: {  	_ =	swait.ge [sflag:s31], $0x2000  }
0x126: {  	[sflag:s31] =	ssyncset.done $0x0  }
0x127: {  	[sflag:s31] =	ssyncadd.s32 $0xFFFFE000  }
0x128: {  	[hbm4b:s16+s2] =	stream.linear.scatter [tilespmem:s30], [sflag:$0x2], $0x2000, $0x38;
	[tilespmem:$0x13420] =	vst v63  }
0x129: {  	_ =	swait.ge [sflag:s21], $0x2000  }
0x12a: {  	[sflag:s21] =	ssyncset.done $0x0  }
0x12b: {  	s23 =	simm.s32 $0x42A0;
	[sflag:s21] =	ssyncadd.s32 $0xFFFFE000  }
0x12c: {  	[tilespmem:s30], [sflag:$0x1] =	stream.indirect.gather [hbm4b:s3+s28], $0x40, s23, s28, $0xb8;
	[tilespmem:$0x13420] =	vst v63  }
0x12d: {  	_ =	swait.ge [sflag:s31], $0x2000  }
0x12e: {  	[sflag:s31] =	ssyncset.done $0x0  }
0x12f: {  	[sflag:s31] =	ssyncadd.s32 $0xFFFFE000  }
0x130: {  	[hbm4b:s17+s2] =	stream.linear.scatter [tilespmem:s30], [sflag:$0x2], $0x2000, $0x38;
	[tilespmem:$0x13420] =	vst v63  }
0x131: {  	_ =	swait.ge [sflag:s21], $0x2000  }
0x132: {  	[sflag:s21] =	ssyncset.done $0x0  }
0x133: {  	s24 =	simm.s32 $0x4320;
	[sflag:s21] =	ssyncadd.s32 $0xFFFFE000  }
0x134: {  	[tilespmem:s30], [sflag:$0x1] =	stream.indirect.gather [hbm4b:s3+s28], $0x40, s24, s28, $0xb8;
	[tilespmem:$0x13420] =	vst v63  }
0x135: {  	_ =	swait.ge [sflag:s31], $0x2000  }
0x136: {  	[sflag:s31] =	ssyncset.done $0x0  }
0x137: {  	[sflag:s31] =	ssyncadd.s32 $0xFFFFE000  }
0x138: {  	[hbm4b:s18+s2] =	stream.linear.scatter [tilespmem:s30], [sflag:$0x2], $0x2000, $0x38;
	[tilespmem:$0x13420] =	vst v63  }
0x139: {  	_ =	swait.ge [sflag:s21], $0x2000  }
0x13a: {  	[sflag:s21] =	ssyncset.done $0x0  }
0x13b: {  	s25 =	simm.s32 $0x43A0;
	[sflag:s21] =	ssyncadd.s32 $0xFFFFE000  }
0x13c: {  	[tilespmem:s30], [sflag:$0x1] =	stream.indirect.gather [hbm4b:s3+s28], $0x40, s25, s28, $0xb8;
	[tilespmem:$0x13420] =	vst v63  }
0x13d: {  	_ =	swait.ge [sflag:s31], $0x2000  }
0x13e: {  	[sflag:s31] =	ssyncset.done $0x0  }
0x13f: {  	[sflag:s31] =	ssyncadd.s32 $0xFFFFE000  }
0x140: {  	[hbm4b:s19+s2] =	stream.linear.scatter [tilespmem:s30], [sflag:$0x2], $0x2000, $0x38;
	[tilespmem:$0x13420] =	vst v63  }
0x141: {  	_ =	swait.ge [sflag:s21], $0x2000  }
0x142: {  	s29 =	sadd.s32 $0x1, s29;
	s26 =	rddreg [dreg:$0x9]  }
0x143: {  	p0 =	sne.s32 s29, s26  }
.Ltmp8:
0x144: {  	_ = 	snop;
	(pc) =	sbr.rel @p0 .LBB2_1-.Ltmp8, $3  }
0x145: {  	_ =	sdelay $0x1  }
0x146: {  	[sflag:s21] =	ssyncset.done $0x0  }
0x147: {  	[sflag:s21] =	ssyncadd.s32 $0xFFFFE000  }
0x148: {  	_ =	sfence.sel $0x180000  }
0x149: {  	[bflag:$0x0] =	sbarrier.arrive $0xFFFF  }
0x14a: {  	_ =	strace $0x90000047  }
0x14b: {  	s0 =	stileid.u32;
	[bflag:$0x2] =	sbarrier.arrive $0xFFFF  }
0x14c: {  	p0 =	sne.s32 s0, $0x0;
	s0 =	rddreg [dreg:$0x2]  }
0x14d: {  	s0 =	sadd.s32 @!p0 $0x100000, s0  }
0x14e: {  	[sflag:s0] =	ssyncadd.tile.s32 @!p0 $0x1;
	_ =	shalt  }
.Lfunc_end2:
_tile_overlayer_lowered:
.L_overlay_start_2:
0x14f: {  	(tag) =	ssettag $0x2  }
0x150: {  	s0 =	rddreg [dreg:$0x0];
	s2 =	stileid.u32  }
0x151: {  	s1 =	rddreg [dreg:$0x1];
	p0 =	sne.s32 s2, $0x0  }
0x152: {  	s3 =	rddreg [dreg:$0x2];
	[bflag:$0x3] =	sbarrier.arrive $0xFFFF;
	s2 =	simm.s32 @!p0 $0x1C02  }
0x153: {  	[timem:s3], [sflag:s2] =	dma.local @!p0 [hbm:s0], s1  }
0x154: {  	s0 =	simm.s32 @!p0 $0x2  }
0x155: {  	_ =	swait.ge @!p0 [sflag:s0], s1  }
0x156: {  	s1 =	ssub.s32 @!p0 $0x0, s1;
	[sflag:s0] =	ssyncset.done @!p0 $0x0  }
0x157: {  	[sflag:s0] =	ssyncadd.s32 @!p0 s1  }
0x158: {  	[bflag:$0x3] =	sbarrier.arrive $0xFFFF  }
0x159: {  	_ =	shalt  }

// kernel: sparse-core-data-format-call.1.cloned.1.call-start
scs
called_computation.1_lowered:
.L_overlay_start_0:
0x0: {  	s1 =	sld [smem:$0x3FD9]  }
0x1: {  	s2 =	sld [smem:$0x3FFE];
	_ =	sdelay $0x1  }
0x2: {  	s3 =	srdreg.scid  }
0x3: {  	s0 =	sand.u32 $0x1, s3  }
0x4: {  	s17 =	sshll.u32 s0, $0xA;
	s1 =	sadd.s32 s2, s1  }
0x5: {  	s1 =	sadd.s32 s1, s17  }
0x6: {  	[smem:$0x3FC5] =	sst s1  }
0x7: {  	_ = 	snop  }
0x8: {  	(tm) =	ssettm $0x1  }
0x9: {  	s18 =	sld [smem:$0x3FFB];
	_ =	sdelay $0x3  }
0xa: {  	_ =	strace s18  }
0xb: {  	s1 =	sld [smem:$0x3FFC];
	_ =	sdelay $0x3  }
0xc: {  	_ =	strace s1  }
0xd: {  	s1 =	sld [smem:$0x3FFD];
	_ =	sdelay $0x3  }
0xe: {  	_ =	strace s1  }
0xf: {  	_ =	strace $0x8FFFFFFF  }
0x10: {  	s19 =	sld [smem:$0x3FDB];
	_ =	sdelay $0x1  }
0x11: {  	s20 =	simm.s32 $_scs_section_size  }
0x12: {  	s4 =	simm.s32 $_size__tile_overlayer_lowered;
	s5 =	simm.s32 $_tile_overlayer_lowered  }
0x13: {  	s23 =	simm.s32 $0x1BFF;
	s22 =	sshll.u32 s5, $0x1;
	s1 =	sadd.s32 s20, s19  }
0x14: {  	s6 =	simm.s32 $0x0;
	s21 =	sshll.u32 s4, $0x1;
	s4 =	sadd.s32 s22, s1  }
0x15: {  	[timem:s6], [sflag:s23] =	dma.local [hbm:s4], s21  }
0x16: {  	_ =	swait.ge [sflag:s23], s21  }
0x17: {  	s2 =	ssub.s32 $0x0, s21;
	[sflag:s23] =	ssyncset.done $0x0  }
0x18: {  	[sflag:s23] =	ssyncadd.s32 s2;
	_ =	sdelay $0x1  }
0x19: {  	s24 =	simm.s32 $0x1B8B  }
0x1a: {  	_ =	swait.ge [sflag:s24], $0x1  }
0x1b: {  	[sflag:s24] =	ssyncset.done $0x0  }
0x1c: {  	s26 =	simm.s32 $0x1B8E;
	s25 =	sld [smem:$0x3FFE];
	[sflag:s24] =	ssyncadd.s32 $0xFFFFFFFF  }
0x1d: {  	s27 =	simm.s32 $execute0_lowered;
	[smem:$0x3FD2] =	sst s26  }
0x1e: {  	s4 =	sshll.u32 s27, $0x1;
	_ =	strace $0x80000052;
	[dreg:$0x1] =	wrdreg $0xFFFFFFFF  }
0x1f: {  	s28 =	simm.s32 $_size_execute0_lowered;
	s1 =	sadd.s32 s1, s4;
	[dreg:$0x0] =	wrdreg $0x0  }
0x20: {  	s4 =	sshll.u32 s28, $0x1;
	[dreg:$0x2] =	wrdreg s1  }
0x21: {  	[dreg:$0x3] =	wrdreg s4  }
0x22: {  	[dreg:$0x4] =	wrdreg $0xC0  }
0x23: {  	_ =	task [dreg:s6], $0x5FFFF  }
0x24: {  	[dreg:$0x1] =	wrdreg $0xFFFFFFFF  }
0x25: {  	[dreg:$0x0] =	wrdreg $0x60  }
0x26: {  	[dreg:$0x2] =	wrdreg s25  }
0x27: {  	[dreg:$0x3] =	wrdreg $0x9  }
0x28: {  	_ =	task.clear_ibuf [dreg:s6], $0x4FFFF;
	_ =	strace $0x90000052  }
0x29: {  	s29 =	simm.s32 $0x9;
	_ =	strace $0x80000054  }
0x2a: {  	_ =	swait.ge [sflag:s29], $0x1  }
0x2b: {  	[sflag:s29] =	ssyncadd.s32 $0xFFFFFFFF  }
0x2c: {  	_ =	strace $0x90000054  }
0x2d: {  	_ =	sfence  }
0x2e: {  	s30 =	sld [smem:$0x0];
	_ =	sdelay $0x2  }
0x2f: {  	s31 =	sshll.u32 s3, $0xD;
	s3 =	sshrl.u32 s3, $0x2  }
0x30: {  	s2 =	sand.u32 $0x4000, s31;
	s1 =	sadd.s32 s3, s30  }
0x31: {  	s0 =	sor.u32 s2, s0;
	s1 =	sshll.u32 s1, $0x11  }
0x32: {  	s0 =	sor.u32 s1, s0  }
0x33: {  	s0 =	sadd.s32 $0x8F2B, s0  }
0x34: {  	[sflag:s0] =	ssyncadd.remote.s32 $0x1  }
0x35: {  	_ =	sfence.sel $0xFFFF  }
0x36: {  	[dreg:$0x0] =	wrdreg $0xFFFFFFFF;
	(pc) =	sbr.abs _section_cstart, $3  }
0x37: {  	[dreg:$0x1] =	wrdreg $0xFFFFFFFF  }
0x38: {  	_ =	task.clear_ibuf [dreg:s6], $0x2FFFF;
	_ =	strace $0x9FFFFFFF  }
0x39: {  	(tm) =	ssettm $0x7FFFFFFF  }
tec
execute0_lowered:
.L_overlay_start_1:
0x0: {  	(tag) =	ssettag $0x1  }
0x1: {  	s0 =	stileid.u32  }
0x2: {  	s1 =	srdreg.scid;
	s4 =	rddreg [dreg:$0x0]  }
0x3: {  	s7 =	simm.s32 $0x1;
	s8 =	simm.s32 $0x2;
	s15 =	simm.s32 $0x0  }
0x4: {  	s13 =	simm.s32 $0x0;
	s2 =	sshll.u32 s0, $0x5;
	s1 =	sshll.u32 s1, $0x9  }
0x5: {  	s14 =	simm.s32 $0x0;
	s10 =	simm.s32 $0x0;
	s1 =	sor.u32 s2, s1  }
0x6: {  	s12 =	simm.s32 $0x0;
	s3 =	sadd.s32 $0x162000, s4;
	s2 =	sand.u32 $0x380, s1  }
0x7: {  	s4 =	sadd.s32 $0x282000, s4;
	s1 =	rddreg [dreg:$0x1];
	s6 =	ssub.s32 $0x8000, s2  }
.Ltmp0:
0x8: {  	_ =	strace $0x80000053;
	s5 =	sand.u32 $0x380, s6;
	(pc) =	sbr.rel .LBB1_1-.Ltmp0, $4  }
0x9: {  	s9 =	smov.u32 s2;
	p0 =	sne.s32 s5, $0x0;
	s5 =	simm.s32 $0x1  }
0xa: {  	s6 =	sshrl.u32 s6, $0xA;
	s7 =	simm.s32 @!p0 $0x0;
	[sflag:s5] =	ssyncpa.u1 $0x0  }
0xb: {  	p0 =	por $0x0, $0x0;
	s6 =	sadd.s32 s7, s6;
	s7 =	sand.u32 $0x3, s0  }
0xc: {  	[sflag:s8] =	ssyncpa.u1 $0x0;
	s8 =	sadd.s32 $0x1, s6;
	s11 =	smov.u32 s7  }
.LBB1_4:
0xd: {  	v5 =	vld [tilespmem:s19+$0xFFFFFFD0];
	[tilespmem:s18+$0x2040 ss:$0x81] =	vst.msk $0xffff, v1  }
0xe: {  	v58 =	vld [tilespmem:s19+$0xFFFFFFE0];
	[tilespmem:s18+$0x2850 ss:$0x81] =	vst.msk $0xffff, v2  }
0xf: {  	s20 =	sshra.s32 s20, $0x2;
	v59 =	vld [tilespmem:s19+$0xFFFFFFF0];
	[tilespmem:s18+$0x3060 ss:$0x81] =	vst.msk $0xffff, v3  }
0x10: {  	v60 =	vld [tilespmem:s19+$0x0];
	[tilespmem:s18+$0x0 ss:$0x81] =	vst.msk $0xffff, v0;
	s17 =	sadd.s32 s20, s17  }
0x11: {  	v61 =	vld [tilespmem:s19+$0x10];
	[tilespmem:s17+$0x3870 ss:$0x81] =	vst.msk $0xffff, v4  }
0x12: {  	v62 =	vld [tilespmem:s19+$0x20];
	s15 =	sshll.u32 s15, $0x7;
	s28 =	sshll.u32 s13, $0x3;
	[tilespmem:s17+$0x810 ss:$0x81] =	vst.msk $0xffff, v5  }
0x13: {  	v63 =	vld [tilespmem:s19+$0xFFFFFFC0];
	s29 =	sand.u32 $0x3FFC00, s15;
	s18 =	sand.u32 $0x3FFC00, s28;
	[tilespmem:s17+$0x1020 ss:$0x81] =	vst.msk $0xffff, v58  }
0x14: {  	s15 =	sand.u32 $0x380, s15;
	s18 =	sadd.s32 s18, s29;
	[tilespmem:s17+$0x1830 ss:$0x81] =	vst.msk $0xffff, v59  }
0x15: {  	s14 =	sshll.u32 s14, $0x13;
	s30 =	sshrl.u32 s13, $0x3;
	s15 =	sor.u32 s15, s18;
	[tilespmem:s17+$0x2040 ss:$0x81] =	vst.msk $0xffff, v60  }
0x16: {  	s14 =	sadd.s32 s4, s14;
	s18 =	sand.u32 $0xF, s30;
	s15 =	sshrl.u32 s15, $0x3;
	[tilespmem:s17+$0x2850 ss:$0x81] =	vst.msk $0xffff, v61  }
0x17: {  	s14 =	sadd.s32 s18, s14;
	[tilespmem:s17+$0x3060 ss:$0x81] =	vst.msk $0xffff, v62;
	s15 =	sand.u32 $0x7FFF0, s15  }
0x18: {  	s31 =	sand.u32 $0x7, s13;
	[tilespmem:s17+$0x0 ss:$0x81] =	vst.msk $0xffff, v63;
	s14 =	sadd.s32 s15, s14  }
0x19: {  	[hbm4b:s14+s31] =	stream.linear.scatter [tilespmem:s16], [sflag:$0x2], $0x4000, $0x20;
	[tilespmem:$0x10100] =	vst v63  }
.LBB1_5:
0x1a: {  	s16 =	sadd.s32 $0x400, s9  }
0x1b: {  	s13 =	sadd.s32 $0x80, s10;
	s17 =	smov.u32 s10;
	p2 =	sgt.s32 s16, $0x7FFF  }
0x1c: {  	s17 =	smov.u32 @p2 s13  }
0x1d: {  	s19 =	smov.u32 s11;
	s13 =	sadd.s32 $0x4, s11;
	p3 =	sgt.s32 s17, $0x42  }
0x1e: {  	s19 =	smov.u32 @p3 s13  }
0x1f: {  	s16 =	smov.u32 @p2 s2;
	p2 =	sgt.s32 s19, $0x3  }
0x20: {  	p1 =	slt.u32 s12, $0x2;
	s19 =	smov.u32 @p2 s7;
	p2 =	sne.s32 s12, s8  }
.Ltmp1:
0x21: {  	s18 =	simm.s32 @!p1 $0x2;
	(pc) =	sbr.rel @!p2 .LBB1_6-.Ltmp1, $4  }
0x22: {  	s15 =	smov.u32 s9;
	s14 =	smov.u32 s11;
	_ =	swait.ge @!p1 [sflag:s18], $0x4000  }
0x23: {  	p0 =	por !p0, !p0;
	[sflag:s18] =	ssyncset.done @!p1 $0x0;
	s9 =	smov.u32 s16  }
0x24: {  	s17 =	simm.s32 @p3 $0x0;
	s13 =	smov.u32 s10;
	[sflag:s18] =	ssyncadd.s32 @!p1 $0xFFFFC000  }
0x25: {  	s10 =	smov.u32 s17;
	s12 =	sadd.s32 $0x1, s12;
	s11 =	smov.u32 s19  }
.LBB1_1:
0x26: {  	p1 =	sge.u32 s12, s6  }
0x27: {  	p2 =	sgt.s32 @!p1 s11, $0x3  }
0x28: {  	s16 =	smov.u32 s11;
	s17 =	sshra.s32 @!p1 s11, $0x1F;
	p2 =	por !p2, p1  }
0x29: {  	s17 =	sand.u32 @!p1 s17, s11;
	s16 =	simm.s32 @p2 $0x3  }
0x2a: {  	s16 =	ssub.s32 @!p1 s16, s17  }
0x2b: {  	s17 =	sadd.s32 @!p1 $0xFFFFFFFD, s16  }
0x2c: {  	s19 =	smov.u32 s10;
	p2 =	sgt.s32 @!p1 s17, $0x0  }
0x2d: {  	s18 =	sshll.u32 @!p1 s10, $0xF;
	s16 =	ssub.s32 @!p1 $0x4, s16;
	p2 =	por !p2, p1  }
0x2e: {  	s20 =	sshra.s32 @!p1 s10, $0x1F;
	s16 =	simm.s32 @!p2 $0x0;
	p2 =	sgt.s32 @!p1 s10, $0xFFFFFFC8  }
0x2f: {  	s22 =	sshra.s32 @!p1 s9, $0x1F;
	s20 =	sand.u32 @!p1 s20, s10;
	p2 =	por !p2, p1  }
0x30: {  	s18 =	sand.u32 @!p1 $0xFFFC0000, s18;
	s22 =	sand.u32 @!p1 s22, s9;
	s19 =	simm.s32 @p2 $0xFFFFFFC8  }
0x31: {  	s17 =	sand.u32 @!p1 $0x78, s9;
	p2 =	sgt.s32 @!p1 s9, $0x7F80;
	s19 =	ssub.s32 @!p1 s19, s20  }
0x32: {  	p2 =	por !p2, p1;
	s20 =	smov.u32 s9;
	s21 =	sadd.s32 @!p1 $0x38, s19  }
0x33: {  	s20 =	simm.s32 @p2 $0x7F80;
	s19 =	ssub.s32 @!p1 $0x48, s19;
	p2 =	sgt.s32 @!p1 s21, $0x7F  }
0x34: {  	s21 =	sshll.u32 @!p1 s9, $0x3;
	s20 =	ssub.s32 @!p1 s20, s22;
	p2 =	por !p2, p1  }
0x35: {  	s18 =	sadd.s32 @!p1 s18, s21;
	s22 =	sadd.s32 @!p1 $0xFFFF8080, s20;
	s19 =	simm.s32 @!p2 $0x0  }
0x36: {  	p2 =	sgt.s32 @!p1 s22, $0x7F;
	s22 =	sshll.u32 @!p1 s10, $0x7;
	s18 =	sshrl.u32 @!p1 s18, $0xF  }
0x37: {  	s16 =	smul.u32 @!p1 s16, s19;
	s19 =	ssub.s32 @!p1 $0x8000, s20;
	p2 =	por !p2, p1  }
0x38: {  	s20 =	sand.u32 @!p1 $0x380, s22;
	s22 =	smulhi.u32 @!p1 $0x38E38E4, s18;
	s19 =	simm.s32 @!p2 $0x0  }
0x39: {  	s31 =	sadd.s32 $0xFFFFFFFF, s12;
	s17 =	sor.u32 @!p1 s20, s17;
	s16 =	smul.u32 @!p1 s19, s16  }
0x3a: {  	s20 =	sand.u32 @!p1 $0x7C00, s21;
	s19 =	sxor.u32 @!p1 $0xFFFFFFFF, s12;
	s21 =	smul.u32 @!p1 $0x48, s22  }
0x3b: {  	s17 =	sor.u32 @!p1 s20, s17;
	s20 =	smul.u32 @!p1 $0x48000, s11;
	s19 =	sshll.u32 @!p1 s19, $0xE  }
0x3c: {  	s17 =	sshrl.u32 @!p1 s17, $0x3;
	s19 =	sand.u32 @!p1 $0x4000, s19;
	s18 =	ssub.s32 @!p1 s18, s21  }
0x3d: {  	s16 =	sand.u32 @!p1 $0x3FFFFFFF, s16;
	s20 =	sadd.s32 @!p1 s3, s20;
	s21 =	sand.u32 @!p1 $0x7, s9  }
0x3e: {  	s18 =	sshll.u32 @!p1 s18, $0xC;
	s17 =	sadd.s32 @!p1 s17, s20;
	s20 =	sshll.u32 @!p1 s21, $0x12  }
0x3f: {  	s17 =	sadd.s32 @!p1 s18, s17;
	s18 =	sor.u32 @!p1 $0x400, s20;
	s20 =	simm.s32 @!p1 $0x40000  }
0x40: {  	[tilespmem:s19], [sflag:$0x1] =	stream.strided.gather @!p1 [hbm4b:s17+s18], s16, s20, s18, $0x38;
	[tilespmem:$0x10100] =	vst v63  }
0x41: {  	p1 =	sge.u32 s31, s6  }
.Ltmp2:
0x42: {  	_ = 	snop;
	(pc) =	sbr.rel @p1 .LBB1_5-.Ltmp2, $1  }
0x43: {  	_ =	sdelay $0x3  }
0x44: {  	p1 =	sgt.s32 s14, $0x3;
	s16 =	smov.u32 s14;
	s17 =	sshra.s32 s14, $0x1F  }
0x45: {  	s16 =	simm.s32 @!p1 $0x3;
	s17 =	sand.u32 s17, s14  }
0x46: {  	s16 =	ssub.s32 s16, s17  }
0x47: {  	p2 =	sgt.s32 s13, $0xFFFFFFC8;
	s18 =	sshra.s32 s13, $0x1F;
	s17 =	sadd.s32 $0xFFFFFFFD, s16  }
0x48: {  	s19 =	sshra.s32 s15, $0x1F;
	p1 =	sgt.s32 s17, $0x0;
	s17 =	smov.u32 s13  }
0x49: {  	s18 =	sand.u32 s18, s13;
	s19 =	sand.u32 s19, s15;
	s17 =	simm.s32 @!p2 $0xFFFFFFC8  }
0x4a: {  	p2 =	sgt.s32 s15, $0x7F80;
	s17 =	ssub.s32 s17, s18;
	s18 =	smov.u32 s15  }
0x4b: {  	s16 =	ssub.s32 $0x4, s16;
	s20 =	sadd.s32 $0x38, s17;
	s18 =	simm.s32 @!p2 $0x7F80  }
0x4c: {  	s17 =	ssub.s32 $0x48, s17;
	p2 =	sgt.s32 s20, $0x7F;
	s18 =	ssub.s32 s18, s19  }
0x4d: {  	s16 =	simm.s32 @p1 $0x0;
	s17 =	simm.s32 @p2 $0x0;
	s19 =	sadd.s32 $0xFFFF8080, s18  }
0x4e: {  	s16 =	smul.u32 s16, s17;
	p1 =	sgt.s32 s19, $0x7F;
	s17 =	ssub.s32 $0x8000, s18  }
0x4f: {  	s17 =	simm.s32 @p1 $0x0  }
0x50: {  	s16 =	smul.u32 s17, s16;
	_ =	sdelay $0x1  }
0x51: {  	s17 =	simm.s32 $0x1;
	s16 =	sand.u32 $0x3FFFFFFF, s16  }
0x52: {  	s17 =	simm.s32 @!p0 $0x0;
	_ =	swait.ge [sflag:s5], s16  }
0x53: {  	s28 =	sshll.u32 s17, $0xE;
	s16 =	ssub.s32 $0x0, s16;
	[sflag:s5] =	ssyncset.done $0x0  }
0x54: {  	s29 =	sor.u32 $0x40, s28;
	[sflag:s5] =	ssyncadd.s32 s16  }
0x55: {  	s30 =	smul.u32 $0x10200, s17;
	v0 =	vld [tilespmem:s29+$0x30]  }
0x56: {  	v3 =	vld [tilespmem:s29+$0xFFFFFFD0]  }
0x57: {  	s16 =	sshrl.u32 s30, $0x2;
	v4 =	vld [tilespmem:s29+$0xFFFFFFE0]  }
0x58: {  	s17 =	sor.u32 $0x8000, s16;
	v5 =	vld [tilespmem:s29+$0xFFFFFFF0]  }
0x59: {  	s31 =	sand.u32 $0x1, s12;
	v1 =	vld [tilespmem:s29+$0x0];
	s18 =	sadd.s32 $0x0, s17  }
0x5a: {  	s16 =	smul.u32 $0x10200, s31;
	v2 =	vld [tilespmem:s29+$0x10];
	[tilespmem:s18+$0x3870 ss:$0x81] =	vst.msk $0xffff, v0  }
0x5b: {  	[tilespmem:s18+$0x810 ss:$0x81] =	vst.msk $0xffff, v3;
	v3 =	vld [tilespmem:s29+$0x20]  }
0x5c: {  	s19 =	sadd.s32 $0x80, s29;
	s16 =	sshrl.u32 s16, $0x2;
	v0 =	vld [tilespmem:s29+$0xFFFFFFC0];
	[tilespmem:s18+$0x1020 ss:$0x81] =	vst.msk $0xffff, v4  }
0x5d: {  	s21 =	simm.s32 $0x8;
	s20 =	simm.s32 $0x4;
	s16 =	sor.u32 $0x8000, s16;
	v4 =	vld [tilespmem:s19+$0x30];
	[tilespmem:s18+$0x1830 ss:$0x81] =	vst.msk $0xffff, v5  }
.LBB1_3:
0x5e: {  	p1 =	sne.s32 s21, $0x1FC;
	v5 =	vld [tilespmem:s19+$0xFFFFFFD0];
	[tilespmem:s18+$0x2040 ss:$0x81] =	vst.msk $0xffff, v1  }
0x5f: {  	v6 =	vld [tilespmem:s19+$0xFFFFFFE0];
	[tilespmem:s18+$0x2850 ss:$0x81] =	vst.msk $0xffff, v2  }
0x60: {  	s22 =	sshra.s32 s20, $0x2;
	s20 =	smov.u32 s21;
	v7 =	vld [tilespmem:s19+$0xFFFFFFF0];
	[tilespmem:s18+$0x3060 ss:$0x81] =	vst.msk $0xffff, v3  }
.Ltmp3:
0x61: {  	v1 =	vld [tilespmem:s19+$0x0];
	[tilespmem:s18+$0x0 ss:$0x81] =	vst.msk $0xffff, v0;
	s18 =	sadd.s32 s22, s17;
	(pc) =	sbr.rel @p1 .LBB1_3-.Ltmp3, $4  }
0x62: {  	v2 =	vld [tilespmem:s19+$0x10];
	[tilespmem:s18+$0x3870 ss:$0x81] =	vst.msk $0xffff, v4  }
0x63: {  	[tilespmem:s18+$0x810 ss:$0x81] =	vst.msk $0xffff, v5;
	v3 =	vld [tilespmem:s19+$0x20]  }
0x64: {  	v0 =	vld [tilespmem:s19+$0xFFFFFFC0];
	[tilespmem:s18+$0x1020 ss:$0x81] =	vst.msk $0xffff, v6;
	s19 =	sadd.s32 $0x80, s19  }
0x65: {  	s21 =	sadd.s32 $0x4, s21;
	v4 =	vld [tilespmem:s19+$0x30];
	[tilespmem:s18+$0x1830 ss:$0x81] =	vst.msk $0xffff, v7  }
.Ltmp4:
0x66: {  	_ = 	snop;
	(pc) =	sbr.rel .LBB1_4-.Ltmp4, $1  }
0x67: {  	_ =	sdelay $0x3  }
.LBB1_6:
0x68: {  	_ =	sfence.sel $0x180000  }
0x69: {  	s2 =	simm.s32 $0x1;
	[bflag:$0x0] =	sbarrier.arrive $0xFFFF  }
0x6a: {  	s31 =	simm.s32 $0x2;
	[sflag:s2] =	ssyncpa.u1 $0x1  }
0x6b: {  	[sflag:s31] =	ssyncpa.u1 $0x1  }
0x6c: {  	p0 =	sne.s32 s0, $0x0;
	_ =	strace $0x90000053  }
0x6d: {  	s0 =	sadd.s32 @!p0 $0x100000, s1;
	[bflag:$0x2] =	sbarrier.arrive $0xFFFF  }
0x6e: {  	[sflag:s0] =	ssyncadd.tile.s32 @!p0 $0x1;
	_ =	shalt  }
.Lfunc_end1:
_tile_overlayer_lowered:
.L_overlay_start_2:
0x6f: {  	(tag) =	ssettag $0x2  }
0x70: {  	s0 =	rddreg [dreg:$0x0];
	s2 =	stileid.u32  }
0x71: {  	s1 =	rddreg [dreg:$0x1];
	p0 =	sne.s32 s2, $0x0  }
0x72: {  	s3 =	rddreg [dreg:$0x2];
	[bflag:$0x3] =	sbarrier.arrive $0xFFFF;
	s2 =	simm.s32 @!p0 $0x1C01  }
0x73: {  	[timem:s3], [sflag:s2] =	dma.local @!p0 [hbm:s0], s1  }
0x74: {  	s0 =	simm.s32 @!p0 $0x1  }
0x75: {  	_ =	swait.ge @!p0 [sflag:s0], s1  }
0x76: {  	s1 =	ssub.s32 @!p0 $0x0, s1;
	[sflag:s0] =	ssyncset.done @!p0 $0x0  }
0x77: {  	[sflag:s0] =	ssyncadd.s32 @!p0 s1  }
0x78: {  	[bflag:$0x3] =	sbarrier.arrive $0xFFFF  }
0x79: {  	_ =	shalt  }

// kernel: sparse-core-data-format-call.cloned.1.call-start
scs
called_computation_lowered:
.L_overlay_start_0:
0x0: {  	s2 =	sld [smem:$0x3FD9]  }
0x1: {  	s3 =	sld [smem:$0x3FFE];
	_ =	sdelay $0x1  }
0x2: {  	s1 =	srdreg.scid  }
0x3: {  	s0 =	sand.u32 $0x1, s1  }
0x4: {  	s15 =	sshll.u32 s0, $0xA;
	s2 =	sadd.s32 s3, s2  }
0x5: {  	s2 =	sadd.s32 s2, s15  }
0x6: {  	[smem:$0x3FC5] =	sst s2  }
0x7: {  	_ = 	snop  }
0x8: {  	s2 =	sld [smem:$0x3FD0];
	_ =	sdelay $0x2  }
0x9: {  	s16 =	simm.s32 $0xD;
	s4 =	simm.s32 $0x10  }
0xa: {  	[smem:s4], [sflag:s16] =	dma.local [hbm:s2], $0x1  }
0xb: {  	_ =	swait.eq [sflag:s16], $0x1  }
0xc: {  	[sflag:s16] =	ssyncset.done $0x0  }
0xd: {  	[sflag:s16] =	ssyncadd.s32 $0xFFFFFFFF  }
0xe: {  	s17 =	sld [smem:$0x10];
	(tm) =	ssettm $0x1  }
0xf: {  	s18 =	sld [smem:$0x3FFB];
	_ =	sdelay $0x3  }
0x10: {  	_ =	strace s18  }
0x11: {  	s3 =	sld [smem:$0x3FFC];
	_ =	sdelay $0x3  }
0x12: {  	_ =	strace s3  }
0x13: {  	s3 =	sld [smem:$0x3FFD];
	_ =	sdelay $0x3  }
0x14: {  	_ =	strace s3  }
0x15: {  	_ =	strace $0x8FFFFFFF  }
0x16: {  	s19 =	sld [smem:$0x3FDB];
	_ =	sdelay $0x1  }
0x17: {  	s20 =	simm.s32 $_scs_section_size  }
0x18: {  	s5 =	simm.s32 $_size__tile_overlayer_lowered;
	s6 =	simm.s32 $_tile_overlayer_lowered  }
0x19: {  	s23 =	simm.s32 $0x1BFF;
	s22 =	sshll.u32 s6, $0x1;
	s3 =	sadd.s32 s20, s19  }
0x1a: {  	s7 =	simm.s32 $0x0;
	s21 =	sshll.u32 s5, $0x1;
	s5 =	sadd.s32 s22, s3  }
0x1b: {  	[timem:s7], [sflag:s23] =	dma.local [hbm:s5], s21  }
0x1c: {  	_ =	swait.ge [sflag:s23], s21  }
0x1d: {  	s4 =	ssub.s32 $0x0, s21;
	[sflag:s23] =	ssyncset.done $0x0  }
0x1e: {  	[sflag:s23] =	ssyncadd.s32 s4;
	_ =	sdelay $0x1  }
0x1f: {  	s24 =	simm.s32 $0x1B8B  }
0x20: {  	_ =	swait.ge [sflag:s24], $0x1  }
0x21: {  	[sflag:s24] =	ssyncset.done $0x0  }
0x22: {  	s26 =	simm.s32 $0x1B8E;
	s25 =	sld [smem:$0x3FFE];
	[sflag:s24] =	ssyncadd.s32 $0xFFFFFFFF  }
0x23: {  	s27 =	simm.s32 $execute0_lowered;
	[smem:$0x3FD2] =	sst s26  }
0x24: {  	s5 =	sshll.u32 s27, $0x1;
	_ =	strace $0x80000055;
	[dreg:$0x1] =	wrdreg $0xFFFFFFFF  }
0x25: {  	s28 =	simm.s32 $_size_execute0_lowered;
	s3 =	sadd.s32 s3, s5;
	[dreg:$0x0] =	wrdreg $0x0  }
0x26: {  	s5 =	sshll.u32 s28, $0x1;
	[dreg:$0x2] =	wrdreg s3  }
0x27: {  	[dreg:$0x3] =	wrdreg s5  }
0x28: {  	[dreg:$0x4] =	wrdreg $0xC0  }
0x29: {  	_ =	task [dreg:s7], $0x5FFFF  }
0x2a: {  	[dreg:$0x1] =	wrdreg $0xFFFFFFFF  }
0x2b: {  	[dreg:$0x0] =	wrdreg $0x60  }
0x2c: {  	[dreg:$0x2] =	wrdreg s25  }
0x2d: {  	[dreg:$0x3] =	wrdreg s17  }
0x2e: {  	[dreg:$0x4] =	wrdreg $0x9  }
0x2f: {  	_ =	task.clear_ibuf [dreg:s7], $0x5FFFF;
	_ =	strace $0x90000055  }
0x30: {  	s29 =	simm.s32 $0x9;
	_ =	strace $0x80000057  }
0x31: {  	_ =	swait.ge [sflag:s29], $0x1  }
0x32: {  	[sflag:s29] =	ssyncadd.s32 $0xFFFFFFFF  }
0x33: {  	_ =	strace $0x90000057  }
0x34: {  	_ =	sfence  }
0x35: {  	s30 =	sld [smem:$0x0];
	_ =	sdelay $0x2  }
0x36: {  	s31 =	sshll.u32 s1, $0xD;
	s1 =	sshrl.u32 s1, $0x2  }
0x37: {  	s3 =	sand.u32 $0x4000, s31;
	s1 =	sadd.s32 s1, s30  }
0x38: {  	s0 =	sor.u32 s3, s0;
	s1 =	sshll.u32 s1, $0x11  }
0x39: {  	s0 =	sor.u32 s1, s0  }
0x3a: {  	s0 =	sadd.s32 $0x8F2B, s0  }
0x3b: {  	[sflag:s0] =	ssyncadd.remote.s32 $0x1  }
0x3c: {  	_ =	sfence.sel $0xFFFF  }
0x3d: {  	[dreg:$0x0] =	wrdreg $0xFFFFFFFF;
	(pc) =	sbr.abs _section_cstart, $3  }
0x3e: {  	[dreg:$0x1] =	wrdreg $0xFFFFFFFF  }
0x3f: {  	_ =	task.clear_ibuf [dreg:s7], $0x2FFFF;
	_ =	strace $0x9FFFFFFF  }
0x40: {  	(tm) =	ssettm $0x7FFFFFFF  }
0x41: {  	_ =	shalt  }
tec
execute0_lowered:
.L_overlay_start_1:
0x0: {  	(tag) =	ssettag $0x1  }
0x1: {  	s0 =	stileid.u32;
	s4 =	rddreg [dreg:$0x0]  }
0x2: {  	s1 =	srdreg.scid;
	s3 =	rddreg [dreg:$0x1];
	s7 =	simm.s32 $0x1  }
0x3: {  	s31 =	simm.s32 $0x2;
	s17 =	simm.s32 $0x0;
	s9 =	simm.s32 $0x8000  }
0x4: {  	s18 =	simm.s32 $0x0;
	s2 =	sshll.u32 s0, $0x5;
	s1 =	sshll.u32 s1, $0x9  }
0x5: {  	s19 =	simm.s32 $0x0;
	s10 =	simm.s32 $0x0;
	s1 =	sor.u32 s2, s1  }
0x6: {  	s11 =	simm.s32 $0x0;
	s12 =	simm.s32 $0x0;
	s2 =	sand.u32 $0x380, s1  }
0x7: {  	s13 =	simm.s32 $0x0;
	s16 =	simm.s32 $0x0;
	s5 =	ssub.s32 $0x400, s2  }
0x8: {  	s4 =	sadd.s32 $0x282000, s4;
	s1 =	rddreg [dreg:$0x2];
	s6 =	sand.u32 $0x380, s5  }
.Ltmp0:
0x9: {  	_ =	strace $0x80000056;
	p0 =	sne.s32 s6, $0x0;
	(pc) =	sbr.rel .LBB1_1-.Ltmp0, $4  }
0xa: {  	s14 =	smov.u32 s2;
	s8 =	sshrl.u32 s5, $0xA;
	s7 =	simm.s32 @!p0 $0x0  }
0xb: {  	s5 =	sand.u32 $0x3, s0;
	s6 =	simm.s32 $0x1;
	s7 =	sadd.s32 s7, s8  }
0xc: {  	s15 =	smov.u32 s5;
	[sflag:s6] =	ssyncpa.u1 $0x0;
	s7 =	sshll.u32 s7, $0x5  }
0xd: {  	p0 =	por $0x0, $0x0;
	[sflag:s31] =	ssyncpa.u1 $0x0;
	s8 =	sor.u32 $0x1, s7  }
.LBB1_4:
0xe: {  	s24 =	sshra.s32 s24, $0x2  }
0xf: {  	s25 =	sshll.u32 s10, $0xA;
	p1 =	sgt.s32 s12, $0x3;
	s26 =	smov.u32 s12  }
0x10: {  	s27 =	sshra.s32 s12, $0x1F;
	s28 =	sshll.u32 s11, $0x3;
	p2 =	sgt.s32 s11, $0x380  }
0x11: {  	s31 =	sshra.s32 s11, $0x1F;
	s26 =	simm.s32 @!p1 $0x3;
	s27 =	sand.u32 s27, s12  }
0x12: {  	s25 =	sand.u32 $0x6000, s25;
	s28 =	sand.u32 $0x7C00, s28;
	s23 =	sadd.s32 s24, s23  }
0x13: {  	s26 =	ssub.s32 s26, s27;
	s24 =	sadd.s32 s28, s25;
	s28 =	smov.u32 s10  }
0x14: {  	s27 =	sand.u32 s31, s11;
	s29 =	sadd.s32 $0xFFFFFFFD, s26;
	s30 =	ssub.s32 $0x4, s26  }
0x15: {  	v5 =	vld [tilespmem:s21+$0xFFFFFFD0];
	[tilespmem:s22+$0x2040 ss:$0x81] =	vst.msk $0xffff, v4;
	s26 =	smov.u32 s11;
	s24 =	sshrl.u32 s24, $0x3;
	p1 =	sgt.s32 s29, $0x0  }
0x16: {  	v58 =	vld [tilespmem:s21+$0xFFFFFFE0];
	[tilespmem:s22+$0x2850 ss:$0x81] =	vst.msk $0xffff, v3;
	s25 =	smul.u32 $0x43, s30;
	s26 =	simm.s32 @!p2 $0x380;
	p2 =	sgt.s32 s10, $0x1F  }
0x17: {  	v59 =	vld [tilespmem:s21+$0xFFFFFFF0];
	[tilespmem:s22+$0x3060 ss:$0x81] =	vst.msk $0xffff, v2;
	s29 =	sshra.s32 s10, $0x1F;
	s26 =	ssub.s32 s26, s27;
	s28 =	simm.s32 @!p2 $0x1F  }
0x18: {  	[tilespmem:s22+$0x0 ss:$0x81] =	vst.msk $0xffff, v1;
	v60 =	vld [tilespmem:s21+$0x0];
	s30 =	sand.u32 s29, s10;
	s29 =	sand.u32 $0x78, s11;
	s25 =	simm.s32 @p1 $0x0  }
0x19: {  	v61 =	vld [tilespmem:s21+$0x10];
	[tilespmem:s23+$0x3870 ss:$0x81] =	vst.msk $0xffff, v0;
	s22 =	ssub.s32 s28, s30;
	s31 =	sadd.s32 $0xFFFFFC80, s26;
	s26 =	ssub.s32 $0x400, s26  }
0x1a: {  	v62 =	vld [tilespmem:s21+$0x20];
	[tilespmem:s23+$0x810 ss:$0x81] =	vst.msk $0xffff, v5;
	s30 =	sshll.u32 s10, $0x7;
	p1 =	sgt.s32 s31, $0x7F;
	s28 =	sadd.s32 $0xFFFFFFE1, s22  }
0x1b: {  	v63 =	vld [tilespmem:s21+$0xFFFFFFC0];
	[tilespmem:s23+$0x1020 ss:$0x81] =	vst.msk $0xffff, v58;
	s22 =	ssub.s32 $0x20, s22;
	s31 =	smul.u32 $0x43000, s12;
	s26 =	simm.s32 @p1 $0x0  }
0x1c: {  	[tilespmem:s23+$0x1830 ss:$0x81] =	vst.msk $0xffff, v59;
	s21 =	sand.u32 $0x380, s30;
	p1 =	sgt.s32 s28, $0x0;
	s25 =	smul.u32 s25, s26  }
0x1d: {  	[tilespmem:s23+$0x2040 ss:$0x81] =	vst.msk $0xffff, v60;
	s21 =	sor.u32 s29, s21;
	s29 =	sand.u32 $0x7, s11;
	s22 =	simm.s32 @p1 $0x0  }
0x1e: {  	[tilespmem:s23+$0x2850 ss:$0x81] =	vst.msk $0xffff, v61;
	s21 =	sshrl.u32 s21, $0x3;
	s28 =	sadd.s32 s3, s31;
	s22 =	smul.u32 s22, s25  }
0x1f: {  	s24 =	sand.u32 $0xF80, s24;
	[tilespmem:s23+$0x3060 ss:$0x81] =	vst.msk $0xffff, v62;
	s30 =	sshll.u32 s29, $0x12;
	s21 =	sadd.s32 s21, s28  }
0x20: {  	[tilespmem:s23+$0x0 ss:$0x81] =	vst.msk $0xffff, v63;
	s31 =	sor.u32 $0x80, s30;
	s21 =	sadd.s32 s24, s21;
	s22 =	sand.u32 $0x3FFFFFFF, s22  }
0x21: {  	[hbm4b:s21+s31] =	stream.strided.scatter [tilespmem:s20], [sflag:$0x2], s22, s9, s31, $0x20;
	[tilespmem:$0x10100] =	vst v63  }
.LBB1_5:
0x22: {  	p1 =	slt.u32 s16, $0x2  }
0x23: {  	p2 =	sgt.s32 @!p1 s19, $0x3  }
0x24: {  	s20 =	smov.u32 s19;
	s21 =	sshra.s32 @!p1 s19, $0x1F;
	p2 =	por !p2, p1  }
0x25: {  	p3 =	sgt.s32 @!p1 s18, $0x380;
	s19 =	sand.u32 @!p1 s21, s19;
	s20 =	simm.s32 @p2 $0x3  }
0x26: {  	p3 =	por !p3, p1;
	s19 =	ssub.s32 @!p1 s20, s19  }
0x27: {  	s21 =	sshra.s32 @!p1 s18, $0x1F;
	s20 =	sadd.s32 @!p1 $0xFFFFFFFD, s19;
	s19 =	ssub.s32 @!p1 $0x4, s19  }
0x28: {  	p2 =	sgt.s32 @!p1 s20, $0x0;
	s19 =	smul.u32 @!p1 $0x43, s19;
	s20 =	smov.u32 s18  }
0x29: {  	s18 =	sand.u32 @!p1 s21, s18;
	s20 =	simm.s32 @p3 $0x380;
	p3 =	sgt.s32 @!p1 s17, $0x1F  }
0x2a: {  	s21 =	smov.u32 s17;
	p2 =	por !p2, p1;
	p3 =	por !p3, p1  }
0x2b: {  	s18 =	ssub.s32 @!p1 s20, s18;
	s20 =	sshra.s32 @!p1 s17, $0x1F;
	s19 =	simm.s32 @!p2 $0x0  }
0x2c: {  	s21 =	simm.s32 @p3 $0x1F;
	s17 =	sand.u32 @!p1 s20, s17;
	s20 =	sadd.s32 @!p1 $0xFFFFFC80, s18  }
0x2d: {  	s18 =	ssub.s32 @!p1 $0x400, s18;
	s17 =	ssub.s32 @!p1 s21, s17;
	p2 =	sgt.s32 @!p1 s20, $0x7F  }
0x2e: {  	s21 =	smov.u32 s14;
	s20 =	sadd.s32 @!p1 $0xFFFFFFE1, s17;
	p2 =	por !p2, p1  }
0x2f: {  	s17 =	ssub.s32 @!p1 $0x20, s17;
	p3 =	sgt.s32 @!p1 s20, $0x0;
	s18 =	simm.s32 @!p2 $0x0  }
0x30: {  	s20 =	sadd.s32 $0x1, s13;
	p2 =	por !p3, p1;
	s18 =	smul.u32 @!p1 s19, s18  }
0x31: {  	s19 =	sadd.s32 $0x400, s14;
	s17 =	simm.s32 @!p2 $0x0;
	p2 =	sgt.s32 s20, $0x1F  }
0x32: {  	s22 =	smov.u32 s15;
	s21 =	smov.u32 @p2 s19  }
0x33: {  	s17 =	smul.u32 @!p1 s17, s18;
	s18 =	sadd.s32 $0x4, s15;
	p3 =	sgt.s32 s21, $0x3FF  }
0x34: {  	p0 =	por !p0, !p0;
	s23 =	simm.s32 @!p1 $0x2;
	s22 =	smov.u32 @p3 s18  }
0x35: {  	s20 =	simm.s32 @p2 $0x0;
	s19 =	smov.u32 s12;
	p2 =	sgt.s32 s22, $0x3  }
0x36: {  	s12 =	smov.u32 s15;
	s22 =	smov.u32 @p2 s5;
	p2 =	sne.s32 s16, s8  }
.Ltmp1:
0x37: {  	s17 =	sand.u32 @!p1 $0x3FFFFFFF, s17;
	s21 =	smov.u32 @p3 s2;
	(pc) =	sbr.rel @!p2 .LBB1_6-.Ltmp1, $4  }
0x38: {  	s18 =	smov.u32 s11;
	s11 =	smov.u32 s14;
	_ =	swait.ge @!p1 [sflag:s23], s17  }
0x39: {  	s24 =	ssub.s32 @!p1 $0x0, s17;
	s17 =	smov.u32 s10;
	s10 =	smov.u32 s13  }
0x3a: {  	s13 =	smov.u32 s20;
	s14 =	smov.u32 s21;
	[sflag:s23] =	ssyncset.done @!p1 $0x0  }
0x3b: {  	s16 =	sadd.s32 $0x1, s16;
	[sflag:s23] =	ssyncadd.s32 @!p1 s24;
	s15 =	smov.u32 s22  }
.LBB1_1:
0x3c: {  	p1 =	sge.u32 s16, s7;
	s31 =	sadd.s32 $0xFFFFFFFF, s16  }
0x3d: {  	s20 =	sxor.u32 @!p1 $0xFFFFFFFF, s16;
	s21 =	sshll.u32 @!p1 s15, $0x13;
	s22 =	sshll.u32 @!p1 s14, $0x9  }
0x3e: {  	s23 =	sshll.u32 @!p1 s13, $0x4;
	s20 =	sshll.u32 @!p1 s20, $0xE;
	s21 =	sadd.s32 @!p1 s4, s21  }
0x3f: {  	s23 =	sand.u32 @!p1 $0x1F0, s23;
	s20 =	sand.u32 @!p1 $0x4000, s20;
	s21 =	sadd.s32 @!p1 s22, s21  }
0x40: {  	s22 =	simm.s32 @!p1 $0x80;
	s21 =	sadd.s32 @!p1 s23, s21;
	s23 =	simm.s32 @!p1 $0x1000  }
0x41: {  	[tilespmem:s20], [sflag:$0x1] =	stream.strided.gather @!p1 [hbm4b:s21+s22], $0x4000, s23, s22, $0x38;
	[tilespmem:$0x10100] =	vst v63  }
0x42: {  	p1 =	sge.u32 s31, s7  }
.Ltmp2:
0x43: {  	_ = 	snop;
	(pc) =	sbr.rel @p1 .LBB1_5-.Ltmp2, $1  }
0x44: {  	_ =	sdelay $0x3  }
0x45: {  	s20 =	simm.s32 $0x1  }
0x46: {  	_ =	swait.ge [sflag:s6], $0x4000;
	s20 =	simm.s32 @!p0 $0x0  }
0x47: {  	[sflag:s6] =	ssyncset.done $0x0;
	s21 =	sshll.u32 s20, $0xE  }
0x48: {  	[sflag:s6] =	ssyncadd.s32 $0xFFFFC000;
	s21 =	sor.u32 $0x40, s21  }
0x49: {  	s20 =	smul.u32 $0x10200, s20;
	v0 =	vld [tilespmem:s21+$0x30]  }
0x4a: {  	v1 =	vld [tilespmem:s21+$0xFFFFFFD0]  }
0x4b: {  	s20 =	sshrl.u32 s20, $0x2;
	v5 =	vld [tilespmem:s21+$0xFFFFFFE0]  }
0x4c: {  	v6 =	vld [tilespmem:s21+$0xFFFFFFF0];
	s23 =	sor.u32 $0x8000, s20  }
0x4d: {  	s31 =	sand.u32 $0x1, s16;
	v4 =	vld [tilespmem:s21+$0x0];
	s22 =	sadd.s32 $0x0, s23  }
0x4e: {  	v3 =	vld [tilespmem:s21+$0x10];
	s20 =	smul.u32 $0x10200, s31;
	[tilespmem:s22+$0x3870 ss:$0x81] =	vst.msk $0xffff, v0  }
0x4f: {  	v2 =	vld [tilespmem:s21+$0x20];
	[tilespmem:s22+$0x810 ss:$0x81] =	vst.msk $0xffff, v1  }
0x50: {  	s20 =	sshrl.u32 s20, $0x2;
	v1 =	vld [tilespmem:s21+$0xFFFFFFC0];
	[tilespmem:s22+$0x1020 ss:$0x81] =	vst.msk $0xffff, v5;
	s21 =	sadd.s32 $0x80, s21  }
0x51: {  	s24 =	simm.s32 $0x4;
	s25 =	simm.s32 $0x8;
	s20 =	sor.u32 $0x8000, s20;
	[tilespmem:s22+$0x1830 ss:$0x81] =	vst.msk $0xffff, v6;
	v0 =	vld [tilespmem:s21+$0x30]  }
.LBB1_3:
0x52: {  	p1 =	sne.s32 s25, $0x1FC;
	v5 =	vld [tilespmem:s21+$0xFFFFFFD0];
	[tilespmem:s22+$0x2040 ss:$0x81] =	vst.msk $0xffff, v4  }
0x53: {  	v6 =	vld [tilespmem:s21+$0xFFFFFFE0];
	[tilespmem:s22+$0x2850 ss:$0x81] =	vst.msk $0xffff, v3  }
0x54: {  	s26 =	sshra.s32 s24, $0x2;
	s24 =	smov.u32 s25;
	v7 =	vld [tilespmem:s21+$0xFFFFFFF0];
	[tilespmem:s22+$0x3060 ss:$0x81] =	vst.msk $0xffff, v2  }
.Ltmp3:
0x55: {  	v4 =	vld [tilespmem:s21+$0x0];
	[tilespmem:s22+$0x0 ss:$0x81] =	vst.msk $0xffff, v1;
	s22 =	sadd.s32 s26, s23;
	(pc) =	sbr.rel @p1 .LBB1_3-.Ltmp3, $4  }
0x56: {  	v3 =	vld [tilespmem:s21+$0x10];
	[tilespmem:s22+$0x3870 ss:$0x81] =	vst.msk $0xffff, v0  }
0x57: {  	[tilespmem:s22+$0x810 ss:$0x81] =	vst.msk $0xffff, v5;
	v2 =	vld [tilespmem:s21+$0x20]  }
0x58: {  	v1 =	vld [tilespmem:s21+$0xFFFFFFC0];
	[tilespmem:s22+$0x1020 ss:$0x81] =	vst.msk $0xffff, v6;
	s21 =	sadd.s32 $0x80, s21  }
0x59: {  	s25 =	sadd.s32 $0x4, s25;
	v0 =	vld [tilespmem:s21+$0x30];
	[tilespmem:s22+$0x1830 ss:$0x81] =	vst.msk $0xffff, v7  }
.Ltmp4:
0x5a: {  	_ = 	snop;
	(pc) =	sbr.rel .LBB1_4-.Ltmp4, $1  }
0x5b: {  	_ =	sdelay $0x3  }
.LBB1_6:
0x5c: {  	_ =	sfence.sel $0x180000  }
0x5d: {  	s2 =	simm.s32 $0x1;
	[bflag:$0x0] =	sbarrier.arrive $0xFFFF  }
0x5e: {  	s31 =	simm.s32 $0x2;
	[sflag:s2] =	ssyncpa.u1 $0x1  }
0x5f: {  	[sflag:s31] =	ssyncpa.u1 $0x1  }
0x60: {  	p0 =	sne.s32 s0, $0x0;
	_ =	strace $0x90000056  }
0x61: {  	s0 =	sadd.s32 @!p0 $0x100000, s1;
	[bflag:$0x2] =	sbarrier.arrive $0xFFFF  }
0x62: {  	[sflag:s0] =	ssyncadd.tile.s32 @!p0 $0x1;
	_ =	shalt  }
.Lfunc_end1:
_tile_overlayer_lowered:
.L_overlay_start_2:
0x63: {  	(tag) =	ssettag $0x2  }
0x64: {  	s0 =	rddreg [dreg:$0x0];
	s2 =	stileid.u32  }
0x65: {  	s1 =	rddreg [dreg:$0x1];
	p0 =	sne.s32 s2, $0x0  }
0x66: {  	s3 =	rddreg [dreg:$0x2];
	[bflag:$0x3] =	sbarrier.arrive $0xFFFF;
	s2 =	simm.s32 @!p0 $0x1C01  }
0x67: {  	[timem:s3], [sflag:s2] =	dma.local @!p0 [hbm:s0], s1  }
0x68: {  	s0 =	simm.s32 @!p0 $0x1  }
0x69: {  	_ =	swait.ge @!p0 [sflag:s0], s1  }
0x6a: {  	s1 =	ssub.s32 @!p0 $0x0, s1;
	[sflag:s0] =	ssyncset.done @!p0 $0x0  }
0x6b: {  	[sflag:s0] =	ssyncadd.s32 @!p0 s1  }
0x6c: {  	[bflag:$0x3] =	sbarrier.arrive $0xFFFF  }
0x6d: {  	_ =	shalt  }

</sc_bundles>
